<compile_context>
chip_gen: v7x
topology: tpu7x:2x2x1
jax: 0.10.2.dev20260603
libtpu: 0.0.44.dev20260713+nightly
codegen_flags: <defaults>
</compile_context>

<pallas_src>
import functools

import jax
import jax.numpy as jnp
from jax import lax
from jax.experimental import pallas as pl
from jax.experimental.pallas import tpu as pltpu
from jax.experimental.pallas import tpu_sc as plsc

_N = 100000
_C = 64
_B = 64
_EMB = 512
_G = 32
_S = 66
_S2 = _S * _S
_S3 = _S2 * _S
_T = _B * _S3
_TBL = _T + _N + 102400
_INIT = 1 << 30

_NW = 32
_CHUNK = 3136
_NPAD = _CHUNK * _NW
_P = 448
_NSUB = _CHUNK // _P
_ZROW = _N

_TN = 2000
_NB = _N // _TN
_TNP = 1024
_NPB = _NPAD // _TNP
_ZB = 4
_NPAD2 = _NPAD + _ZB * _TNP
_NZERO = _NPAD2 - _N



def _stats_body(x_ref, b_ref, m_ref):
    i = pl.program_id(0)

    @pl.when(i == 0)
    def _():
        m_ref[...] = jnp.zeros_like(m_ref)

    bt = b_ref[0, 0, :]
    ohT = (lax.broadcasted_iota(jnp.int32, (_B, _TN), 0) == bt[None, :])
    ohT = ohT.astype(jnp.float32)
    x = x_ref[...]
    m_ref[:, 0:64] += jnp.dot(ohT, x, preferred_element_type=jnp.float32)
    m_ref[:, 64:128] += jnp.dot(ohT, x * x, preferred_element_type=jnp.float32)
    m_ref[:, 128:136] += jnp.dot(ohT, jnp.ones((_TN, 8), jnp.float32),
                                 preferred_element_type=jnp.float32)


def _stats(x, bidx3):
    return pl.pallas_call(
        _stats_body,
        grid=(_NB,),
        in_specs=[
            pl.BlockSpec((_TN, _C), lambda i: (i, 0)),
            pl.BlockSpec((1, 1, _TN), lambda i: (i, 0, 0)),
        ],
        out_specs=pl.BlockSpec((_B, 136), lambda i: (0, 0)),
        out_shape=jax.ShapeDtypeStruct((_B, 136), jnp.float32),
    )(x, bidx3)


def _emb_body(e_ref, w_ref, b_ref, o_ref):
    e = e_ref[...]
    h = e * jax.nn.sigmoid(e)
    o_ref[...] = (jnp.dot(h, w_ref[...], preferred_element_type=jnp.float32)
                  + b_ref[...])


def _emb_mlp(emb, W_emb, b_emb):
    return pl.pallas_call(
        _emb_body,
        out_shape=jax.ShapeDtypeStruct((_B, 2 * _C), jnp.float32),
    )(emb, W_emb, b_emb.reshape(1, 2 * _C))


def _film_conv_body(x_ref, b_ref, a_ref, c_ref, w_ref, y_ref):
    i = pl.program_id(0)

    @pl.when(i >= _NPB)
    def _():
        y_ref[...] = jnp.zeros_like(y_ref)

    @pl.when(i < _NPB)
    def _():
        _film_conv_compute(x_ref, b_ref, a_ref, c_ref, w_ref, y_ref)


def _film_conv_compute(x_ref, b_ref, a_ref, c_ref, w_ref, y_ref):
    bt = b_ref[0, 0, :]
    oh = (bt[:, None] == lax.broadcasted_iota(jnp.int32, (_TNP, _B), 1))
    oh = oh.astype(jnp.float32)
    a = jnp.dot(oh, a_ref[...], preferred_element_type=jnp.float32)
    c = jnp.dot(oh, c_ref[...], preferred_element_type=jnp.float32)
    h = x_ref[...] * a + c
    h = h * jax.nn.sigmoid(h)
    z = jnp.zeros((_TNP, _C), jnp.float32)
    for k in range(27):
        y_ref[k] = jnp.concatenate(
            [jnp.dot(h, w_ref[k], preferred_element_type=jnp.float32), z],
            axis=1)


def _film_conv(x, bidx3, A, Bc, W):
    return pl.pallas_call(
        _film_conv_body,
        grid=(_NPB + _ZB,),
        in_specs=[
            pl.BlockSpec((_TNP, _C), lambda i: (jnp.minimum(i, _NPB - 1), 0)),
            pl.BlockSpec((1, 1, _TNP),
                         lambda i: (jnp.minimum(i, _NPB - 1), 0, 0)),
            pl.BlockSpec((_B, _C), lambda i: (0, 0)),
            pl.BlockSpec((_B, _C), lambda i: (0, 0)),
            pl.BlockSpec((27, _C, _C), lambda i: (0, 0, 0)),
        ],
        out_specs=pl.BlockSpec((27, _TNP, 2 * _C), lambda i: (0, i, 0)),
        out_shape=jax.ShapeDtypeStruct((27, _NPAD2, 2 * _C), jnp.float32),
    )(x, bidx3, A, Bc, W)


def _final_body(g_ref, b_ref, o_ref):
    o_ref[...] = g_ref[...] + b_ref[...]


def _final_add(g, b_out):
    return pl.pallas_call(
        _final_body,
        grid=(_NB,),
        in_specs=[
            pl.BlockSpec((_TN, _C), lambda i: (i, 0)),
            pl.BlockSpec((1, _C), lambda i: (0, 0)),
        ],
        out_specs=pl.BlockSpec((_TN, _C), lambda i: (i, 0)),
        out_shape=jax.ShapeDtypeStruct((_N, _C), jnp.float32),
    )(g, b_out.reshape(1, _C))



@functools.cache
def _mesh():
    return plsc.VectorSubcoreMesh(core_axis_name="c", subcore_axis_name="s",
                                  num_cores=2, num_subcores=16)


def _wid():
    return lax.axis_index("s") * 2 + lax.axis_index("c")


def _sc_build(xs, ys, zs, bs, tbl_ref):

    @functools.partial(
        pl.kernel,
        out_type=jax.ShapeDtypeStruct((_NPAD,), jnp.int32),
        mesh=_mesh(),
        scratch_types=[
            pltpu.VMEM((_CHUNK,), jnp.int32),
            pltpu.VMEM((_CHUNK,), jnp.int32),
            pltpu.VMEM((_CHUNK,), jnp.int32),
            pltpu.VMEM((_CHUNK,), jnp.int32),
            pltpu.VMEM((_CHUNK,), jnp.int32),
            pltpu.VMEM((28, 112), jnp.int32),
            pltpu.VMEM((28, 112), jnp.int32),
            pltpu.SemaphoreType.DMA,
        ],
    )
    def run(xs_h, ys_h, zs_h, bs_h, tbl_h, keys_h,
            xv, yv, zv, bv, kv, k2, v2, sem):
        wid = _wid()
        base = wid * _CHUNK
        pltpu.sync_copy(xs_h.at[pl.ds(base, _CHUNK)], xv)
        pltpu.sync_copy(ys_h.at[pl.ds(base, _CHUNK)], yv)
        pltpu.sync_copy(zs_h.at[pl.ds(base, _CHUNK)], zv)
        pltpu.sync_copy(bs_h.at[pl.ds(base, _CHUNK)], bv)
        lane = jnp.arange(16, dtype=jnp.int32)

        def body(v, carry):
            o = v * 16
            key = (((bv[pl.ds(o, 16)] * _S + (zv[pl.ds(o, 16)] + 1)) * _S
                    + (yv[pl.ds(o, 16)] + 1)) * _S + (xv[pl.ds(o, 16)] + 1))
            gid = base + o + lane
            key = jnp.where(gid < _N, key, _T)
            kv[pl.ds(o, 16)] = key
            r = v // 7
            cc = (v % 7) * 16
            k2[r, pl.ds(cc, 16)] = key
            v2[r, pl.ds(cc, 16)] = gid
            return carry

        lax.fori_loop(0, _CHUNK // 16, body, 0)
        pltpu.sync_copy(kv, keys_h.at[pl.ds(base, _CHUNK)])

        def scat(c, carry):
            pltpu.async_copy(v2.at[c], tbl_h.at[k2.at[c]], sem).wait()
            return carry

        lax.fori_loop(0, 28, scat, 0)

    return run(xs, ys, zs, bs, tbl_ref)


def _sc_fixup(keys, tbl_ref):

    @functools.partial(
        pl.kernel,
        out_type=(),
        mesh=_mesh(),
        scratch_types=[
            pltpu.VMEM((_CHUNK,), jnp.int32),
            pltpu.VMEM((_CHUNK,), jnp.int32),
            pltpu.VMEM((28, 112), jnp.int32),
            pltpu.VMEM((28, 112), jnp.int32),
            pltpu.SemaphoreType.DMA,
        ],
    )
    def run(keys_h, tbl_h, kv, cur, k2, v2, sem):
        wid = _wid()
        base = wid * _CHUNK
        pltpu.sync_copy(keys_h.at[pl.ds(base, _CHUNK)], kv)
        pltpu.async_copy(tbl_h.at[kv], cur, sem).wait()
        lane = jnp.arange(16, dtype=jnp.int32)

        def body(v, carry):
            o = v * 16
            gid = base + o + lane
            need = (gid < cur[pl.ds(o, 16)]) & (gid < _N)
            r = v // 7
            cc = (v % 7) * 16
            junk = _T + base + o + lane
            k2[r, pl.ds(cc, 16)] = jnp.where(need, kv[pl.ds(o, 16)], junk)
            v2[r, pl.ds(cc, 16)] = gid
            return carry

        lax.fori_loop(0, _CHUNK // 16, body, 0)

        def scat(c, carry):
            pltpu.async_copy(v2.at[c], tbl_h.at[k2.at[c]], sem).wait()
            return carry

        lax.fori_loop(0, 28, scat, 0)

    return run(keys, tbl_ref)


def _sc_conv_gather(keys, tbl_ref, yflat, init):

    @functools.partial(
        pl.kernel,
        out_type=jax.ShapeDtypeStruct((_NPAD, _C), jnp.float32),
        mesh=_mesh(),
        scratch_types=[
            pltpu.VMEM((_P,), jnp.int32),
            pltpu.VMEM((9 * _P,), jnp.int32),
            pltpu.VMEM((9 * _P,), jnp.int32),
            pltpu.VMEM((_P, _C), jnp.float32),
            pltpu.VMEM((_P, 2 * _C), jnp.float32),
            pltpu.SemaphoreType.DMA,
        ],
    )
    def run(keys_h, tbl_h, y_h, init_h, out_h, kv, qv, sv, acc, gbuf, sem):
        wid = _wid()
        nv = _P // 16
        lane = jnp.arange(16, dtype=jnp.int32)

        def sub(j, carry):
            base = wid * _CHUNK + j * _P
            pltpu.sync_copy(keys_h.at[pl.ds(base, _P)], kv)
            pltpu.sync_copy(init_h.at[pl.ds(base, _P)], acc)

            def grp(g, gcarry):
                def mkq(v, c2):
                    k = g * 9 + lax.div(v, nv)
                    o = lax.rem(v, nv) * 16
                    dz = lax.rem(k, 3) - 1
                    dy = lax.rem(lax.div(k, 3), 3) - 1
                    dx = lax.div(k, 9) - 1
                    delta = dz * _S2 + dy * _S + dx
                    qv[pl.ds(v * 16, 16)] = kv[pl.ds(o, 16)] + delta
                    return c2

                lax.fori_loop(0, 9 * nv, mkq, 0)
                pltpu.async_copy(tbl_h.at[qv], sv, sem).wait()

                def mki(v, c2):
                    k = g * 9 + lax.div(v, nv)
                    s = sv[pl.ds(v * 16, 16)]
                    zr = _N + lax.rem(
                        j * _P + v * 16 + lane + k * 977 + wid * 139, _NZERO)
                    qv[pl.ds(v * 16, 16)] = jnp.where(s < _N, k * _NPAD2 + s,
                                                      k * _NPAD2 + zr)
                    return c2

                lax.fori_loop(0, 9 * nv, mki, 0)

                def per_k(kloc, kcarry):
                    pltpu.async_copy(y_h.at[qv.at[pl.ds(kloc * _P, _P)]],
                                     gbuf, sem).wait()

                    def accum(a, c2):
                        r0 = a * 16
                        for jj in range(16):
                            for cc in range(4):
                                plsc.addupdate(
                                    acc.at[r0 + jj, pl.ds(cc * 16, 16)],
                                    gbuf[r0 + jj, pl.ds(cc * 16, 16)])
                        return c2

                    lax.fori_loop(0, nv, accum, 0)
                    return kcarry

                lax.fori_loop(0, 9, per_k, 0)
                return gcarry

            lax.fori_loop(0, 3, grp, 0)
            pltpu.sync_copy(acc, out_h.at[pl.ds(base, _P)])
            return carry

        lax.fori_loop(0, _NSUB, sub, 0)

    return run(keys, tbl_ref, yflat, init)



def _gn_affine(M, gamma, beta, eps=1e-5):
    s_c = M[:, 0:64]
    ss_c = M[:, 64:128]
    cnt = M[:, 128]
    cg = _C // _G
    s_g = s_c.reshape(_B, _G, cg).sum(axis=2)
    ss_g = ss_c.reshape(_B, _G, cg).sum(axis=2)
    denom = jnp.maximum(cnt, 1.0)[:, None] * cg
    mean = s_g / denom
    var = ss_g / denom - mean * mean
    rstd = jax.lax.rsqrt(var + eps)
    mean_c = jnp.repeat(mean, cg, axis=1)
    rstd_c = jnp.repeat(rstd, cg, axis=1)
    A = gamma[None, :] * rstd_c
    Bc = beta[None, :] - mean_c * A
    return A, Bc


def kernel(data_feats, data_coords, emb, gn1_g, gn1_b, W_in, b_in,
           W_emb, b_emb, gn2_g, gn2_b, W_out, b_out):
    npad = _NPAD - _N
    bidx = data_coords[:, 3].astype(jnp.int32)
    bidx3 = bidx.reshape(_NB, 1, _TN)
    bidxp = jnp.concatenate([bidx, jnp.full((npad,), _B, jnp.int32)])
    bidxp3 = bidxp.reshape(_NPB, 1, _TNP)
    padm1 = jnp.full((npad,), -1, jnp.int32)
    xs = jnp.concatenate([data_coords[:, 0], padm1])
    ys = jnp.concatenate([data_coords[:, 1], padm1])
    zs = jnp.concatenate([data_coords[:, 2], padm1])
    bs = jnp.concatenate([bidx, jnp.full((npad,), _B, jnp.int32)])
    feats_pad = jnp.concatenate(
        [data_feats, jnp.zeros((npad, _C), jnp.float32)])

    tbl = jax.new_ref(jnp.full((_TBL,), _INIT, jnp.int32))
    keys = _sc_build(xs, ys, zs, bs, tbl)
    _sc_fixup(keys, tbl)
    _sc_fixup(keys, tbl)

    M1 = _stats(data_feats, bidx3)
    A1, B1 = _gn_affine(M1, gn1_g, gn1_b)
    Y = _film_conv(feats_pad, bidxp3, A1, B1, W_in)
    init1 = jnp.broadcast_to(b_in[None, :], (_NPAD, _C))
    G1 = _sc_conv_gather(keys, tbl, Y.reshape(27 * _NPAD2, 2 * _C), init1)

    eh = _emb_mlp(emb, W_emb, b_emb)
    scale = eh[:, :_C]
    shift = eh[:, _C:]

    M2 = _stats(G1[:_N], bidx3)
    A2, B2 = _gn_affine(M2, gn2_g, gn2_b)
    Af = A2 * (1.0 + scale)
    Bf = B2 * (1.0 + scale) + shift
    Z = _film_conv(G1, bidxp3, Af, Bf, W_out)
    G2 = _sc_conv_gather(keys, tbl, Z.reshape(27 * _NPAD2, 2 * _C), feats_pad)

    return _final_add(G2[:_N], b_out)

# --- scband reference (transcript-rebuilt; emitter-appended) ---
"""Pipeline reference for scband-res-block-12240656793720 (READ-ONLY COPY).

The authoritative reference and input builder live on the scoring server;
editing this copy changes nothing except your own understanding.
"""

import jax, jax.numpy as jnp
import numpy as np

N = 100000
C = 64
B = 64
EMB = 512
G = 32
GRID = 64


def _encode(xyz, b):
    # unique integer key for (x,y,z,batch); +1 margin so offsets of -1 stay non-negative
    S = GRID + 2
    return ((b.astype(jnp.int32) * S + (xyz[:, 2] + 1)) * S + (xyz[:, 1] + 1)) * S + (xyz[:, 0] + 1)


def _group_norm(x, batch_idx, gamma, beta, num_groups=G, num_batches=B, eps=1e-5):
    # torchsparse GroupNorm: stats per (batch, group) over all points of that batch
    n, c = x.shape
    cg = c // num_groups
    xg = x.reshape(n, num_groups, cg)
    cnt = jax.ops.segment_sum(jnp.ones((n,), x.dtype), batch_idx, num_segments=num_batches)
    s = jax.ops.segment_sum(xg.sum(axis=2), batch_idx, num_segments=num_batches)
    ss = jax.ops.segment_sum((xg * xg).sum(axis=2), batch_idx, num_segments=num_batches)
    denom = jnp.maximum(cnt, 1.0)[:, None] * cg
    mean = s / denom
    var = ss / denom - mean * mean
    m = mean[batch_idx]
    v = var[batch_idx]
    xn = (xg - m[:, :, None]) / jnp.sqrt(v[:, :, None] + eps)
    return xn.reshape(n, c) * gamma[None, :] + beta[None, :]


_OFFS = np.array([[dx, dy, dz] for dx in (-1, 0, 1) for dy in (-1, 0, 1) for dz in (-1, 0, 1)], dtype=np.int32)


def _sparse_conv3(feats, coords, W, b):
    # submanifold sparse 3x3x3 conv via hash-map kernel lookup (sphash/sphashquery equivalent)
    n = feats.shape[0]
    keys = _encode(coords[:, :3], coords[:, 3])
    order = jnp.argsort(keys)
    sk = keys[order]
    out = jnp.zeros((n, W.shape[2]), feats.dtype)
    for k in range(27):
        qc = coords[:, :3] + jnp.asarray(_OFFS[k])[None, :]
        qk = _encode(qc, coords[:, 3])
        pos = jnp.searchsorted(sk, qk)
        pos_c = jnp.clip(pos, 0, n - 1)
        match = sk[pos_c] == qk
        src = order[pos_c]
        g = jnp.where(match[:, None], feats[src], 0.0)
        out = out + g @ W[k]
    return out + b[None, :]


def setup_inputs(seed: int = 0) -> dict:
    key = jax.random.key(seed)
    ks = jax.random.split(key, 6)
    data_feats = jax.random.normal(ks[0], (N, C), dtype=jnp.float32)
    data_coords = jax.random.randint(ks[1], (N, 4), 0, GRID, dtype=jnp.int32)
    emb = jax.random.normal(ks[2], (B, EMB), dtype=jnp.float32)
    W_in = jax.random.normal(ks[3], (27, C, C), dtype=jnp.float32) * 0.05
    b_in = jnp.zeros((C,), jnp.float32)
    W_emb = jax.random.normal(ks[4], (EMB, 2 * C), dtype=jnp.float32) * 0.05
    b_emb = jnp.zeros((2 * C,), jnp.float32)
    gn1_g = jnp.ones((C,), jnp.float32)
    gn1_b = jnp.zeros((C,), jnp.float32)
    gn2_g = jnp.ones((C,), jnp.float32)
    gn2_b = jnp.zeros((C,), jnp.float32)
    # zero_module: final conv is initialized to zero
    W_out = jnp.zeros((27, C, C), jnp.float32)
    b_out = jnp.zeros((C,), jnp.float32)
    return dict(data_feats=data_feats, data_coords=data_coords, emb=emb,
                gn1_g=gn1_g, gn1_b=gn1_b, W_in=W_in, b_in=b_in,
                W_emb=W_emb, b_emb=b_emb, gn2_g=gn2_g, gn2_b=gn2_b,
                W_out=W_out, b_out=b_out)


def reference(data_feats, data_coords, emb, gn1_g, gn1_b, W_in, b_in, W_emb, b_emb, gn2_g, gn2_b, W_out, b_out):
    batch_idx = data_coords[:, 3].astype(jnp.int32)
    # in_layers: GroupNorm -> SiLU -> Conv3d(3)
    h = _group_norm(data_feats, batch_idx, gn1_g, gn1_b)
    h = jax.nn.silu(h)
    h = _sparse_conv3(h, data_coords, W_in, b_in)
    # emb_layers: SiLU -> Linear -> chunk into scale/shift
    eh = jax.nn.silu(emb) @ W_emb + b_emb
    scale, shift = jnp.split(eh, 2, axis=-1)
    # out_norm with FiLM modulation
    hn = _group_norm(h, batch_idx, gn2_g, gn2_b)
    hn = hn * (1.0 + scale[batch_idx]) + shift[batch_idx]
    # out_rest: SiLU -> Dropout(p=0, eval) -> zeroed Conv3d(3)
    hn = jax.nn.silu(hn)
    h2 = _sparse_conv3(hn, data_coords, W_out, b_out)
    # skip_connection = Identity (out_channels == channels)
    return h2 + data_feats

if __name__ == "__main__":
    import jax
    _d = setup_inputs()
    print(jax.jit(kernel)(*tuple(_d.values())))

</pallas_src>

<mosaic_0001>
#map = affine_map<(d0, d1) -> (0)>
module attributes {stable_mosaic.version = 14 : i64} {
  func.func @new_body(%arg0: i32, %arg1: i32, %arg2: memref<100352xi32, #tpu.memory_space<hbm>>, %arg3: memref<18602144xi32, #tpu.memory_space<hbm>>, %arg4: memref<18602144xi32, #tpu.memory_space<hbm>>, %arg5: memref<3136xi32, #tpu.memory_space<vmem>>, %arg6: memref<3136xi32, #tpu.memory_space<vmem>>, %arg7: memref<28x112xi32, #tpu.memory_space<vmem>>, %arg8: memref<28x112xi32, #tpu.memory_space<vmem>>, %arg9: memref<!tpu.dma_semaphore, #tpu.memory_space<semaphore_mem>>) attributes {dimension_semantics = [#tpu.dimension_semantics<core_parallel>, #tpu.dimension_semantics<subcore_parallel>], iteration_bounds = array<i64: 2, 16>, scalar_prefetch = 0 : i64, scratch_operands = 5 : i64, tpu.core_type = #tpu.core_type<sc_vector_subcore>, window_params = [{transform_indices = #map}, {transform_indices = #map}, {transform_indices = #map}]} {
    %mul3A = arith.constant 2 : i32
    %mul3A_0 = arith.muli %arg1, %mul3A : i32
    %add3A = arith.addi %mul3A_0, %arg0 : i32
    %mul3A_1 = arith.constant 3136 : i32
    %mul3A_2 = arith.muli %add3A, %mul3A_1 : i32
    "tpu.region"() ({
      %run_scoped3A = tpu.sem_alloc : memref<!tpu.dma_semaphore, #tpu.memory_space<semaphore_mem>>
      %dma_start3A_16 = tpu.memref_slice %arg2[%mul3A_2] : memref<100352xi32, #tpu.memory_space<hbm>> -> memref<3136xi32, #tpu.memory_space<hbm>>
      %dma_start3A_17 = tpu.memref_slice %arg2[%mul3A_2] : memref<100352xi32, #tpu.memory_space<hbm>> -> memref<3136xi32, #tpu.memory_space<hbm>>
      tpu.enqueue_dma source(%dma_start3A_17 : memref<3136xi32, #tpu.memory_space<hbm>>) target(%arg5 : memref<3136xi32, #tpu.memory_space<vmem>>) target_semaphore(%run_scoped3A : memref<!tpu.dma_semaphore, #tpu.memory_space<semaphore_mem>>)
      %dma_wait3A_18 = tpu.memref_slice %arg2[%mul3A_2] : memref<100352xi32, #tpu.memory_space<hbm>> -> memref<3136xi32, #tpu.memory_space<hbm>>
      %dma_wait3A_19 = tpu.memref_slice %arg2[%mul3A_2] : memref<100352xi32, #tpu.memory_space<hbm>> -> memref<3136xi32, #tpu.memory_space<hbm>>
      tpu.wait_dma2 semaphore(%run_scoped3A : memref<!tpu.dma_semaphore, #tpu.memory_space<semaphore_mem>>) src(%dma_wait3A_19 : memref<3136xi32, #tpu.memory_space<hbm>>) dst(%arg5 : memref<3136xi32, #tpu.memory_space<vmem>>)
      tpu.yield
    }) : () -> ()
    %dma_start3A = arith.constant 0 : i32
    %dma_start3A_3 = tpu.memref_slice %arg3[%dma_start3A] : memref<18602144xi32, #tpu.memory_space<hbm>> -> memref<18602144xi32, #tpu.memory_space<hbm>>
    tpu.enqueue_indirect_dma source(%dma_start3A_3 : memref<18602144xi32, #tpu.memory_space<hbm>>) target(%arg6 : memref<3136xi32, #tpu.memory_space<vmem>>) offsets(%arg5 : memref<3136xi32, #tpu.memory_space<vmem>>) semaphore(%arg9 : memref<!tpu.dma_semaphore, #tpu.memory_space<semaphore_mem>>)
    %dma_wait3A = arith.constant 0 : i32
    %dma_wait3A_4 = tpu.memref_slice %arg3[%dma_wait3A] : memref<18602144xi32, #tpu.memory_space<hbm>> -> memref<18602144xi32, #tpu.memory_space<hbm>>
    tpu.wait_indirect_dma semaphore(%arg9 : memref<!tpu.dma_semaphore, #tpu.memory_space<semaphore_mem>>) src(%dma_wait3A_4 : memref<18602144xi32, #tpu.memory_space<hbm>>) dst(%arg6 : memref<3136xi32, #tpu.memory_space<vmem>>)
    %iota3A = tpu.iota {dimensions = array<i32: 0>} : vector<16xi32>
    %scan3A = arith.constant 0 : i32
    %scan3A_5 = arith.constant 0 : i32
    %scan3A_6 = arith.constant 196 : i32
    %scan3A_7 = arith.addi %scan3A_5, %scan3A_6 : i32
    %scan3A_8 = arith.constant 1 : i32
    scf.for %scan3A_16 = %scan3A_5 to %scan3A_7 step %scan3A_8  : i32 {
      %mul3A_17 = arith.constant 16 : i32
      %mul3A_18 = arith.muli %scan3A_16, %mul3A_17 : i32
      %add3A_19 = arith.addi %mul3A_2, %mul3A_18 : i32
      %add3A_20 = vector.broadcast %add3A_19 : i32 to vector<16xi32>
      %add3A_21 = arith.addi %add3A_20, %iota3A : vector<16xi32>
      %get3A = arith.index_cast %mul3A_18 : i32 to index
      %get3A_22 = tpu.vector_load %arg6[%get3A] {strides = array<i32>} : memref<3136xi32, #tpu.memory_space<vmem>>, vector<16xi32>,
      %get3A_23 = vector.shape_cast %get3A_22 : vector<16xi32> to vector<16xi32>
      %lt3A = arith.cmpi slt, %add3A_21, %get3A_23 : vector<16xi32>
      %lt3A_24 = arith.constant 100000 : i32
      %lt3A_25 = vector.broadcast %lt3A_24 : i32 to vector<16xi32>
      %lt3A_26 = arith.cmpi slt, %add3A_21, %lt3A_25 : vector<16xi32>
      %and3A = arith.andi %lt3A, %lt3A_26 : vector<16xi1>
      %jit3A = arith.constant 7 : i32
      %div3A = arith.divsi %scan3A_16, %jit3A : i32
      %sign3A = arith.constant 0 : i32
      %sign3A_27 = arith.cmpi sgt, %scan3A_16, %sign3A : i32
      %sign3A_28 = arith.extui %sign3A_27 : i1 to i32
      %sign3A_29 = arith.constant 0 : i32
      %sign3A_30 = arith.cmpi slt, %scan3A_16, %sign3A_29 : i32
      %sign3A_31 = arith.extui %sign3A_30 : i1 to i32
      %sign3A_32 = arith.subi %sign3A_28, %sign3A_31 : i32
      %sign3A_33 = arith.constant 0 : i32
      %sign3A_34 = arith.cmpi sgt, %jit3A, %sign3A_33 : i32
      %sign3A_35 = arith.extui %sign3A_34 : i1 to i32
      %sign3A_36 = arith.constant 0 : i32
      %sign3A_37 = arith.cmpi slt, %jit3A, %sign3A_36 : i32
      %sign3A_38 = arith.extui %sign3A_37 : i1 to i32
      %sign3A_39 = arith.subi %sign3A_35, %sign3A_38 : i32
      %ne3A = arith.cmpi ne, %sign3A_32, %sign3A_39 : i32
      %rem3A = arith.remsi %scan3A_16, %jit3A : i32
      %ne3A_40 = arith.constant 0 : i32
      %ne3A_41 = arith.cmpi ne, %rem3A, %ne3A_40 : i32
      %and3A_42 = arith.andi %ne3A, %ne3A_41 : i1
      %sub3A = arith.constant 1 : i32
      %sub3A_43 = arith.subi %div3A, %sub3A : i32
      %select_n3A = arith.select %and3A_42, %sub3A_43, %div3A : i32
      %jit3A_44 = arith.constant 7 : i32
      %eq3A = arith.constant 0 : i32
      %eq3A_45 = arith.cmpi eq, %jit3A_44, %eq3A : i32
      %jit3A_46 = arith.constant 1 : i32
      %select_n3A_47 = arith.select %eq3A_45, %jit3A_46, %jit3A_44 : i32
      %rem3A_48 = arith.remsi %scan3A_16, %select_n3A_47 : i32
      %ne3A_49 = arith.constant 0 : i32
      %ne3A_50 = arith.cmpi ne, %rem3A_48, %ne3A_49 : i32
      %lt3A_51 = arith.constant 0 : i32
      %lt3A_52 = arith.cmpi slt, %rem3A_48, %lt3A_51 : i32
      %lt3A_53 = arith.constant 0 : i32
      %lt3A_54 = arith.cmpi slt, %select_n3A_47, %lt3A_53 : i32
      %ne3A_55 = arith.xori %lt3A_52, %lt3A_54 : i1
      %and3A_56 = arith.andi %ne3A_55, %ne3A_50 : i1
      %add3A_57 = arith.addi %rem3A_48, %select_n3A_47 : i32
      %select_n3A_58 = arith.select %and3A_56, %add3A_57, %rem3A_48 : i32
      %mul3A_59 = arith.constant 16 : i32
      %mul3A_60 = arith.muli %select_n3A_58, %mul3A_59 : i32
      %add3A_61 = arith.constant 18399744 : i32
      %add3A_62 = arith.addi %add3A_61, %mul3A_2 : i32
      %add3A_63 = arith.addi %add3A_62, %mul3A_18 : i32
      %add3A_64 = vector.broadcast %add3A_63 : i32 to vector<16xi32>
      %add3A_65 = arith.addi %add3A_64, %iota3A : vector<16xi32>
      %get3A_66 = arith.index_cast %mul3A_18 : i32 to index
      %get3A_67 = tpu.vector_load %arg5[%get3A_66] {strides = array<i32>} : memref<3136xi32, #tpu.memory_space<vmem>>, vector<16xi32>,
      %get3A_68 = vector.shape_cast %get3A_67 : vector<16xi32> to vector<16xi32>
      %select_n3A_69 = arith.select %and3A, %get3A_68, %add3A_65 : vector<16xi1>, vector<16xi32>
      %swap3A = arith.index_cast %select_n3A : i32 to index
      %swap3A_70 = arith.index_cast %mul3A_60 : i32 to index
      %swap3A_71 = tpu.vector_load %arg7[%swap3A, %swap3A_70] {strides = array<i32>} : memref<28x112xi32, #tpu.memory_space<vmem>>, vector<1x16xi32>,
      %swap3A_72 = vector.shape_cast %swap3A_71 : vector<1x16xi32> to vector<16xi32>
      %swap3A_73 = vector.shape_cast %select_n3A_69 : vector<16xi32> to vector<1x16xi32>
      tpu.vector_store %arg7[%swap3A, %swap3A_70], %swap3A_73 {strides = array<i32>} : memref<28x112xi32, #tpu.memory_space<vmem>>, vector<1x16xi32>,
      %swap3A_74 = arith.index_cast %select_n3A : i32 to index
      %swap3A_75 = arith.index_cast %mul3A_60 : i32 to index
      %swap3A_76 = tpu.vector_load %arg8[%swap3A_74, %swap3A_75] {strides = array<i32>} : memref<28x112xi32, #tpu.memory_space<vmem>>, vector<1x16xi32>,
      %swap3A_77 = vector.shape_cast %swap3A_76 : vector<1x16xi32> to vector<16xi32>
      %swap3A_78 = vector.shape_cast %add3A_21 : vector<16xi32> to vector<1x16xi32>
      tpu.vector_store %arg8[%swap3A_74, %swap3A_75], %swap3A_78 {strides = array<i32>} : memref<28x112xi32, #tpu.memory_space<vmem>>, vector<1x16xi32>,
    }
    %scan3A_9 = arith.constant 196 : i32
    %scan3A_10 = arith.constant 0 : i32
    %scan3A_11 = arith.constant 0 : i32
    %scan3A_12 = arith.constant 28 : i32
    %scan3A_13 = arith.addi %scan3A_11, %scan3A_12 : i32
    %scan3A_14 = arith.constant 1 : i32
    scf.for %scan3A_16 = %scan3A_11 to %scan3A_13 step %scan3A_14  : i32 {
      %dma_start3A_17 = arith.constant 0 : i32
      %dma_start3A_18 = tpu.memref_slice %arg8[%scan3A_16, %dma_start3A_17] : memref<28x112xi32, #tpu.memory_space<vmem>> -> memref<1x112xi32, #tpu.memory_space<vmem>>
      %dma_start3A_19 = tpu.memref_squeeze %dma_start3A_18 : memref<1x112xi32, #tpu.memory_space<vmem>> -> memref<112xi32, #tpu.memory_space<vmem>>
      %dma_start3A_20 = arith.constant 0 : i32
      %dma_start3A_21 = tpu.memref_slice %arg7[%scan3A_16, %dma_start3A_20] : memref<28x112xi32, #tpu.memory_space<vmem>> -> memref<1x112xi32, #tpu.memory_space<vmem>>
      %dma_start3A_22 = tpu.memref_squeeze %dma_start3A_21 : memref<1x112xi32, #tpu.memory_space<vmem>> -> memref<112xi32, #tpu.memory_space<vmem>>
      %dma_start3A_23 = arith.constant 0 : i32
      %dma_start3A_24 = tpu.memref_slice %arg3[%dma_start3A_23] : memref<18602144xi32, #tpu.memory_space<hbm>> -> memref<18602144xi32, #tpu.memory_space<hbm>>
      tpu.enqueue_indirect_dma source(%dma_start3A_19 : memref<112xi32, #tpu.memory_space<vmem>>) target(%dma_start3A_24 : memref<18602144xi32, #tpu.memory_space<hbm>>) offsets(%dma_start3A_22 : memref<112xi32, #tpu.memory_space<vmem>>) semaphore(%arg9 : memref<!tpu.dma_semaphore, #tpu.memory_space<semaphore_mem>>)
      %dma_wait3A_25 = arith.constant 0 : i32
      %dma_wait3A_26 = tpu.memref_slice %arg8[%scan3A_16, %dma_wait3A_25] : memref<28x112xi32, #tpu.memory_space<vmem>> -> memref<1x112xi32, #tpu.memory_space<vmem>>
      %dma_wait3A_27 = tpu.memref_squeeze %dma_wait3A_26 : memref<1x112xi32, #tpu.memory_space<vmem>> -> memref<112xi32, #tpu.memory_space<vmem>>
      %dma_wait3A_28 = arith.constant 0 : i32
      %dma_wait3A_29 = tpu.memref_slice %arg7[%scan3A_16, %dma_wait3A_28] : memref<28x112xi32, #tpu.memory_space<vmem>> -> memref<1x112xi32, #tpu.memory_space<vmem>>
      %dma_wait3A_30 = tpu.memref_squeeze %dma_wait3A_29 : memref<1x112xi32, #tpu.memory_space<vmem>> -> memref<112xi32, #tpu.memory_space<vmem>>
      %dma_wait3A_31 = arith.constant 0 : i32
      %dma_wait3A_32 = tpu.memref_slice %arg3[%dma_wait3A_31] : memref<18602144xi32, #tpu.memory_space<hbm>> -> memref<18602144xi32, #tpu.memory_space<hbm>>
      tpu.wait_indirect_dma semaphore(%arg9 : memref<!tpu.dma_semaphore, #tpu.memory_space<semaphore_mem>>) src(%dma_wait3A_27 : memref<112xi32, #tpu.memory_space<vmem>>) dst(%dma_wait3A_32 : memref<18602144xi32, #tpu.memory_space<hbm>>)
    }
    %scan3A_15 = arith.constant 28 : i32
    return
  }
}

#map = affine_map<(d0, d1) -> (0)>
#map1 = affine_map<(d0, d1) -> (0, 0)>
module attributes {stable_mosaic.version = 14 : i64} {
  func.func @new_body(%arg0: i32, %arg1: i32, %arg2: memref<100352xi32, #tpu.memory_space<hbm>>, %arg3: memref<18602144xi32, #tpu.memory_space<hbm>>, %arg4: memref<2820096x128xf32, #tpu.memory_space<hbm>>, %arg5: memref<100352x64xf32, #tpu.memory_space<hbm>>, %arg6: memref<100352x64xf32, #tpu.memory_space<hbm>>, %arg7: memref<18602144xi32, #tpu.memory_space<hbm>>, %arg8: memref<448xi32, #tpu.memory_space<vmem>>, %arg9: memref<4032xi32, #tpu.memory_space<vmem>>, %arg10: memref<4032xi32, #tpu.memory_space<vmem>>, %arg11: memref<448x64xf32, #tpu.memory_space<vmem>>, %arg12: memref<448x128xf32, #tpu.memory_space<vmem>>, %arg13: memref<!tpu.dma_semaphore, #tpu.memory_space<semaphore_mem>>) attributes {dimension_semantics = [#tpu.dimension_semantics<core_parallel>, #tpu.dimension_semantics<subcore_parallel>], iteration_bounds = array<i64: 2, 16>, scalar_prefetch = 0 : i64, scratch_operands = 6 : i64, tpu.core_type = #tpu.core_type<sc_vector_subcore>, window_params = [{transform_indices = #map}, {transform_indices = #map}, {transform_indices = #map1}, {transform_indices = #map1}, {transform_indices = #map1}, {transform_indices = #map}]} {
    %mul3A = arith.constant 2 : i32
    %mul3A_0 = arith.muli %arg1, %mul3A : i32
    %add3A = arith.addi %mul3A_0, %arg0 : i32
    %iota3A = tpu.iota {dimensions = array<i32: 0>} : vector<16xi32>
    %scan3A = arith.constant 0 : i32
    %scan3A_1 = arith.constant 0 : i32
    %scan3A_2 = arith.constant 7 : i32
    %scan3A_3 = arith.addi %scan3A_1, %scan3A_2 : i32
    %scan3A_4 = arith.constant 1 : i32
    scf.for %scan3A_6 = %scan3A_1 to %scan3A_3 step %scan3A_4  : i32 {
      %mul3A_7 = arith.constant 3136 : i32
      %mul3A_8 = arith.muli %add3A, %mul3A_7 : i32
      %mul3A_9 = arith.constant 448 : i32
      %mul3A_10 = arith.muli %scan3A_6, %mul3A_9 : i32
      %add3A_11 = arith.addi %mul3A_8, %mul3A_10 : i32
      "tpu.region"() ({
        %run_scoped3A = tpu.sem_alloc : memref<!tpu.dma_semaphore, #tpu.memory_space<semaphore_mem>>
        %dma_start3A = tpu.memref_slice %arg2[%add3A_11] : memref<100352xi32, #tpu.memory_space<hbm>> -> memref<448xi32, #tpu.memory_space<hbm>>
        %dma_start3A_18 = tpu.memref_slice %arg2[%add3A_11] : memref<100352xi32, #tpu.memory_space<hbm>> -> memref<448xi32, #tpu.memory_space<hbm>>
        tpu.enqueue_dma source(%dma_start3A_18 : memref<448xi32, #tpu.memory_space<hbm>>) target(%arg8 : memref<448xi32, #tpu.memory_space<vmem>>) target_semaphore(%run_scoped3A : memref<!tpu.dma_semaphore, #tpu.memory_space<semaphore_mem>>)
        %dma_wait3A = tpu.memref_slice %arg2[%add3A_11] : memref<100352xi32, #tpu.memory_space<hbm>> -> memref<448xi32, #tpu.memory_space<hbm>>
        %dma_wait3A_19 = tpu.memref_slice %arg2[%add3A_11] : memref<100352xi32, #tpu.memory_space<hbm>> -> memref<448xi32, #tpu.memory_space<hbm>>
        tpu.wait_dma2 semaphore(%run_scoped3A : memref<!tpu.dma_semaphore, #tpu.memory_space<semaphore_mem>>) src(%dma_wait3A_19 : memref<448xi32, #tpu.memory_space<hbm>>) dst(%arg8 : memref<448xi32, #tpu.memory_space<vmem>>)
        tpu.yield
      }) : () -> ()
      "tpu.region"() ({
        %run_scoped3A = tpu.sem_alloc : memref<!tpu.dma_semaphore, #tpu.memory_space<semaphore_mem>>
        %dma_start3A = arith.constant 0 : i32
        %dma_start3A_18 = tpu.memref_slice %arg5[%add3A_11, %dma_start3A] : memref<100352x64xf32, #tpu.memory_space<hbm>> -> memref<448x64xf32, #tpu.memory_space<hbm>>
        %dma_start3A_19 = arith.constant 0 : i32
        %dma_start3A_20 = tpu.memref_slice %arg5[%add3A_11, %dma_start3A_19] : memref<100352x64xf32, #tpu.memory_space<hbm>> -> memref<448x64xf32, #tpu.memory_space<hbm>>
        tpu.enqueue_dma source(%dma_start3A_20 : memref<448x64xf32, #tpu.memory_space<hbm>>) target(%arg11 : memref<448x64xf32, #tpu.memory_space<vmem>>) target_semaphore(%run_scoped3A : memref<!tpu.dma_semaphore, #tpu.memory_space<semaphore_mem>>)
        %dma_wait3A = arith.constant 0 : i32
        %dma_wait3A_21 = tpu.memref_slice %arg5[%add3A_11, %dma_wait3A] : memref<100352x64xf32, #tpu.memory_space<hbm>> -> memref<448x64xf32, #tpu.memory_space<hbm>>
        %dma_wait3A_22 = arith.constant 0 : i32
        %dma_wait3A_23 = tpu.memref_slice %arg5[%add3A_11, %dma_wait3A_22] : memref<100352x64xf32, #tpu.memory_space<hbm>> -> memref<448x64xf32, #tpu.memory_space<hbm>>
        tpu.wait_dma2 semaphore(%run_scoped3A : memref<!tpu.dma_semaphore, #tpu.memory_space<semaphore_mem>>) src(%dma_wait3A_23 : memref<448x64xf32, #tpu.memory_space<hbm>>) dst(%arg11 : memref<448x64xf32, #tpu.memory_space<vmem>>)
        tpu.yield
      }) : () -> ()
      %scan3A_12 = arith.constant 0 : i32
      %scan3A_13 = arith.constant 0 : i32
      %scan3A_14 = arith.constant 3 : i32
      %scan3A_15 = arith.addi %scan3A_13, %scan3A_14 : i32
      %scan3A_16 = arith.constant 1 : i32
      scf.for %scan3A_18 = %scan3A_13 to %scan3A_15 step %scan3A_16  : i32 {
        %scan3A_19 = arith.constant 0 : i32
        %scan3A_20 = arith.constant 0 : i32
        %scan3A_21 = arith.constant 252 : i32
        %scan3A_22 = arith.addi %scan3A_20, %scan3A_21 : i32
        %scan3A_23 = arith.constant 1 : i32
        scf.for %scan3A_39 = %scan3A_20 to %scan3A_22 step %scan3A_23  : i32 {
          %mul3A_40 = arith.constant 9 : i32
          %mul3A_41 = arith.muli %scan3A_18, %mul3A_40 : i32
          %div3A = arith.constant 28 : i32
          %div3A_42 = arith.divsi %scan3A_39, %div3A : i32
          %add3A_43 = arith.addi %mul3A_41, %div3A_42 : i32
          %rem3A = arith.constant 28 : i32
          %rem3A_44 = arith.remsi %scan3A_39, %rem3A : i32
          %mul3A_45 = arith.constant 16 : i32
          %mul3A_46 = arith.muli %rem3A_44, %mul3A_45 : i32
          %rem3A_47 = arith.constant 3 : i32
          %rem3A_48 = arith.remsi %add3A_43, %rem3A_47 : i32
          %sub3A = arith.constant 1 : i32
          %sub3A_49 = arith.subi %rem3A_48, %sub3A : i32
          %div3A_50 = arith.constant 3 : i32
          %div3A_51 = arith.divsi %add3A_43, %div3A_50 : i32
          %rem3A_52 = arith.constant 3 : i32
          %rem3A_53 = arith.remsi %div3A_51, %rem3A_52 : i32
          %sub3A_54 = arith.constant 1 : i32
          %sub3A_55 = arith.subi %rem3A_53, %sub3A_54 : i32
          %div3A_56 = arith.constant 9 : i32
          %div3A_57 = arith.divsi %add3A_43, %div3A_56 : i32
          %sub3A_58 = arith.constant 1 : i32
          %sub3A_59 = arith.subi %div3A_57, %sub3A_58 : i32
          %mul3A_60 = arith.constant 4356 : i32
          %mul3A_61 = arith.muli %sub3A_49, %mul3A_60 : i32
          %mul3A_62 = arith.constant 66 : i32
          %mul3A_63 = arith.muli %sub3A_55, %mul3A_62 : i32
          %add3A_64 = arith.addi %mul3A_61, %mul3A_63 : i32
          %add3A_65 = arith.addi %add3A_64, %sub3A_59 : i32
          %get3A = arith.index_cast %mul3A_46 : i32 to index
          %get3A_66 = tpu.vector_load %arg8[%get3A] {strides = array<i32>} : memref<448xi32, #tpu.memory_space<vmem>>, vector<16xi32>,
          %get3A_67 = vector.shape_cast %get3A_66 : vector<16xi32> to vector<16xi32>
          %add3A_68 = vector.broadcast %add3A_65 : i32 to vector<16xi32>
          %add3A_69 = arith.addi %get3A_67, %add3A_68 : vector<16xi32>
          %mul3A_70 = arith.constant 16 : i32
          %mul3A_71 = arith.muli %scan3A_39, %mul3A_70 : i32
          %swap3A = arith.index_cast %mul3A_71 : i32 to index
          %swap3A_72 = tpu.vector_load %arg9[%swap3A] {strides = array<i32>} : memref<4032xi32, #tpu.memory_space<vmem>>, vector<16xi32>,
          %swap3A_73 = vector.shape_cast %swap3A_72 : vector<16xi32> to vector<16xi32>
          %swap3A_74 = vector.shape_cast %add3A_69 : vector<16xi32> to vector<16xi32>
          tpu.vector_store %arg9[%swap3A], %swap3A_74 {strides = array<i32>} : memref<4032xi32, #tpu.memory_space<vmem>>, vector<16xi32>,
        }
        %scan3A_24 = arith.constant 252 : i32
        %dma_start3A = arith.constant 0 : i32
        %dma_start3A_25 = tpu.memref_slice %arg3[%dma_start3A] : memref<18602144xi32, #tpu.memory_space<hbm>> -> memref<18602144xi32, #tpu.memory_space<hbm>>
        tpu.enqueue_indirect_dma source(%dma_start3A_25 : memref<18602144xi32, #tpu.memory_space<hbm>>) target(%arg10 : memref<4032xi32, #tpu.memory_space<vmem>>) offsets(%arg9 : memref<4032xi32, #tpu.memory_space<vmem>>) semaphore(%arg13 : memref<!tpu.dma_semaphore, #tpu.memory_space<semaphore_mem>>)
        %dma_wait3A = arith.constant 0 : i32
        %dma_wait3A_26 = tpu.memref_slice %arg3[%dma_wait3A] : memref<18602144xi32, #tpu.memory_space<hbm>> -> memref<18602144xi32, #tpu.memory_space<hbm>>
        tpu.wait_indirect_dma semaphore(%arg13 : memref<!tpu.dma_semaphore, #tpu.memory_space<semaphore_mem>>) src(%dma_wait3A_26 : memref<18602144xi32, #tpu.memory_space<hbm>>) dst(%arg10 : memref<4032xi32, #tpu.memory_space<vmem>>)
        %scan3A_27 = arith.constant 0 : i32
        %scan3A_28 = arith.constant 0 : i32
        %scan3A_29 = arith.constant 252 : i32
        %scan3A_30 = arith.addi %scan3A_28, %scan3A_29 : i32
        %scan3A_31 = arith.constant 1 : i32
        scf.for %scan3A_39 = %scan3A_28 to %scan3A_30 step %scan3A_31  : i32 {
          %mul3A_40 = arith.constant 9 : i32
          %mul3A_41 = arith.muli %scan3A_18, %mul3A_40 : i32
          %div3A = arith.constant 28 : i32
          %div3A_42 = arith.divsi %scan3A_39, %div3A : i32
          %add3A_43 = arith.addi %mul3A_41, %div3A_42 : i32
          %mul3A_44 = arith.constant 16 : i32
          %mul3A_45 = arith.muli %scan3A_39, %mul3A_44 : i32
          %get3A = arith.index_cast %mul3A_45 : i32 to index
          %get3A_46 = tpu.vector_load %arg10[%get3A] {strides = array<i32>} : memref<4032xi32, #tpu.memory_space<vmem>>, vector<16xi32>,
          %get3A_47 = vector.shape_cast %get3A_46 : vector<16xi32> to vector<16xi32>
          %mul3A_48 = arith.constant 448 : i32
          %mul3A_49 = arith.muli %scan3A_6, %mul3A_48 : i32
          %mul3A_50 = arith.constant 16 : i32
          %mul3A_51 = arith.muli %scan3A_39, %mul3A_50 : i32
          %add3A_52 = arith.addi %mul3A_49, %mul3A_51 : i32
          %add3A_53 = vector.broadcast %add3A_52 : i32 to vector<16xi32>
          %add3A_54 = arith.addi %add3A_53, %iota3A : vector<16xi32>
          %mul3A_55 = arith.constant 977 : i32
          %mul3A_56 = arith.muli %add3A_43, %mul3A_55 : i32
          %add3A_57 = vector.broadcast %mul3A_56 : i32 to vector<16xi32>
          %add3A_58 = arith.addi %add3A_54, %add3A_57 : vector<16xi32>
          %mul3A_59 = arith.constant 139 : i32
          %mul3A_60 = arith.muli %add3A, %mul3A_59 : i32
          %add3A_61 = vector.broadcast %mul3A_60 : i32 to vector<16xi32>
          %add3A_62 = arith.addi %add3A_58, %add3A_61 : vector<16xi32>
          %rem3A = arith.constant 4448 : i32
          %rem3A_63 = vector.broadcast %rem3A : i32 to vector<16xi32>
          %rem3A_64 = arith.remsi %add3A_62, %rem3A_63 : vector<16xi32>
          %add3A_65 = arith.constant 100000 : i32
          %add3A_66 = vector.broadcast %add3A_65 : i32 to vector<16xi32>
          %add3A_67 = arith.addi %add3A_66, %rem3A_64 : vector<16xi32>
          %lt3A = arith.constant 100000 : i32
          %lt3A_68 = vector.broadcast %lt3A : i32 to vector<16xi32>
          %lt3A_69 = arith.cmpi slt, %get3A_47, %lt3A_68 : vector<16xi32>
          %mul3A_70 = arith.constant 104448 : i32
          %mul3A_71 = arith.muli %add3A_43, %mul3A_70 : i32
          %add3A_72 = vector.broadcast %mul3A_71 : i32 to vector<16xi32>
          %add3A_73 = arith.addi %add3A_72, %get3A_47 : vector<16xi32>
          %mul3A_74 = arith.constant 104448 : i32
          %mul3A_75 = arith.muli %add3A_43, %mul3A_74 : i32
          %add3A_76 = vector.broadcast %mul3A_75 : i32 to vector<16xi32>
          %add3A_77 = arith.addi %add3A_76, %add3A_67 : vector<16xi32>
          %select_n3A = arith.select %lt3A_69, %add3A_73, %add3A_77 : vector<16xi1>, vector<16xi32>
          %mul3A_78 = arith.constant 16 : i32
          %mul3A_79 = arith.muli %scan3A_39, %mul3A_78 : i32
          %swap3A = arith.index_cast %mul3A_79 : i32 to index
          %swap3A_80 = tpu.vector_load %arg9[%swap3A] {strides = array<i32>} : memref<4032xi32, #tpu.memory_space<vmem>>, vector<16xi32>,
          %swap3A_81 = vector.shape_cast %swap3A_80 : vector<16xi32> to vector<16xi32>
          %swap3A_82 = vector.shape_cast %select_n3A : vector<16xi32> to vector<16xi32>
          tpu.vector_store %arg9[%swap3A], %swap3A_82 {strides = array<i32>} : memref<4032xi32, #tpu.memory_space<vmem>>, vector<16xi32>,
        }
        %scan3A_32 = arith.constant 252 : i32
        %scan3A_33 = arith.constant 0 : i32
        %scan3A_34 = arith.constant 0 : i32
        %scan3A_35 = arith.constant 9 : i32
        %scan3A_36 = arith.addi %scan3A_34, %scan3A_35 : i32
        %scan3A_37 = arith.constant 1 : i32
        scf.for %scan3A_39 = %scan3A_34 to %scan3A_36 step %scan3A_37  : i32 {
          %mul3A_40 = arith.constant 448 : i32
          %mul3A_41 = arith.muli %scan3A_39, %mul3A_40 : i32
          %dma_start3A_42 = tpu.memref_slice %arg9[%mul3A_41] : memref<4032xi32, #tpu.memory_space<vmem>> -> memref<448xi32, #tpu.memory_space<vmem>>
          %dma_start3A_43 = arith.constant 0 : i32
          %dma_start3A_44 = arith.constant 0 : i32
          %dma_start3A_45 = tpu.memref_slice %arg4[%dma_start3A_43, %dma_start3A_44] : memref<2820096x128xf32, #tpu.memory_space<hbm>> -> memref<2820096x128xf32, #tpu.memory_space<hbm>>
          tpu.enqueue_indirect_dma source(%dma_start3A_45 : memref<2820096x128xf32, #tpu.memory_space<hbm>>) target(%arg12 : memref<448x128xf32, #tpu.memory_space<vmem>>) offsets(%dma_start3A_42 : memref<448xi32, #tpu.memory_space<vmem>>) semaphore(%arg13 : memref<!tpu.dma_semaphore, #tpu.memory_space<semaphore_mem>>)
          %dma_wait3A_46 = tpu.memref_slice %arg9[%mul3A_41] : memref<4032xi32, #tpu.memory_space<vmem>> -> memref<448xi32, #tpu.memory_space<vmem>>
          %dma_wait3A_47 = arith.constant 0 : i32
          %dma_wait3A_48 = arith.constant 0 : i32
          %dma_wait3A_49 = tpu.memref_slice %arg4[%dma_wait3A_47, %dma_wait3A_48] : memref<2820096x128xf32, #tpu.memory_space<hbm>> -> memref<2820096x128xf32, #tpu.memory_space<hbm>>
          tpu.wait_indirect_dma semaphore(%arg13 : memref<!tpu.dma_semaphore, #tpu.memory_space<semaphore_mem>>) src(%dma_wait3A_49 : memref<2820096x128xf32, #tpu.memory_space<hbm>>) dst(%arg12 : memref<448x128xf32, #tpu.memory_space<vmem>>)
          %scan3A_50 = arith.constant 0 : i32
          %scan3A_51 = arith.constant 0 : i32
          %scan3A_52 = arith.constant 28 : i32
          %scan3A_53 = arith.addi %scan3A_51, %scan3A_52 : i32
          %scan3A_54 = arith.constant 1 : i32
          scf.for %scan3A_56 = %scan3A_51 to %scan3A_53 step %scan3A_54  : i32 {
            %mul3A_57 = arith.constant 16 : i32
            %mul3A_58 = arith.muli %scan3A_56, %mul3A_57 : i32
            %add3A_59 = arith.constant 0 : i32
            %add3A_60 = arith.addi %mul3A_58, %add3A_59 : i32
            %add3A_61 = arith.constant 0 : i32
            %add3A_62 = arith.addi %mul3A_58, %add3A_61 : i32
            %get3A = arith.index_cast %add3A_62 : i32 to index
            %get3A_63 = arith.constant 0 : index
            %get3A_64 = tpu.vector_load %arg12[%get3A, %get3A_63] {strides = array<i32>} : memref<448x128xf32, #tpu.memory_space<vmem>>, vector<1x16xf32>,
            %get3A_65 = vector.shape_cast %get3A_64 : vector<1x16xf32> to vector<16xf32>
            %swap3A = arith.index_cast %add3A_60 : i32 to index
            %swap3A_66 = arith.constant 0 : index
            %swap3A_67 = tpu.vector_load %arg11[%swap3A, %swap3A_66] {strides = array<i32>} : memref<448x64xf32, #tpu.memory_space<vmem>>, vector<1x16xf32>,
            %swap3A_68 = vector.shape_cast %swap3A_67 : vector<1x16xf32> to vector<16xf32>
            %swap3A_69 = vector.shape_cast %get3A_65 : vector<16xf32> to vector<1x16xf32>
            tpu.vector_store %arg11[%swap3A, %swap3A_66], %swap3A_69 {add = true, strides = array<i32>} : memref<448x64xf32, #tpu.memory_space<vmem>>, vector<1x16xf32>,
            %add3A_70 = arith.constant 0 : i32
            %add3A_71 = arith.addi %mul3A_58, %add3A_70 : i32
            %add3A_72 = arith.constant 0 : i32
            %add3A_73 = arith.addi %mul3A_58, %add3A_72 : i32
            %get3A_74 = arith.index_cast %add3A_73 : i32 to index
            %get3A_75 = arith.constant 16 : index
            %get3A_76 = tpu.vector_load %arg12[%get3A_74, %get3A_75] {strides = array<i32>} : memref<448x128xf32, #tpu.memory_space<vmem>>, vector<1x16xf32>,
            %get3A_77 = vector.shape_cast %get3A_76 : vector<1x16xf32> to vector<16xf32>
            %swap3A_78 = arith.index_cast %add3A_71 : i32 to index
            %swap3A_79 = arith.constant 16 : index
            %swap3A_80 = tpu.vector_load %arg11[%swap3A_78, %swap3A_79] {strides = array<i32>} : memref<448x64xf32, #tpu.memory_space<vmem>>, vector<1x16xf32>,
            %swap3A_81 = vector.shape_cast %swap3A_80 : vector<1x16xf32> to vector<16xf32>
            %swap3A_82 = vector.shape_cast %get3A_77 : vector<16xf32> to vector<1x16xf32>
            tpu.vector_store %arg11[%swap3A_78, %swap3A_79], %swap3A_82 {add = true, strides = array<i32>} : memref<448x64xf32, #tpu.memory_space<vmem>>, vector<1x16xf32>,
            %add3A_83 = arith.constant 0 : i32
            %add3A_84 = arith.addi %mul3A_58, %add3A_83 : i32
            %add3A_85 = arith.constant 0 : i32
            %add3A_86 = arith.addi %mul3A_58, %add3A_85 : i32
            %get3A_87 = arith.index_cast %add3A_86 : i32 to index
            %get3A_88 = arith.constant 32 : index
            %get3A_89 = tpu.vector_load %arg12[%get3A_87, %get3A_88] {strides = array<i32>} : memref<448x128xf32, #tpu.memory_space<vmem>>, vector<1x16xf32>,
            %get3A_90 = vector.shape_cast %get3A_89 : vector<1x16xf32> to vector<16xf32>
            %swap3A_91 = arith.index_cast %add3A_84 : i32 to index
            %swap3A_92 = arith.constant 32 : index
            %swap3A_93 = tpu.vector_load %arg11[%swap3A_91, %swap3A_92] {strides = array<i32>} : memref<448x64xf32, #tpu.memory_space<vmem>>, vector<1x16xf32>,
            %swap3A_94 = vector.shape_cast %swap3A_93 : vector<1x16xf32> to vector<16xf32>
            %swap3A_95 = vector.shape_cast %get3A_90 : vector<16xf32> to vector<1x16xf32>
            tpu.vector_store %arg11[%swap3A_91, %swap3A_92], %swap3A_95 {add = true, strides = array<i32>} : memref<448x64xf32, #tpu.memory_space<vmem>>, vector<1x16xf32>,
            %add3A_96 = arith.constant 0 : i32
            %add3A_97 = arith.addi %mul3A_58, %add3A_96 : i32
            %add3A_98 = arith.constant 0 : i32
            %add3A_99 = arith.addi %mul3A_58, %add3A_98 : i32
            %get3A_100 = arith.index_cast %add3A_99 : i32 to index
            %get3A_101 = arith.constant 48 : index
            %get3A_102 = tpu.vector_load %arg12[%get3A_100, %get3A_101] {strides = array<i32>} : memref<448x128xf32, #tpu.memory_space<vmem>>, vector<1x16xf32>,
            %get3A_103 = vector.shape_cast %get3A_102 : vector<1x16xf32> to vector<16xf32>
            %swap3A_104 = arith.index_cast %add3A_97 : i32 to index
            %swap3A_105 = arith.constant 48 : index
            %swap3A_106 = tpu.vector_load %arg11[%swap3A_104, %swap3A_105] {strides = array<i32>} : memref<448x64xf32, #tpu.memory_space<vmem>>, vector<1x16xf32>,
            %swap3A_107 = vector.shape_cast %swap3A_106 : vector<1x16xf32> to vector<16xf32>
            %swap3A_108 = vector.shape_cast %get3A_103 : vector<16xf32> to vector<1x16xf32>
            tpu.vector_store %arg11[%swap3A_104, %swap3A_105], %swap3A_108 {add = true, strides = array<i32>} : memref<448x64xf32, #tpu.memory_space<vmem>>, vector<1x16xf32>,
            %add3A_109 = arith.constant 1 : i32
            %add3A_110 = arith.addi %mul3A_58, %add3A_109 : i32
            %add3A_111 = arith.constant 1 : i32
            %add3A_112 = arith.addi %mul3A_58, %add3A_111 : i32
            %get3A_113 = arith.index_cast %add3A_112 : i32 to index
            %get3A_114 = arith.constant 0 : index
            %get3A_115 = tpu.vector_load %arg12[%get3A_113, %get3A_114] {strides = array<i32>} : memref<448x128xf32, #tpu.memory_space<vmem>>, vector<1x16xf32>,
            %get3A_116 = vector.shape_cast %get3A_115 : vector<1x16xf32> to vector<16xf32>
            %swap3A_117 = arith.index_cast %add3A_110 : i32 to index
            %swap3A_118 = arith.constant 0 : index
            %swap3A_119 = tpu.vector_load %arg11[%swap3A_117, %swap3A_118] {strides = array<i32>} : memref<448x64xf32, #tpu.memory_space<vmem>>, vector<1x16xf32>,
            %swap3A_120 = vector.shape_cast %swap3A_119 : vector<1x16xf32> to vector<16xf32>
            %swap3A_121 = vector.shape_cast %get3A_116 : vector<16xf32> to vector<1x16xf32>
            tpu.vector_store %arg11[%swap3A_117, %swap3A_118], %swap3A_121 {add = true, strides = array<i32>} : memref<448x64xf32, #tpu.memory_space<vmem>>, vector<1x16xf32>,
            %add3A_122 = arith.constant 1 : i32
            %add3A_123 = arith.addi %mul3A_58, %add3A_122 : i32
            %add3A_124 = arith.constant 1 : i32
            %add3A_125 = arith.addi %mul3A_58, %add3A_124 : i32
            %get3A_126 = arith.index_cast %add3A_125 : i32 to index
            %get3A_127 = arith.constant 16 : index
            %get3A_128 = tpu.vector_load %arg12[%get3A_126, %get3A_127] {strides = array<i32>} : memref<448x128xf32, #tpu.memory_space<vmem>>, vector<1x16xf32>,
            %get3A_129 = vector.shape_cast %get3A_128 : vector<1x16xf32> to vector<16xf32>
            %swap3A_130 = arith.index_cast %add3A_123 : i32 to index
            %swap3A_131 = arith.constant 16 : index
            %swap3A_132 = tpu.vector_load %arg11[%swap3A_130, %swap3A_131] {strides = array<i32>} : memref<448x64xf32, #tpu.memory_space<vmem>>, vector<1x16xf32>,
            %swap3A_133 = vector.shape_cast %swap3A_132 : vector<1x16xf32> to vector<16xf32>
            %swap3A_134 = vector.shape_cast %get3A_129 : vector<16xf32> to vector<1x16xf32>
            tpu.vector_store %arg11[%swap3A_130, %swap3A_131], %swap3A_134 {add = true, strides = array<i32>} : memref<448x64xf32, #tpu.memory_space<vmem>>, vector<1x16xf32>,
            %add3A_135 = arith.constant 1 : i32
            %add3A_136 = arith.addi %mul3A_58, %add3A_135 : i32
            %add3A_137 = arith.constant 1 : i32
            %add3A_138 = arith.addi %mul3A_58, %add3A_137 : i32
            %get3A_139 = arith.index_cast %add3A_138 : i32 to index
            %get3A_140 = arith.constant 32 : index
            %get3A_141 = tpu.vector_load %arg12[%get3A_139, %get3A_140] {strides = array<i32>} : memref<448x128xf32, #tpu.memory_space<vmem>>, vector<1x16xf32>,
            %get3A_142 = vector.shape_cast %get3A_141 : vector<1x16xf32> to vector<16xf32>
            %swap3A_143 = arith.index_cast %add3A_136 : i32 to index
            %swap3A_144 = arith.constant 32 : index
            %swap3A_145 = tpu.vector_load %arg11[%swap3A_143, %swap3A_144] {strides = array<i32>} : memref<448x64xf32, #tpu.memory_space<vmem>>, vector<1x16xf32>,
            %swap3A_146 = vector.shape_cast %swap3A_145 : vector<1x16xf32> to vector<16xf32>
            %swap3A_147 = vector.shape_cast %get3A_142 : vector<16xf32> to vector<1x16xf32>
            tpu.vector_store %arg11[%swap3A_143, %swap3A_144], %swap3A_147 {add = true, strides = array<i32>} : memref<448x64xf32, #tpu.memory_space<vmem>>, vector<1x16xf32>,
            %add3A_148 = arith.constant 1 : i32
            %add3A_149 = arith.addi %mul3A_58, %add3A_148 : i32
            %add3A_150 = arith.constant 1 : i32
            %add3A_151 = arith.addi %mul3A_58, %add3A_150 : i32
            %get3A_152 = arith.index_cast %add3A_151 : i32 to index
            %get3A_153 = arith.constant 48 : index
            %get3A_154 = tpu.vector_load %arg12[%get3A_152, %get3A_153] {strides = array<i32>} : memref<448x128xf32, #tpu.memory_space<vmem>>, vector<1x16xf32>,
            %get3A_155 = vector.shape_cast %get3A_154 : vector<1x16xf32> to vector<16xf32>
            %swap3A_156 = arith.index_cast %add3A_149 : i32 to index
            %swap3A_157 = arith.constant 48 : index
            %swap3A_158 = tpu.vector_load %arg11[%swap3A_156, %swap3A_157] {strides = array<i32>} : memref<448x64xf32, #tpu.memory_space<vmem>>, vector<1x16xf32>,
            %swap3A_159 = vector.shape_cast %swap3A_158 : vector<1x16xf32> to vector<16xf32>
            %swap3A_160 = vector.shape_cast %get3A_155 : vector<16xf32> to vector<1x16xf32>
            tpu.vector_store %arg11[%swap3A_156, %swap3A_157], %swap3A_160 {add = true, strides = array<i32>} : memref<448x64xf32, #tpu.memory_space<vmem>>, vector<1x16xf32>,
            %add3A_161 = arith.constant 2 : i32
            %add3A_162 = arith.addi %mul3A_58, %add3A_161 : i32
            %add3A_163 = arith.constant 2 : i32
            %add3A_164 = arith.addi %mul3A_58, %add3A_163 : i32
            %get3A_165 = arith.index_cast %add3A_164 : i32 to index
            %get3A_166 = arith.constant 0 : index
            %get3A_167 = tpu.vector_load %arg12[%get3A_165, %get3A_166] {strides = array<i32>} : memref<448x128xf32, #tpu.memory_space<vmem>>, vector<1x16xf32>,
            %get3A_168 = vector.shape_cast %get3A_167 : vector<1x16xf32> to vector<16xf32>
            %swap3A_169 = arith.index_cast %add3A_162 : i32 to index
            %swap3A_170 = arith.constant 0 : index
            %swap3A_171 = tpu.vector_load %arg11[%swap3A_169, %swap3A_170] {strides = array<i32>} : memref<448x64xf32, #tpu.memory_space<vmem>>, vector<1x16xf32>,
            %swap3A_172 = vector.shape_cast %swap3A_171 : vector<1x16xf32> to vector<16xf32>
            %swap3A_173 = vector.shape_cast %get3A_168 : vector<16xf32> to vector<1x16xf32>
            tpu.vector_store %arg11[%swap3A_169, %swap3A_170], %swap3A_173 {add = true, strides = array<i32>} : memref<448x64xf32, #tpu.memory_space<vmem>>, vector<1x16xf32>,
            %add3A_174 = arith.constant 2 : i32
            %add3A_175 = arith.addi %mul3A_58, %add3A_174 : i32
            %add3A_176 = arith.constant 2 : i32
            %add3A_177 = arith.addi %mul3A_58, %add3A_176 : i32
            %get3A_178 = arith.index_cast %add3A_177 : i32 to index
            %get3A_179 = arith.constant 16 : index
            %get3A_180 = tpu.vector_load %arg12[%get3A_178, %get3A_179] {strides = array<i32>} : memref<448x128xf32, #tpu.memory_space<vmem>>, vector<1x16xf32>,
            %get3A_181 = vector.shape_cast %get3A_180 : vector<1x16xf32> to vector<16xf32>
            %swap3A_182 = arith.index_cast %add3A_175 : i32 to index
            %swap3A_183 = arith.constant 16 : index
            %swap3A_184 = tpu.vector_load %arg11[%swap3A_182, %swap3A_183] {strides = array<i32>} : memref<448x64xf32, #tpu.memory_space<vmem>>, vector<1x16xf32>,
            %swap3A_185 = vector.shape_cast %swap3A_184 : vector<1x16xf32> to vector<16xf32>
            %swap3A_186 = vector.shape_cast %get3A_181 : vector<16xf32> to vector<1x16xf32>
            tpu.vector_store %arg11[%swap3A_182, %swap3A_183], %swap3A_186 {add = true, strides = array<i32>} : memref<448x64xf32, #tpu.memory_space<vmem>>, vector<1x16xf32>,
            %add3A_187 = arith.constant 2 : i32
            %add3A_188 = arith.addi %mul3A_58, %add3A_187 : i32
            %add3A_189 = arith.constant 2 : i32
            %add3A_190 = arith.addi %mul3A_58, %add3A_189 : i32
            %get3A_191 = arith.index_cast %add3A_190 : i32 to index
            %get3A_192 = arith.constant 32 : index
            %get3A_193 = tpu.vector_load %arg12[%get3A_191, %get3A_192] {strides = array<i32>} : memref<448x128xf32, #tpu.memory_space<vmem>>, vector<1x16xf32>,
            %get3A_194 = vector.shape_cast %get3A_193 : vector<1x16xf32> to vector<16xf32>
            %swap3A_195 = arith.index_cast %add3A_188 : i32 to index
            %swap3A_196 = arith.constant 32 : index
            %swap3A_197 = tpu.vector_load %arg11[%swap3A_195, %swap3A_196] {strides = array<i32>} : memref<448x64xf32, #tpu.memory_space<vmem>>, vector<1x16xf32>,
            %swap3A_198 = vector.shape_cast %swap3A_197 : vector<1x16xf32> to vector<16xf32>
            %swap3A_199 = vector.shape_cast %get3A_194 : vector<16xf32> to vector<1x16xf32>
            tpu.vector_store %arg11[%swap3A_195, %swap3A_196], %swap3A_199 {add = true, strides = array<i32>} : memref<448x64xf32, #tpu.memory_space<vmem>>, vector<1x16xf32>,
            %add3A_200 = arith.constant 2 : i32
            %add3A_201 = arith.addi %mul3A_58, %add3A_200 : i32
            %add3A_202 = arith.constant 2 : i32
            %add3A_203 = arith.addi %mul3A_58, %add3A_202 : i32
            %get3A_204 = arith.index_cast %add3A_203 : i32 to index
            %get3A_205 = arith.constant 48 : index
            %get3A_206 = tpu.vector_load %arg12[%get3A_204, %get3A_205] {strides = array<i32>} : memref<448x128xf32, #tpu.memory_space<vmem>>, vector<1x16xf32>,
            %get3A_207 = vector.shape_cast %get3A_206 : vector<1x16xf32> to vector<16xf32>
            %swap3A_208 = arith.index_cast %add3A_201 : i32 to index
            %swap3A_209 = arith.constant 48 : index
            %swap3A_210 = tpu.vector_load %arg11[%swap3A_208, %swap3A_209] {strides = array<i32>} : memref<448x64xf32, #tpu.memory_space<vmem>>, vector<1x16xf32>,
            %swap3A_211 = vector.shape_cast %swap3A_210 : vector<1x16xf32> to vector<16xf32>
            %swap3A_212 = vector.shape_cast %get3A_207 : vector<16xf32> to vector<1x16xf32>
            tpu.vector_store %arg11[%swap3A_208, %swap3A_209], %swap3A_212 {add = true, strides = array<i32>} : memref<448x64xf32, #tpu.memory_space<vmem>>, vector<1x16xf32>,
            %add3A_213 = arith.constant 3 : i32
            %add3A_214 = arith.addi %mul3A_58, %add3A_213 : i32
            %add3A_215 = arith.constant 3 : i32
            %add3A_216 = arith.addi %mul3A_58, %add3A_215 : i32
            %get3A_217 = arith.index_cast %add3A_216 : i32 to index
            %get3A_218 = arith.constant 0 : index
            %get3A_219 = tpu.vector_load %arg12[%get3A_217, %get3A_218] {strides = array<i32>} : memref<448x128xf32, #tpu.memory_space<vmem>>, vector<1x16xf32>,
            %get3A_220 = vector.shape_cast %get3A_219 : vector<1x16xf32> to vector<16xf32>
            %swap3A_221 = arith.index_cast %add3A_214 : i32 to index
            %swap3A_222 = arith.constant 0 : index
            %swap3A_223 = tpu.vector_load %arg11[%swap3A_221, %swap3A_222] {strides = array<i32>} : memref<448x64xf32, #tpu.memory_space<vmem>>, vector<1x16xf32>,
            %swap3A_224 = vector.shape_cast %swap3A_223 : vector<1x16xf32> to vector<16xf32>
            %swap3A_225 = vector.shape_cast %get3A_220 : vector<16xf32> to vector<1x16xf32>
            tpu.vector_store %arg11[%swap3A_221, %swap3A_222], %swap3A_225 {add = true, strides = array<i32>} : memref<448x64xf32, #tpu.memory_space<vmem>>, vector<1x16xf32>,
            %add3A_226 = arith.constant 3 : i32
            %add3A_227 = arith.addi %mul3A_58, %add3A_226 : i32
            %add3A_228 = arith.constant 3 : i32
            %add3A_229 = arith.addi %mul3A_58, %add3A_228 : i32
            %get3A_230 = arith.index_cast %add3A_229 : i32 to index
            %get3A_231 = arith.constant 16 : index
            %get3A_232 = tpu.vector_load %arg12[%get3A_230, %get3A_231] {strides = array<i32>} : memref<448x128xf32, #tpu.memory_space<vmem>>, vector<1x16xf32>,
            %get3A_233 = vector.shape_cast %get3A_232 : vector<1x16xf32> to vector<16xf32>
            %swap3A_234 = arith.index_cast %add3A_227 : i32 to index
            %swap3A_235 = arith.constant 16 : index
            %swap3A_236 = tpu.vector_load %arg11[%swap3A_234, %swap3A_235] {strides = array<i32>} : memref<448x64xf32, #tpu.memory_space<vmem>>, vector<1x16xf32>,
            %swap3A_237 = vector.shape_cast %swap3A_236 : vector<1x16xf32> to vector<16xf32>
            %swap3A_238 = vector.shape_cast %get3A_233 : vector<16xf32> to vector<1x16xf32>
            tpu.vector_store %arg11[%swap3A_234, %swap3A_235], %swap3A_238 {add = true, strides = array<i32>} : memref<448x64xf32, #tpu.memory_space<vmem>>, vector<1x16xf32>,
            %add3A_239 = arith.constant 3 : i32
            %add3A_240 = arith.addi %mul3A_58, %add3A_239 : i32
            %add3A_241 = arith.constant 3 : i32
            %add3A_242 = arith.addi %mul3A_58, %add3A_241 : i32
            %get3A_243 = arith.index_cast %add3A_242 : i32 to index
            %get3A_244 = arith.constant 32 : index
            %get3A_245 = tpu.vector_load %arg12[%get3A_243, %get3A_244] {strides = array<i32>} : memref<448x128xf32, #tpu.memory_space<vmem>>, vector<1x16xf32>,
            %get3A_246 = vector.shape_cast %get3A_245 : vector<1x16xf32> to vector<16xf32>
            %swap3A_247 = arith.index_cast %add3A_240 : i32 to index
            %swap3A_248 = arith.constant 32 : index
            %swap3A_249 = tpu.vector_load %arg11[%swap3A_247, %swap3A_248] {strides = array<i32>} : memref<448x64xf32, #tpu.memory_space<vmem>>, vector<1x16xf32>,
            %swap3A_250 = vector.shape_cast %swap3A_249 : vector<1x16xf32> to vector<16xf32>
            %swap3A_251 = vector.shape_cast %get3A_246 : vector<16xf32> to vector<1x16xf32>
            tpu.vector_store %arg11[%swap3A_247, %swap3A_248], %swap3A_251 {add = true, strides = array<i32>} : memref<448x64xf32, #tpu.memory_space<vmem>>, vector<1x16xf32>,
            %add3A_252 = arith.constant 3 : i32
            %add3A_253 = arith.addi %mul3A_58, %add3A_252 : i32
            %add3A_254 = arith.constant 3 : i32
            %add3A_255 = arith.addi %mul3A_58, %add3A_254 : i32
            %get3A_256 = arith.index_cast %add3A_255 : i32 to index
            %get3A_257 = arith.constant 48 : index
            %get3A_258 = tpu.vector_load %arg12[%get3A_256, %get3A_257] {strides = array<i32>} : memref<448x128xf32, #tpu.memory_space<vmem>>, vector<1x16xf32>,
            %get3A_259 = vector.shape_cast %get3A_258 : vector<1x16xf32> to vector<16xf32>
            %swap3A_260 = arith.index_cast %add3A_253 : i32 to index
            %swap3A_261 = arith.constant 48 : index
            %swap3A_262 = tpu.vector_load %arg11[%swap3A_260, %swap3A_261] {strides = array<i32>} : memref<448x64xf32, #tpu.memory_space<vmem>>, vector<1x16xf32>,
            %swap3A_263 = vector.shape_cast %swap3A_262 : vector<1x16xf32> to vector<16xf32>
            %swap3A_264 = vector.shape_cast %get3A_259 : vector<16xf32> to vector<1x16xf32>
            tpu.vector_store %arg11[%swap3A_260, %swap3A_261], %swap3A_264 {add = true, strides = array<i32>} : memref<448x64xf32, #tpu.memory_space<vmem>>, vector<1x16xf32>,
            %add3A_265 = arith.constant 4 : i32
            %add3A_266 = arith.addi %mul3A_58, %add3A_265 : i32
            %add3A_267 = arith.constant 4 : i32
            %add3A_268 = arith.addi %mul3A_58, %add3A_267 : i32
            %get3A_269 = arith.index_cast %add3A_268 : i32 to index
            %get3A_270 = arith.constant 0 : index
            %get3A_271 = tpu.vector_load %arg12[%get3A_269, %get3A_270] {strides = array<i32>} : memref<448x128xf32, #tpu.memory_space<vmem>>, vector<1x16xf32>,
            %get3A_272 = vector.shape_cast %get3A_271 : vector<1x16xf32> to vector<16xf32>
            %swap3A_273 = arith.index_cast %add3A_266 : i32 to index
            %swap3A_274 = arith.constant 0 : index
            %swap3A_275 = tpu.vector_load %arg11[%swap3A_273, %swap3A_274] {strides = array<i32>} : memref<448x64xf32, #tpu.memory_space<vmem>>, vector<1x16xf32>,
            %swap3A_276 = vector.shape_cast %swap3A_275 : vector<1x16xf32> to vector<16xf32>
            %swap3A_277 = vector.shape_cast %get3A_272 : vector<16xf32> to vector<1x16xf32>
            tpu.vector_store %arg11[%swap3A_273, %swap3A_274], %swap3A_277 {add = true, strides = array<i32>} : memref<448x64xf32, #tpu.memory_space<vmem>>, vector<1x16xf32>,
            %add3A_278 = arith.constant 4 : i32
            %add3A_279 = arith.addi %mul3A_58, %add3A_278 : i32
            %add3A_280 = arith.constant 4 : i32
            %add3A_281 = arith.addi %mul3A_58, %add3A_280 : i32
            %get3A_282 = arith.index_cast %add3A_281 : i32 to index
            %get3A_283 = arith.constant 16 : index
            %get3A_284 = tpu.vector_load %arg12[%get3A_282, %get3A_283] {strides = array<i32>} : memref<448x128xf32, #tpu.memory_space<vmem>>, vector<1x16xf32>,
            %get3A_285 = vector.shape_cast %get3A_284 : vector<1x16xf32> to vector<16xf32>
            %swap3A_286 = arith.index_cast %add3A_279 : i32 to index
            %swap3A_287 = arith.constant 16 : index
            %swap3A_288 = tpu.vector_load %arg11[%swap3A_286, %swap3A_287] {strides = array<i32>} : memref<448x64xf32, #tpu.memory_space<vmem>>, vector<1x16xf32>,
            %swap3A_289 = vector.shape_cast %swap3A_288 : vector<1x16xf32> to vector<16xf32>
            %swap3A_290 = vector.shape_cast %get3A_285 : vector<16xf32> to vector<1x16xf32>
            tpu.vector_store %arg11[%swap3A_286, %swap3A_287], %swap3A_290 {add = true, strides = array<i32>} : memref<448x64xf32, #tpu.memory_space<vmem>>, vector<1x16xf32>,
            %add3A_291 = arith.constant 4 : i32
            %add3A_292 = arith.addi %mul3A_58, %add3A_291 : i32
            %add3A_293 = arith.constant 4 : i32
            %add3A_294 = arith.addi %mul3A_58, %add3A_293 : i32
            %get3A_295 = arith.index_cast %add3A_294 : i32 to index
            %get3A_296 = arith.constant 32 : index
            %get3A_297 = tpu.vector_load %arg12[%get3A_295, %get3A_296] {strides = array<i32>} : memref<448x128xf32, #tpu.memory_space<vmem>>, vector<1x16xf32>,
            %get3A_298 = vector.shape_cast %get3A_297 : vector<1x16xf32> to vector<16xf32>
            %swap3A_299 = arith.index_cast %add3A_292 : i32 to index
            %swap3A_300 = arith.constant 32 : index
            %swap3A_301 = tpu.vector_load %arg11[%swap3A_299, %swap3A_300] {strides = array<i32>} : memref<448x64xf32, #tpu.memory_space<vmem>>, vector<1x16xf32>,
            %swap3A_302 = vector.shape_cast %swap3A_301 : vector<1x16xf32> to vector<16xf32>
            %swap3A_303 = vector.shape_cast %get3A_298 : vector<16xf32> to vector<1x16xf32>
            tpu.vector_store %arg11[%swap3A_299, %swap3A_300], %swap3A_303 {add = true, strides = array<i32>} : memref<448x64xf32, #tpu.memory_space<vmem>>, vector<1x16xf32>,
            %add3A_304 = arith.constant 4 : i32
            %add3A_305 = arith.addi %mul3A_58, %add3A_304 : i32
            %add3A_306 = arith.constant 4 : i32
            %add3A_307 = arith.addi %mul3A_58, %add3A_306 : i32
            %get3A_308 = arith.index_cast %add3A_307 : i32 to index
            %get3A_309 = arith.constant 48 : index
            %get3A_310 = tpu.vector_load %arg12[%get3A_308, %get3A_309] {strides = array<i32>} : memref<448x128xf32, #tpu.memory_space<vmem>>, vector<1x16xf32>,
            %get3A_311 = vector.shape_cast %get3A_310 : vector<1x16xf32> to vector<16xf32>
            %swap3A_312 = arith.index_cast %add3A_305 : i32 to index
            %swap3A_313 = arith.constant 48 : index
            %swap3A_314 = tpu.vector_load %arg11[%swap3A_312, %swap3A_313] {strides = array<i32>} : memref<448x64xf32, #tpu.memory_space<vmem>>, vector<1x16xf32>,
            %swap3A_315 = vector.shape_cast %swap3A_314 : vector<1x16xf32> to vector<16xf32>
            %swap3A_316 = vector.shape_cast %get3A_311 : vector<16xf32> to vector<1x16xf32>
            tpu.vector_store %arg11[%swap3A_312, %swap3A_313], %swap3A_316 {add = true, strides = array<i32>} : memref<448x64xf32, #tpu.memory_space<vmem>>, vector<1x16xf32>,
            %add3A_317 = arith.constant 5 : i32
            %add3A_318 = arith.addi %mul3A_58, %add3A_317 : i32
            %add3A_319 = arith.constant 5 : i32
            %add3A_320 = arith.addi %mul3A_58, %add3A_319 : i32
            %get3A_321 = arith.index_cast %add3A_320 : i32 to index
            %get3A_322 = arith.constant 0 : index
            %get3A_323 = tpu.vector_load %arg12[%get3A_321, %get3A_322] {strides = array<i32>} : memref<448x128xf32, #tpu.memory_space<vmem>>, vector<1x16xf32>,
            %get3A_324 = vector.shape_cast %get3A_323 : vector<1x16xf32> to vector<16xf32>
            %swap3A_325 = arith.index_cast %add3A_318 : i32 to index
            %swap3A_326 = arith.constant 0 : index
            %swap3A_327 = tpu.vector_load %arg11[%swap3A_325, %swap3A_326] {strides = array<i32>} : memref<448x64xf32, #tpu.memory_space<vmem>>, vector<1x16xf32>,
            %swap3A_328 = vector.shape_cast %swap3A_327 : vector<1x16xf32> to vector<16xf32>
            %swap3A_329 = vector.shape_cast %get3A_324 : vector<16xf32> to vector<1x16xf32>
            tpu.vector_store %arg11[%swap3A_325, %swap3A_326], %swap3A_329 {add = true, strides = array<i32>} : memref<448x64xf32, #tpu.memory_space<vmem>>, vector<1x16xf32>,
            %add3A_330 = arith.constant 5 : i32
            %add3A_331 = arith.addi %mul3A_58, %add3A_330 : i32
            %add3A_332 = arith.constant 5 : i32
            %add3A_333 = arith.addi %mul3A_58, %add3A_332 : i32
            %get3A_334 = arith.index_cast %add3A_333 : i32 to index
            %get3A_335 = arith.constant 16 : index
            %get3A_336 = tpu.vector_load %arg12[%get3A_334, %get3A_335] {strides = array<i32>} : memref<448x128xf32, #tpu.memory_space<vmem>>, vector<1x16xf32>,
            %get3A_337 = vector.shape_cast %get3A_336 : vector<1x16xf32> to vector<16xf32>
            %swap3A_338 = arith.index_cast %add3A_331 : i32 to index
            %swap3A_339 = arith.constant 16 : index
            %swap3A_340 = tpu.vector_load %arg11[%swap3A_338, %swap3A_339] {strides = array<i32>} : memref<448x64xf32, #tpu.memory_space<vmem>>, vector<1x16xf32>,
            %swap3A_341 = vector.shape_cast %swap3A_340 : vector<1x16xf32> to vector<16xf32>
            %swap3A_342 = vector.shape_cast %get3A_337 : vector<16xf32> to vector<1x16xf32>
            tpu.vector_store %arg11[%swap3A_338, %swap3A_339], %swap3A_342 {add = true, strides = array<i32>} : memref<448x64xf32, #tpu.memory_space<vmem>>, vector<1x16xf32>,
            %add3A_343 = arith.constant 5 : i32
            %add3A_344 = arith.addi %mul3A_58, %add3A_343 : i32
            %add3A_345 = arith.constant 5 : i32
            %add3A_346 = arith.addi %mul3A_58, %add3A_345 : i32
            %get3A_347 = arith.index_cast %add3A_346 : i32 to index
            %get3A_348 = arith.constant 32 : index
            %get3A_349 = tpu.vector_load %arg12[%get3A_347, %get3A_348] {strides = array<i32>} : memref<448x128xf32, #tpu.memory_space<vmem>>, vector<1x16xf32>,
            %get3A_350 = vector.shape_cast %get3A_349 : vector<1x16xf32> to vector<16xf32>
            %swap3A_351 = arith.index_cast %add3A_344 : i32 to index
            %swap3A_352 = arith.constant 32 : index
            %swap3A_353 = tpu.vector_load %arg11[%swap3A_351, %swap3A_352] {strides = array<i32>} : memref<448x64xf32, #tpu.memory_space<vmem>>, vector<1x16xf32>,
            %swap3A_354 = vector.shape_cast %swap3A_353 : vector<1x16xf32> to vector<16xf32>
            %swap3A_355 = vector.shape_cast %get3A_350 : vector<16xf32> to vector<1x16xf32>
            tpu.vector_store %arg11[%swap3A_351, %swap3A_352], %swap3A_355 {add = true, strides = array<i32>} : memref<448x64xf32, #tpu.memory_space<vmem>>, vector<1x16xf32>,
            %add3A_356 = arith.constant 5 : i32
            %add3A_357 = arith.addi %mul3A_58, %add3A_356 : i32
            %add3A_358 = arith.constant 5 : i32
            %add3A_359 = arith.addi %mul3A_58, %add3A_358 : i32
            %get3A_360 = arith.index_cast %add3A_359 : i32 to index
            %get3A_361 = arith.constant 48 : index
            %get3A_362 = tpu.vector_load %arg12[%get3A_360, %get3A_361] {strides = array<i32>} : memref<448x128xf32, #tpu.memory_space<vmem>>, vector<1x16xf32>,
            %get3A_363 = vector.shape_cast %get3A_362 : vector<1x16xf32> to vector<16xf32>
            %swap3A_364 = arith.index_cast %add3A_357 : i32 to index
            %swap3A_365 = arith.constant 48 : index
            %swap3A_366 = tpu.vector_load %arg11[%swap3A_364, %swap3A_365] {strides = array<i32>} : memref<448x64xf32, #tpu.memory_space<vmem>>, vector<1x16xf32>,
            %swap3A_367 = vector.shape_cast %swap3A_366 : vector<1x16xf32> to vector<16xf32>
            %swap3A_368 = vector.shape_cast %get3A_363 : vector<16xf32> to vector<1x16xf32>
            tpu.vector_store %arg11[%swap3A_364, %swap3A_365], %swap3A_368 {add = true, strides = array<i32>} : memref<448x64xf32, #tpu.memory_space<vmem>>, vector<1x16xf32>,
            %add3A_369 = arith.constant 6 : i32
            %add3A_370 = arith.addi %mul3A_58, %add3A_369 : i32
            %add3A_371 = arith.constant 6 : i32
            %add3A_372 = arith.addi %mul3A_58, %add3A_371 : i32
            %get3A_373 = arith.index_cast %add3A_372 : i32 to index
            %get3A_374 = arith.constant 0 : index
            %get3A_375 = tpu.vector_load %arg12[%get3A_373, %get3A_374] {strides = array<i32>} : memref<448x128xf32, #tpu.memory_space<vmem>>, vector<1x16xf32>,
            %get3A_376 = vector.shape_cast %get3A_375 : vector<1x16xf32> to vector<16xf32>
            %swap3A_377 = arith.index_cast %add3A_370 : i32 to index
            %swap3A_378 = arith.constant 0 : index
            %swap3A_379 = tpu.vector_load %arg11[%swap3A_377, %swap3A_378] {strides = array<i32>} : memref<448x64xf32, #tpu.memory_space<vmem>>, vector<1x16xf32>,
            %swap3A_380 = vector.shape_cast %swap3A_379 : vector<1x16xf32> to vector<16xf32>
            %swap3A_381 = vector.shape_cast %get3A_376 : vector<16xf32> to vector<1x16xf32>
            tpu.vector_store %arg11[%swap3A_377, %swap3A_378], %swap3A_381 {add = true, strides = array<i32>} : memref<448x64xf32, #tpu.memory_space<vmem>>, vector<1x16xf32>,
            %add3A_382 = arith.constant 6 : i32
            %add3A_383 = arith.addi %mul3A_58, %add3A_382 : i32
            %add3A_384 = arith.constant 6 : i32
            %add3A_385 = arith.addi %mul3A_58, %add3A_384 : i32
            %get3A_386 = arith.index_cast %add3A_385 : i32 to index
            %get3A_387 = arith.constant 16 : index
            %get3A_388 = tpu.vector_load %arg12[%get3A_386, %get3A_387] {strides = array<i32>} : memref<448x128xf32, #tpu.memory_space<vmem>>, vector<1x16xf32>,
            %get3A_389 = vector.shape_cast %get3A_388 : vector<1x16xf32> to vector<16xf32>
            %swap3A_390 = arith.index_cast %add3A_383 : i32 to index
            %swap3A_391 = arith.constant 16 : index
            %swap3A_392 = tpu.vector_load %arg11[%swap3A_390, %swap3A_391] {strides = array<i32>} : memref<448x64xf32, #tpu.memory_space<vmem>>, vector<1x16xf32>,
            %swap3A_393 = vector.shape_cast %swap3A_392 : vector<1x16xf32> to vector<16xf32>
            %swap3A_394 = vector.shape_cast %get3A_389 : vector<16xf32> to vector<1x16xf32>
            tpu.vector_store %arg11[%swap3A_390, %swap3A_391], %swap3A_394 {add = true, strides = array<i32>} : memref<448x64xf32, #tpu.memory_space<vmem>>, vector<1x16xf32>,
            %add3A_395 = arith.constant 6 : i32
            %add3A_396 = arith.addi %mul3A_58, %add3A_395 : i32
            %add3A_397 = arith.constant 6 : i32
            %add3A_398 = arith.addi %mul3A_58, %add3A_397 : i32
            %get3A_399 = arith.index_cast %add3A_398 : i32 to index
            %get3A_400 = arith.constant 32 : index
            %get3A_401 = tpu.vector_load %arg12[%get3A_399, %get3A_400] {strides = array<i32>} : memref<448x128xf32, #tpu.memory_space<vmem>>, vector<1x16xf32>,
            %get3A_402 = vector.shape_cast %get3A_401 : vector<1x16xf32> to vector<16xf32>
            %swap3A_403 = arith.index_cast %add3A_396 : i32 to index
            %swap3A_404 = arith.constant 32 : index
            %swap3A_405 = tpu.vector_load %arg11[%swap3A_403, %swap3A_404] {strides = array<i32>} : memref<448x64xf32, #tpu.memory_space<vmem>>, vector<1x16xf32>,
            %swap3A_406 = vector.shape_cast %swap3A_405 : vector<1x16xf32> to vector<16xf32>
            %swap3A_407 = vector.shape_cast %get3A_402 : vector<16xf32> to vector<1x16xf32>
            tpu.vector_store %arg11[%swap3A_403, %swap3A_404], %swap3A_407 {add = true, strides = array<i32>} : memref<448x64xf32, #tpu.memory_space<vmem>>, vector<1x16xf32>,
            %add3A_408 = arith.constant 6 : i32
            %add3A_409 = arith.addi %mul3A_58, %add3A_408 : i32
            %add3A_410 = arith.constant 6 : i32
            %add3A_411 = arith.addi %mul3A_58, %add3A_410 : i32
            %get3A_412 = arith.index_cast %add3A_411 : i32 to index
            %get3A_413 = arith.constant 48 : index
            %get3A_414 = tpu.vector_load %arg12[%get3A_412, %get3A_413] {strides = array<i32>} : memref<448x128xf32, #tpu.memory_space<vmem>>, vector<1x16xf32>,
            %get3A_415 = vector.shape_cast %get3A_414 : vector<1x16xf32> to vector<16xf32>
            %swap3A_416 = arith.index_cast %add3A_409 : i32 to index
            %swap3A_417 = arith.constant 48 : index
            %swap3A_418 = tpu.vector_load %arg11[%swap3A_416, %swap3A_417] {strides = array<i32>} : memref<448x64xf32, #tpu.memory_space<vmem>>, vector<1x16xf32>,
            %swap3A_419 = vector.shape_cast %swap3A_418 : vector<1x16xf32> to vector<16xf32>
            %swap3A_420 = vector.shape_cast %get3A_415 : vector<16xf32> to vector<1x16xf32>
            tpu.vector_store %arg11[%swap3A_416, %swap3A_417], %swap3A_420 {add = true, strides = array<i32>} : memref<448x64xf32, #tpu.memory_space<vmem>>, vector<1x16xf32>,
            %add3A_421 = arith.constant 7 : i32
            %add3A_422 = arith.addi %mul3A_58, %add3A_421 : i32
            %add3A_423 = arith.constant 7 : i32
            %add3A_424 = arith.addi %mul3A_58, %add3A_423 : i32
            %get3A_425 = arith.index_cast %add3A_424 : i32 to index
            %get3A_426 = arith.constant 0 : index
            %get3A_427 = tpu.vector_load %arg12[%get3A_425, %get3A_426] {strides = array<i32>} : memref<448x128xf32, #tpu.memory_space<vmem>>, vector<1x16xf32>,
            %get3A_428 = vector.shape_cast %get3A_427 : vector<1x16xf32> to vector<16xf32>
            %swap3A_429 = arith.index_cast %add3A_422 : i32 to index
            %swap3A_430 = arith.constant 0 : index
            %swap3A_431 = tpu.vector_load %arg11[%swap3A_429, %swap3A_430] {strides = array<i32>} : memref<448x64xf32, #tpu.memory_space<vmem>>, vector<1x16xf32>,
            %swap3A_432 = vector.shape_cast %swap3A_431 : vector<1x16xf32> to vector<16xf32>
            %swap3A_433 = vector.shape_cast %get3A_428 : vector<16xf32> to vector<1x16xf32>
            tpu.vector_store %arg11[%swap3A_429, %swap3A_430], %swap3A_433 {add = true, strides = array<i32>} : memref<448x64xf32, #tpu.memory_space<vmem>>, vector<1x16xf32>,
            %add3A_434 = arith.constant 7 : i32
            %add3A_435 = arith.addi %mul3A_58, %add3A_434 : i32
            %add3A_436 = arith.constant 7 : i32
            %add3A_437 = arith.addi %mul3A_58, %add3A_436 : i32
            %get3A_438 = arith.index_cast %add3A_437 : i32 to index
            %get3A_439 = arith.constant 16 : index
            %get3A_440 = tpu.vector_load %arg12[%get3A_438, %get3A_439] {strides = array<i32>} : memref<448x128xf32, #tpu.memory_space<vmem>>, vector<1x16xf32>,
            %get3A_441 = vector.shape_cast %get3A_440 : vector<1x16xf32> to vector<16xf32>
            %swap3A_442 = arith.index_cast %add3A_435 : i32 to index
            %swap3A_443 = arith.constant 16 : index
            %swap3A_444 = tpu.vector_load %arg11[%swap3A_442, %swap3A_443] {strides = array<i32>} : memref<448x64xf32, #tpu.memory_space<vmem>>, vector<1x16xf32>,
            %swap3A_445 = vector.shape_cast %swap3A_444 : vector<1x16xf32> to vector<16xf32>
            %swap3A_446 = vector.shape_cast %get3A_441 : vector<16xf32> to vector<1x16xf32>
            tpu.vector_store %arg11[%swap3A_442, %swap3A_443], %swap3A_446 {add = true, strides = array<i32>} : memref<448x64xf32, #tpu.memory_space<vmem>>, vector<1x16xf32>,
            %add3A_447 = arith.constant 7 : i32
            %add3A_448 = arith.addi %mul3A_58, %add3A_447 : i32
            %add3A_449 = arith.constant 7 : i32
            %add3A_450 = arith.addi %mul3A_58, %add3A_449 : i32
            %get3A_451 = arith.index_cast %add3A_450 : i32 to index
            %get3A_452 = arith.constant 32 : index
            %get3A_453 = tpu.vector_load %arg12[%get3A_451, %get3A_452] {strides = array<i32>} : memref<448x128xf32, #tpu.memory_space<vmem>>, vector<1x16xf32>,
            %get3A_454 = vector.shape_cast %get3A_453 : vector<1x16xf32> to vector<16xf32>
            %swap3A_455 = arith.index_cast %add3A_448 : i32 to index
            %swap3A_456 = arith.constant 32 : index
            %swap3A_457 = tpu.vector_load %arg11[%swap3A_455, %swap3A_456] {strides = array<i32>} : memref<448x64xf32, #tpu.memory_space<vmem>>, vector<1x16xf32>,
            %swap3A_458 = vector.shape_cast %swap3A_457 : vector<1x16xf32> to vector<16xf32>
            %swap3A_459 = vector.shape_cast %get3A_454 : vector<16xf32> to vector<1x16xf32>
            tpu.vector_store %arg11[%swap3A_455, %swap3A_456], %swap3A_459 {add = true, strides = array<i32>} : memref<448x64xf32, #tpu.memory_space<vmem>>, vector<1x16xf32>,
            %add3A_460 = arith.constant 7 : i32
            %add3A_461 = arith.addi %mul3A_58, %add3A_460 : i32
            %add3A_462 = arith.constant 7 : i32
            %add3A_463 = arith.addi %mul3A_58, %add3A_462 : i32
            %get3A_464 = arith.index_cast %add3A_463 : i32 to index
            %get3A_465 = arith.constant 48 : index
            %get3A_466 = tpu.vector_load %arg12[%get3A_464, %get3A_465] {strides = array<i32>} : memref<448x128xf32, #tpu.memory_space<vmem>>, vector<1x16xf32>,
            %get3A_467 = vector.shape_cast %get3A_466 : vector<1x16xf32> to vector<16xf32>
            %swap3A_468 = arith.index_cast %add3A_461 : i32 to index
            %swap3A_469 = arith.constant 48 : index
            %swap3A_470 = tpu.vector_load %arg11[%swap3A_468, %swap3A_469] {strides = array<i32>} : memref<448x64xf32, #tpu.memory_space<vmem>>, vector<1x16xf32>,
            %swap3A_471 = vector.shape_cast %swap3A_470 : vector<1x16xf32> to vector<16xf32>
            %swap3A_472 = vector.shape_cast %get3A_467 : vector<16xf32> to vector<1x16xf32>
            tpu.vector_store %arg11[%swap3A_468, %swap3A_469], %swap3A_472 {add = true, strides = array<i32>} : memref<448x64xf32, #tpu.memory_space<vmem>>, vector<1x16xf32>,
            %add3A_473 = arith.constant 8 : i32
            %add3A_474 = arith.addi %mul3A_58, %add3A_473 : i32
            %add3A_475 = arith.constant 8 : i32
            %add3A_476 = arith.addi %mul3A_58, %add3A_475 : i32
            %get3A_477 = arith.index_cast %add3A_476 : i32 to index
            %get3A_478 = arith.constant 0 : index
            %get3A_479 = tpu.vector_load %arg12[%get3A_477, %get3A_478] {strides = array<i32>} : memref<448x128xf32, #tpu.memory_space<vmem>>, vector<1x16xf32>,
            %get3A_480 = vector.shape_cast %get3A_479 : vector<1x16xf32> to vector<16xf32>
            %swap3A_481 = arith.index_cast %add3A_474 : i32 to index
            %swap3A_482 = arith.constant 0 : index
            %swap3A_483 = tpu.vector_load %arg11[%swap3A_481, %swap3A_482] {strides = array<i32>} : memref<448x64xf32, #tpu.memory_space<vmem>>, vector<1x16xf32>,
            %swap3A_484 = vector.shape_cast %swap3A_483 : vector<1x16xf32> to vector<16xf32>
            %swap3A_485 = vector.shape_cast %get3A_480 : vector<16xf32> to vector<1x16xf32>
            tpu.vector_store %arg11[%swap3A_481, %swap3A_482], %swap3A_485 {add = true, strides = array<i32>} : memref<448x64xf32, #tpu.memory_space<vmem>>, vector<1x16xf32>,
            %add3A_486 = arith.constant 8 : i32
            %add3A_487 = arith.addi %mul3A_58, %add3A_486 : i32
            %add3A_488 = arith.constant 8 : i32
            %add3A_489 = arith.addi %mul3A_58, %add3A_488 : i32
            %get3A_490 = arith.index_cast %add3A_489 : i32 to index
            %get3A_491 = arith.constant 16 : index
            %get3A_492 = tpu.vector_load %arg12[%get3A_490, %get3A_491] {strides = array<i32>} : memref<448x128xf32, #tpu.memory_space<vmem>>, vector<1x16xf32>,
            %get3A_493 = vector.shape_cast %get3A_492 : vector<1x16xf32> to vector<16xf32>
            %swap3A_494 = arith.index_cast %add3A_487 : i32 to index
            %swap3A_495 = arith.constant 16 : index
            %swap3A_496 = tpu.vector_load %arg11[%swap3A_494, %swap3A_495] {strides = array<i32>} : memref<448x64xf32, #tpu.memory_space<vmem>>, vector<1x16xf32>,
            %swap3A_497 = vector.shape_cast %swap3A_496 : vector<1x16xf32> to vector<16xf32>
            %swap3A_498 = vector.shape_cast %get3A_493 : vector<16xf32> to vector<1x16xf32>
            tpu.vector_store %arg11[%swap3A_494, %swap3A_495], %swap3A_498 {add = true, strides = array<i32>} : memref<448x64xf32, #tpu.memory_space<vmem>>, vector<1x16xf32>,
            %add3A_499 = arith.constant 8 : i32
            %add3A_500 = arith.addi %mul3A_58, %add3A_499 : i32
            %add3A_501 = arith.constant 8 : i32
            %add3A_502 = arith.addi %mul3A_58, %add3A_501 : i32
            %get3A_503 = arith.index_cast %add3A_502 : i32 to index
            %get3A_504 = arith.constant 32 : index
            %get3A_505 = tpu.vector_load %arg12[%get3A_503, %get3A_504] {strides = array<i32>} : memref<448x128xf32, #tpu.memory_space<vmem>>, vector<1x16xf32>,
            %get3A_506 = vector.shape_cast %get3A_505 : vector<1x16xf32> to vector<16xf32>
            %swap3A_507 = arith.index_cast %add3A_500 : i32 to index
            %swap3A_508 = arith.constant 32 : index
            %swap3A_509 = tpu.vector_load %arg11[%swap3A_507, %swap3A_508] {strides = array<i32>} : memref<448x64xf32, #tpu.memory_space<vmem>>, vector<1x16xf32>,
            %swap3A_510 = vector.shape_cast %swap3A_509 : vector<1x16xf32> to vector<16xf32>
            %swap3A_511 = vector.shape_cast %get3A_506 : vector<16xf32> to vector<1x16xf32>
            tpu.vector_store %arg11[%swap3A_507, %swap3A_508], %swap3A_511 {add = true, strides = array<i32>} : memref<448x64xf32, #tpu.memory_space<vmem>>, vector<1x16xf32>,
            %add3A_512 = arith.constant 8 : i32
            %add3A_513 = arith.addi %mul3A_58, %add3A_512 : i32
            %add3A_514 = arith.constant 8 : i32
            %add3A_515 = arith.addi %mul3A_58, %add3A_514 : i32
            %get3A_516 = arith.index_cast %add3A_515 : i32 to index
            %get3A_517 = arith.constant 48 : index
            %get3A_518 = tpu.vector_load %arg12[%get3A_516, %get3A_517] {strides = array<i32>} : memref<448x128xf32, #tpu.memory_space<vmem>>, vector<1x16xf32>,
            %get3A_519 = vector.shape_cast %get3A_518 : vector<1x16xf32> to vector<16xf32>
            %swap3A_520 = arith.index_cast %add3A_513 : i32 to index
            %swap3A_521 = arith.constant 48 : index
            %swap3A_522 = tpu.vector_load %arg11[%swap3A_520, %swap3A_521] {strides = array<i32>} : memref<448x64xf32, #tpu.memory_space<vmem>>, vector<1x16xf32>,
            %swap3A_523 = vector.shape_cast %swap3A_522 : vector<1x16xf32> to vector<16xf32>
            %swap3A_524 = vector.shape_cast %get3A_519 : vector<16xf32> to vector<1x16xf32>
            tpu.vector_store %arg11[%swap3A_520, %swap3A_521], %swap3A_524 {add = true, strides = array<i32>} : memref<448x64xf32, #tpu.memory_space<vmem>>, vector<1x16xf32>,
            %add3A_525 = arith.constant 9 : i32
            %add3A_526 = arith.addi %mul3A_58, %add3A_525 : i32
            %add3A_527 = arith.constant 9 : i32
            %add3A_528 = arith.addi %mul3A_58, %add3A_527 : i32
            %get3A_529 = arith.index_cast %add3A_528 : i32 to index
            %get3A_530 = arith.constant 0 : index
            %get3A_531 = tpu.vector_load %arg12[%get3A_529, %get3A_530] {strides = array<i32>} : memref<448x128xf32, #tpu.memory_space<vmem>>, vector<1x16xf32>,
            %get3A_532 = vector.shape_cast %get3A_531 : vector<1x16xf32> to vector<16xf32>
            %swap3A_533 = arith.index_cast %add3A_526 : i32 to index
            %swap3A_534 = arith.constant 0 : index
            %swap3A_535 = tpu.vector_load %arg11[%swap3A_533, %swap3A_534] {strides = array<i32>} : memref<448x64xf32, #tpu.memory_space<vmem>>, vector<1x16xf32>,
            %swap3A_536 = vector.shape_cast %swap3A_535 : vector<1x16xf32> to vector<16xf32>
            %swap3A_537 = vector.shape_cast %get3A_532 : vector<16xf32> to vector<1x16xf32>
            tpu.vector_store %arg11[%swap3A_533, %swap3A_534], %swap3A_537 {add = true, strides = array<i32>} : memref<448x64xf32, #tpu.memory_space<vmem>>, vector<1x16xf32>,
            %add3A_538 = arith.constant 9 : i32
            %add3A_539 = arith.addi %mul3A_58, %add3A_538 : i32
            %add3A_540 = arith.constant 9 : i32
            %add3A_541 = arith.addi %mul3A_58, %add3A_540 : i32
            %get3A_542 = arith.index_cast %add3A_541 : i32 to index
            %get3A_543 = arith.constant 16 : index
            %get3A_544 = tpu.vector_load %arg12[%get3A_542, %get3A_543] {strides = array<i32>} : memref<448x128xf32, #tpu.memory_space<vmem>>, vector<1x16xf32>,
            %get3A_545 = vector.shape_cast %get3A_544 : vector<1x16xf32> to vector<16xf32>
            %swap3A_546 = arith.index_cast %add3A_539 : i32 to index
            %swap3A_547 = arith.constant 16 : index
            %swap3A_548 = tpu.vector_load %arg11[%swap3A_546, %swap3A_547] {strides = array<i32>} : memref<448x64xf32, #tpu.memory_space<vmem>>, vector<1x16xf32>,
            %swap3A_549 = vector.shape_cast %swap3A_548 : vector<1x16xf32> to vector<16xf32>
            %swap3A_550 = vector.shape_cast %get3A_545 : vector<16xf32> to vector<1x16xf32>
            tpu.vector_store %arg11[%swap3A_546, %swap3A_547], %swap3A_550 {add = true, strides = array<i32>} : memref<448x64xf32, #tpu.memory_space<vmem>>, vector<1x16xf32>,
            %add3A_551 = arith.constant 9 : i32
            %add3A_552 = arith.addi %mul3A_58, %add3A_551 : i32
            %add3A_553 = arith.constant 9 : i32
            %add3A_554 = arith.addi %mul3A_58, %add3A_553 : i32
            %get3A_555 = arith.index_cast %add3A_554 : i32 to index
            %get3A_556 = arith.constant 32 : index
            %get3A_557 = tpu.vector_load %arg12[%get3A_555, %get3A_556] {strides = array<i32>} : memref<448x128xf32, #tpu.memory_space<vmem>>, vector<1x16xf32>,
            %get3A_558 = vector.shape_cast %get3A_557 : vector<1x16xf32> to vector<16xf32>
            %swap3A_559 = arith.index_cast %add3A_552 : i32 to index
            %swap3A_560 = arith.constant 32 : index
            %swap3A_561 = tpu.vector_load %arg11[%swap3A_559, %swap3A_560] {strides = array<i32>} : memref<448x64xf32, #tpu.memory_space<vmem>>, vector<1x16xf32>,
            %swap3A_562 = vector.shape_cast %swap3A_561 : vector<1x16xf32> to vector<16xf32>
            %swap3A_563 = vector.shape_cast %get3A_558 : vector<16xf32> to vector<1x16xf32>
            tpu.vector_store %arg11[%swap3A_559, %swap3A_560], %swap3A_563 {add = true, strides = array<i32>} : memref<448x64xf32, #tpu.memory_space<vmem>>, vector<1x16xf32>,
            %add3A_564 = arith.constant 9 : i32
            %add3A_565 = arith.addi %mul3A_58, %add3A_564 : i32
            %add3A_566 = arith.constant 9 : i32
            %add3A_567 = arith.addi %mul3A_58, %add3A_566 : i32
            %get3A_568 = arith.index_cast %add3A_567 : i32 to index
            %get3A_569 = arith.constant 48 : index
            %get3A_570 = tpu.vector_load %arg12[%get3A_568, %get3A_569] {strides = array<i32>} : memref<448x128xf32, #tpu.memory_space<vmem>>, vector<1x16xf32>,
            %get3A_571 = vector.shape_cast %get3A_570 : vector<1x16xf32> to vector<16xf32>
            %swap3A_572 = arith.index_cast %add3A_565 : i32 to index
            %swap3A_573 = arith.constant 48 : index
            %swap3A_574 = tpu.vector_load %arg11[%swap3A_572, %swap3A_573] {strides = array<i32>} : memref<448x64xf32, #tpu.memory_space<vmem>>, vector<1x16xf32>,
            %swap3A_575 = vector.shape_cast %swap3A_574 : vector<1x16xf32> to vector<16xf32>
            %swap3A_576 = vector.shape_cast %get3A_571 : vector<16xf32> to vector<1x16xf32>
            tpu.vector_store %arg11[%swap3A_572, %swap3A_573], %swap3A_576 {add = true, strides = array<i32>} : memref<448x64xf32, #tpu.memory_space<vmem>>, vector<1x16xf32>,
            %add3A_577 = arith.constant 10 : i32
            %add3A_578 = arith.addi %mul3A_58, %add3A_577 : i32
            %add3A_579 = arith.constant 10 : i32
            %add3A_580 = arith.addi %mul3A_58, %add3A_579 : i32
            %get3A_581 = arith.index_cast %add3A_580 : i32 to index
            %get3A_582 = arith.constant 0 : index
            %get3A_583 = tpu.vector_load %arg12[%get3A_581, %get3A_582] {strides = array<i32>} : memref<448x128xf32, #tpu.memory_space<vmem>>, vector<1x16xf32>,
            %get3A_584 = vector.shape_cast %get3A_583 : vector<1x16xf32> to vector<16xf32>
            %swap3A_585 = arith.index_cast %add3A_578 : i32 to index
            %swap3A_586 = arith.constant 0 : index
            %swap3A_587 = tpu.vector_load %arg11[%swap3A_585, %swap3A_586] {strides = array<i32>} : memref<448x64xf32, #tpu.memory_space<vmem>>, vector<1x16xf32>,
            %swap3A_588 = vector.shape_cast %swap3A_587 : vector<1x16xf32> to vector<16xf32>
            %swap3A_589 = vector.shape_cast %get3A_584 : vector<16xf32> to vector<1x16xf32>
            tpu.vector_store %arg11[%swap3A_585, %swap3A_586], %swap3A_589 {add = true, strides = array<i32>} : memref<448x64xf32, #tpu.memory_space<vmem>>, vector<1x16xf32>,
            %add3A_590 = arith.constant 10 : i32
            %add3A_591 = arith.addi %mul3A_58, %add3A_590 : i32
            %add3A_592 = arith.constant 10 : i32
            %add3A_593 = arith.addi %mul3A_58, %add3A_592 : i32
            %get3A_594 = arith.index_cast %add3A_593 : i32 to index
            %get3A_595 = arith.constant 16 : index
            %get3A_596 = tpu.vector_load %arg12[%get3A_594, %get3A_595] {strides = array<i32>} : memref<448x128xf32, #tpu.memory_space<vmem>>, vector<1x16xf32>,
            %get3A_597 = vector.shape_cast %get3A_596 : vector<1x16xf32> to vector<16xf32>
            %swap3A_598 = arith.index_cast %add3A_591 : i32 to index
            %swap3A_599 = arith.constant 16 : index
            %swap3A_600 = tpu.vector_load %arg11[%swap3A_598, %swap3A_599] {strides = array<i32>} : memref<448x64xf32, #tpu.memory_space<vmem>>, vector<1x16xf32>,
            %swap3A_601 = vector.shape_cast %swap3A_600 : vector<1x16xf32> to vector<16xf32>
            %swap3A_602 = vector.shape_cast %get3A_597 : vector<16xf32> to vector<1x16xf32>
            tpu.vector_store %arg11[%swap3A_598, %swap3A_599], %swap3A_602 {add = true, strides = array<i32>} : memref<448x64xf32, #tpu.memory_space<vmem>>, vector<1x16xf32>,
            %add3A_603 = arith.constant 10 : i32
            %add3A_604 = arith.addi %mul3A_58, %add3A_603 : i32
            %add3A_605 = arith.constant 10 : i32
            %add3A_606 = arith.addi %mul3A_58, %add3A_605 : i32
            %get3A_607 = arith.index_cast %add3A_606 : i32 to index
            %get3A_608 = arith.constant 32 : index
            %get3A_609 = tpu.vector_load %arg12[%get3A_607, %get3A_608] {strides = array<i32>} : memref<448x128xf32, #tpu.memory_space<vmem>>, vector<1x16xf32>,
            %get3A_610 = vector.shape_cast %get3A_609 : vector<1x16xf32> to vector<16xf32>
            %swap3A_611 = arith.index_cast %add3A_604 : i32 to index
            %swap3A_612 = arith.constant 32 : index
            %swap3A_613 = tpu.vector_load %arg11[%swap3A_611, %swap3A_612] {strides = array<i32>} : memref<448x64xf32, #tpu.memory_space<vmem>>, vector<1x16xf32>,
            %swap3A_614 = vector.shape_cast %swap3A_613 : vector<1x16xf32> to vector<16xf32>
            %swap3A_615 = vector.shape_cast %get3A_610 : vector<16xf32> to vector<1x16xf32>
            tpu.vector_store %arg11[%swap3A_611, %swap3A_612], %swap3A_615 {add = true, strides = array<i32>} : memref<448x64xf32, #tpu.memory_space<vmem>>, vector<1x16xf32>,
            %add3A_616 = arith.constant 10 : i32
            %add3A_617 = arith.addi %mul3A_58, %add3A_616 : i32
            %add3A_618 = arith.constant 10 : i32
            %add3A_619 = arith.addi %mul3A_58, %add3A_618 : i32
            %get3A_620 = arith.index_cast %add3A_619 : i32 to index
            %get3A_621 = arith.constant 48 : index
            %get3A_622 = tpu.vector_load %arg12[%get3A_620, %get3A_621] {strides = array<i32>} : memref<448x128xf32, #tpu.memory_space<vmem>>, vector<1x16xf32>,
            %get3A_623 = vector.shape_cast %get3A_622 : vector<1x16xf32> to vector<16xf32>
            %swap3A_624 = arith.index_cast %add3A_617 : i32 to index
            %swap3A_625 = arith.constant 48 : index
            %swap3A_626 = tpu.vector_load %arg11[%swap3A_624, %swap3A_625] {strides = array<i32>} : memref<448x64xf32, #tpu.memory_space<vmem>>, vector<1x16xf32>,
            %swap3A_627 = vector.shape_cast %swap3A_626 : vector<1x16xf32> to vector<16xf32>
            %swap3A_628 = vector.shape_cast %get3A_623 : vector<16xf32> to vector<1x16xf32>
            tpu.vector_store %arg11[%swap3A_624, %swap3A_625], %swap3A_628 {add = true, strides = array<i32>} : memref<448x64xf32, #tpu.memory_space<vmem>>, vector<1x16xf32>,
            %add3A_629 = arith.constant 11 : i32
            %add3A_630 = arith.addi %mul3A_58, %add3A_629 : i32
            %add3A_631 = arith.constant 11 : i32
            %add3A_632 = arith.addi %mul3A_58, %add3A_631 : i32
            %get3A_633 = arith.index_cast %add3A_632 : i32 to index
            %get3A_634 = arith.constant 0 : index
            %get3A_635 = tpu.vector_load %arg12[%get3A_633, %get3A_634] {strides = array<i32>} : memref<448x128xf32, #tpu.memory_space<vmem>>, vector<1x16xf32>,
            %get3A_636 = vector.shape_cast %get3A_635 : vector<1x16xf32> to vector<16xf32>
            %swap3A_637 = arith.index_cast %add3A_630 : i32 to index
            %swap3A_638 = arith.constant 0 : index
            %swap3A_639 = tpu.vector_load %arg11[%swap3A_637, %swap3A_638] {strides = array<i32>} : memref<448x64xf32, #tpu.memory_space<vmem>>, vector<1x16xf32>,
            %swap3A_640 = vector.shape_cast %swap3A_639 : vector<1x16xf32> to vector<16xf32>
            %swap3A_641 = vector.shape_cast %get3A_636 : vector<16xf32> to vector<1x16xf32>
            tpu.vector_store %arg11[%swap3A_637, %swap3A_638], %swap3A_641 {add = true, strides = array<i32>} : memref<448x64xf32, #tpu.memory_space<vmem>>, vector<1x16xf32>,
            %add3A_642 = arith.constant 11 : i32
            %add3A_643 = arith.addi %mul3A_58, %add3A_642 : i32
            %add3A_644 = arith.constant 11 : i32
            %add3A_645 = arith.addi %mul3A_58, %add3A_644 : i32
            %get3A_646 = arith.index_cast %add3A_645 : i32 to index
            %get3A_647 = arith.constant 16 : index
            %get3A_648 = tpu.vector_load %arg12[%get3A_646, %get3A_647] {strides = array<i32>} : memref<448x128xf32, #tpu.memory_space<vmem>>, vector<1x16xf32>,
            %get3A_649 = vector.shape_cast %get3A_648 : vector<1x16xf32> to vector<16xf32>
            %swap3A_650 = arith.index_cast %add3A_643 : i32 to index
            %swap3A_651 = arith.constant 16 : index
            %swap3A_652 = tpu.vector_load %arg11[%swap3A_650, %swap3A_651] {strides = array<i32>} : memref<448x64xf32, #tpu.memory_space<vmem>>, vector<1x16xf32>,
            %swap3A_653 = vector.shape_cast %swap3A_652 : vector<1x16xf32> to vector<16xf32>
            %swap3A_654 = vector.shape_cast %get3A_649 : vector<16xf32> to vector<1x16xf32>
            tpu.vector_store %arg11[%swap3A_650, %swap3A_651], %swap3A_654 {add = true, strides = array<i32>} : memref<448x64xf32, #tpu.memory_space<vmem>>, vector<1x16xf32>,
            %add3A_655 = arith.constant 11 : i32
            %add3A_656 = arith.addi %mul3A_58, %add3A_655 : i32
            %add3A_657 = arith.constant 11 : i32
            %add3A_658 = arith.addi %mul3A_58, %add3A_657 : i32
            %get3A_659 = arith.index_cast %add3A_658 : i32 to index
            %get3A_660 = arith.constant 32 : index
            %get3A_661 = tpu.vector_load %arg12[%get3A_659, %get3A_660] {strides = array<i32>} : memref<448x128xf32, #tpu.memory_space<vmem>>, vector<1x16xf32>,
            %get3A_662 = vector.shape_cast %get3A_661 : vector<1x16xf32> to vector<16xf32>
            %swap3A_663 = arith.index_cast %add3A_656 : i32 to index
            %swap3A_664 = arith.constant 32 : index
            %swap3A_665 = tpu.vector_load %arg11[%swap3A_663, %swap3A_664] {strides = array<i32>} : memref<448x64xf32, #tpu.memory_space<vmem>>, vector<1x16xf32>,
            %swap3A_666 = vector.shape_cast %swap3A_665 : vector<1x16xf32> to vector<16xf32>
            %swap3A_667 = vector.shape_cast %get3A_662 : vector<16xf32> to vector<1x16xf32>
            tpu.vector_store %arg11[%swap3A_663, %swap3A_664], %swap3A_667 {add = true, strides = array<i32>} : memref<448x64xf32, #tpu.memory_space<vmem>>, vector<1x16xf32>,
            %add3A_668 = arith.constant 11 : i32
            %add3A_669 = arith.addi %mul3A_58, %add3A_668 : i32
            %add3A_670 = arith.constant 11 : i32
            %add3A_671 = arith.addi %mul3A_58, %add3A_670 : i32
            %get3A_672 = arith.index_cast %add3A_671 : i32 to index
            %get3A_673 = arith.constant 48 : index
            %get3A_674 = tpu.vector_load %arg12[%get3A_672, %get3A_673] {strides = array<i32>} : memref<448x128xf32, #tpu.memory_space<vmem>>, vector<1x16xf32>,
            %get3A_675 = vector.shape_cast %get3A_674 : vector<1x16xf32> to vector<16xf32>
            %swap3A_676 = arith.index_cast %add3A_669 : i32 to index
            %swap3A_677 = arith.constant 48 : index
            %swap3A_678 = tpu.vector_load %arg11[%swap3A_676, %swap3A_677] {strides = array<i32>} : memref<448x64xf32, #tpu.memory_space<vmem>>, vector<1x16xf32>,
            %swap3A_679 = vector.shape_cast %swap3A_678 : vector<1x16xf32> to vector<16xf32>
            %swap3A_680 = vector.shape_cast %get3A_675 : vector<16xf32> to vector<1x16xf32>
            tpu.vector_store %arg11[%swap3A_676, %swap3A_677], %swap3A_680 {add = true, strides = array<i32>} : memref<448x64xf32, #tpu.memory_space<vmem>>, vector<1x16xf32>,
            %add3A_681 = arith.constant 12 : i32
            %add3A_682 = arith.addi %mul3A_58, %add3A_681 : i32
            %add3A_683 = arith.constant 12 : i32
            %add3A_684 = arith.addi %mul3A_58, %add3A_683 : i32
            %get3A_685 = arith.index_cast %add3A_684 : i32 to index
            %get3A_686 = arith.constant 0 : index
            %get3A_687 = tpu.vector_load %arg12[%get3A_685, %get3A_686] {strides = array<i32>} : memref<448x128xf32, #tpu.memory_space<vmem>>, vector<1x16xf32>,
            %get3A_688 = vector.shape_cast %get3A_687 : vector<1x16xf32> to vector<16xf32>
            %swap3A_689 = arith.index_cast %add3A_682 : i32 to index
            %swap3A_690 = arith.constant 0 : index
            %swap3A_691 = tpu.vector_load %arg11[%swap3A_689, %swap3A_690] {strides = array<i32>} : memref<448x64xf32, #tpu.memory_space<vmem>>, vector<1x16xf32>,
            %swap3A_692 = vector.shape_cast %swap3A_691 : vector<1x16xf32> to vector<16xf32>
            %swap3A_693 = vector.shape_cast %get3A_688 : vector<16xf32> to vector<1x16xf32>
            tpu.vector_store %arg11[%swap3A_689, %swap3A_690], %swap3A_693 {add = true, strides = array<i32>} : memref<448x64xf32, #tpu.memory_space<vmem>>, vector<1x16xf32>,
            %add3A_694 = arith.constant 12 : i32
            %add3A_695 = arith.addi %mul3A_58, %add3A_694 : i32
            %add3A_696 = arith.constant 12 : i32
            %add3A_697 = arith.addi %mul3A_58, %add3A_696 : i32
            %get3A_698 = arith.index_cast %add3A_697 : i32 to index
            %get3A_699 = arith.constant 16 : index
            %get3A_700 = tpu.vector_load %arg12[%get3A_698, %get3A_699] {strides = array<i32>} : memref<448x128xf32, #tpu.memory_space<vmem>>, vector<1x16xf32>,
            %get3A_701 = vector.shape_cast %get3A_700 : vector<1x16xf32> to vector<16xf32>
            %swap3A_702 = arith.index_cast %add3A_695 : i32 to index
            %swap3A_703 = arith.constant 16 : index
            %swap3A_704 = tpu.vector_load %arg11[%swap3A_702, %swap3A_703] {strides = array<i32>} : memref<448x64xf32, #tpu.memory_space<vmem>>, vector<1x16xf32>,
            %swap3A_705 = vector.shape_cast %swap3A_704 : vector<1x16xf32> to vector<16xf32>
            %swap3A_706 = vector.shape_cast %get3A_701 : vector<16xf32> to vector<1x16xf32>
            tpu.vector_store %arg11[%swap3A_702, %swap3A_703], %swap3A_706 {add = true, strides = array<i32>} : memref<448x64xf32, #tpu.memory_space<vmem>>, vector<1x16xf32>,
            %add3A_707 = arith.constant 12 : i32
            %add3A_708 = arith.addi %mul3A_58, %add3A_707 : i32
            %add3A_709 = arith.constant 12 : i32
            %add3A_710 = arith.addi %mul3A_58, %add3A_709 : i32
            %get3A_711 = arith.index_cast %add3A_710 : i32 to index
            %get3A_712 = arith.constant 32 : index
            %get3A_713 = tpu.vector_load %arg12[%get3A_711, %get3A_712] {strides = array<i32>} : memref<448x128xf32, #tpu.memory_space<vmem>>, vector<1x16xf32>,
            %get3A_714 = vector.shape_cast %get3A_713 : vector<1x16xf32> to vector<16xf32>
            %swap3A_715 = arith.index_cast %add3A_708 : i32 to index
            %swap3A_716 = arith.constant 32 : index
            %swap3A_717 = tpu.vector_load %arg11[%swap3A_715, %swap3A_716] {strides = array<i32>} : memref<448x64xf32, #tpu.memory_space<vmem>>, vector<1x16xf32>,
            %swap3A_718 = vector.shape_cast %swap3A_717 : vector<1x16xf32> to vector<16xf32>
            %swap3A_719 = vector.shape_cast %get3A_714 : vector<16xf32> to vector<1x16xf32>
            tpu.vector_store %arg11[%swap3A_715, %swap3A_716], %swap3A_719 {add = true, strides = array<i32>} : memref<448x64xf32, #tpu.memory_space<vmem>>, vector<1x16xf32>,
            %add3A_720 = arith.constant 12 : i32
            %add3A_721 = arith.addi %mul3A_58, %add3A_720 : i32
            %add3A_722 = arith.constant 12 : i32
            %add3A_723 = arith.addi %mul3A_58, %add3A_722 : i32
            %get3A_724 = arith.index_cast %add3A_723 : i32 to index
            %get3A_725 = arith.constant 48 : index
            %get3A_726 = tpu.vector_load %arg12[%get3A_724, %get3A_725] {strides = array<i32>} : memref<448x128xf32, #tpu.memory_space<vmem>>, vector<1x16xf32>,
            %get3A_727 = vector.shape_cast %get3A_726 : vector<1x16xf32> to vector<16xf32>
            %swap3A_728 = arith.index_cast %add3A_721 : i32 to index
            %swap3A_729 = arith.constant 48 : index
            %swap3A_730 = tpu.vector_load %arg11[%swap3A_728, %swap3A_729] {strides = array<i32>} : memref<448x64xf32, #tpu.memory_space<vmem>>, vector<1x16xf32>,
            %swap3A_731 = vector.shape_cast %swap3A_730 : vector<1x16xf32> to vector<16xf32>
            %swap3A_732 = vector.shape_cast %get3A_727 : vector<16xf32> to vector<1x16xf32>
            tpu.vector_store %arg11[%swap3A_728, %swap3A_729], %swap3A_732 {add = true, strides = array<i32>} : memref<448x64xf32, #tpu.memory_space<vmem>>, vector<1x16xf32>,
            %add3A_733 = arith.constant 13 : i32
            %add3A_734 = arith.addi %mul3A_58, %add3A_733 : i32
            %add3A_735 = arith.constant 13 : i32
            %add3A_736 = arith.addi %mul3A_58, %add3A_735 : i32
            %get3A_737 = arith.index_cast %add3A_736 : i32 to index
            %get3A_738 = arith.constant 0 : index
            %get3A_739 = tpu.vector_load %arg12[%get3A_737, %get3A_738] {strides = array<i32>} : memref<448x128xf32, #tpu.memory_space<vmem>>, vector<1x16xf32>,
            %get3A_740 = vector.shape_cast %get3A_739 : vector<1x16xf32> to vector<16xf32>
            %swap3A_741 = arith.index_cast %add3A_734 : i32 to index
            %swap3A_742 = arith.constant 0 : index
            %swap3A_743 = tpu.vector_load %arg11[%swap3A_741, %swap3A_742] {strides = array<i32>} : memref<448x64xf32, #tpu.memory_space<vmem>>, vector<1x16xf32>,
            %swap3A_744 = vector.shape_cast %swap3A_743 : vector<1x16xf32> to vector<16xf32>
            %swap3A_745 = vector.shape_cast %get3A_740 : vector<16xf32> to vector<1x16xf32>
            tpu.vector_store %arg11[%swap3A_741, %swap3A_742], %swap3A_745 {add = true, strides = array<i32>} : memref<448x64xf32, #tpu.memory_space<vmem>>, vector<1x16xf32>,
            %add3A_746 = arith.constant 13 : i32
            %add3A_747 = arith.addi %mul3A_58, %add3A_746 : i32
            %add3A_748 = arith.constant 13 : i32
            %add3A_749 = arith.addi %mul3A_58, %add3A_748 : i32
            %get3A_750 = arith.index_cast %add3A_749 : i32 to index
            %get3A_751 = arith.constant 16 : index
            %get3A_752 = tpu.vector_load %arg12[%get3A_750, %get3A_751] {strides = array<i32>} : memref<448x128xf32, #tpu.memory_space<vmem>>, vector<1x16xf32>,
            %get3A_753 = vector.shape_cast %get3A_752 : vector<1x16xf32> to vector<16xf32>
            %swap3A_754 = arith.index_cast %add3A_747 : i32 to index
            %swap3A_755 = arith.constant 16 : index
            %swap3A_756 = tpu.vector_load %arg11[%swap3A_754, %swap3A_755] {strides = array<i32>} : memref<448x64xf32, #tpu.memory_space<vmem>>, vector<1x16xf32>,
            %swap3A_757 = vector.shape_cast %swap3A_756 : vector<1x16xf32> to vector<16xf32>
            %swap3A_758 = vector.shape_cast %get3A_753 : vector<16xf32> to vector<1x16xf32>
            tpu.vector_store %arg11[%swap3A_754, %swap3A_755], %swap3A_758 {add = true, strides = array<i32>} : memref<448x64xf32, #tpu.memory_space<vmem>>, vector<1x16xf32>,
            %add3A_759 = arith.constant 13 : i32
            %add3A_760 = arith.addi %mul3A_58, %add3A_759 : i32
            %add3A_761 = arith.constant 13 : i32
            %add3A_762 = arith.addi %mul3A_58, %add3A_761 : i32
            %get3A_763 = arith.index_cast %add3A_762 : i32 to index
            %get3A_764 = arith.constant 32 : index
            %get3A_765 = tpu.vector_load %arg12[%get3A_763, %get3A_764] {strides = array<i32>} : memref<448x128xf32, #tpu.memory_space<vmem>>, vector<1x16xf32>,
            %get3A_766 = vector.shape_cast %get3A_765 : vector<1x16xf32> to vector<16xf32>
            %swap3A_767 = arith.index_cast %add3A_760 : i32 to index
            %swap3A_768 = arith.constant 32 : index
            %swap3A_769 = tpu.vector_load %arg11[%swap3A_767, %swap3A_768] {strides = array<i32>} : memref<448x64xf32, #tpu.memory_space<vmem>>, vector<1x16xf32>,
            %swap3A_770 = vector.shape_cast %swap3A_769 : vector<1x16xf32> to vector<16xf32>
            %swap3A_771 = vector.shape_cast %get3A_766 : vector<16xf32> to vector<1x16xf32>
            tpu.vector_store %arg11[%swap3A_767, %swap3A_768], %swap3A_771 {add = true, strides = array<i32>} : memref<448x64xf32, #tpu.memory_space<vmem>>, vector<1x16xf32>,
            %add3A_772 = arith.constant 13 : i32
            %add3A_773 = arith.addi %mul3A_58, %add3A_772 : i32
            %add3A_774 = arith.constant 13 : i32
            %add3A_775 = arith.addi %mul3A_58, %add3A_774 : i32
            %get3A_776 = arith.index_cast %add3A_775 : i32 to index
            %get3A_777 = arith.constant 48 : index
            %get3A_778 = tpu.vector_load %arg12[%get3A_776, %get3A_777] {strides = array<i32>} : memref<448x128xf32, #tpu.memory_space<vmem>>, vector<1x16xf32>,
            %get3A_779 = vector.shape_cast %get3A_778 : vector<1x16xf32> to vector<16xf32>
            %swap3A_780 = arith.index_cast %add3A_773 : i32 to index
            %swap3A_781 = arith.constant 48 : index
            %swap3A_782 = tpu.vector_load %arg11[%swap3A_780, %swap3A_781] {strides = array<i32>} : memref<448x64xf32, #tpu.memory_space<vmem>>, vector<1x16xf32>,
            %swap3A_783 = vector.shape_cast %swap3A_782 : vector<1x16xf32> to vector<16xf32>
            %swap3A_784 = vector.shape_cast %get3A_779 : vector<16xf32> to vector<1x16xf32>
            tpu.vector_store %arg11[%swap3A_780, %swap3A_781], %swap3A_784 {add = true, strides = array<i32>} : memref<448x64xf32, #tpu.memory_space<vmem>>, vector<1x16xf32>,
            %add3A_785 = arith.constant 14 : i32
            %add3A_786 = arith.addi %mul3A_58, %add3A_785 : i32
            %add3A_787 = arith.constant 14 : i32
            %add3A_788 = arith.addi %mul3A_58, %add3A_787 : i32
            %get3A_789 = arith.index_cast %add3A_788 : i32 to index
            %get3A_790 = arith.constant 0 : index
            %get3A_791 = tpu.vector_load %arg12[%get3A_789, %get3A_790] {strides = array<i32>} : memref<448x128xf32, #tpu.memory_space<vmem>>, vector<1x16xf32>,
            %get3A_792 = vector.shape_cast %get3A_791 : vector<1x16xf32> to vector<16xf32>
            %swap3A_793 = arith.index_cast %add3A_786 : i32 to index
            %swap3A_794 = arith.constant 0 : index
            %swap3A_795 = tpu.vector_load %arg11[%swap3A_793, %swap3A_794] {strides = array<i32>} : memref<448x64xf32, #tpu.memory_space<vmem>>, vector<1x16xf32>,
            %swap3A_796 = vector.shape_cast %swap3A_795 : vector<1x16xf32> to vector<16xf32>
            %swap3A_797 = vector.shape_cast %get3A_792 : vector<16xf32> to vector<1x16xf32>
            tpu.vector_store %arg11[%swap3A_793, %swap3A_794], %swap3A_797 {add = true, strides = array<i32>} : memref<448x64xf32, #tpu.memory_space<vmem>>, vector<1x16xf32>,
            %add3A_798 = arith.constant 14 : i32
            %add3A_799 = arith.addi %mul3A_58, %add3A_798 : i32
            %add3A_800 = arith.constant 14 : i32
            %add3A_801 = arith.addi %mul3A_58, %add3A_800 : i32
            %get3A_802 = arith.index_cast %add3A_801 : i32 to index
            %get3A_803 = arith.constant 16 : index
            %get3A_804 = tpu.vector_load %arg12[%get3A_802, %get3A_803] {strides = array<i32>} : memref<448x128xf32, #tpu.memory_space<vmem>>, vector<1x16xf32>,
            %get3A_805 = vector.shape_cast %get3A_804 : vector<1x16xf32> to vector<16xf32>
            %swap3A_806 = arith.index_cast %add3A_799 : i32 to index
            %swap3A_807 = arith.constant 16 : index
            %swap3A_808 = tpu.vector_load %arg11[%swap3A_806, %swap3A_807] {strides = array<i32>} : memref<448x64xf32, #tpu.memory_space<vmem>>, vector<1x16xf32>,
            %swap3A_809 = vector.shape_cast %swap3A_808 : vector<1x16xf32> to vector<16xf32>
            %swap3A_810 = vector.shape_cast %get3A_805 : vector<16xf32> to vector<1x16xf32>
            tpu.vector_store %arg11[%swap3A_806, %swap3A_807], %swap3A_810 {add = true, strides = array<i32>} : memref<448x64xf32, #tpu.memory_space<vmem>>, vector<1x16xf32>,
            %add3A_811 = arith.constant 14 : i32
            %add3A_812 = arith.addi %mul3A_58, %add3A_811 : i32
            %add3A_813 = arith.constant 14 : i32
            %add3A_814 = arith.addi %mul3A_58, %add3A_813 : i32
            %get3A_815 = arith.index_cast %add3A_814 : i32 to index
            %get3A_816 = arith.constant 32 : index
            %get3A_817 = tpu.vector_load %arg12[%get3A_815, %get3A_816] {strides = array<i32>} : memref<448x128xf32, #tpu.memory_space<vmem>>, vector<1x16xf32>,
            %get3A_818 = vector.shape_cast %get3A_817 : vector<1x16xf32> to vector<16xf32>
            %swap3A_819 = arith.index_cast %add3A_812 : i32 to index
            %swap3A_820 = arith.constant 32 : index
            %swap3A_821 = tpu.vector_load %arg11[%swap3A_819, %swap3A_820] {strides = array<i32>} : memref<448x64xf32, #tpu.memory_space<vmem>>, vector<1x16xf32>,
            %swap3A_822 = vector.shape_cast %swap3A_821 : vector<1x16xf32> to vector<16xf32>
            %swap3A_823 = vector.shape_cast %get3A_818 : vector<16xf32> to vector<1x16xf32>
            tpu.vector_store %arg11[%swap3A_819, %swap3A_820], %swap3A_823 {add = true, strides = array<i32>} : memref<448x64xf32, #tpu.memory_space<vmem>>, vector<1x16xf32>,
            %add3A_824 = arith.constant 14 : i32
            %add3A_825 = arith.addi %mul3A_58, %add3A_824 : i32
            %add3A_826 = arith.constant 14 : i32
            %add3A_827 = arith.addi %mul3A_58, %add3A_826 : i32
            %get3A_828 = arith.index_cast %add3A_827 : i32 to index
            %get3A_829 = arith.constant 48 : index
            %get3A_830 = tpu.vector_load %arg12[%get3A_828, %get3A_829] {strides = array<i32>} : memref<448x128xf32, #tpu.memory_space<vmem>>, vector<1x16xf32>,
            %get3A_831 = vector.shape_cast %get3A_830 : vector<1x16xf32> to vector<16xf32>
            %swap3A_832 = arith.index_cast %add3A_825 : i32 to index
            %swap3A_833 = arith.constant 48 : index
            %swap3A_834 = tpu.vector_load %arg11[%swap3A_832, %swap3A_833] {strides = array<i32>} : memref<448x64xf32, #tpu.memory_space<vmem>>, vector<1x16xf32>,
            %swap3A_835 = vector.shape_cast %swap3A_834 : vector<1x16xf32> to vector<16xf32>
            %swap3A_836 = vector.shape_cast %get3A_831 : vector<16xf32> to vector<1x16xf32>
            tpu.vector_store %arg11[%swap3A_832, %swap3A_833], %swap3A_836 {add = true, strides = array<i32>} : memref<448x64xf32, #tpu.memory_space<vmem>>, vector<1x16xf32>,
            %add3A_837 = arith.constant 15 : i32
            %add3A_838 = arith.addi %mul3A_58, %add3A_837 : i32
            %add3A_839 = arith.constant 15 : i32
            %add3A_840 = arith.addi %mul3A_58, %add3A_839 : i32
            %get3A_841 = arith.index_cast %add3A_840 : i32 to index
            %get3A_842 = arith.constant 0 : index
            %get3A_843 = tpu.vector_load %arg12[%get3A_841, %get3A_842] {strides = array<i32>} : memref<448x128xf32, #tpu.memory_space<vmem>>, vector<1x16xf32>,
            %get3A_844 = vector.shape_cast %get3A_843 : vector<1x16xf32> to vector<16xf32>
            %swap3A_845 = arith.index_cast %add3A_838 : i32 to index
            %swap3A_846 = arith.constant 0 : index
            %swap3A_847 = tpu.vector_load %arg11[%swap3A_845, %swap3A_846] {strides = array<i32>} : memref<448x64xf32, #tpu.memory_space<vmem>>, vector<1x16xf32>,
            %swap3A_848 = vector.shape_cast %swap3A_847 : vector<1x16xf32> to vector<16xf32>
            %swap3A_849 = vector.shape_cast %get3A_844 : vector<16xf32> to vector<1x16xf32>
            tpu.vector_store %arg11[%swap3A_845, %swap3A_846], %swap3A_849 {add = true, strides = array<i32>} : memref<448x64xf32, #tpu.memory_space<vmem>>, vector<1x16xf32>,
            %add3A_850 = arith.constant 15 : i32
            %add3A_851 = arith.addi %mul3A_58, %add3A_850 : i32
            %add3A_852 = arith.constant 15 : i32
            %add3A_853 = arith.addi %mul3A_58, %add3A_852 : i32
            %get3A_854 = arith.index_cast %add3A_853 : i32 to index
            %get3A_855 = arith.constant 16 : index
            %get3A_856 = tpu.vector_load %arg12[%get3A_854, %get3A_855] {strides = array<i32>} : memref<448x128xf32, #tpu.memory_space<vmem>>, vector<1x16xf32>,
            %get3A_857 = vector.shape_cast %get3A_856 : vector<1x16xf32> to vector<16xf32>
            %swap3A_858 = arith.index_cast %add3A_851 : i32 to index
            %swap3A_859 = arith.constant 16 : index
            %swap3A_860 = tpu.vector_load %arg11[%swap3A_858, %swap3A_859] {strides = array<i32>} : memref<448x64xf32, #tpu.memory_space<vmem>>, vector<1x16xf32>,
            %swap3A_861 = vector.shape_cast %swap3A_860 : vector<1x16xf32> to vector<16xf32>
            %swap3A_862 = vector.shape_cast %get3A_857 : vector<16xf32> to vector<1x16xf32>
            tpu.vector_store %arg11[%swap3A_858, %swap3A_859], %swap3A_862 {add = true, strides = array<i32>} : memref<448x64xf32, #tpu.memory_space<vmem>>, vector<1x16xf32>,
            %add3A_863 = arith.constant 15 : i32
            %add3A_864 = arith.addi %mul3A_58, %add3A_863 : i32
            %add3A_865 = arith.constant 15 : i32
            %add3A_866 = arith.addi %mul3A_58, %add3A_865 : i32
            %get3A_867 = arith.index_cast %add3A_866 : i32 to index
            %get3A_868 = arith.constant 32 : index
            %get3A_869 = tpu.vector_load %arg12[%get3A_867, %get3A_868] {strides = array<i32>} : memref<448x128xf32, #tpu.memory_space<vmem>>, vector<1x16xf32>,
            %get3A_870 = vector.shape_cast %get3A_869 : vector<1x16xf32> to vector<16xf32>
            %swap3A_871 = arith.index_cast %add3A_864 : i32 to index
            %swap3A_872 = arith.constant 32 : index
            %swap3A_873 = tpu.vector_load %arg11[%swap3A_871, %swap3A_872] {strides = array<i32>} : memref<448x64xf32, #tpu.memory_space<vmem>>, vector<1x16xf32>,
            %swap3A_874 = vector.shape_cast %swap3A_873 : vector<1x16xf32> to vector<16xf32>
            %swap3A_875 = vector.shape_cast %get3A_870 : vector<16xf32> to vector<1x16xf32>
            tpu.vector_store %arg11[%swap3A_871, %swap3A_872], %swap3A_875 {add = true, strides = array<i32>} : memref<448x64xf32, #tpu.memory_space<vmem>>, vector<1x16xf32>,
            %add3A_876 = arith.constant 15 : i32
            %add3A_877 = arith.addi %mul3A_58, %add3A_876 : i32
            %add3A_878 = arith.constant 15 : i32
            %add3A_879 = arith.addi %mul3A_58, %add3A_878 : i32
            %get3A_880 = arith.index_cast %add3A_879 : i32 to index
            %get3A_881 = arith.constant 48 : index
            %get3A_882 = tpu.vector_load %arg12[%get3A_880, %get3A_881] {strides = array<i32>} : memref<448x128xf32, #tpu.memory_space<vmem>>, vector<1x16xf32>,
            %get3A_883 = vector.shape_cast %get3A_882 : vector<1x16xf32> to vector<16xf32>
            %swap3A_884 = arith.index_cast %add3A_877 : i32 to index
            %swap3A_885 = arith.constant 48 : index
            %swap3A_886 = tpu.vector_load %arg11[%swap3A_884, %swap3A_885] {strides = array<i32>} : memref<448x64xf32, #tpu.memory_space<vmem>>, vector<1x16xf32>,
            %swap3A_887 = vector.shape_cast %swap3A_886 : vector<1x16xf32> to vector<16xf32>
            %swap3A_888 = vector.shape_cast %get3A_883 : vector<16xf32> to vector<1x16xf32>
            tpu.vector_store %arg11[%swap3A_884, %swap3A_885], %swap3A_888 {add = true, strides = array<i32>} : memref<448x64xf32, #tpu.memory_space<vmem>>, vector<1x16xf32>,
          }
          %scan3A_55 = arith.constant 28 : i32
        }
        %scan3A_38 = arith.constant 9 : i32
      }
      %scan3A_17 = arith.constant 3 : i32
      "tpu.region"() ({
        %run_scoped3A = tpu.sem_alloc : memref<!tpu.dma_semaphore, #tpu.memory_space<semaphore_mem>>
        %dma_start3A = arith.constant 0 : i32
        %dma_start3A_18 = tpu.memref_slice %arg6[%add3A_11, %dma_start3A] : memref<100352x64xf32, #tpu.memory_space<hbm>> -> memref<448x64xf32, #tpu.memory_space<hbm>>
        %dma_start3A_19 = arith.constant 0 : i32
        %dma_start3A_20 = tpu.memref_slice %arg6[%add3A_11, %dma_start3A_19] : memref<100352x64xf32, #tpu.memory_space<hbm>> -> memref<448x64xf32, #tpu.memory_space<hbm>>
        tpu.enqueue_dma source(%arg11 : memref<448x64xf32, #tpu.memory_space<vmem>>) target(%dma_start3A_20 : memref<448x64xf32, #tpu.memory_space<hbm>>) target_semaphore(%run_scoped3A : memref<!tpu.dma_semaphore, #tpu.memory_space<semaphore_mem>>)
        %dma_wait3A = arith.constant 0 : i32
        %dma_wait3A_21 = tpu.memref_slice %arg6[%add3A_11, %dma_wait3A] : memref<100352x64xf32, #tpu.memory_space<hbm>> -> memref<448x64xf32, #tpu.memory_space<hbm>>
        %dma_wait3A_22 = arith.constant 0 : i32
        %dma_wait3A_23 = tpu.memref_slice %arg6[%add3A_11, %dma_wait3A_22] : memref<100352x64xf32, #tpu.memory_space<hbm>> -> memref<448x64xf32, #tpu.memory_space<hbm>>
        tpu.wait_dma2 semaphore(%run_scoped3A : memref<!tpu.dma_semaphore, #tpu.memory_space<semaphore_mem>>) src(%arg11 : memref<448x64xf32, #tpu.memory_space<vmem>>) dst(%dma_wait3A_23 : memref<448x64xf32, #tpu.memory_space<hbm>>)
        tpu.yield
      }) : () -> ()
    }
    %scan3A_5 = arith.constant 7 : i32
    return
  }
}

#map = affine_map<(d0, d1) -> (0)>
module attributes {stable_mosaic.version = 14 : i64} {
  func.func @new_body(%arg0: i32, %arg1: i32, %arg2: memref<100352xi32, #tpu.memory_space<hbm>>, %arg3: memref<100352xi32, #tpu.memory_space<hbm>>, %arg4: memref<100352xi32, #tpu.memory_space<hbm>>, %arg5: memref<100352xi32, #tpu.memory_space<hbm>>, %arg6: memref<18602144xi32, #tpu.memory_space<hbm>>, %arg7: memref<100352xi32, #tpu.memory_space<hbm>>, %arg8: memref<18602144xi32, #tpu.memory_space<hbm>>, %arg9: memref<3136xi32, #tpu.memory_space<vmem>>, %arg10: memref<3136xi32, #tpu.memory_space<vmem>>, %arg11: memref<3136xi32, #tpu.memory_space<vmem>>, %arg12: memref<3136xi32, #tpu.memory_space<vmem>>, %arg13: memref<3136xi32, #tpu.memory_space<vmem>>, %arg14: memref<28x112xi32, #tpu.memory_space<vmem>>, %arg15: memref<28x112xi32, #tpu.memory_space<vmem>>, %arg16: memref<!tpu.dma_semaphore, #tpu.memory_space<semaphore_mem>>) attributes {dimension_semantics = [#tpu.dimension_semantics<core_parallel>, #tpu.dimension_semantics<subcore_parallel>], iteration_bounds = array<i64: 2, 16>, scalar_prefetch = 0 : i64, scratch_operands = 8 : i64, tpu.core_type = #tpu.core_type<sc_vector_subcore>, window_params = [{transform_indices = #map}, {transform_indices = #map}, {transform_indices = #map}, {transform_indices = #map}, {transform_indices = #map}, {transform_indices = #map}, {transform_indices = #map}]} {
    %mul3A = arith.constant 2 : i32
    %mul3A_0 = arith.muli %arg1, %mul3A : i32
    %add3A = arith.addi %mul3A_0, %arg0 : i32
    %mul3A_1 = arith.constant 3136 : i32
    %mul3A_2 = arith.muli %add3A, %mul3A_1 : i32
    "tpu.region"() ({
      %run_scoped3A = tpu.sem_alloc : memref<!tpu.dma_semaphore, #tpu.memory_space<semaphore_mem>>
      %dma_start3A = tpu.memref_slice %arg2[%mul3A_2] : memref<100352xi32, #tpu.memory_space<hbm>> -> memref<3136xi32, #tpu.memory_space<hbm>>
      %dma_start3A_14 = tpu.memref_slice %arg2[%mul3A_2] : memref<100352xi32, #tpu.memory_space<hbm>> -> memref<3136xi32, #tpu.memory_space<hbm>>
      tpu.enqueue_dma source(%dma_start3A_14 : memref<3136xi32, #tpu.memory_space<hbm>>) target(%arg9 : memref<3136xi32, #tpu.memory_space<vmem>>) target_semaphore(%run_scoped3A : memref<!tpu.dma_semaphore, #tpu.memory_space<semaphore_mem>>)
      %dma_wait3A = tpu.memref_slice %arg2[%mul3A_2] : memref<100352xi32, #tpu.memory_space<hbm>> -> memref<3136xi32, #tpu.memory_space<hbm>>
      %dma_wait3A_15 = tpu.memref_slice %arg2[%mul3A_2] : memref<100352xi32, #tpu.memory_space<hbm>> -> memref<3136xi32, #tpu.memory_space<hbm>>
      tpu.wait_dma2 semaphore(%run_scoped3A : memref<!tpu.dma_semaphore, #tpu.memory_space<semaphore_mem>>) src(%dma_wait3A_15 : memref<3136xi32, #tpu.memory_space<hbm>>) dst(%arg9 : memref<3136xi32, #tpu.memory_space<vmem>>)
      tpu.yield
    }) : () -> ()
    "tpu.region"() ({
      %run_scoped3A = tpu.sem_alloc : memref<!tpu.dma_semaphore, #tpu.memory_space<semaphore_mem>>
      %dma_start3A = tpu.memref_slice %arg3[%mul3A_2] : memref<100352xi32, #tpu.memory_space<hbm>> -> memref<3136xi32, #tpu.memory_space<hbm>>
      %dma_start3A_14 = tpu.memref_slice %arg3[%mul3A_2] : memref<100352xi32, #tpu.memory_space<hbm>> -> memref<3136xi32, #tpu.memory_space<hbm>>
      tpu.enqueue_dma source(%dma_start3A_14 : memref<3136xi32, #tpu.memory_space<hbm>>) target(%arg10 : memref<3136xi32, #tpu.memory_space<vmem>>) target_semaphore(%run_scoped3A : memref<!tpu.dma_semaphore, #tpu.memory_space<semaphore_mem>>)
      %dma_wait3A = tpu.memref_slice %arg3[%mul3A_2] : memref<100352xi32, #tpu.memory_space<hbm>> -> memref<3136xi32, #tpu.memory_space<hbm>>
      %dma_wait3A_15 = tpu.memref_slice %arg3[%mul3A_2] : memref<100352xi32, #tpu.memory_space<hbm>> -> memref<3136xi32, #tpu.memory_space<hbm>>
      tpu.wait_dma2 semaphore(%run_scoped3A : memref<!tpu.dma_semaphore, #tpu.memory_space<semaphore_mem>>) src(%dma_wait3A_15 : memref<3136xi32, #tpu.memory_space<hbm>>) dst(%arg10 : memref<3136xi32, #tpu.memory_space<vmem>>)
      tpu.yield
    }) : () -> ()
    "tpu.region"() ({
      %run_scoped3A = tpu.sem_alloc : memref<!tpu.dma_semaphore, #tpu.memory_space<semaphore_mem>>
      %dma_start3A = tpu.memref_slice %arg4[%mul3A_2] : memref<100352xi32, #tpu.memory_space<hbm>> -> memref<3136xi32, #tpu.memory_space<hbm>>
      %dma_start3A_14 = tpu.memref_slice %arg4[%mul3A_2] : memref<100352xi32, #tpu.memory_space<hbm>> -> memref<3136xi32, #tpu.memory_space<hbm>>
      tpu.enqueue_dma source(%dma_start3A_14 : memref<3136xi32, #tpu.memory_space<hbm>>) target(%arg11 : memref<3136xi32, #tpu.memory_space<vmem>>) target_semaphore(%run_scoped3A : memref<!tpu.dma_semaphore, #tpu.memory_space<semaphore_mem>>)
      %dma_wait3A = tpu.memref_slice %arg4[%mul3A_2] : memref<100352xi32, #tpu.memory_space<hbm>> -> memref<3136xi32, #tpu.memory_space<hbm>>
      %dma_wait3A_15 = tpu.memref_slice %arg4[%mul3A_2] : memref<100352xi32, #tpu.memory_space<hbm>> -> memref<3136xi32, #tpu.memory_space<hbm>>
      tpu.wait_dma2 semaphore(%run_scoped3A : memref<!tpu.dma_semaphore, #tpu.memory_space<semaphore_mem>>) src(%dma_wait3A_15 : memref<3136xi32, #tpu.memory_space<hbm>>) dst(%arg11 : memref<3136xi32, #tpu.memory_space<vmem>>)
      tpu.yield
    }) : () -> ()
    "tpu.region"() ({
      %run_scoped3A = tpu.sem_alloc : memref<!tpu.dma_semaphore, #tpu.memory_space<semaphore_mem>>
      %dma_start3A = tpu.memref_slice %arg5[%mul3A_2] : memref<100352xi32, #tpu.memory_space<hbm>> -> memref<3136xi32, #tpu.memory_space<hbm>>
      %dma_start3A_14 = tpu.memref_slice %arg5[%mul3A_2] : memref<100352xi32, #tpu.memory_space<hbm>> -> memref<3136xi32, #tpu.memory_space<hbm>>
      tpu.enqueue_dma source(%dma_start3A_14 : memref<3136xi32, #tpu.memory_space<hbm>>) target(%arg12 : memref<3136xi32, #tpu.memory_space<vmem>>) target_semaphore(%run_scoped3A : memref<!tpu.dma_semaphore, #tpu.memory_space<semaphore_mem>>)
      %dma_wait3A = tpu.memref_slice %arg5[%mul3A_2] : memref<100352xi32, #tpu.memory_space<hbm>> -> memref<3136xi32, #tpu.memory_space<hbm>>
      %dma_wait3A_15 = tpu.memref_slice %arg5[%mul3A_2] : memref<100352xi32, #tpu.memory_space<hbm>> -> memref<3136xi32, #tpu.memory_space<hbm>>
      tpu.wait_dma2 semaphore(%run_scoped3A : memref<!tpu.dma_semaphore, #tpu.memory_space<semaphore_mem>>) src(%dma_wait3A_15 : memref<3136xi32, #tpu.memory_space<hbm>>) dst(%arg12 : memref<3136xi32, #tpu.memory_space<vmem>>)
      tpu.yield
    }) : () -> ()
    %iota3A = tpu.iota {dimensions = array<i32: 0>} : vector<16xi32>
    %scan3A = arith.constant 0 : i32
    %scan3A_3 = arith.constant 0 : i32
    %scan3A_4 = arith.constant 196 : i32
    %scan3A_5 = arith.addi %scan3A_3, %scan3A_4 : i32
    %scan3A_6 = arith.constant 1 : i32
    scf.for %scan3A_14 = %scan3A_3 to %scan3A_5 step %scan3A_6  : i32 {
      %mul3A_15 = arith.constant 16 : i32
      %mul3A_16 = arith.muli %scan3A_14, %mul3A_15 : i32
      %get3A = arith.index_cast %mul3A_16 : i32 to index
      %get3A_17 = tpu.vector_load %arg12[%get3A] {strides = array<i32>} : memref<3136xi32, #tpu.memory_space<vmem>>, vector<16xi32>,
      %get3A_18 = vector.shape_cast %get3A_17 : vector<16xi32> to vector<16xi32>
      %mul3A_19 = arith.constant 66 : i32
      %mul3A_20 = vector.broadcast %mul3A_19 : i32 to vector<16xi32>
      %mul3A_21 = arith.muli %get3A_18, %mul3A_20 : vector<16xi32>
      %get3A_22 = arith.index_cast %mul3A_16 : i32 to index
      %get3A_23 = tpu.vector_load %arg11[%get3A_22] {strides = array<i32>} : memref<3136xi32, #tpu.memory_space<vmem>>, vector<16xi32>,
      %get3A_24 = vector.shape_cast %get3A_23 : vector<16xi32> to vector<16xi32>
      %add3A_25 = arith.constant 1 : i32
      %add3A_26 = vector.broadcast %add3A_25 : i32 to vector<16xi32>
      %add3A_27 = arith.addi %get3A_24, %add3A_26 : vector<16xi32>
      %add3A_28 = arith.addi %mul3A_21, %add3A_27 : vector<16xi32>
      %mul3A_29 = arith.constant 66 : i32
      %mul3A_30 = vector.broadcast %mul3A_29 : i32 to vector<16xi32>
      %mul3A_31 = arith.muli %add3A_28, %mul3A_30 : vector<16xi32>
      %get3A_32 = arith.index_cast %mul3A_16 : i32 to index
      %get3A_33 = tpu.vector_load %arg10[%get3A_32] {strides = array<i32>} : memref<3136xi32, #tpu.memory_space<vmem>>, vector<16xi32>,
      %get3A_34 = vector.shape_cast %get3A_33 : vector<16xi32> to vector<16xi32>
      %add3A_35 = arith.constant 1 : i32
      %add3A_36 = vector.broadcast %add3A_35 : i32 to vector<16xi32>
      %add3A_37 = arith.addi %get3A_34, %add3A_36 : vector<16xi32>
      %add3A_38 = arith.addi %mul3A_31, %add3A_37 : vector<16xi32>
      %mul3A_39 = arith.constant 66 : i32
      %mul3A_40 = vector.broadcast %mul3A_39 : i32 to vector<16xi32>
      %mul3A_41 = arith.muli %add3A_38, %mul3A_40 : vector<16xi32>
      %get3A_42 = arith.index_cast %mul3A_16 : i32 to index
      %get3A_43 = tpu.vector_load %arg9[%get3A_42] {strides = array<i32>} : memref<3136xi32, #tpu.memory_space<vmem>>, vector<16xi32>,
      %get3A_44 = vector.shape_cast %get3A_43 : vector<16xi32> to vector<16xi32>
      %add3A_45 = arith.constant 1 : i32
      %add3A_46 = vector.broadcast %add3A_45 : i32 to vector<16xi32>
      %add3A_47 = arith.addi %get3A_44, %add3A_46 : vector<16xi32>
      %add3A_48 = arith.addi %mul3A_41, %add3A_47 : vector<16xi32>
      %add3A_49 = arith.addi %mul3A_2, %mul3A_16 : i32
      %add3A_50 = vector.broadcast %add3A_49 : i32 to vector<16xi32>
      %add3A_51 = arith.addi %add3A_50, %iota3A : vector<16xi32>
      %lt3A = arith.constant 100000 : i32
      %lt3A_52 = vector.broadcast %lt3A : i32 to vector<16xi32>
      %lt3A_53 = arith.cmpi slt, %add3A_51, %lt3A_52 : vector<16xi32>
      %jit3A = arith.constant 18399744 : i32
      %broadcast_in_dim3A = vector.broadcast %jit3A : i32 to vector<16xi32>
      %select_n3A = arith.select %lt3A_53, %add3A_48, %broadcast_in_dim3A : vector<16xi1>, vector<16xi32>
      %swap3A = arith.index_cast %mul3A_16 : i32 to index
      %swap3A_54 = tpu.vector_load %arg13[%swap3A] {strides = array<i32>} : memref<3136xi32, #tpu.memory_space<vmem>>, vector<16xi32>,
      %swap3A_55 = vector.shape_cast %swap3A_54 : vector<16xi32> to vector<16xi32>
      %swap3A_56 = vector.shape_cast %select_n3A : vector<16xi32> to vector<16xi32>
      tpu.vector_store %arg13[%swap3A], %swap3A_56 {strides = array<i32>} : memref<3136xi32, #tpu.memory_space<vmem>>, vector<16xi32>,
      %jit3A_57 = arith.constant 7 : i32
      %div3A = arith.divsi %scan3A_14, %jit3A_57 : i32
      %sign3A = arith.constant 0 : i32
      %sign3A_58 = arith.cmpi sgt, %scan3A_14, %sign3A : i32
      %sign3A_59 = arith.extui %sign3A_58 : i1 to i32
      %sign3A_60 = arith.constant 0 : i32
      %sign3A_61 = arith.cmpi slt, %scan3A_14, %sign3A_60 : i32
      %sign3A_62 = arith.extui %sign3A_61 : i1 to i32
      %sign3A_63 = arith.subi %sign3A_59, %sign3A_62 : i32
      %sign3A_64 = arith.constant 0 : i32
      %sign3A_65 = arith.cmpi sgt, %jit3A_57, %sign3A_64 : i32
      %sign3A_66 = arith.extui %sign3A_65 : i1 to i32
      %sign3A_67 = arith.constant 0 : i32
      %sign3A_68 = arith.cmpi slt, %jit3A_57, %sign3A_67 : i32
      %sign3A_69 = arith.extui %sign3A_68 : i1 to i32
      %sign3A_70 = arith.subi %sign3A_66, %sign3A_69 : i32
      %ne3A = arith.cmpi ne, %sign3A_63, %sign3A_70 : i32
      %rem3A = arith.remsi %scan3A_14, %jit3A_57 : i32
      %ne3A_71 = arith.constant 0 : i32
      %ne3A_72 = arith.cmpi ne, %rem3A, %ne3A_71 : i32
      %and3A = arith.andi %ne3A, %ne3A_72 : i1
      %sub3A = arith.constant 1 : i32
      %sub3A_73 = arith.subi %div3A, %sub3A : i32
      %select_n3A_74 = arith.select %and3A, %sub3A_73, %div3A : i32
      %jit3A_75 = arith.constant 7 : i32
      %eq3A = arith.constant 0 : i32
      %eq3A_76 = arith.cmpi eq, %jit3A_75, %eq3A : i32
      %jit3A_77 = arith.constant 1 : i32
      %select_n3A_78 = arith.select %eq3A_76, %jit3A_77, %jit3A_75 : i32
      %rem3A_79 = arith.remsi %scan3A_14, %select_n3A_78 : i32
      %ne3A_80 = arith.constant 0 : i32
      %ne3A_81 = arith.cmpi ne, %rem3A_79, %ne3A_80 : i32
      %lt3A_82 = arith.constant 0 : i32
      %lt3A_83 = arith.cmpi slt, %rem3A_79, %lt3A_82 : i32
      %lt3A_84 = arith.constant 0 : i32
      %lt3A_85 = arith.cmpi slt, %select_n3A_78, %lt3A_84 : i32
      %ne3A_86 = arith.xori %lt3A_83, %lt3A_85 : i1
      %and3A_87 = arith.andi %ne3A_86, %ne3A_81 : i1
      %add3A_88 = arith.addi %rem3A_79, %select_n3A_78 : i32
      %select_n3A_89 = arith.select %and3A_87, %add3A_88, %rem3A_79 : i32
      %mul3A_90 = arith.constant 16 : i32
      %mul3A_91 = arith.muli %select_n3A_89, %mul3A_90 : i32
      %swap3A_92 = arith.index_cast %select_n3A_74 : i32 to index
      %swap3A_93 = arith.index_cast %mul3A_91 : i32 to index
      %swap3A_94 = tpu.vector_load %arg14[%swap3A_92, %swap3A_93] {strides = array<i32>} : memref<28x112xi32, #tpu.memory_space<vmem>>, vector<1x16xi32>,
      %swap3A_95 = vector.shape_cast %swap3A_94 : vector<1x16xi32> to vector<16xi32>
      %swap3A_96 = vector.shape_cast %select_n3A : vector<16xi32> to vector<1x16xi32>
      tpu.vector_store %arg14[%swap3A_92, %swap3A_93], %swap3A_96 {strides = array<i32>} : memref<28x112xi32, #tpu.memory_space<vmem>>, vector<1x16xi32>,
      %swap3A_97 = arith.index_cast %select_n3A_74 : i32 to index
      %swap3A_98 = arith.index_cast %mul3A_91 : i32 to index
      %swap3A_99 = tpu.vector_load %arg15[%swap3A_97, %swap3A_98] {strides = array<i32>} : memref<28x112xi32, #tpu.memory_space<vmem>>, vector<1x16xi32>,
      %swap3A_100 = vector.shape_cast %swap3A_99 : vector<1x16xi32> to vector<16xi32>
      %swap3A_101 = vector.shape_cast %add3A_51 : vector<16xi32> to vector<1x16xi32>
      tpu.vector_store %arg15[%swap3A_97, %swap3A_98], %swap3A_101 {strides = array<i32>} : memref<28x112xi32, #tpu.memory_space<vmem>>, vector<1x16xi32>,
    }
    %scan3A_7 = arith.constant 196 : i32
    "tpu.region"() ({
      %run_scoped3A = tpu.sem_alloc : memref<!tpu.dma_semaphore, #tpu.memory_space<semaphore_mem>>
      %dma_start3A = tpu.memref_slice %arg7[%mul3A_2] : memref<100352xi32, #tpu.memory_space<hbm>> -> memref<3136xi32, #tpu.memory_space<hbm>>
      %dma_start3A_14 = tpu.memref_slice %arg7[%mul3A_2] : memref<100352xi32, #tpu.memory_space<hbm>> -> memref<3136xi32, #tpu.memory_space<hbm>>
      tpu.enqueue_dma source(%arg13 : memref<3136xi32, #tpu.memory_space<vmem>>) target(%dma_start3A_14 : memref<3136xi32, #tpu.memory_space<hbm>>) target_semaphore(%run_scoped3A : memref<!tpu.dma_semaphore, #tpu.memory_space<semaphore_mem>>)
      %dma_wait3A = tpu.memref_slice %arg7[%mul3A_2] : memref<100352xi32, #tpu.memory_space<hbm>> -> memref<3136xi32, #tpu.memory_space<hbm>>
      %dma_wait3A_15 = tpu.memref_slice %arg7[%mul3A_2] : memref<100352xi32, #tpu.memory_space<hbm>> -> memref<3136xi32, #tpu.memory_space<hbm>>
      tpu.wait_dma2 semaphore(%run_scoped3A : memref<!tpu.dma_semaphore, #tpu.memory_space<semaphore_mem>>) src(%arg13 : memref<3136xi32, #tpu.memory_space<vmem>>) dst(%dma_wait3A_15 : memref<3136xi32, #tpu.memory_space<hbm>>)
      tpu.yield
    }) : () -> ()
    %scan3A_8 = arith.constant 0 : i32
    %scan3A_9 = arith.constant 0 : i32
    %scan3A_10 = arith.constant 28 : i32
    %scan3A_11 = arith.addi %scan3A_9, %scan3A_10 : i32
    %scan3A_12 = arith.constant 1 : i32
    scf.for %scan3A_14 = %scan3A_9 to %scan3A_11 step %scan3A_12  : i32 {
      %dma_start3A = arith.constant 0 : i32
      %dma_start3A_15 = tpu.memref_slice %arg15[%scan3A_14, %dma_start3A] : memref<28x112xi32, #tpu.memory_space<vmem>> -> memref<1x112xi32, #tpu.memory_space<vmem>>
      %dma_start3A_16 = tpu.memref_squeeze %dma_start3A_15 : memref<1x112xi32, #tpu.memory_space<vmem>> -> memref<112xi32, #tpu.memory_space<vmem>>
      %dma_start3A_17 = arith.constant 0 : i32
      %dma_start3A_18 = tpu.memref_slice %arg14[%scan3A_14, %dma_start3A_17] : memref<28x112xi32, #tpu.memory_space<vmem>> -> memref<1x112xi32, #tpu.memory_space<vmem>>
      %dma_start3A_19 = tpu.memref_squeeze %dma_start3A_18 : memref<1x112xi32, #tpu.memory_space<vmem>> -> memref<112xi32, #tpu.memory_space<vmem>>
      %dma_start3A_20 = arith.constant 0 : i32
      %dma_start3A_21 = tpu.memref_slice %arg6[%dma_start3A_20] : memref<18602144xi32, #tpu.memory_space<hbm>> -> memref<18602144xi32, #tpu.memory_space<hbm>>
      tpu.enqueue_indirect_dma source(%dma_start3A_16 : memref<112xi32, #tpu.memory_space<vmem>>) target(%dma_start3A_21 : memref<18602144xi32, #tpu.memory_space<hbm>>) offsets(%dma_start3A_19 : memref<112xi32, #tpu.memory_space<vmem>>) semaphore(%arg16 : memref<!tpu.dma_semaphore, #tpu.memory_space<semaphore_mem>>)
      %dma_wait3A = arith.constant 0 : i32
      %dma_wait3A_22 = tpu.memref_slice %arg15[%scan3A_14, %dma_wait3A] : memref<28x112xi32, #tpu.memory_space<vmem>> -> memref<1x112xi32, #tpu.memory_space<vmem>>
      %dma_wait3A_23 = tpu.memref_squeeze %dma_wait3A_22 : memref<1x112xi32, #tpu.memory_space<vmem>> -> memref<112xi32, #tpu.memory_space<vmem>>
      %dma_wait3A_24 = arith.constant 0 : i32
      %dma_wait3A_25 = tpu.memref_slice %arg14[%scan3A_14, %dma_wait3A_24] : memref<28x112xi32, #tpu.memory_space<vmem>> -> memref<1x112xi32, #tpu.memory_space<vmem>>
      %dma_wait3A_26 = tpu.memref_squeeze %dma_wait3A_25 : memref<1x112xi32, #tpu.memory_space<vmem>> -> memref<112xi32, #tpu.memory_space<vmem>>
      %dma_wait3A_27 = arith.constant 0 : i32
      %dma_wait3A_28 = tpu.memref_slice %arg6[%dma_wait3A_27] : memref<18602144xi32, #tpu.memory_space<hbm>> -> memref<18602144xi32, #tpu.memory_space<hbm>>
      tpu.wait_indirect_dma semaphore(%arg16 : memref<!tpu.dma_semaphore, #tpu.memory_space<semaphore_mem>>) src(%dma_wait3A_23 : memref<112xi32, #tpu.memory_space<vmem>>) dst(%dma_wait3A_28 : memref<18602144xi32, #tpu.memory_space<hbm>>)
    }
    %scan3A_13 = arith.constant 28 : i32
    return
  }
}

#map = affine_map<(d0, d1) -> (0)>
module attributes {stable_mosaic.version = 14 : i64} {
  func.func @new_body(%arg0: i32, %arg1: i32, %arg2: memref<100352xi32, #tpu.memory_space<hbm>>, %arg3: memref<18602144xi32, #tpu.memory_space<hbm>>, %arg4: memref<18602144xi32, #tpu.memory_space<hbm>>, %arg5: memref<3136xi32, #tpu.memory_space<vmem>>, %arg6: memref<3136xi32, #tpu.memory_space<vmem>>, %arg7: memref<28x112xi32, #tpu.memory_space<vmem>>, %arg8: memref<28x112xi32, #tpu.memory_space<vmem>>, %arg9: memref<!tpu.dma_semaphore, #tpu.memory_space<semaphore_mem>>) attributes {dimension_semantics = [#tpu.dimension_semantics<core_parallel>, #tpu.dimension_semantics<subcore_parallel>], iteration_bounds = array<i64: 2, 16>, scalar_prefetch = 0 : i64, scratch_operands = 5 : i64, tpu.core_type = #tpu.core_type<sc_vector_subcore>, window_params = [{transform_indices = #map}, {transform_indices = #map}, {transform_indices = #map}]} {
    %mul3A = arith.constant 2 : i32
    %mul3A_0 = arith.muli %arg1, %mul3A : i32
    %add3A = arith.addi %mul3A_0, %arg0 : i32
    %mul3A_1 = arith.constant 3136 : i32
    %mul3A_2 = arith.muli %add3A, %mul3A_1 : i32
    "tpu.region"() ({
      %run_scoped3A = tpu.sem_alloc : memref<!tpu.dma_semaphore, #tpu.memory_space<semaphore_mem>>
      %dma_start3A_16 = tpu.memref_slice %arg2[%mul3A_2] : memref<100352xi32, #tpu.memory_space<hbm>> -> memref<3136xi32, #tpu.memory_space<hbm>>
      %dma_start3A_17 = tpu.memref_slice %arg2[%mul3A_2] : memref<100352xi32, #tpu.memory_space<hbm>> -> memref<3136xi32, #tpu.memory_space<hbm>>
      tpu.enqueue_dma source(%dma_start3A_17 : memref<3136xi32, #tpu.memory_space<hbm>>) target(%arg5 : memref<3136xi32, #tpu.memory_space<vmem>>) target_semaphore(%run_scoped3A : memref<!tpu.dma_semaphore, #tpu.memory_space<semaphore_mem>>)
      %dma_wait3A_18 = tpu.memref_slice %arg2[%mul3A_2] : memref<100352xi32, #tpu.memory_space<hbm>> -> memref<3136xi32, #tpu.memory_space<hbm>>
      %dma_wait3A_19 = tpu.memref_slice %arg2[%mul3A_2] : memref<100352xi32, #tpu.memory_space<hbm>> -> memref<3136xi32, #tpu.memory_space<hbm>>
      tpu.wait_dma2 semaphore(%run_scoped3A : memref<!tpu.dma_semaphore, #tpu.memory_space<semaphore_mem>>) src(%dma_wait3A_19 : memref<3136xi32, #tpu.memory_space<hbm>>) dst(%arg5 : memref<3136xi32, #tpu.memory_space<vmem>>)
      tpu.yield
    }) : () -> ()
    %dma_start3A = arith.constant 0 : i32
    %dma_start3A_3 = tpu.memref_slice %arg3[%dma_start3A] : memref<18602144xi32, #tpu.memory_space<hbm>> -> memref<18602144xi32, #tpu.memory_space<hbm>>
    tpu.enqueue_indirect_dma source(%dma_start3A_3 : memref<18602144xi32, #tpu.memory_space<hbm>>) target(%arg6 : memref<3136xi32, #tpu.memory_space<vmem>>) offsets(%arg5 : memref<3136xi32, #tpu.memory_space<vmem>>) semaphore(%arg9 : memref<!tpu.dma_semaphore, #tpu.memory_space<semaphore_mem>>)
    %dma_wait3A = arith.constant 0 : i32
    %dma_wait3A_4 = tpu.memref_slice %arg3[%dma_wait3A] : memref<18602144xi32, #tpu.memory_space<hbm>> -> memref<18602144xi32, #tpu.memory_space<hbm>>
    tpu.wait_indirect_dma semaphore(%arg9 : memref<!tpu.dma_semaphore, #tpu.memory_space<semaphore_mem>>) src(%dma_wait3A_4 : memref<18602144xi32, #tpu.memory_space<hbm>>) dst(%arg6 : memref<3136xi32, #tpu.memory_space<vmem>>)
    %iota3A = tpu.iota {dimensions = array<i32: 0>} : vector<16xi32>
    %scan3A = arith.constant 0 : i32
    %scan3A_5 = arith.constant 0 : i32
    %scan3A_6 = arith.constant 196 : i32
    %scan3A_7 = arith.addi %scan3A_5, %scan3A_6 : i32
    %scan3A_8 = arith.constant 1 : i32
    scf.for %scan3A_16 = %scan3A_5 to %scan3A_7 step %scan3A_8  : i32 {
      %mul3A_17 = arith.constant 16 : i32
      %mul3A_18 = arith.muli %scan3A_16, %mul3A_17 : i32
      %add3A_19 = arith.addi %mul3A_2, %mul3A_18 : i32
      %add3A_20 = vector.broadcast %add3A_19 : i32 to vector<16xi32>
      %add3A_21 = arith.addi %add3A_20, %iota3A : vector<16xi32>
      %get3A = arith.index_cast %mul3A_18 : i32 to index
      %get3A_22 = tpu.vector_load %arg6[%get3A] {strides = array<i32>} : memref<3136xi32, #tpu.memory_space<vmem>>, vector<16xi32>,
      %get3A_23 = vector.shape_cast %get3A_22 : vector<16xi32> to vector<16xi32>
      %lt3A = arith.cmpi slt, %add3A_21, %get3A_23 : vector<16xi32>
      %lt3A_24 = arith.constant 100000 : i32
      %lt3A_25 = vector.broadcast %lt3A_24 : i32 to vector<16xi32>
      %lt3A_26 = arith.cmpi slt, %add3A_21, %lt3A_25 : vector<16xi32>
      %and3A = arith.andi %lt3A, %lt3A_26 : vector<16xi1>
      %jit3A = arith.constant 7 : i32
      %div3A = arith.divsi %scan3A_16, %jit3A : i32
      %sign3A = arith.constant 0 : i32
      %sign3A_27 = arith.cmpi sgt, %scan3A_16, %sign3A : i32
      %sign3A_28 = arith.extui %sign3A_27 : i1 to i32
      %sign3A_29 = arith.constant 0 : i32
      %sign3A_30 = arith.cmpi slt, %scan3A_16, %sign3A_29 : i32
      %sign3A_31 = arith.extui %sign3A_30 : i1 to i32
      %sign3A_32 = arith.subi %sign3A_28, %sign3A_31 : i32
      %sign3A_33 = arith.constant 0 : i32
      %sign3A_34 = arith.cmpi sgt, %jit3A, %sign3A_33 : i32
      %sign3A_35 = arith.extui %sign3A_34 : i1 to i32
      %sign3A_36 = arith.constant 0 : i32
      %sign3A_37 = arith.cmpi slt, %jit3A, %sign3A_36 : i32
      %sign3A_38 = arith.extui %sign3A_37 : i1 to i32
      %sign3A_39 = arith.subi %sign3A_35, %sign3A_38 : i32
      %ne3A = arith.cmpi ne, %sign3A_32, %sign3A_39 : i32
      %rem3A = arith.remsi %scan3A_16, %jit3A : i32
      %ne3A_40 = arith.constant 0 : i32
      %ne3A_41 = arith.cmpi ne, %rem3A, %ne3A_40 : i32
      %and3A_42 = arith.andi %ne3A, %ne3A_41 : i1
      %sub3A = arith.constant 1 : i32
      %sub3A_43 = arith.subi %div3A, %sub3A : i32
      %select_n3A = arith.select %and3A_42, %sub3A_43, %div3A : i32
      %jit3A_44 = arith.constant 7 : i32
      %eq3A = arith.constant 0 : i32
      %eq3A_45 = arith.cmpi eq, %jit3A_44, %eq3A : i32
      %jit3A_46 = arith.constant 1 : i32
      %select_n3A_47 = arith.select %eq3A_45, %jit3A_46, %jit3A_44 : i32
      %rem3A_48 = arith.remsi %scan3A_16, %select_n3A_47 : i32
      %ne3A_49 = arith.constant 0 : i32
      %ne3A_50 = arith.cmpi ne, %rem3A_48, %ne3A_49 : i32
      %lt3A_51 = arith.constant 0 : i32
      %lt3A_52 = arith.cmpi slt, %rem3A_48, %lt3A_51 : i32
      %lt3A_53 = arith.constant 0 : i32
      %lt3A_54 = arith.cmpi slt, %select_n3A_47, %lt3A_53 : i32
      %ne3A_55 = arith.xori %lt3A_52, %lt3A_54 : i1
      %and3A_56 = arith.andi %ne3A_55, %ne3A_50 : i1
      %add3A_57 = arith.addi %rem3A_48, %select_n3A_47 : i32
      %select_n3A_58 = arith.select %and3A_56, %add3A_57, %rem3A_48 : i32
      %mul3A_59 = arith.constant 16 : i32
      %mul3A_60 = arith.muli %select_n3A_58, %mul3A_59 : i32
      %add3A_61 = arith.constant 18399744 : i32
      %add3A_62 = arith.addi %add3A_61, %mul3A_2 : i32
      %add3A_63 = arith.addi %add3A_62, %mul3A_18 : i32
      %add3A_64 = vector.broadcast %add3A_63 : i32 to vector<16xi32>
      %add3A_65 = arith.addi %add3A_64, %iota3A : vector<16xi32>
      %get3A_66 = arith.index_cast %mul3A_18 : i32 to index
      %get3A_67 = tpu.vector_load %arg5[%get3A_66] {strides = array<i32>} : memref<3136xi32, #tpu.memory_space<vmem>>, vector<16xi32>,
      %get3A_68 = vector.shape_cast %get3A_67 : vector<16xi32> to vector<16xi32>
      %select_n3A_69 = arith.select %and3A, %get3A_68, %add3A_65 : vector<16xi1>, vector<16xi32>
      %swap3A = arith.index_cast %select_n3A : i32 to index
      %swap3A_70 = arith.index_cast %mul3A_60 : i32 to index
      %swap3A_71 = tpu.vector_load %arg7[%swap3A, %swap3A_70] {strides = array<i32>} : memref<28x112xi32, #tpu.memory_space<vmem>>, vector<1x16xi32>,
      %swap3A_72 = vector.shape_cast %swap3A_71 : vector<1x16xi32> to vector<16xi32>
      %swap3A_73 = vector.shape_cast %select_n3A_69 : vector<16xi32> to vector<1x16xi32>
      tpu.vector_store %arg7[%swap3A, %swap3A_70], %swap3A_73 {strides = array<i32>} : memref<28x112xi32, #tpu.memory_space<vmem>>, vector<1x16xi32>,
      %swap3A_74 = arith.index_cast %select_n3A : i32 to index
      %swap3A_75 = arith.index_cast %mul3A_60 : i32 to index
      %swap3A_76 = tpu.vector_load %arg8[%swap3A_74, %swap3A_75] {strides = array<i32>} : memref<28x112xi32, #tpu.memory_space<vmem>>, vector<1x16xi32>,
      %swap3A_77 = vector.shape_cast %swap3A_76 : vector<1x16xi32> to vector<16xi32>
      %swap3A_78 = vector.shape_cast %add3A_21 : vector<16xi32> to vector<1x16xi32>
      tpu.vector_store %arg8[%swap3A_74, %swap3A_75], %swap3A_78 {strides = array<i32>} : memref<28x112xi32, #tpu.memory_space<vmem>>, vector<1x16xi32>,
    }
    %scan3A_9 = arith.constant 196 : i32
    %scan3A_10 = arith.constant 0 : i32
    %scan3A_11 = arith.constant 0 : i32
    %scan3A_12 = arith.constant 28 : i32
    %scan3A_13 = arith.addi %scan3A_11, %scan3A_12 : i32
    %scan3A_14 = arith.constant 1 : i32
    scf.for %scan3A_16 = %scan3A_11 to %scan3A_13 step %scan3A_14  : i32 {
      %dma_start3A_17 = arith.constant 0 : i32
      %dma_start3A_18 = tpu.memref_slice %arg8[%scan3A_16, %dma_start3A_17] : memref<28x112xi32, #tpu.memory_space<vmem>> -> memref<1x112xi32, #tpu.memory_space<vmem>>
      %dma_start3A_19 = tpu.memref_squeeze %dma_start3A_18 : memref<1x112xi32, #tpu.memory_space<vmem>> -> memref<112xi32, #tpu.memory_space<vmem>>
      %dma_start3A_20 = arith.constant 0 : i32
      %dma_start3A_21 = tpu.memref_slice %arg7[%scan3A_16, %dma_start3A_20] : memref<28x112xi32, #tpu.memory_space<vmem>> -> memref<1x112xi32, #tpu.memory_space<vmem>>
      %dma_start3A_22 = tpu.memref_squeeze %dma_start3A_21 : memref<1x112xi32, #tpu.memory_space<vmem>> -> memref<112xi32, #tpu.memory_space<vmem>>
      %dma_start3A_23 = arith.constant 0 : i32
      %dma_start3A_24 = tpu.memref_slice %arg3[%dma_start3A_23] : memref<18602144xi32, #tpu.memory_space<hbm>> -> memref<18602144xi32, #tpu.memory_space<hbm>>
      tpu.enqueue_indirect_dma source(%dma_start3A_19 : memref<112xi32, #tpu.memory_space<vmem>>) target(%dma_start3A_24 : memref<18602144xi32, #tpu.memory_space<hbm>>) offsets(%dma_start3A_22 : memref<112xi32, #tpu.memory_space<vmem>>) semaphore(%arg9 : memref<!tpu.dma_semaphore, #tpu.memory_space<semaphore_mem>>)
      %dma_wait3A_25 = arith.constant 0 : i32
      %dma_wait3A_26 = tpu.memref_slice %arg8[%scan3A_16, %dma_wait3A_25] : memref<28x112xi32, #tpu.memory_space<vmem>> -> memref<1x112xi32, #tpu.memory_space<vmem>>
      %dma_wait3A_27 = tpu.memref_squeeze %dma_wait3A_26 : memref<1x112xi32, #tpu.memory_space<vmem>> -> memref<112xi32, #tpu.memory_space<vmem>>
      %dma_wait3A_28 = arith.constant 0 : i32
      %dma_wait3A_29 = tpu.memref_slice %arg7[%scan3A_16, %dma_wait3A_28] : memref<28x112xi32, #tpu.memory_space<vmem>> -> memref<1x112xi32, #tpu.memory_space<vmem>>
      %dma_wait3A_30 = tpu.memref_squeeze %dma_wait3A_29 : memref<1x112xi32, #tpu.memory_space<vmem>> -> memref<112xi32, #tpu.memory_space<vmem>>
      %dma_wait3A_31 = arith.constant 0 : i32
      %dma_wait3A_32 = tpu.memref_slice %arg3[%dma_wait3A_31] : memref<18602144xi32, #tpu.memory_space<hbm>> -> memref<18602144xi32, #tpu.memory_space<hbm>>
      tpu.wait_indirect_dma semaphore(%arg9 : memref<!tpu.dma_semaphore, #tpu.memory_space<semaphore_mem>>) src(%dma_wait3A_27 : memref<112xi32, #tpu.memory_space<vmem>>) dst(%dma_wait3A_32 : memref<18602144xi32, #tpu.memory_space<hbm>>)
    }
    %scan3A_15 = arith.constant 28 : i32
    return
  }
}

#map = affine_map<(d0, d1) -> (0)>
#map1 = affine_map<(d0, d1) -> (0, 0)>
module attributes {stable_mosaic.version = 14 : i64} {
  func.func @new_body(%arg0: i32, %arg1: i32, %arg2: memref<100352xi32, #tpu.memory_space<hbm>>, %arg3: memref<18602144xi32, #tpu.memory_space<hbm>>, %arg4: memref<2820096x128xf32, #tpu.memory_space<hbm>>, %arg5: memref<100352x64xf32, #tpu.memory_space<hbm>>, %arg6: memref<100352x64xf32, #tpu.memory_space<hbm>>, %arg7: memref<18602144xi32, #tpu.memory_space<hbm>>, %arg8: memref<448xi32, #tpu.memory_space<vmem>>, %arg9: memref<4032xi32, #tpu.memory_space<vmem>>, %arg10: memref<4032xi32, #tpu.memory_space<vmem>>, %arg11: memref<448x64xf32, #tpu.memory_space<vmem>>, %arg12: memref<448x128xf32, #tpu.memory_space<vmem>>, %arg13: memref<!tpu.dma_semaphore, #tpu.memory_space<semaphore_mem>>) attributes {dimension_semantics = [#tpu.dimension_semantics<core_parallel>, #tpu.dimension_semantics<subcore_parallel>], iteration_bounds = array<i64: 2, 16>, scalar_prefetch = 0 : i64, scratch_operands = 6 : i64, tpu.core_type = #tpu.core_type<sc_vector_subcore>, window_params = [{transform_indices = #map}, {transform_indices = #map}, {transform_indices = #map1}, {transform_indices = #map1}, {transform_indices = #map1}, {transform_indices = #map}]} {
    %mul3A = arith.constant 2 : i32
    %mul3A_0 = arith.muli %arg1, %mul3A : i32
    %add3A = arith.addi %mul3A_0, %arg0 : i32
    %iota3A = tpu.iota {dimensions = array<i32: 0>} : vector<16xi32>
    %scan3A = arith.constant 0 : i32
    %scan3A_1 = arith.constant 0 : i32
    %scan3A_2 = arith.constant 7 : i32
    %scan3A_3 = arith.addi %scan3A_1, %scan3A_2 : i32
    %scan3A_4 = arith.constant 1 : i32
    scf.for %scan3A_6 = %scan3A_1 to %scan3A_3 step %scan3A_4  : i32 {
      %mul3A_7 = arith.constant 3136 : i32
      %mul3A_8 = arith.muli %add3A, %mul3A_7 : i32
      %mul3A_9 = arith.constant 448 : i32
      %mul3A_10 = arith.muli %scan3A_6, %mul3A_9 : i32
      %add3A_11 = arith.addi %mul3A_8, %mul3A_10 : i32
      "tpu.region"() ({
        %run_scoped3A = tpu.sem_alloc : memref<!tpu.dma_semaphore, #tpu.memory_space<semaphore_mem>>
        %dma_start3A = tpu.memref_slice %arg2[%add3A_11] : memref<100352xi32, #tpu.memory_space<hbm>> -> memref<448xi32, #tpu.memory_space<hbm>>
        %dma_start3A_18 = tpu.memref_slice %arg2[%add3A_11] : memref<100352xi32, #tpu.memory_space<hbm>> -> memref<448xi32, #tpu.memory_space<hbm>>
        tpu.enqueue_dma source(%dma_start3A_18 : memref<448xi32, #tpu.memory_space<hbm>>) target(%arg8 : memref<448xi32, #tpu.memory_space<vmem>>) target_semaphore(%run_scoped3A : memref<!tpu.dma_semaphore, #tpu.memory_space<semaphore_mem>>)
        %dma_wait3A = tpu.memref_slice %arg2[%add3A_11] : memref<100352xi32, #tpu.memory_space<hbm>> -> memref<448xi32, #tpu.memory_space<hbm>>
        %dma_wait3A_19 = tpu.memref_slice %arg2[%add3A_11] : memref<100352xi32, #tpu.memory_space<hbm>> -> memref<448xi32, #tpu.memory_space<hbm>>
        tpu.wait_dma2 semaphore(%run_scoped3A : memref<!tpu.dma_semaphore, #tpu.memory_space<semaphore_mem>>) src(%dma_wait3A_19 : memref<448xi32, #tpu.memory_space<hbm>>) dst(%arg8 : memref<448xi32, #tpu.memory_space<vmem>>)
        tpu.yield
      }) : () -> ()
      "tpu.region"() ({
        %run_scoped3A = tpu.sem_alloc : memref<!tpu.dma_semaphore, #tpu.memory_space<semaphore_mem>>
        %dma_start3A = arith.constant 0 : i32
        %dma_start3A_18 = tpu.memref_slice %arg5[%add3A_11, %dma_start3A] : memref<100352x64xf32, #tpu.memory_space<hbm>> -> memref<448x64xf32, #tpu.memory_space<hbm>>
        %dma_start3A_19 = arith.constant 0 : i32
        %dma_start3A_20 = tpu.memref_slice %arg5[%add3A_11, %dma_start3A_19] : memref<100352x64xf32, #tpu.memory_space<hbm>> -> memref<448x64xf32, #tpu.memory_space<hbm>>
        tpu.enqueue_dma source(%dma_start3A_20 : memref<448x64xf32, #tpu.memory_space<hbm>>) target(%arg11 : memref<448x64xf32, #tpu.memory_space<vmem>>) target_semaphore(%run_scoped3A : memref<!tpu.dma_semaphore, #tpu.memory_space<semaphore_mem>>)
        %dma_wait3A = arith.constant 0 : i32
        %dma_wait3A_21 = tpu.memref_slice %arg5[%add3A_11, %dma_wait3A] : memref<100352x64xf32, #tpu.memory_space<hbm>> -> memref<448x64xf32, #tpu.memory_space<hbm>>
        %dma_wait3A_22 = arith.constant 0 : i32
        %dma_wait3A_23 = tpu.memref_slice %arg5[%add3A_11, %dma_wait3A_22] : memref<100352x64xf32, #tpu.memory_space<hbm>> -> memref<448x64xf32, #tpu.memory_space<hbm>>
        tpu.wait_dma2 semaphore(%run_scoped3A : memref<!tpu.dma_semaphore, #tpu.memory_space<semaphore_mem>>) src(%dma_wait3A_23 : memref<448x64xf32, #tpu.memory_space<hbm>>) dst(%arg11 : memref<448x64xf32, #tpu.memory_space<vmem>>)
        tpu.yield
      }) : () -> ()
      %scan3A_12 = arith.constant 0 : i32
      %scan3A_13 = arith.constant 0 : i32
      %scan3A_14 = arith.constant 3 : i32
      %scan3A_15 = arith.addi %scan3A_13, %scan3A_14 : i32
      %scan3A_16 = arith.constant 1 : i32
      scf.for %scan3A_18 = %scan3A_13 to %scan3A_15 step %scan3A_16  : i32 {
        %scan3A_19 = arith.constant 0 : i32
        %scan3A_20 = arith.constant 0 : i32
        %scan3A_21 = arith.constant 252 : i32
        %scan3A_22 = arith.addi %scan3A_20, %scan3A_21 : i32
        %scan3A_23 = arith.constant 1 : i32
        scf.for %scan3A_39 = %scan3A_20 to %scan3A_22 step %scan3A_23  : i32 {
          %mul3A_40 = arith.constant 9 : i32
          %mul3A_41 = arith.muli %scan3A_18, %mul3A_40 : i32
          %div3A = arith.constant 28 : i32
          %div3A_42 = arith.divsi %scan3A_39, %div3A : i32
          %add3A_43 = arith.addi %mul3A_41, %div3A_42 : i32
          %rem3A = arith.constant 28 : i32
          %rem3A_44 = arith.remsi %scan3A_39, %rem3A : i32
          %mul3A_45 = arith.constant 16 : i32
          %mul3A_46 = arith.muli %rem3A_44, %mul3A_45 : i32
          %rem3A_47 = arith.constant 3 : i32
          %rem3A_48 = arith.remsi %add3A_43, %rem3A_47 : i32
          %sub3A = arith.constant 1 : i32
          %sub3A_49 = arith.subi %rem3A_48, %sub3A : i32
          %div3A_50 = arith.constant 3 : i32
          %div3A_51 = arith.divsi %add3A_43, %div3A_50 : i32
          %rem3A_52 = arith.constant 3 : i32
          %rem3A_53 = arith.remsi %div3A_51, %rem3A_52 : i32
          %sub3A_54 = arith.constant 1 : i32
          %sub3A_55 = arith.subi %rem3A_53, %sub3A_54 : i32
          %div3A_56 = arith.constant 9 : i32
          %div3A_57 = arith.divsi %add3A_43, %div3A_56 : i32
          %sub3A_58 = arith.constant 1 : i32
          %sub3A_59 = arith.subi %div3A_57, %sub3A_58 : i32
          %mul3A_60 = arith.constant 4356 : i32
          %mul3A_61 = arith.muli %sub3A_49, %mul3A_60 : i32
          %mul3A_62 = arith.constant 66 : i32
          %mul3A_63 = arith.muli %sub3A_55, %mul3A_62 : i32
          %add3A_64 = arith.addi %mul3A_61, %mul3A_63 : i32
          %add3A_65 = arith.addi %add3A_64, %sub3A_59 : i32
          %get3A = arith.index_cast %mul3A_46 : i32 to index
          %get3A_66 = tpu.vector_load %arg8[%get3A] {strides = array<i32>} : memref<448xi32, #tpu.memory_space<vmem>>, vector<16xi32>,
          %get3A_67 = vector.shape_cast %get3A_66 : vector<16xi32> to vector<16xi32>
          %add3A_68 = vector.broadcast %add3A_65 : i32 to vector<16xi32>
          %add3A_69 = arith.addi %get3A_67, %add3A_68 : vector<16xi32>
          %mul3A_70 = arith.constant 16 : i32
          %mul3A_71 = arith.muli %scan3A_39, %mul3A_70 : i32
          %swap3A = arith.index_cast %mul3A_71 : i32 to index
          %swap3A_72 = tpu.vector_load %arg9[%swap3A] {strides = array<i32>} : memref<4032xi32, #tpu.memory_space<vmem>>, vector<16xi32>,
          %swap3A_73 = vector.shape_cast %swap3A_72 : vector<16xi32> to vector<16xi32>
          %swap3A_74 = vector.shape_cast %add3A_69 : vector<16xi32> to vector<16xi32>
          tpu.vector_store %arg9[%swap3A], %swap3A_74 {strides = array<i32>} : memref<4032xi32, #tpu.memory_space<vmem>>, vector<16xi32>,
        }
        %scan3A_24 = arith.constant 252 : i32
        %dma_start3A = arith.constant 0 : i32
        %dma_start3A_25 = tpu.memref_slice %arg3[%dma_start3A] : memref<18602144xi32, #tpu.memory_space<hbm>> -> memref<18602144xi32, #tpu.memory_space<hbm>>
        tpu.enqueue_indirect_dma source(%dma_start3A_25 : memref<18602144xi32, #tpu.memory_space<hbm>>) target(%arg10 : memref<4032xi32, #tpu.memory_space<vmem>>) offsets(%arg9 : memref<4032xi32, #tpu.memory_space<vmem>>) semaphore(%arg13 : memref<!tpu.dma_semaphore, #tpu.memory_space<semaphore_mem>>)
        %dma_wait3A = arith.constant 0 : i32
        %dma_wait3A_26 = tpu.memref_slice %arg3[%dma_wait3A] : memref<18602144xi32, #tpu.memory_space<hbm>> -> memref<18602144xi32, #tpu.memory_space<hbm>>
        tpu.wait_indirect_dma semaphore(%arg13 : memref<!tpu.dma_semaphore, #tpu.memory_space<semaphore_mem>>) src(%dma_wait3A_26 : memref<18602144xi32, #tpu.memory_space<hbm>>) dst(%arg10 : memref<4032xi32, #tpu.memory_space<vmem>>)
        %scan3A_27 = arith.constant 0 : i32
        %scan3A_28 = arith.constant 0 : i32
        %scan3A_29 = arith.constant 252 : i32
        %scan3A_30 = arith.addi %scan3A_28, %scan3A_29 : i32
        %scan3A_31 = arith.constant 1 : i32
        scf.for %scan3A_39 = %scan3A_28 to %scan3A_30 step %scan3A_31  : i32 {
          %mul3A_40 = arith.constant 9 : i32
          %mul3A_41 = arith.muli %scan3A_18, %mul3A_40 : i32
          %div3A = arith.constant 28 : i32
          %div3A_42 = arith.divsi %scan3A_39, %div3A : i32
          %add3A_43 = arith.addi %mul3A_41, %div3A_42 : i32
          %mul3A_44 = arith.constant 16 : i32
          %mul3A_45 = arith.muli %scan3A_39, %mul3A_44 : i32
          %get3A = arith.index_cast %mul3A_45 : i32 to index
          %get3A_46 = tpu.vector_load %arg10[%get3A] {strides = array<i32>} : memref<4032xi32, #tpu.memory_space<vmem>>, vector<16xi32>,
          %get3A_47 = vector.shape_cast %get3A_46 : vector<16xi32> to vector<16xi32>
          %mul3A_48 = arith.constant 448 : i32
          %mul3A_49 = arith.muli %scan3A_6, %mul3A_48 : i32
          %mul3A_50 = arith.constant 16 : i32
          %mul3A_51 = arith.muli %scan3A_39, %mul3A_50 : i32
          %add3A_52 = arith.addi %mul3A_49, %mul3A_51 : i32
          %add3A_53 = vector.broadcast %add3A_52 : i32 to vector<16xi32>
          %add3A_54 = arith.addi %add3A_53, %iota3A : vector<16xi32>
          %mul3A_55 = arith.constant 977 : i32
          %mul3A_56 = arith.muli %add3A_43, %mul3A_55 : i32
          %add3A_57 = vector.broadcast %mul3A_56 : i32 to vector<16xi32>
          %add3A_58 = arith.addi %add3A_54, %add3A_57 : vector<16xi32>
          %mul3A_59 = arith.constant 139 : i32
          %mul3A_60 = arith.muli %add3A, %mul3A_59 : i32
          %add3A_61 = vector.broadcast %mul3A_60 : i32 to vector<16xi32>
          %add3A_62 = arith.addi %add3A_58, %add3A_61 : vector<16xi32>
          %rem3A = arith.constant 4448 : i32
          %rem3A_63 = vector.broadcast %rem3A : i32 to vector<16xi32>
          %rem3A_64 = arith.remsi %add3A_62, %rem3A_63 : vector<16xi32>
          %add3A_65 = arith.constant 100000 : i32
          %add3A_66 = vector.broadcast %add3A_65 : i32 to vector<16xi32>
          %add3A_67 = arith.addi %add3A_66, %rem3A_64 : vector<16xi32>
          %lt3A = arith.constant 100000 : i32
          %lt3A_68 = vector.broadcast %lt3A : i32 to vector<16xi32>
          %lt3A_69 = arith.cmpi slt, %get3A_47, %lt3A_68 : vector<16xi32>
          %mul3A_70 = arith.constant 104448 : i32
          %mul3A_71 = arith.muli %add3A_43, %mul3A_70 : i32
          %add3A_72 = vector.broadcast %mul3A_71 : i32 to vector<16xi32>
          %add3A_73 = arith.addi %add3A_72, %get3A_47 : vector<16xi32>
          %mul3A_74 = arith.constant 104448 : i32
          %mul3A_75 = arith.muli %add3A_43, %mul3A_74 : i32
          %add3A_76 = vector.broadcast %mul3A_75 : i32 to vector<16xi32>
          %add3A_77 = arith.addi %add3A_76, %add3A_67 : vector<16xi32>
          %select_n3A = arith.select %lt3A_69, %add3A_73, %add3A_77 : vector<16xi1>, vector<16xi32>
          %mul3A_78 = arith.constant 16 : i32
          %mul3A_79 = arith.muli %scan3A_39, %mul3A_78 : i32
          %swap3A = arith.index_cast %mul3A_79 : i32 to index
          %swap3A_80 = tpu.vector_load %arg9[%swap3A] {strides = array<i32>} : memref<4032xi32, #tpu.memory_space<vmem>>, vector<16xi32>,
          %swap3A_81 = vector.shape_cast %swap3A_80 : vector<16xi32> to vector<16xi32>
          %swap3A_82 = vector.shape_cast %select_n3A : vector<16xi32> to vector<16xi32>
          tpu.vector_store %arg9[%swap3A], %swap3A_82 {strides = array<i32>} : memref<4032xi32, #tpu.memory_space<vmem>>, vector<16xi32>,
        }
        %scan3A_32 = arith.constant 252 : i32
        %scan3A_33 = arith.constant 0 : i32
        %scan3A_34 = arith.constant 0 : i32
        %scan3A_35 = arith.constant 9 : i32
        %scan3A_36 = arith.addi %scan3A_34, %scan3A_35 : i32
        %scan3A_37 = arith.constant 1 : i32
        scf.for %scan3A_39 = %scan3A_34 to %scan3A_36 step %scan3A_37  : i32 {
          %mul3A_40 = arith.constant 448 : i32
          %mul3A_41 = arith.muli %scan3A_39, %mul3A_40 : i32
          %dma_start3A_42 = tpu.memref_slice %arg9[%mul3A_41] : memref<4032xi32, #tpu.memory_space<vmem>> -> memref<448xi32, #tpu.memory_space<vmem>>
          %dma_start3A_43 = arith.constant 0 : i32
          %dma_start3A_44 = arith.constant 0 : i32
          %dma_start3A_45 = tpu.memref_slice %arg4[%dma_start3A_43, %dma_start3A_44] : memref<2820096x128xf32, #tpu.memory_space<hbm>> -> memref<2820096x128xf32, #tpu.memory_space<hbm>>
          tpu.enqueue_indirect_dma source(%dma_start3A_45 : memref<2820096x128xf32, #tpu.memory_space<hbm>>) target(%arg12 : memref<448x128xf32, #tpu.memory_space<vmem>>) offsets(%dma_start3A_42 : memref<448xi32, #tpu.memory_space<vmem>>) semaphore(%arg13 : memref<!tpu.dma_semaphore, #tpu.memory_space<semaphore_mem>>)
          %dma_wait3A_46 = tpu.memref_slice %arg9[%mul3A_41] : memref<4032xi32, #tpu.memory_space<vmem>> -> memref<448xi32, #tpu.memory_space<vmem>>
          %dma_wait3A_47 = arith.constant 0 : i32
          %dma_wait3A_48 = arith.constant 0 : i32
          %dma_wait3A_49 = tpu.memref_slice %arg4[%dma_wait3A_47, %dma_wait3A_48] : memref<2820096x128xf32, #tpu.memory_space<hbm>> -> memref<2820096x128xf32, #tpu.memory_space<hbm>>
          tpu.wait_indirect_dma semaphore(%arg13 : memref<!tpu.dma_semaphore, #tpu.memory_space<semaphore_mem>>) src(%dma_wait3A_49 : memref<2820096x128xf32, #tpu.memory_space<hbm>>) dst(%arg12 : memref<448x128xf32, #tpu.memory_space<vmem>>)
          %scan3A_50 = arith.constant 0 : i32
          %scan3A_51 = arith.constant 0 : i32
          %scan3A_52 = arith.constant 28 : i32
          %scan3A_53 = arith.addi %scan3A_51, %scan3A_52 : i32
          %scan3A_54 = arith.constant 1 : i32
          scf.for %scan3A_56 = %scan3A_51 to %scan3A_53 step %scan3A_54  : i32 {
            %mul3A_57 = arith.constant 16 : i32
            %mul3A_58 = arith.muli %scan3A_56, %mul3A_57 : i32
            %add3A_59 = arith.constant 0 : i32
            %add3A_60 = arith.addi %mul3A_58, %add3A_59 : i32
            %add3A_61 = arith.constant 0 : i32
            %add3A_62 = arith.addi %mul3A_58, %add3A_61 : i32
            %get3A = arith.index_cast %add3A_62 : i32 to index
            %get3A_63 = arith.constant 0 : index
            %get3A_64 = tpu.vector_load %arg12[%get3A, %get3A_63] {strides = array<i32>} : memref<448x128xf32, #tpu.memory_space<vmem>>, vector<1x16xf32>,
            %get3A_65 = vector.shape_cast %get3A_64 : vector<1x16xf32> to vector<16xf32>
            %swap3A = arith.index_cast %add3A_60 : i32 to index
            %swap3A_66 = arith.constant 0 : index
            %swap3A_67 = tpu.vector_load %arg11[%swap3A, %swap3A_66] {strides = array<i32>} : memref<448x64xf32, #tpu.memory_space<vmem>>, vector<1x16xf32>,
            %swap3A_68 = vector.shape_cast %swap3A_67 : vector<1x16xf32> to vector<16xf32>
            %swap3A_69 = vector.shape_cast %get3A_65 : vector<16xf32> to vector<1x16xf32>
            tpu.vector_store %arg11[%swap3A, %swap3A_66], %swap3A_69 {add = true, strides = array<i32>} : memref<448x64xf32, #tpu.memory_space<vmem>>, vector<1x16xf32>,
            %add3A_70 = arith.constant 0 : i32
            %add3A_71 = arith.addi %mul3A_58, %add3A_70 : i32
            %add3A_72 = arith.constant 0 : i32
            %add3A_73 = arith.addi %mul3A_58, %add3A_72 : i32
            %get3A_74 = arith.index_cast %add3A_73 : i32 to index
            %get3A_75 = arith.constant 16 : index
            %get3A_76 = tpu.vector_load %arg12[%get3A_74, %get3A_75] {strides = array<i32>} : memref<448x128xf32, #tpu.memory_space<vmem>>, vector<1x16xf32>,
            %get3A_77 = vector.shape_cast %get3A_76 : vector<1x16xf32> to vector<16xf32>
            %swap3A_78 = arith.index_cast %add3A_71 : i32 to index
            %swap3A_79 = arith.constant 16 : index
            %swap3A_80 = tpu.vector_load %arg11[%swap3A_78, %swap3A_79] {strides = array<i32>} : memref<448x64xf32, #tpu.memory_space<vmem>>, vector<1x16xf32>,
            %swap3A_81 = vector.shape_cast %swap3A_80 : vector<1x16xf32> to vector<16xf32>
            %swap3A_82 = vector.shape_cast %get3A_77 : vector<16xf32> to vector<1x16xf32>
            tpu.vector_store %arg11[%swap3A_78, %swap3A_79], %swap3A_82 {add = true, strides = array<i32>} : memref<448x64xf32, #tpu.memory_space<vmem>>, vector<1x16xf32>,
            %add3A_83 = arith.constant 0 : i32
            %add3A_84 = arith.addi %mul3A_58, %add3A_83 : i32
            %add3A_85 = arith.constant 0 : i32
            %add3A_86 = arith.addi %mul3A_58, %add3A_85 : i32
            %get3A_87 = arith.index_cast %add3A_86 : i32 to index
            %get3A_88 = arith.constant 32 : index
            %get3A_89 = tpu.vector_load %arg12[%get3A_87, %get3A_88] {strides = array<i32>} : memref<448x128xf32, #tpu.memory_space<vmem>>, vector<1x16xf32>,
            %get3A_90 = vector.shape_cast %get3A_89 : vector<1x16xf32> to vector<16xf32>
            %swap3A_91 = arith.index_cast %add3A_84 : i32 to index
            %swap3A_92 = arith.constant 32 : index
            %swap3A_93 = tpu.vector_load %arg11[%swap3A_91, %swap3A_92] {strides = array<i32>} : memref<448x64xf32, #tpu.memory_space<vmem>>, vector<1x16xf32>,
            %swap3A_94 = vector.shape_cast %swap3A_93 : vector<1x16xf32> to vector<16xf32>
            %swap3A_95 = vector.shape_cast %get3A_90 : vector<16xf32> to vector<1x16xf32>
            tpu.vector_store %arg11[%swap3A_91, %swap3A_92], %swap3A_95 {add = true, strides = array<i32>} : memref<448x64xf32, #tpu.memory_space<vmem>>, vector<1x16xf32>,
            %add3A_96 = arith.constant 0 : i32
            %add3A_97 = arith.addi %mul3A_58, %add3A_96 : i32
            %add3A_98 = arith.constant 0 : i32
            %add3A_99 = arith.addi %mul3A_58, %add3A_98 : i32
            %get3A_100 = arith.index_cast %add3A_99 : i32 to index
            %get3A_101 = arith.constant 48 : index
            %get3A_102 = tpu.vector_load %arg12[%get3A_100, %get3A_101] {strides = array<i32>} : memref<448x128xf32, #tpu.memory_space<vmem>>, vector<1x16xf32>,
            %get3A_103 = vector.shape_cast %get3A_102 : vector<1x16xf32> to vector<16xf32>
            %swap3A_104 = arith.index_cast %add3A_97 : i32 to index
            %swap3A_105 = arith.constant 48 : index
            %swap3A_106 = tpu.vector_load %arg11[%swap3A_104, %swap3A_105] {strides = array<i32>} : memref<448x64xf32, #tpu.memory_space<vmem>>, vector<1x16xf32>,
            %swap3A_107 = vector.shape_cast %swap3A_106 : vector<1x16xf32> to vector<16xf32>
            %swap3A_108 = vector.shape_cast %get3A_103 : vector<16xf32> to vector<1x16xf32>
            tpu.vector_store %arg11[%swap3A_104, %swap3A_105], %swap3A_108 {add = true, strides = array<i32>} : memref<448x64xf32, #tpu.memory_space<vmem>>, vector<1x16xf32>,
            %add3A_109 = arith.constant 1 : i32
            %add3A_110 = arith.addi %mul3A_58, %add3A_109 : i32
            %add3A_111 = arith.constant 1 : i32
            %add3A_112 = arith.addi %mul3A_58, %add3A_111 : i32
            %get3A_113 = arith.index_cast %add3A_112 : i32 to index
            %get3A_114 = arith.constant 0 : index
            %get3A_115 = tpu.vector_load %arg12[%get3A_113, %get3A_114] {strides = array<i32>} : memref<448x128xf32, #tpu.memory_space<vmem>>, vector<1x16xf32>,
            %get3A_116 = vector.shape_cast %get3A_115 : vector<1x16xf32> to vector<16xf32>
            %swap3A_117 = arith.index_cast %add3A_110 : i32 to index
            %swap3A_118 = arith.constant 0 : index
            %swap3A_119 = tpu.vector_load %arg11[%swap3A_117, %swap3A_118] {strides = array<i32>} : memref<448x64xf32, #tpu.memory_space<vmem>>, vector<1x16xf32>,
            %swap3A_120 = vector.shape_cast %swap3A_119 : vector<1x16xf32> to vector<16xf32>
            %swap3A_121 = vector.shape_cast %get3A_116 : vector<16xf32> to vector<1x16xf32>
            tpu.vector_store %arg11[%swap3A_117, %swap3A_118], %swap3A_121 {add = true, strides = array<i32>} : memref<448x64xf32, #tpu.memory_space<vmem>>, vector<1x16xf32>,
            %add3A_122 = arith.constant 1 : i32
            %add3A_123 = arith.addi %mul3A_58, %add3A_122 : i32
            %add3A_124 = arith.constant 1 : i32
            %add3A_125 = arith.addi %mul3A_58, %add3A_124 : i32
            %get3A_126 = arith.index_cast %add3A_125 : i32 to index
            %get3A_127 = arith.constant 16 : index
            %get3A_128 = tpu.vector_load %arg12[%get3A_126, %get3A_127] {strides = array<i32>} : memref<448x128xf32, #tpu.memory_space<vmem>>, vector<1x16xf32>,
            %get3A_129 = vector.shape_cast %get3A_128 : vector<1x16xf32> to vector<16xf32>
            %swap3A_130 = arith.index_cast %add3A_123 : i32 to index
            %swap3A_131 = arith.constant 16 : index
            %swap3A_132 = tpu.vector_load %arg11[%swap3A_130, %swap3A_131] {strides = array<i32>} : memref<448x64xf32, #tpu.memory_space<vmem>>, vector<1x16xf32>,
            %swap3A_133 = vector.shape_cast %swap3A_132 : vector<1x16xf32> to vector<16xf32>
            %swap3A_134 = vector.shape_cast %get3A_129 : vector<16xf32> to vector<1x16xf32>
            tpu.vector_store %arg11[%swap3A_130, %swap3A_131], %swap3A_134 {add = true, strides = array<i32>} : memref<448x64xf32, #tpu.memory_space<vmem>>, vector<1x16xf32>,
            %add3A_135 = arith.constant 1 : i32
            %add3A_136 = arith.addi %mul3A_58, %add3A_135 : i32
            %add3A_137 = arith.constant 1 : i32
            %add3A_138 = arith.addi %mul3A_58, %add3A_137 : i32
            %get3A_139 = arith.index_cast %add3A_138 : i32 to index
            %get3A_140 = arith.constant 32 : index
            %get3A_141 = tpu.vector_load %arg12[%get3A_139, %get3A_140] {strides = array<i32>} : memref<448x128xf32, #tpu.memory_space<vmem>>, vector<1x16xf32>,
            %get3A_142 = vector.shape_cast %get3A_141 : vector<1x16xf32> to vector<16xf32>
            %swap3A_143 = arith.index_cast %add3A_136 : i32 to index
            %swap3A_144 = arith.constant 32 : index
            %swap3A_145 = tpu.vector_load %arg11[%swap3A_143, %swap3A_144] {strides = array<i32>} : memref<448x64xf32, #tpu.memory_space<vmem>>, vector<1x16xf32>,
            %swap3A_146 = vector.shape_cast %swap3A_145 : vector<1x16xf32> to vector<16xf32>
            %swap3A_147 = vector.shape_cast %get3A_142 : vector<16xf32> to vector<1x16xf32>
            tpu.vector_store %arg11[%swap3A_143, %swap3A_144], %swap3A_147 {add = true, strides = array<i32>} : memref<448x64xf32, #tpu.memory_space<vmem>>, vector<1x16xf32>,
            %add3A_148 = arith.constant 1 : i32
            %add3A_149 = arith.addi %mul3A_58, %add3A_148 : i32
            %add3A_150 = arith.constant 1 : i32
            %add3A_151 = arith.addi %mul3A_58, %add3A_150 : i32
            %get3A_152 = arith.index_cast %add3A_151 : i32 to index
            %get3A_153 = arith.constant 48 : index
            %get3A_154 = tpu.vector_load %arg12[%get3A_152, %get3A_153] {strides = array<i32>} : memref<448x128xf32, #tpu.memory_space<vmem>>, vector<1x16xf32>,
            %get3A_155 = vector.shape_cast %get3A_154 : vector<1x16xf32> to vector<16xf32>
            %swap3A_156 = arith.index_cast %add3A_149 : i32 to index
            %swap3A_157 = arith.constant 48 : index
            %swap3A_158 = tpu.vector_load %arg11[%swap3A_156, %swap3A_157] {strides = array<i32>} : memref<448x64xf32, #tpu.memory_space<vmem>>, vector<1x16xf32>,
            %swap3A_159 = vector.shape_cast %swap3A_158 : vector<1x16xf32> to vector<16xf32>
            %swap3A_160 = vector.shape_cast %get3A_155 : vector<16xf32> to vector<1x16xf32>
            tpu.vector_store %arg11[%swap3A_156, %swap3A_157], %swap3A_160 {add = true, strides = array<i32>} : memref<448x64xf32, #tpu.memory_space<vmem>>, vector<1x16xf32>,
            %add3A_161 = arith.constant 2 : i32
            %add3A_162 = arith.addi %mul3A_58, %add3A_161 : i32
            %add3A_163 = arith.constant 2 : i32
            %add3A_164 = arith.addi %mul3A_58, %add3A_163 : i32
            %get3A_165 = arith.index_cast %add3A_164 : i32 to index
            %get3A_166 = arith.constant 0 : index
            %get3A_167 = tpu.vector_load %arg12[%get3A_165, %get3A_166] {strides = array<i32>} : memref<448x128xf32, #tpu.memory_space<vmem>>, vector<1x16xf32>,
            %get3A_168 = vector.shape_cast %get3A_167 : vector<1x16xf32> to vector<16xf32>
            %swap3A_169 = arith.index_cast %add3A_162 : i32 to index
            %swap3A_170 = arith.constant 0 : index
            %swap3A_171 = tpu.vector_load %arg11[%swap3A_169, %swap3A_170] {strides = array<i32>} : memref<448x64xf32, #tpu.memory_space<vmem>>, vector<1x16xf32>,
            %swap3A_172 = vector.shape_cast %swap3A_171 : vector<1x16xf32> to vector<16xf32>
            %swap3A_173 = vector.shape_cast %get3A_168 : vector<16xf32> to vector<1x16xf32>
            tpu.vector_store %arg11[%swap3A_169, %swap3A_170], %swap3A_173 {add = true, strides = array<i32>} : memref<448x64xf32, #tpu.memory_space<vmem>>, vector<1x16xf32>,
            %add3A_174 = arith.constant 2 : i32
            %add3A_175 = arith.addi %mul3A_58, %add3A_174 : i32
            %add3A_176 = arith.constant 2 : i32
            %add3A_177 = arith.addi %mul3A_58, %add3A_176 : i32
            %get3A_178 = arith.index_cast %add3A_177 : i32 to index
            %get3A_179 = arith.constant 16 : index
            %get3A_180 = tpu.vector_load %arg12[%get3A_178, %get3A_179] {strides = array<i32>} : memref<448x128xf32, #tpu.memory_space<vmem>>, vector<1x16xf32>,
            %get3A_181 = vector.shape_cast %get3A_180 : vector<1x16xf32> to vector<16xf32>
            %swap3A_182 = arith.index_cast %add3A_175 : i32 to index
            %swap3A_183 = arith.constant 16 : index
            %swap3A_184 = tpu.vector_load %arg11[%swap3A_182, %swap3A_183] {strides = array<i32>} : memref<448x64xf32, #tpu.memory_space<vmem>>, vector<1x16xf32>,
            %swap3A_185 = vector.shape_cast %swap3A_184 : vector<1x16xf32> to vector<16xf32>
            %swap3A_186 = vector.shape_cast %get3A_181 : vector<16xf32> to vector<1x16xf32>
            tpu.vector_store %arg11[%swap3A_182, %swap3A_183], %swap3A_186 {add = true, strides = array<i32>} : memref<448x64xf32, #tpu.memory_space<vmem>>, vector<1x16xf32>,
            %add3A_187 = arith.constant 2 : i32
            %add3A_188 = arith.addi %mul3A_58, %add3A_187 : i32
            %add3A_189 = arith.constant 2 : i32
            %add3A_190 = arith.addi %mul3A_58, %add3A_189 : i32
            %get3A_191 = arith.index_cast %add3A_190 : i32 to index
            %get3A_192 = arith.constant 32 : index
            %get3A_193 = tpu.vector_load %arg12[%get3A_191, %get3A_192] {strides = array<i32>} : memref<448x128xf32, #tpu.memory_space<vmem>>, vector<1x16xf32>,
            %get3A_194 = vector.shape_cast %get3A_193 : vector<1x16xf32> to vector<16xf32>
            %swap3A_195 = arith.index_cast %add3A_188 : i32 to index
            %swap3A_196 = arith.constant 32 : index
            %swap3A_197 = tpu.vector_load %arg11[%swap3A_195, %swap3A_196] {strides = array<i32>} : memref<448x64xf32, #tpu.memory_space<vmem>>, vector<1x16xf32>,
            %swap3A_198 = vector.shape_cast %swap3A_197 : vector<1x16xf32> to vector<16xf32>
            %swap3A_199 = vector.shape_cast %get3A_194 : vector<16xf32> to vector<1x16xf32>
            tpu.vector_store %arg11[%swap3A_195, %swap3A_196], %swap3A_199 {add = true, strides = array<i32>} : memref<448x64xf32, #tpu.memory_space<vmem>>, vector<1x16xf32>,
            %add3A_200 = arith.constant 2 : i32
            %add3A_201 = arith.addi %mul3A_58, %add3A_200 : i32
            %add3A_202 = arith.constant 2 : i32
            %add3A_203 = arith.addi %mul3A_58, %add3A_202 : i32
            %get3A_204 = arith.index_cast %add3A_203 : i32 to index
            %get3A_205 = arith.constant 48 : index
            %get3A_206 = tpu.vector_load %arg12[%get3A_204, %get3A_205] {strides = array<i32>} : memref<448x128xf32, #tpu.memory_space<vmem>>, vector<1x16xf32>,
            %get3A_207 = vector.shape_cast %get3A_206 : vector<1x16xf32> to vector<16xf32>
            %swap3A_208 = arith.index_cast %add3A_201 : i32 to index
            %swap3A_209 = arith.constant 48 : index
            %swap3A_210 = tpu.vector_load %arg11[%swap3A_208, %swap3A_209] {strides = array<i32>} : memref<448x64xf32, #tpu.memory_space<vmem>>, vector<1x16xf32>,
            %swap3A_211 = vector.shape_cast %swap3A_210 : vector<1x16xf32> to vector<16xf32>
            %swap3A_212 = vector.shape_cast %get3A_207 : vector<16xf32> to vector<1x16xf32>
            tpu.vector_store %arg11[%swap3A_208, %swap3A_209], %swap3A_212 {add = true, strides = array<i32>} : memref<448x64xf32, #tpu.memory_space<vmem>>, vector<1x16xf32>,
            %add3A_213 = arith.constant 3 : i32
            %add3A_214 = arith.addi %mul3A_58, %add3A_213 : i32
            %add3A_215 = arith.constant 3 : i32
            %add3A_216 = arith.addi %mul3A_58, %add3A_215 : i32
            %get3A_217 = arith.index_cast %add3A_216 : i32 to index
            %get3A_218 = arith.constant 0 : index
            %get3A_219 = tpu.vector_load %arg12[%get3A_217, %get3A_218] {strides = array<i32>} : memref<448x128xf32, #tpu.memory_space<vmem>>, vector<1x16xf32>,
            %get3A_220 = vector.shape_cast %get3A_219 : vector<1x16xf32> to vector<16xf32>
            %swap3A_221 = arith.index_cast %add3A_214 : i32 to index
            %swap3A_222 = arith.constant 0 : index
            %swap3A_223 = tpu.vector_load %arg11[%swap3A_221, %swap3A_222] {strides = array<i32>} : memref<448x64xf32, #tpu.memory_space<vmem>>, vector<1x16xf32>,
            %swap3A_224 = vector.shape_cast %swap3A_223 : vector<1x16xf32> to vector<16xf32>
            %swap3A_225 = vector.shape_cast %get3A_220 : vector<16xf32> to vector<1x16xf32>
            tpu.vector_store %arg11[%swap3A_221, %swap3A_222], %swap3A_225 {add = true, strides = array<i32>} : memref<448x64xf32, #tpu.memory_space<vmem>>, vector<1x16xf32>,
            %add3A_226 = arith.constant 3 : i32
            %add3A_227 = arith.addi %mul3A_58, %add3A_226 : i32
            %add3A_228 = arith.constant 3 : i32
            %add3A_229 = arith.addi %mul3A_58, %add3A_228 : i32
            %get3A_230 = arith.index_cast %add3A_229 : i32 to index
            %get3A_231 = arith.constant 16 : index
            %get3A_232 = tpu.vector_load %arg12[%get3A_230, %get3A_231] {strides = array<i32>} : memref<448x128xf32, #tpu.memory_space<vmem>>, vector<1x16xf32>,
            %get3A_233 = vector.shape_cast %get3A_232 : vector<1x16xf32> to vector<16xf32>
            %swap3A_234 = arith.index_cast %add3A_227 : i32 to index
            %swap3A_235 = arith.constant 16 : index
            %swap3A_236 = tpu.vector_load %arg11[%swap3A_234, %swap3A_235] {strides = array<i32>} : memref<448x64xf32, #tpu.memory_space<vmem>>, vector<1x16xf32>,
            %swap3A_237 = vector.shape_cast %swap3A_236 : vector<1x16xf32> to vector<16xf32>
            %swap3A_238 = vector.shape_cast %get3A_233 : vector<16xf32> to vector<1x16xf32>
            tpu.vector_store %arg11[%swap3A_234, %swap3A_235], %swap3A_238 {add = true, strides = array<i32>} : memref<448x64xf32, #tpu.memory_space<vmem>>, vector<1x16xf32>,
            %add3A_239 = arith.constant 3 : i32
            %add3A_240 = arith.addi %mul3A_58, %add3A_239 : i32
            %add3A_241 = arith.constant 3 : i32
            %add3A_242 = arith.addi %mul3A_58, %add3A_241 : i32
            %get3A_243 = arith.index_cast %add3A_242 : i32 to index
            %get3A_244 = arith.constant 32 : index
            %get3A_245 = tpu.vector_load %arg12[%get3A_243, %get3A_244] {strides = array<i32>} : memref<448x128xf32, #tpu.memory_space<vmem>>, vector<1x16xf32>,
            %get3A_246 = vector.shape_cast %get3A_245 : vector<1x16xf32> to vector<16xf32>
            %swap3A_247 = arith.index_cast %add3A_240 : i32 to index
            %swap3A_248 = arith.constant 32 : index
            %swap3A_249 = tpu.vector_load %arg11[%swap3A_247, %swap3A_248] {strides = array<i32>} : memref<448x64xf32, #tpu.memory_space<vmem>>, vector<1x16xf32>,
            %swap3A_250 = vector.shape_cast %swap3A_249 : vector<1x16xf32> to vector<16xf32>
            %swap3A_251 = vector.shape_cast %get3A_246 : vector<16xf32> to vector<1x16xf32>
            tpu.vector_store %arg11[%swap3A_247, %swap3A_248], %swap3A_251 {add = true, strides = array<i32>} : memref<448x64xf32, #tpu.memory_space<vmem>>, vector<1x16xf32>,
            %add3A_252 = arith.constant 3 : i32
            %add3A_253 = arith.addi %mul3A_58, %add3A_252 : i32
            %add3A_254 = arith.constant 3 : i32
            %add3A_255 = arith.addi %mul3A_58, %add3A_254 : i32
            %get3A_256 = arith.index_cast %add3A_255 : i32 to index
            %get3A_257 = arith.constant 48 : index
            %get3A_258 = tpu.vector_load %arg12[%get3A_256, %get3A_257] {strides = array<i32>} : memref<448x128xf32, #tpu.memory_space<vmem>>, vector<1x16xf32>,
            %get3A_259 = vector.shape_cast %get3A_258 : vector<1x16xf32> to vector<16xf32>
            %swap3A_260 = arith.index_cast %add3A_253 : i32 to index
            %swap3A_261 = arith.constant 48 : index
            %swap3A_262 = tpu.vector_load %arg11[%swap3A_260, %swap3A_261] {strides = array<i32>} : memref<448x64xf32, #tpu.memory_space<vmem>>, vector<1x16xf32>,
            %swap3A_263 = vector.shape_cast %swap3A_262 : vector<1x16xf32> to vector<16xf32>
            %swap3A_264 = vector.shape_cast %get3A_259 : vector<16xf32> to vector<1x16xf32>
            tpu.vector_store %arg11[%swap3A_260, %swap3A_261], %swap3A_264 {add = true, strides = array<i32>} : memref<448x64xf32, #tpu.memory_space<vmem>>, vector<1x16xf32>,
            %add3A_265 = arith.constant 4 : i32
            %add3A_266 = arith.addi %mul3A_58, %add3A_265 : i32
            %add3A_267 = arith.constant 4 : i32
            %add3A_268 = arith.addi %mul3A_58, %add3A_267 : i32
            %get3A_269 = arith.index_cast %add3A_268 : i32 to index
            %get3A_270 = arith.constant 0 : index
            %get3A_271 = tpu.vector_load %arg12[%get3A_269, %get3A_270] {strides = array<i32>} : memref<448x128xf32, #tpu.memory_space<vmem>>, vector<1x16xf32>,
            %get3A_272 = vector.shape_cast %get3A_271 : vector<1x16xf32> to vector<16xf32>
            %swap3A_273 = arith.index_cast %add3A_266 : i32 to index
            %swap3A_274 = arith.constant 0 : index
            %swap3A_275 = tpu.vector_load %arg11[%swap3A_273, %swap3A_274] {strides = array<i32>} : memref<448x64xf32, #tpu.memory_space<vmem>>, vector<1x16xf32>,
            %swap3A_276 = vector.shape_cast %swap3A_275 : vector<1x16xf32> to vector<16xf32>
            %swap3A_277 = vector.shape_cast %get3A_272 : vector<16xf32> to vector<1x16xf32>
            tpu.vector_store %arg11[%swap3A_273, %swap3A_274], %swap3A_277 {add = true, strides = array<i32>} : memref<448x64xf32, #tpu.memory_space<vmem>>, vector<1x16xf32>,
            %add3A_278 = arith.constant 4 : i32
            %add3A_279 = arith.addi %mul3A_58, %add3A_278 : i32
            %add3A_280 = arith.constant 4 : i32
            %add3A_281 = arith.addi %mul3A_58, %add3A_280 : i32
            %get3A_282 = arith.index_cast %add3A_281 : i32 to index
            %get3A_283 = arith.constant 16 : index
            %get3A_284 = tpu.vector_load %arg12[%get3A_282, %get3A_283] {strides = array<i32>} : memref<448x128xf32, #tpu.memory_space<vmem>>, vector<1x16xf32>,
            %get3A_285 = vector.shape_cast %get3A_284 : vector<1x16xf32> to vector<16xf32>
            %swap3A_286 = arith.index_cast %add3A_279 : i32 to index
            %swap3A_287 = arith.constant 16 : index
            %swap3A_288 = tpu.vector_load %arg11[%swap3A_286, %swap3A_287] {strides = array<i32>} : memref<448x64xf32, #tpu.memory_space<vmem>>, vector<1x16xf32>,
            %swap3A_289 = vector.shape_cast %swap3A_288 : vector<1x16xf32> to vector<16xf32>
            %swap3A_290 = vector.shape_cast %get3A_285 : vector<16xf32> to vector<1x16xf32>
            tpu.vector_store %arg11[%swap3A_286, %swap3A_287], %swap3A_290 {add = true, strides = array<i32>} : memref<448x64xf32, #tpu.memory_space<vmem>>, vector<1x16xf32>,
            %add3A_291 = arith.constant 4 : i32
            %add3A_292 = arith.addi %mul3A_58, %add3A_291 : i32
            %add3A_293 = arith.constant 4 : i32
            %add3A_294 = arith.addi %mul3A_58, %add3A_293 : i32
            %get3A_295 = arith.index_cast %add3A_294 : i32 to index
            %get3A_296 = arith.constant 32 : index
            %get3A_297 = tpu.vector_load %arg12[%get3A_295, %get3A_296] {strides = array<i32>} : memref<448x128xf32, #tpu.memory_space<vmem>>, vector<1x16xf32>,
            %get3A_298 = vector.shape_cast %get3A_297 : vector<1x16xf32> to vector<16xf32>
            %swap3A_299 = arith.index_cast %add3A_292 : i32 to index
            %swap3A_300 = arith.constant 32 : index
            %swap3A_301 = tpu.vector_load %arg11[%swap3A_299, %swap3A_300] {strides = array<i32>} : memref<448x64xf32, #tpu.memory_space<vmem>>, vector<1x16xf32>,
            %swap3A_302 = vector.shape_cast %swap3A_301 : vector<1x16xf32> to vector<16xf32>
            %swap3A_303 = vector.shape_cast %get3A_298 : vector<16xf32> to vector<1x16xf32>
            tpu.vector_store %arg11[%swap3A_299, %swap3A_300], %swap3A_303 {add = true, strides = array<i32>} : memref<448x64xf32, #tpu.memory_space<vmem>>, vector<1x16xf32>,
            %add3A_304 = arith.constant 4 : i32
            %add3A_305 = arith.addi %mul3A_58, %add3A_304 : i32
            %add3A_306 = arith.constant 4 : i32
            %add3A_307 = arith.addi %mul3A_58, %add3A_306 : i32
            %get3A_308 = arith.index_cast %add3A_307 : i32 to index
            %get3A_309 = arith.constant 48 : index
            %get3A_310 = tpu.vector_load %arg12[%get3A_308, %get3A_309] {strides = array<i32>} : memref<448x128xf32, #tpu.memory_space<vmem>>, vector<1x16xf32>,
            %get3A_311 = vector.shape_cast %get3A_310 : vector<1x16xf32> to vector<16xf32>
            %swap3A_312 = arith.index_cast %add3A_305 : i32 to index
            %swap3A_313 = arith.constant 48 : index
            %swap3A_314 = tpu.vector_load %arg11[%swap3A_312, %swap3A_313] {strides = array<i32>} : memref<448x64xf32, #tpu.memory_space<vmem>>, vector<1x16xf32>,
            %swap3A_315 = vector.shape_cast %swap3A_314 : vector<1x16xf32> to vector<16xf32>
            %swap3A_316 = vector.shape_cast %get3A_311 : vector<16xf32> to vector<1x16xf32>
            tpu.vector_store %arg11[%swap3A_312, %swap3A_313], %swap3A_316 {add = true, strides = array<i32>} : memref<448x64xf32, #tpu.memory_space<vmem>>, vector<1x16xf32>,
            %add3A_317 = arith.constant 5 : i32
            %add3A_318 = arith.addi %mul3A_58, %add3A_317 : i32
            %add3A_319 = arith.constant 5 : i32
            %add3A_320 = arith.addi %mul3A_58, %add3A_319 : i32
            %get3A_321 = arith.index_cast %add3A_320 : i32 to index
            %get3A_322 = arith.constant 0 : index
            %get3A_323 = tpu.vector_load %arg12[%get3A_321, %get3A_322] {strides = array<i32>} : memref<448x128xf32, #tpu.memory_space<vmem>>, vector<1x16xf32>,
            %get3A_324 = vector.shape_cast %get3A_323 : vector<1x16xf32> to vector<16xf32>
            %swap3A_325 = arith.index_cast %add3A_318 : i32 to index
            %swap3A_326 = arith.constant 0 : index
            %swap3A_327 = tpu.vector_load %arg11[%swap3A_325, %swap3A_326] {strides = array<i32>} : memref<448x64xf32, #tpu.memory_space<vmem>>, vector<1x16xf32>,
            %swap3A_328 = vector.shape_cast %swap3A_327 : vector<1x16xf32> to vector<16xf32>
            %swap3A_329 = vector.shape_cast %get3A_324 : vector<16xf32> to vector<1x16xf32>
            tpu.vector_store %arg11[%swap3A_325, %swap3A_326], %swap3A_329 {add = true, strides = array<i32>} : memref<448x64xf32, #tpu.memory_space<vmem>>, vector<1x16xf32>,
            %add3A_330 = arith.constant 5 : i32
            %add3A_331 = arith.addi %mul3A_58, %add3A_330 : i32
            %add3A_332 = arith.constant 5 : i32
            %add3A_333 = arith.addi %mul3A_58, %add3A_332 : i32
            %get3A_334 = arith.index_cast %add3A_333 : i32 to index
            %get3A_335 = arith.constant 16 : index
            %get3A_336 = tpu.vector_load %arg12[%get3A_334, %get3A_335] {strides = array<i32>} : memref<448x128xf32, #tpu.memory_space<vmem>>, vector<1x16xf32>,
            %get3A_337 = vector.shape_cast %get3A_336 : vector<1x16xf32> to vector<16xf32>
            %swap3A_338 = arith.index_cast %add3A_331 : i32 to index
            %swap3A_339 = arith.constant 16 : index
            %swap3A_340 = tpu.vector_load %arg11[%swap3A_338, %swap3A_339] {strides = array<i32>} : memref<448x64xf32, #tpu.memory_space<vmem>>, vector<1x16xf32>,
            %swap3A_341 = vector.shape_cast %swap3A_340 : vector<1x16xf32> to vector<16xf32>
            %swap3A_342 = vector.shape_cast %get3A_337 : vector<16xf32> to vector<1x16xf32>
            tpu.vector_store %arg11[%swap3A_338, %swap3A_339], %swap3A_342 {add = true, strides = array<i32>} : memref<448x64xf32, #tpu.memory_space<vmem>>, vector<1x16xf32>,
            %add3A_343 = arith.constant 5 : i32
            %add3A_344 = arith.addi %mul3A_58, %add3A_343 : i32
            %add3A_345 = arith.constant 5 : i32
            %add3A_346 = arith.addi %mul3A_58, %add3A_345 : i32
            %get3A_347 = arith.index_cast %add3A_346 : i32 to index
            %get3A_348 = arith.constant 32 : index
            %get3A_349 = tpu.vector_load %arg12[%get3A_347, %get3A_348] {strides = array<i32>} : memref<448x128xf32, #tpu.memory_space<vmem>>, vector<1x16xf32>,
            %get3A_350 = vector.shape_cast %get3A_349 : vector<1x16xf32> to vector<16xf32>
            %swap3A_351 = arith.index_cast %add3A_344 : i32 to index
            %swap3A_352 = arith.constant 32 : index
            %swap3A_353 = tpu.vector_load %arg11[%swap3A_351, %swap3A_352] {strides = array<i32>} : memref<448x64xf32, #tpu.memory_space<vmem>>, vector<1x16xf32>,
            %swap3A_354 = vector.shape_cast %swap3A_353 : vector<1x16xf32> to vector<16xf32>
            %swap3A_355 = vector.shape_cast %get3A_350 : vector<16xf32> to vector<1x16xf32>
            tpu.vector_store %arg11[%swap3A_351, %swap3A_352], %swap3A_355 {add = true, strides = array<i32>} : memref<448x64xf32, #tpu.memory_space<vmem>>, vector<1x16xf32>,
            %add3A_356 = arith.constant 5 : i32
            %add3A_357 = arith.addi %mul3A_58, %add3A_356 : i32
            %add3A_358 = arith.constant 5 : i32
            %add3A_359 = arith.addi %mul3A_58, %add3A_358 : i32
            %get3A_360 = arith.index_cast %add3A_359 : i32 to index
            %get3A_361 = arith.constant 48 : index
            %get3A_362 = tpu.vector_load %arg12[%get3A_360, %get3A_361] {strides = array<i32>} : memref<448x128xf32, #tpu.memory_space<vmem>>, vector<1x16xf32>,
            %get3A_363 = vector.shape_cast %get3A_362 : vector<1x16xf32> to vector<16xf32>
            %swap3A_364 = arith.index_cast %add3A_357 : i32 to index
            %swap3A_365 = arith.constant 48 : index
            %swap3A_366 = tpu.vector_load %arg11[%swap3A_364, %swap3A_365] {strides = array<i32>} : memref<448x64xf32, #tpu.memory_space<vmem>>, vector<1x16xf32>,
            %swap3A_367 = vector.shape_cast %swap3A_366 : vector<1x16xf32> to vector<16xf32>
            %swap3A_368 = vector.shape_cast %get3A_363 : vector<16xf32> to vector<1x16xf32>
            tpu.vector_store %arg11[%swap3A_364, %swap3A_365], %swap3A_368 {add = true, strides = array<i32>} : memref<448x64xf32, #tpu.memory_space<vmem>>, vector<1x16xf32>,
            %add3A_369 = arith.constant 6 : i32
            %add3A_370 = arith.addi %mul3A_58, %add3A_369 : i32
            %add3A_371 = arith.constant 6 : i32
            %add3A_372 = arith.addi %mul3A_58, %add3A_371 : i32
            %get3A_373 = arith.index_cast %add3A_372 : i32 to index
            %get3A_374 = arith.constant 0 : index
            %get3A_375 = tpu.vector_load %arg12[%get3A_373, %get3A_374] {strides = array<i32>} : memref<448x128xf32, #tpu.memory_space<vmem>>, vector<1x16xf32>,
            %get3A_376 = vector.shape_cast %get3A_375 : vector<1x16xf32> to vector<16xf32>
            %swap3A_377 = arith.index_cast %add3A_370 : i32 to index
            %swap3A_378 = arith.constant 0 : index
            %swap3A_379 = tpu.vector_load %arg11[%swap3A_377, %swap3A_378] {strides = array<i32>} : memref<448x64xf32, #tpu.memory_space<vmem>>, vector<1x16xf32>,
            %swap3A_380 = vector.shape_cast %swap3A_379 : vector<1x16xf32> to vector<16xf32>
            %swap3A_381 = vector.shape_cast %get3A_376 : vector<16xf32> to vector<1x16xf32>
            tpu.vector_store %arg11[%swap3A_377, %swap3A_378], %swap3A_381 {add = true, strides = array<i32>} : memref<448x64xf32, #tpu.memory_space<vmem>>, vector<1x16xf32>,
            %add3A_382 = arith.constant 6 : i32
            %add3A_383 = arith.addi %mul3A_58, %add3A_382 : i32
            %add3A_384 = arith.constant 6 : i32
            %add3A_385 = arith.addi %mul3A_58, %add3A_384 : i32
            %get3A_386 = arith.index_cast %add3A_385 : i32 to index
            %get3A_387 = arith.constant 16 : index
            %get3A_388 = tpu.vector_load %arg12[%get3A_386, %get3A_387] {strides = array<i32>} : memref<448x128xf32, #tpu.memory_space<vmem>>, vector<1x16xf32>,
            %get3A_389 = vector.shape_cast %get3A_388 : vector<1x16xf32> to vector<16xf32>
            %swap3A_390 = arith.index_cast %add3A_383 : i32 to index
            %swap3A_391 = arith.constant 16 : index
            %swap3A_392 = tpu.vector_load %arg11[%swap3A_390, %swap3A_391] {strides = array<i32>} : memref<448x64xf32, #tpu.memory_space<vmem>>, vector<1x16xf32>,
            %swap3A_393 = vector.shape_cast %swap3A_392 : vector<1x16xf32> to vector<16xf32>
            %swap3A_394 = vector.shape_cast %get3A_389 : vector<16xf32> to vector<1x16xf32>
            tpu.vector_store %arg11[%swap3A_390, %swap3A_391], %swap3A_394 {add = true, strides = array<i32>} : memref<448x64xf32, #tpu.memory_space<vmem>>, vector<1x16xf32>,
            %add3A_395 = arith.constant 6 : i32
            %add3A_396 = arith.addi %mul3A_58, %add3A_395 : i32
            %add3A_397 = arith.constant 6 : i32
            %add3A_398 = arith.addi %mul3A_58, %add3A_397 : i32
            %get3A_399 = arith.index_cast %add3A_398 : i32 to index
            %get3A_400 = arith.constant 32 : index
            %get3A_401 = tpu.vector_load %arg12[%get3A_399, %get3A_400] {strides = array<i32>} : memref<448x128xf32, #tpu.memory_space<vmem>>, vector<1x16xf32>,
            %get3A_402 = vector.shape_cast %get3A_401 : vector<1x16xf32> to vector<16xf32>
            %swap3A_403 = arith.index_cast %add3A_396 : i32 to index
            %swap3A_404 = arith.constant 32 : index
            %swap3A_405 = tpu.vector_load %arg11[%swap3A_403, %swap3A_404] {strides = array<i32>} : memref<448x64xf32, #tpu.memory_space<vmem>>, vector<1x16xf32>,
            %swap3A_406 = vector.shape_cast %swap3A_405 : vector<1x16xf32> to vector<16xf32>
            %swap3A_407 = vector.shape_cast %get3A_402 : vector<16xf32> to vector<1x16xf32>
            tpu.vector_store %arg11[%swap3A_403, %swap3A_404], %swap3A_407 {add = true, strides = array<i32>} : memref<448x64xf32, #tpu.memory_space<vmem>>, vector<1x16xf32>,
            %add3A_408 = arith.constant 6 : i32
            %add3A_409 = arith.addi %mul3A_58, %add3A_408 : i32
            %add3A_410 = arith.constant 6 : i32
            %add3A_411 = arith.addi %mul3A_58, %add3A_410 : i32
            %get3A_412 = arith.index_cast %add3A_411 : i32 to index
            %get3A_413 = arith.constant 48 : index
            %get3A_414 = tpu.vector_load %arg12[%get3A_412, %get3A_413] {strides = array<i32>} : memref<448x128xf32, #tpu.memory_space<vmem>>, vector<1x16xf32>,
            %get3A_415 = vector.shape_cast %get3A_414 : vector<1x16xf32> to vector<16xf32>
            %swap3A_416 = arith.index_cast %add3A_409 : i32 to index
            %swap3A_417 = arith.constant 48 : index
            %swap3A_418 = tpu.vector_load %arg11[%swap3A_416, %swap3A_417] {strides = array<i32>} : memref<448x64xf32, #tpu.memory_space<vmem>>, vector<1x16xf32>,
            %swap3A_419 = vector.shape_cast %swap3A_418 : vector<1x16xf32> to vector<16xf32>
            %swap3A_420 = vector.shape_cast %get3A_415 : vector<16xf32> to vector<1x16xf32>
            tpu.vector_store %arg11[%swap3A_416, %swap3A_417], %swap3A_420 {add = true, strides = array<i32>} : memref<448x64xf32, #tpu.memory_space<vmem>>, vector<1x16xf32>,
            %add3A_421 = arith.constant 7 : i32
            %add3A_422 = arith.addi %mul3A_58, %add3A_421 : i32
            %add3A_423 = arith.constant 7 : i32
            %add3A_424 = arith.addi %mul3A_58, %add3A_423 : i32
            %get3A_425 = arith.index_cast %add3A_424 : i32 to index
            %get3A_426 = arith.constant 0 : index
            %get3A_427 = tpu.vector_load %arg12[%get3A_425, %get3A_426] {strides = array<i32>} : memref<448x128xf32, #tpu.memory_space<vmem>>, vector<1x16xf32>,
            %get3A_428 = vector.shape_cast %get3A_427 : vector<1x16xf32> to vector<16xf32>
            %swap3A_429 = arith.index_cast %add3A_422 : i32 to index
            %swap3A_430 = arith.constant 0 : index
            %swap3A_431 = tpu.vector_load %arg11[%swap3A_429, %swap3A_430] {strides = array<i32>} : memref<448x64xf32, #tpu.memory_space<vmem>>, vector<1x16xf32>,
            %swap3A_432 = vector.shape_cast %swap3A_431 : vector<1x16xf32> to vector<16xf32>
            %swap3A_433 = vector.shape_cast %get3A_428 : vector<16xf32> to vector<1x16xf32>
            tpu.vector_store %arg11[%swap3A_429, %swap3A_430], %swap3A_433 {add = true, strides = array<i32>} : memref<448x64xf32, #tpu.memory_space<vmem>>, vector<1x16xf32>,
            %add3A_434 = arith.constant 7 : i32
            %add3A_435 = arith.addi %mul3A_58, %add3A_434 : i32
            %add3A_436 = arith.constant 7 : i32
            %add3A_437 = arith.addi %mul3A_58, %add3A_436 : i32
            %get3A_438 = arith.index_cast %add3A_437 : i32 to index
            %get3A_439 = arith.constant 16 : index
            %get3A_440 = tpu.vector_load %arg12[%get3A_438, %get3A_439] {strides = array<i32>} : memref<448x128xf32, #tpu.memory_space<vmem>>, vector<1x16xf32>,
            %get3A_441 = vector.shape_cast %get3A_440 : vector<1x16xf32> to vector<16xf32>
            %swap3A_442 = arith.index_cast %add3A_435 : i32 to index
            %swap3A_443 = arith.constant 16 : index
            %swap3A_444 = tpu.vector_load %arg11[%swap3A_442, %swap3A_443] {strides = array<i32>} : memref<448x64xf32, #tpu.memory_space<vmem>>, vector<1x16xf32>,
            %swap3A_445 = vector.shape_cast %swap3A_444 : vector<1x16xf32> to vector<16xf32>
            %swap3A_446 = vector.shape_cast %get3A_441 : vector<16xf32> to vector<1x16xf32>
            tpu.vector_store %arg11[%swap3A_442, %swap3A_443], %swap3A_446 {add = true, strides = array<i32>} : memref<448x64xf32, #tpu.memory_space<vmem>>, vector<1x16xf32>,
            %add3A_447 = arith.constant 7 : i32
            %add3A_448 = arith.addi %mul3A_58, %add3A_447 : i32
            %add3A_449 = arith.constant 7 : i32
            %add3A_450 = arith.addi %mul3A_58, %add3A_449 : i32
            %get3A_451 = arith.index_cast %add3A_450 : i32 to index
            %get3A_452 = arith.constant 32 : index
            %get3A_453 = tpu.vector_load %arg12[%get3A_451, %get3A_452] {strides = array<i32>} : memref<448x128xf32, #tpu.memory_space<vmem>>, vector<1x16xf32>,
            %get3A_454 = vector.shape_cast %get3A_453 : vector<1x16xf32> to vector<16xf32>
            %swap3A_455 = arith.index_cast %add3A_448 : i32 to index
            %swap3A_456 = arith.constant 32 : index
            %swap3A_457 = tpu.vector_load %arg11[%swap3A_455, %swap3A_456] {strides = array<i32>} : memref<448x64xf32, #tpu.memory_space<vmem>>, vector<1x16xf32>,
            %swap3A_458 = vector.shape_cast %swap3A_457 : vector<1x16xf32> to vector<16xf32>
            %swap3A_459 = vector.shape_cast %get3A_454 : vector<16xf32> to vector<1x16xf32>
            tpu.vector_store %arg11[%swap3A_455, %swap3A_456], %swap3A_459 {add = true, strides = array<i32>} : memref<448x64xf32, #tpu.memory_space<vmem>>, vector<1x16xf32>,
            %add3A_460 = arith.constant 7 : i32
            %add3A_461 = arith.addi %mul3A_58, %add3A_460 : i32
            %add3A_462 = arith.constant 7 : i32
            %add3A_463 = arith.addi %mul3A_58, %add3A_462 : i32
            %get3A_464 = arith.index_cast %add3A_463 : i32 to index
            %get3A_465 = arith.constant 48 : index
            %get3A_466 = tpu.vector_load %arg12[%get3A_464, %get3A_465] {strides = array<i32>} : memref<448x128xf32, #tpu.memory_space<vmem>>, vector<1x16xf32>,
            %get3A_467 = vector.shape_cast %get3A_466 : vector<1x16xf32> to vector<16xf32>
            %swap3A_468 = arith.index_cast %add3A_461 : i32 to index
            %swap3A_469 = arith.constant 48 : index
            %swap3A_470 = tpu.vector_load %arg11[%swap3A_468, %swap3A_469] {strides = array<i32>} : memref<448x64xf32, #tpu.memory_space<vmem>>, vector<1x16xf32>,
            %swap3A_471 = vector.shape_cast %swap3A_470 : vector<1x16xf32> to vector<16xf32>
            %swap3A_472 = vector.shape_cast %get3A_467 : vector<16xf32> to vector<1x16xf32>
            tpu.vector_store %arg11[%swap3A_468, %swap3A_469], %swap3A_472 {add = true, strides = array<i32>} : memref<448x64xf32, #tpu.memory_space<vmem>>, vector<1x16xf32>,
            %add3A_473 = arith.constant 8 : i32
            %add3A_474 = arith.addi %mul3A_58, %add3A_473 : i32
            %add3A_475 = arith.constant 8 : i32
            %add3A_476 = arith.addi %mul3A_58, %add3A_475 : i32
            %get3A_477 = arith.index_cast %add3A_476 : i32 to index
            %get3A_478 = arith.constant 0 : index
            %get3A_479 = tpu.vector_load %arg12[%get3A_477, %get3A_478] {strides = array<i32>} : memref<448x128xf32, #tpu.memory_space<vmem>>, vector<1x16xf32>,
            %get3A_480 = vector.shape_cast %get3A_479 : vector<1x16xf32> to vector<16xf32>
            %swap3A_481 = arith.index_cast %add3A_474 : i32 to index
            %swap3A_482 = arith.constant 0 : index
            %swap3A_483 = tpu.vector_load %arg11[%swap3A_481, %swap3A_482] {strides = array<i32>} : memref<448x64xf32, #tpu.memory_space<vmem>>, vector<1x16xf32>,
            %swap3A_484 = vector.shape_cast %swap3A_483 : vector<1x16xf32> to vector<16xf32>
            %swap3A_485 = vector.shape_cast %get3A_480 : vector<16xf32> to vector<1x16xf32>
            tpu.vector_store %arg11[%swap3A_481, %swap3A_482], %swap3A_485 {add = true, strides = array<i32>} : memref<448x64xf32, #tpu.memory_space<vmem>>, vector<1x16xf32>,
            %add3A_486 = arith.constant 8 : i32
            %add3A_487 = arith.addi %mul3A_58, %add3A_486 : i32
            %add3A_488 = arith.constant 8 : i32
            %add3A_489 = arith.addi %mul3A_58, %add3A_488 : i32
            %get3A_490 = arith.index_cast %add3A_489 : i32 to index
            %get3A_491 = arith.constant 16 : index
            %get3A_492 = tpu.vector_load %arg12[%get3A_490, %get3A_491] {strides = array<i32>} : memref<448x128xf32, #tpu.memory_space<vmem>>, vector<1x16xf32>,
            %get3A_493 = vector.shape_cast %get3A_492 : vector<1x16xf32> to vector<16xf32>
            %swap3A_494 = arith.index_cast %add3A_487 : i32 to index
            %swap3A_495 = arith.constant 16 : index
            %swap3A_496 = tpu.vector_load %arg11[%swap3A_494, %swap3A_495] {strides = array<i32>} : memref<448x64xf32, #tpu.memory_space<vmem>>, vector<1x16xf32>,
            %swap3A_497 = vector.shape_cast %swap3A_496 : vector<1x16xf32> to vector<16xf32>
            %swap3A_498 = vector.shape_cast %get3A_493 : vector<16xf32> to vector<1x16xf32>
            tpu.vector_store %arg11[%swap3A_494, %swap3A_495], %swap3A_498 {add = true, strides = array<i32>} : memref<448x64xf32, #tpu.memory_space<vmem>>, vector<1x16xf32>,
            %add3A_499 = arith.constant 8 : i32
            %add3A_500 = arith.addi %mul3A_58, %add3A_499 : i32
            %add3A_501 = arith.constant 8 : i32
            %add3A_502 = arith.addi %mul3A_58, %add3A_501 : i32
            %get3A_503 = arith.index_cast %add3A_502 : i32 to index
            %get3A_504 = arith.constant 32 : index
            %get3A_505 = tpu.vector_load %arg12[%get3A_503, %get3A_504] {strides = array<i32>} : memref<448x128xf32, #tpu.memory_space<vmem>>, vector<1x16xf32>,
            %get3A_506 = vector.shape_cast %get3A_505 : vector<1x16xf32> to vector<16xf32>
            %swap3A_507 = arith.index_cast %add3A_500 : i32 to index
            %swap3A_508 = arith.constant 32 : index
            %swap3A_509 = tpu.vector_load %arg11[%swap3A_507, %swap3A_508] {strides = array<i32>} : memref<448x64xf32, #tpu.memory_space<vmem>>, vector<1x16xf32>,
            %swap3A_510 = vector.shape_cast %swap3A_509 : vector<1x16xf32> to vector<16xf32>
            %swap3A_511 = vector.shape_cast %get3A_506 : vector<16xf32> to vector<1x16xf32>
            tpu.vector_store %arg11[%swap3A_507, %swap3A_508], %swap3A_511 {add = true, strides = array<i32>} : memref<448x64xf32, #tpu.memory_space<vmem>>, vector<1x16xf32>,
            %add3A_512 = arith.constant 8 : i32
            %add3A_513 = arith.addi %mul3A_58, %add3A_512 : i32
            %add3A_514 = arith.constant 8 : i32
            %add3A_515 = arith.addi %mul3A_58, %add3A_514 : i32
            %get3A_516 = arith.index_cast %add3A_515 : i32 to index
            %get3A_517 = arith.constant 48 : index
            %get3A_518 = tpu.vector_load %arg12[%get3A_516, %get3A_517] {strides = array<i32>} : memref<448x128xf32, #tpu.memory_space<vmem>>, vector<1x16xf32>,
            %get3A_519 = vector.shape_cast %get3A_518 : vector<1x16xf32> to vector<16xf32>
            %swap3A_520 = arith.index_cast %add3A_513 : i32 to index
            %swap3A_521 = arith.constant 48 : index
            %swap3A_522 = tpu.vector_load %arg11[%swap3A_520, %swap3A_521] {strides = array<i32>} : memref<448x64xf32, #tpu.memory_space<vmem>>, vector<1x16xf32>,
            %swap3A_523 = vector.shape_cast %swap3A_522 : vector<1x16xf32> to vector<16xf32>
            %swap3A_524 = vector.shape_cast %get3A_519 : vector<16xf32> to vector<1x16xf32>
            tpu.vector_store %arg11[%swap3A_520, %swap3A_521], %swap3A_524 {add = true, strides = array<i32>} : memref<448x64xf32, #tpu.memory_space<vmem>>, vector<1x16xf32>,
            %add3A_525 = arith.constant 9 : i32
            %add3A_526 = arith.addi %mul3A_58, %add3A_525 : i32
            %add3A_527 = arith.constant 9 : i32
            %add3A_528 = arith.addi %mul3A_58, %add3A_527 : i32
            %get3A_529 = arith.index_cast %add3A_528 : i32 to index
            %get3A_530 = arith.constant 0 : index
            %get3A_531 = tpu.vector_load %arg12[%get3A_529, %get3A_530] {strides = array<i32>} : memref<448x128xf32, #tpu.memory_space<vmem>>, vector<1x16xf32>,
            %get3A_532 = vector.shape_cast %get3A_531 : vector<1x16xf32> to vector<16xf32>
            %swap3A_533 = arith.index_cast %add3A_526 : i32 to index
            %swap3A_534 = arith.constant 0 : index
            %swap3A_535 = tpu.vector_load %arg11[%swap3A_533, %swap3A_534] {strides = array<i32>} : memref<448x64xf32, #tpu.memory_space<vmem>>, vector<1x16xf32>,
            %swap3A_536 = vector.shape_cast %swap3A_535 : vector<1x16xf32> to vector<16xf32>
            %swap3A_537 = vector.shape_cast %get3A_532 : vector<16xf32> to vector<1x16xf32>
            tpu.vector_store %arg11[%swap3A_533, %swap3A_534], %swap3A_537 {add = true, strides = array<i32>} : memref<448x64xf32, #tpu.memory_space<vmem>>, vector<1x16xf32>,
            %add3A_538 = arith.constant 9 : i32
            %add3A_539 = arith.addi %mul3A_58, %add3A_538 : i32
            %add3A_540 = arith.constant 9 : i32
            %add3A_541 = arith.addi %mul3A_58, %add3A_540 : i32
            %get3A_542 = arith.index_cast %add3A_541 : i32 to index
            %get3A_543 = arith.constant 16 : index
            %get3A_544 = tpu.vector_load %arg12[%get3A_542, %get3A_543] {strides = array<i32>} : memref<448x128xf32, #tpu.memory_space<vmem>>, vector<1x16xf32>,
            %get3A_545 = vector.shape_cast %get3A_544 : vector<1x16xf32> to vector<16xf32>
            %swap3A_546 = arith.index_cast %add3A_539 : i32 to index
            %swap3A_547 = arith.constant 16 : index
            %swap3A_548 = tpu.vector_load %arg11[%swap3A_546, %swap3A_547] {strides = array<i32>} : memref<448x64xf32, #tpu.memory_space<vmem>>, vector<1x16xf32>,
            %swap3A_549 = vector.shape_cast %swap3A_548 : vector<1x16xf32> to vector<16xf32>
            %swap3A_550 = vector.shape_cast %get3A_545 : vector<16xf32> to vector<1x16xf32>
            tpu.vector_store %arg11[%swap3A_546, %swap3A_547], %swap3A_550 {add = true, strides = array<i32>} : memref<448x64xf32, #tpu.memory_space<vmem>>, vector<1x16xf32>,
            %add3A_551 = arith.constant 9 : i32
            %add3A_552 = arith.addi %mul3A_58, %add3A_551 : i32
            %add3A_553 = arith.constant 9 : i32
            %add3A_554 = arith.addi %mul3A_58, %add3A_553 : i32
            %get3A_555 = arith.index_cast %add3A_554 : i32 to index
            %get3A_556 = arith.constant 32 : index
            %get3A_557 = tpu.vector_load %arg12[%get3A_555, %get3A_556] {strides = array<i32>} : memref<448x128xf32, #tpu.memory_space<vmem>>, vector<1x16xf32>,
            %get3A_558 = vector.shape_cast %get3A_557 : vector<1x16xf32> to vector<16xf32>
            %swap3A_559 = arith.index_cast %add3A_552 : i32 to index
            %swap3A_560 = arith.constant 32 : index
            %swap3A_561 = tpu.vector_load %arg11[%swap3A_559, %swap3A_560] {strides = array<i32>} : memref<448x64xf32, #tpu.memory_space<vmem>>, vector<1x16xf32>,
            %swap3A_562 = vector.shape_cast %swap3A_561 : vector<1x16xf32> to vector<16xf32>
            %swap3A_563 = vector.shape_cast %get3A_558 : vector<16xf32> to vector<1x16xf32>
            tpu.vector_store %arg11[%swap3A_559, %swap3A_560], %swap3A_563 {add = true, strides = array<i32>} : memref<448x64xf32, #tpu.memory_space<vmem>>, vector<1x16xf32>,
            %add3A_564 = arith.constant 9 : i32
            %add3A_565 = arith.addi %mul3A_58, %add3A_564 : i32
            %add3A_566 = arith.constant 9 : i32
            %add3A_567 = arith.addi %mul3A_58, %add3A_566 : i32
            %get3A_568 = arith.index_cast %add3A_567 : i32 to index
            %get3A_569 = arith.constant 48 : index
            %get3A_570 = tpu.vector_load %arg12[%get3A_568, %get3A_569] {strides = array<i32>} : memref<448x128xf32, #tpu.memory_space<vmem>>, vector<1x16xf32>,
            %get3A_571 = vector.shape_cast %get3A_570 : vector<1x16xf32> to vector<16xf32>
            %swap3A_572 = arith.index_cast %add3A_565 : i32 to index
            %swap3A_573 = arith.constant 48 : index
            %swap3A_574 = tpu.vector_load %arg11[%swap3A_572, %swap3A_573] {strides = array<i32>} : memref<448x64xf32, #tpu.memory_space<vmem>>, vector<1x16xf32>,
            %swap3A_575 = vector.shape_cast %swap3A_574 : vector<1x16xf32> to vector<16xf32>
            %swap3A_576 = vector.shape_cast %get3A_571 : vector<16xf32> to vector<1x16xf32>
            tpu.vector_store %arg11[%swap3A_572, %swap3A_573], %swap3A_576 {add = true, strides = array<i32>} : memref<448x64xf32, #tpu.memory_space<vmem>>, vector<1x16xf32>,
            %add3A_577 = arith.constant 10 : i32
            %add3A_578 = arith.addi %mul3A_58, %add3A_577 : i32
            %add3A_579 = arith.constant 10 : i32
            %add3A_580 = arith.addi %mul3A_58, %add3A_579 : i32
            %get3A_581 = arith.index_cast %add3A_580 : i32 to index
            %get3A_582 = arith.constant 0 : index
            %get3A_583 = tpu.vector_load %arg12[%get3A_581, %get3A_582] {strides = array<i32>} : memref<448x128xf32, #tpu.memory_space<vmem>>, vector<1x16xf32>,
            %get3A_584 = vector.shape_cast %get3A_583 : vector<1x16xf32> to vector<16xf32>
            %swap3A_585 = arith.index_cast %add3A_578 : i32 to index
            %swap3A_586 = arith.constant 0 : index
            %swap3A_587 = tpu.vector_load %arg11[%swap3A_585, %swap3A_586] {strides = array<i32>} : memref<448x64xf32, #tpu.memory_space<vmem>>, vector<1x16xf32>,
            %swap3A_588 = vector.shape_cast %swap3A_587 : vector<1x16xf32> to vector<16xf32>
            %swap3A_589 = vector.shape_cast %get3A_584 : vector<16xf32> to vector<1x16xf32>
            tpu.vector_store %arg11[%swap3A_585, %swap3A_586], %swap3A_589 {add = true, strides = array<i32>} : memref<448x64xf32, #tpu.memory_space<vmem>>, vector<1x16xf32>,
            %add3A_590 = arith.constant 10 : i32
            %add3A_591 = arith.addi %mul3A_58, %add3A_590 : i32
            %add3A_592 = arith.constant 10 : i32
            %add3A_593 = arith.addi %mul3A_58, %add3A_592 : i32
            %get3A_594 = arith.index_cast %add3A_593 : i32 to index
            %get3A_595 = arith.constant 16 : index
            %get3A_596 = tpu.vector_load %arg12[%get3A_594, %get3A_595] {strides = array<i32>} : memref<448x128xf32, #tpu.memory_space<vmem>>, vector<1x16xf32>,
            %get3A_597 = vector.shape_cast %get3A_596 : vector<1x16xf32> to vector<16xf32>
            %swap3A_598 = arith.index_cast %add3A_591 : i32 to index
            %swap3A_599 = arith.constant 16 : index
            %swap3A_600 = tpu.vector_load %arg11[%swap3A_598, %swap3A_599] {strides = array<i32>} : memref<448x64xf32, #tpu.memory_space<vmem>>, vector<1x16xf32>,
            %swap3A_601 = vector.shape_cast %swap3A_600 : vector<1x16xf32> to vector<16xf32>
            %swap3A_602 = vector.shape_cast %get3A_597 : vector<16xf32> to vector<1x16xf32>
            tpu.vector_store %arg11[%swap3A_598, %swap3A_599], %swap3A_602 {add = true, strides = array<i32>} : memref<448x64xf32, #tpu.memory_space<vmem>>, vector<1x16xf32>,
            %add3A_603 = arith.constant 10 : i32
            %add3A_604 = arith.addi %mul3A_58, %add3A_603 : i32
            %add3A_605 = arith.constant 10 : i32
            %add3A_606 = arith.addi %mul3A_58, %add3A_605 : i32
            %get3A_607 = arith.index_cast %add3A_606 : i32 to index
            %get3A_608 = arith.constant 32 : index
            %get3A_609 = tpu.vector_load %arg12[%get3A_607, %get3A_608] {strides = array<i32>} : memref<448x128xf32, #tpu.memory_space<vmem>>, vector<1x16xf32>,
            %get3A_610 = vector.shape_cast %get3A_609 : vector<1x16xf32> to vector<16xf32>
            %swap3A_611 = arith.index_cast %add3A_604 : i32 to index
            %swap3A_612 = arith.constant 32 : index
            %swap3A_613 = tpu.vector_load %arg11[%swap3A_611, %swap3A_612] {strides = array<i32>} : memref<448x64xf32, #tpu.memory_space<vmem>>, vector<1x16xf32>,
            %swap3A_614 = vector.shape_cast %swap3A_613 : vector<1x16xf32> to vector<16xf32>
            %swap3A_615 = vector.shape_cast %get3A_610 : vector<16xf32> to vector<1x16xf32>
            tpu.vector_store %arg11[%swap3A_611, %swap3A_612], %swap3A_615 {add = true, strides = array<i32>} : memref<448x64xf32, #tpu.memory_space<vmem>>, vector<1x16xf32>,
            %add3A_616 = arith.constant 10 : i32
            %add3A_617 = arith.addi %mul3A_58, %add3A_616 : i32
            %add3A_618 = arith.constant 10 : i32
            %add3A_619 = arith.addi %mul3A_58, %add3A_618 : i32
            %get3A_620 = arith.index_cast %add3A_619 : i32 to index
            %get3A_621 = arith.constant 48 : index
            %get3A_622 = tpu.vector_load %arg12[%get3A_620, %get3A_621] {strides = array<i32>} : memref<448x128xf32, #tpu.memory_space<vmem>>, vector<1x16xf32>,
            %get3A_623 = vector.shape_cast %get3A_622 : vector<1x16xf32> to vector<16xf32>
            %swap3A_624 = arith.index_cast %add3A_617 : i32 to index
            %swap3A_625 = arith.constant 48 : index
            %swap3A_626 = tpu.vector_load %arg11[%swap3A_624, %swap3A_625] {strides = array<i32>} : memref<448x64xf32, #tpu.memory_space<vmem>>, vector<1x16xf32>,
            %swap3A_627 = vector.shape_cast %swap3A_626 : vector<1x16xf32> to vector<16xf32>
            %swap3A_628 = vector.shape_cast %get3A_623 : vector<16xf32> to vector<1x16xf32>
            tpu.vector_store %arg11[%swap3A_624, %swap3A_625], %swap3A_628 {add = true, strides = array<i32>} : memref<448x64xf32, #tpu.memory_space<vmem>>, vector<1x16xf32>,
            %add3A_629 = arith.constant 11 : i32
            %add3A_630 = arith.addi %mul3A_58, %add3A_629 : i32
            %add3A_631 = arith.constant 11 : i32
            %add3A_632 = arith.addi %mul3A_58, %add3A_631 : i32
            %get3A_633 = arith.index_cast %add3A_632 : i32 to index
            %get3A_634 = arith.constant 0 : index
            %get3A_635 = tpu.vector_load %arg12[%get3A_633, %get3A_634] {strides = array<i32>} : memref<448x128xf32, #tpu.memory_space<vmem>>, vector<1x16xf32>,
            %get3A_636 = vector.shape_cast %get3A_635 : vector<1x16xf32> to vector<16xf32>
            %swap3A_637 = arith.index_cast %add3A_630 : i32 to index
            %swap3A_638 = arith.constant 0 : index
            %swap3A_639 = tpu.vector_load %arg11[%swap3A_637, %swap3A_638] {strides = array<i32>} : memref<448x64xf32, #tpu.memory_space<vmem>>, vector<1x16xf32>,
            %swap3A_640 = vector.shape_cast %swap3A_639 : vector<1x16xf32> to vector<16xf32>
            %swap3A_641 = vector.shape_cast %get3A_636 : vector<16xf32> to vector<1x16xf32>
            tpu.vector_store %arg11[%swap3A_637, %swap3A_638], %swap3A_641 {add = true, strides = array<i32>} : memref<448x64xf32, #tpu.memory_space<vmem>>, vector<1x16xf32>,
            %add3A_642 = arith.constant 11 : i32
            %add3A_643 = arith.addi %mul3A_58, %add3A_642 : i32
            %add3A_644 = arith.constant 11 : i32
            %add3A_645 = arith.addi %mul3A_58, %add3A_644 : i32
            %get3A_646 = arith.index_cast %add3A_645 : i32 to index
            %get3A_647 = arith.constant 16 : index
            %get3A_648 = tpu.vector_load %arg12[%get3A_646, %get3A_647] {strides = array<i32>} : memref<448x128xf32, #tpu.memory_space<vmem>>, vector<1x16xf32>,
            %get3A_649 = vector.shape_cast %get3A_648 : vector<1x16xf32> to vector<16xf32>
            %swap3A_650 = arith.index_cast %add3A_643 : i32 to index
            %swap3A_651 = arith.constant 16 : index
            %swap3A_652 = tpu.vector_load %arg11[%swap3A_650, %swap3A_651] {strides = array<i32>} : memref<448x64xf32, #tpu.memory_space<vmem>>, vector<1x16xf32>,
            %swap3A_653 = vector.shape_cast %swap3A_652 : vector<1x16xf32> to vector<16xf32>
            %swap3A_654 = vector.shape_cast %get3A_649 : vector<16xf32> to vector<1x16xf32>
            tpu.vector_store %arg11[%swap3A_650, %swap3A_651], %swap3A_654 {add = true, strides = array<i32>} : memref<448x64xf32, #tpu.memory_space<vmem>>, vector<1x16xf32>,
            %add3A_655 = arith.constant 11 : i32
            %add3A_656 = arith.addi %mul3A_58, %add3A_655 : i32
            %add3A_657 = arith.constant 11 : i32
            %add3A_658 = arith.addi %mul3A_58, %add3A_657 : i32
            %get3A_659 = arith.index_cast %add3A_658 : i32 to index
            %get3A_660 = arith.constant 32 : index
            %get3A_661 = tpu.vector_load %arg12[%get3A_659, %get3A_660] {strides = array<i32>} : memref<448x128xf32, #tpu.memory_space<vmem>>, vector<1x16xf32>,
            %get3A_662 = vector.shape_cast %get3A_661 : vector<1x16xf32> to vector<16xf32>
            %swap3A_663 = arith.index_cast %add3A_656 : i32 to index
            %swap3A_664 = arith.constant 32 : index
            %swap3A_665 = tpu.vector_load %arg11[%swap3A_663, %swap3A_664] {strides = array<i32>} : memref<448x64xf32, #tpu.memory_space<vmem>>, vector<1x16xf32>,
            %swap3A_666 = vector.shape_cast %swap3A_665 : vector<1x16xf32> to vector<16xf32>
            %swap3A_667 = vector.shape_cast %get3A_662 : vector<16xf32> to vector<1x16xf32>
            tpu.vector_store %arg11[%swap3A_663, %swap3A_664], %swap3A_667 {add = true, strides = array<i32>} : memref<448x64xf32, #tpu.memory_space<vmem>>, vector<1x16xf32>,
            %add3A_668 = arith.constant 11 : i32
            %add3A_669 = arith.addi %mul3A_58, %add3A_668 : i32
            %add3A_670 = arith.constant 11 : i32
            %add3A_671 = arith.addi %mul3A_58, %add3A_670 : i32
            %get3A_672 = arith.index_cast %add3A_671 : i32 to index
            %get3A_673 = arith.constant 48 : index
            %get3A_674 = tpu.vector_load %arg12[%get3A_672, %get3A_673] {strides = array<i32>} : memref<448x128xf32, #tpu.memory_space<vmem>>, vector<1x16xf32>,
            %get3A_675 = vector.shape_cast %get3A_674 : vector<1x16xf32> to vector<16xf32>
            %swap3A_676 = arith.index_cast %add3A_669 : i32 to index
            %swap3A_677 = arith.constant 48 : index
            %swap3A_678 = tpu.vector_load %arg11[%swap3A_676, %swap3A_677] {strides = array<i32>} : memref<448x64xf32, #tpu.memory_space<vmem>>, vector<1x16xf32>,
            %swap3A_679 = vector.shape_cast %swap3A_678 : vector<1x16xf32> to vector<16xf32>
            %swap3A_680 = vector.shape_cast %get3A_675 : vector<16xf32> to vector<1x16xf32>
            tpu.vector_store %arg11[%swap3A_676, %swap3A_677], %swap3A_680 {add = true, strides = array<i32>} : memref<448x64xf32, #tpu.memory_space<vmem>>, vector<1x16xf32>,
            %add3A_681 = arith.constant 12 : i32
            %add3A_682 = arith.addi %mul3A_58, %add3A_681 : i32
            %add3A_683 = arith.constant 12 : i32
            %add3A_684 = arith.addi %mul3A_58, %add3A_683 : i32
            %get3A_685 = arith.index_cast %add3A_684 : i32 to index
            %get3A_686 = arith.constant 0 : index
            %get3A_687 = tpu.vector_load %arg12[%get3A_685, %get3A_686] {strides = array<i32>} : memref<448x128xf32, #tpu.memory_space<vmem>>, vector<1x16xf32>,
            %get3A_688 = vector.shape_cast %get3A_687 : vector<1x16xf32> to vector<16xf32>
            %swap3A_689 = arith.index_cast %add3A_682 : i32 to index
            %swap3A_690 = arith.constant 0 : index
            %swap3A_691 = tpu.vector_load %arg11[%swap3A_689, %swap3A_690] {strides = array<i32>} : memref<448x64xf32, #tpu.memory_space<vmem>>, vector<1x16xf32>,
            %swap3A_692 = vector.shape_cast %swap3A_691 : vector<1x16xf32> to vector<16xf32>
            %swap3A_693 = vector.shape_cast %get3A_688 : vector<16xf32> to vector<1x16xf32>
            tpu.vector_store %arg11[%swap3A_689, %swap3A_690], %swap3A_693 {add = true, strides = array<i32>} : memref<448x64xf32, #tpu.memory_space<vmem>>, vector<1x16xf32>,
            %add3A_694 = arith.constant 12 : i32
            %add3A_695 = arith.addi %mul3A_58, %add3A_694 : i32
            %add3A_696 = arith.constant 12 : i32
            %add3A_697 = arith.addi %mul3A_58, %add3A_696 : i32
            %get3A_698 = arith.index_cast %add3A_697 : i32 to index
            %get3A_699 = arith.constant 16 : index
            %get3A_700 = tpu.vector_load %arg12[%get3A_698, %get3A_699] {strides = array<i32>} : memref<448x128xf32, #tpu.memory_space<vmem>>, vector<1x16xf32>,
            %get3A_701 = vector.shape_cast %get3A_700 : vector<1x16xf32> to vector<16xf32>
            %swap3A_702 = arith.index_cast %add3A_695 : i32 to index
            %swap3A_703 = arith.constant 16 : index
            %swap3A_704 = tpu.vector_load %arg11[%swap3A_702, %swap3A_703] {strides = array<i32>} : memref<448x64xf32, #tpu.memory_space<vmem>>, vector<1x16xf32>,
            %swap3A_705 = vector.shape_cast %swap3A_704 : vector<1x16xf32> to vector<16xf32>
            %swap3A_706 = vector.shape_cast %get3A_701 : vector<16xf32> to vector<1x16xf32>
            tpu.vector_store %arg11[%swap3A_702, %swap3A_703], %swap3A_706 {add = true, strides = array<i32>} : memref<448x64xf32, #tpu.memory_space<vmem>>, vector<1x16xf32>,
            %add3A_707 = arith.constant 12 : i32
            %add3A_708 = arith.addi %mul3A_58, %add3A_707 : i32
            %add3A_709 = arith.constant 12 : i32
            %add3A_710 = arith.addi %mul3A_58, %add3A_709 : i32
            %get3A_711 = arith.index_cast %add3A_710 : i32 to index
            %get3A_712 = arith.constant 32 : index
            %get3A_713 = tpu.vector_load %arg12[%get3A_711, %get3A_712] {strides = array<i32>} : memref<448x128xf32, #tpu.memory_space<vmem>>, vector<1x16xf32>,
            %get3A_714 = vector.shape_cast %get3A_713 : vector<1x16xf32> to vector<16xf32>
            %swap3A_715 = arith.index_cast %add3A_708 : i32 to index
            %swap3A_716 = arith.constant 32 : index
            %swap3A_717 = tpu.vector_load %arg11[%swap3A_715, %swap3A_716] {strides = array<i32>} : memref<448x64xf32, #tpu.memory_space<vmem>>, vector<1x16xf32>,
            %swap3A_718 = vector.shape_cast %swap3A_717 : vector<1x16xf32> to vector<16xf32>
            %swap3A_719 = vector.shape_cast %get3A_714 : vector<16xf32> to vector<1x16xf32>
            tpu.vector_store %arg11[%swap3A_715, %swap3A_716], %swap3A_719 {add = true, strides = array<i32>} : memref<448x64xf32, #tpu.memory_space<vmem>>, vector<1x16xf32>,
            %add3A_720 = arith.constant 12 : i32
            %add3A_721 = arith.addi %mul3A_58, %add3A_720 : i32
            %add3A_722 = arith.constant 12 : i32
            %add3A_723 = arith.addi %mul3A_58, %add3A_722 : i32
            %get3A_724 = arith.index_cast %add3A_723 : i32 to index
            %get3A_725 = arith.constant 48 : index
            %get3A_726 = tpu.vector_load %arg12[%get3A_724, %get3A_725] {strides = array<i32>} : memref<448x128xf32, #tpu.memory_space<vmem>>, vector<1x16xf32>,
            %get3A_727 = vector.shape_cast %get3A_726 : vector<1x16xf32> to vector<16xf32>
            %swap3A_728 = arith.index_cast %add3A_721 : i32 to index
            %swap3A_729 = arith.constant 48 : index
            %swap3A_730 = tpu.vector_load %arg11[%swap3A_728, %swap3A_729] {strides = array<i32>} : memref<448x64xf32, #tpu.memory_space<vmem>>, vector<1x16xf32>,
            %swap3A_731 = vector.shape_cast %swap3A_730 : vector<1x16xf32> to vector<16xf32>
            %swap3A_732 = vector.shape_cast %get3A_727 : vector<16xf32> to vector<1x16xf32>
            tpu.vector_store %arg11[%swap3A_728, %swap3A_729], %swap3A_732 {add = true, strides = array<i32>} : memref<448x64xf32, #tpu.memory_space<vmem>>, vector<1x16xf32>,
            %add3A_733 = arith.constant 13 : i32
            %add3A_734 = arith.addi %mul3A_58, %add3A_733 : i32
            %add3A_735 = arith.constant 13 : i32
            %add3A_736 = arith.addi %mul3A_58, %add3A_735 : i32
            %get3A_737 = arith.index_cast %add3A_736 : i32 to index
            %get3A_738 = arith.constant 0 : index
            %get3A_739 = tpu.vector_load %arg12[%get3A_737, %get3A_738] {strides = array<i32>} : memref<448x128xf32, #tpu.memory_space<vmem>>, vector<1x16xf32>,
            %get3A_740 = vector.shape_cast %get3A_739 : vector<1x16xf32> to vector<16xf32>
            %swap3A_741 = arith.index_cast %add3A_734 : i32 to index
            %swap3A_742 = arith.constant 0 : index
            %swap3A_743 = tpu.vector_load %arg11[%swap3A_741, %swap3A_742] {strides = array<i32>} : memref<448x64xf32, #tpu.memory_space<vmem>>, vector<1x16xf32>,
            %swap3A_744 = vector.shape_cast %swap3A_743 : vector<1x16xf32> to vector<16xf32>
            %swap3A_745 = vector.shape_cast %get3A_740 : vector<16xf32> to vector<1x16xf32>
            tpu.vector_store %arg11[%swap3A_741, %swap3A_742], %swap3A_745 {add = true, strides = array<i32>} : memref<448x64xf32, #tpu.memory_space<vmem>>, vector<1x16xf32>,
            %add3A_746 = arith.constant 13 : i32
            %add3A_747 = arith.addi %mul3A_58, %add3A_746 : i32
            %add3A_748 = arith.constant 13 : i32
            %add3A_749 = arith.addi %mul3A_58, %add3A_748 : i32
            %get3A_750 = arith.index_cast %add3A_749 : i32 to index
            %get3A_751 = arith.constant 16 : index
            %get3A_752 = tpu.vector_load %arg12[%get3A_750, %get3A_751] {strides = array<i32>} : memref<448x128xf32, #tpu.memory_space<vmem>>, vector<1x16xf32>,
            %get3A_753 = vector.shape_cast %get3A_752 : vector<1x16xf32> to vector<16xf32>
            %swap3A_754 = arith.index_cast %add3A_747 : i32 to index
            %swap3A_755 = arith.constant 16 : index
            %swap3A_756 = tpu.vector_load %arg11[%swap3A_754, %swap3A_755] {strides = array<i32>} : memref<448x64xf32, #tpu.memory_space<vmem>>, vector<1x16xf32>,
            %swap3A_757 = vector.shape_cast %swap3A_756 : vector<1x16xf32> to vector<16xf32>
            %swap3A_758 = vector.shape_cast %get3A_753 : vector<16xf32> to vector<1x16xf32>
            tpu.vector_store %arg11[%swap3A_754, %swap3A_755], %swap3A_758 {add = true, strides = array<i32>} : memref<448x64xf32, #tpu.memory_space<vmem>>, vector<1x16xf32>,
            %add3A_759 = arith.constant 13 : i32
            %add3A_760 = arith.addi %mul3A_58, %add3A_759 : i32
            %add3A_761 = arith.constant 13 : i32
            %add3A_762 = arith.addi %mul3A_58, %add3A_761 : i32
            %get3A_763 = arith.index_cast %add3A_762 : i32 to index
            %get3A_764 = arith.constant 32 : index
            %get3A_765 = tpu.vector_load %arg12[%get3A_763, %get3A_764] {strides = array<i32>} : memref<448x128xf32, #tpu.memory_space<vmem>>, vector<1x16xf32>,
            %get3A_766 = vector.shape_cast %get3A_765 : vector<1x16xf32> to vector<16xf32>
            %swap3A_767 = arith.index_cast %add3A_760 : i32 to index
            %swap3A_768 = arith.constant 32 : index
            %swap3A_769 = tpu.vector_load %arg11[%swap3A_767, %swap3A_768] {strides = array<i32>} : memref<448x64xf32, #tpu.memory_space<vmem>>, vector<1x16xf32>,
            %swap3A_770 = vector.shape_cast %swap3A_769 : vector<1x16xf32> to vector<16xf32>
            %swap3A_771 = vector.shape_cast %get3A_766 : vector<16xf32> to vector<1x16xf32>
            tpu.vector_store %arg11[%swap3A_767, %swap3A_768], %swap3A_771 {add = true, strides = array<i32>} : memref<448x64xf32, #tpu.memory_space<vmem>>, vector<1x16xf32>,
            %add3A_772 = arith.constant 13 : i32
            %add3A_773 = arith.addi %mul3A_58, %add3A_772 : i32
            %add3A_774 = arith.constant 13 : i32
            %add3A_775 = arith.addi %mul3A_58, %add3A_774 : i32
            %get3A_776 = arith.index_cast %add3A_775 : i32 to index
            %get3A_777 = arith.constant 48 : index
            %get3A_778 = tpu.vector_load %arg12[%get3A_776, %get3A_777] {strides = array<i32>} : memref<448x128xf32, #tpu.memory_space<vmem>>, vector<1x16xf32>,
            %get3A_779 = vector.shape_cast %get3A_778 : vector<1x16xf32> to vector<16xf32>
            %swap3A_780 = arith.index_cast %add3A_773 : i32 to index
            %swap3A_781 = arith.constant 48 : index
            %swap3A_782 = tpu.vector_load %arg11[%swap3A_780, %swap3A_781] {strides = array<i32>} : memref<448x64xf32, #tpu.memory_space<vmem>>, vector<1x16xf32>,
            %swap3A_783 = vector.shape_cast %swap3A_782 : vector<1x16xf32> to vector<16xf32>
            %swap3A_784 = vector.shape_cast %get3A_779 : vector<16xf32> to vector<1x16xf32>
            tpu.vector_store %arg11[%swap3A_780, %swap3A_781], %swap3A_784 {add = true, strides = array<i32>} : memref<448x64xf32, #tpu.memory_space<vmem>>, vector<1x16xf32>,
            %add3A_785 = arith.constant 14 : i32
            %add3A_786 = arith.addi %mul3A_58, %add3A_785 : i32
            %add3A_787 = arith.constant 14 : i32
            %add3A_788 = arith.addi %mul3A_58, %add3A_787 : i32
            %get3A_789 = arith.index_cast %add3A_788 : i32 to index
            %get3A_790 = arith.constant 0 : index
            %get3A_791 = tpu.vector_load %arg12[%get3A_789, %get3A_790] {strides = array<i32>} : memref<448x128xf32, #tpu.memory_space<vmem>>, vector<1x16xf32>,
            %get3A_792 = vector.shape_cast %get3A_791 : vector<1x16xf32> to vector<16xf32>
            %swap3A_793 = arith.index_cast %add3A_786 : i32 to index
            %swap3A_794 = arith.constant 0 : index
            %swap3A_795 = tpu.vector_load %arg11[%swap3A_793, %swap3A_794] {strides = array<i32>} : memref<448x64xf32, #tpu.memory_space<vmem>>, vector<1x16xf32>,
            %swap3A_796 = vector.shape_cast %swap3A_795 : vector<1x16xf32> to vector<16xf32>
            %swap3A_797 = vector.shape_cast %get3A_792 : vector<16xf32> to vector<1x16xf32>
            tpu.vector_store %arg11[%swap3A_793, %swap3A_794], %swap3A_797 {add = true, strides = array<i32>} : memref<448x64xf32, #tpu.memory_space<vmem>>, vector<1x16xf32>,
            %add3A_798 = arith.constant 14 : i32
            %add3A_799 = arith.addi %mul3A_58, %add3A_798 : i32
            %add3A_800 = arith.constant 14 : i32
            %add3A_801 = arith.addi %mul3A_58, %add3A_800 : i32
            %get3A_802 = arith.index_cast %add3A_801 : i32 to index
            %get3A_803 = arith.constant 16 : index
            %get3A_804 = tpu.vector_load %arg12[%get3A_802, %get3A_803] {strides = array<i32>} : memref<448x128xf32, #tpu.memory_space<vmem>>, vector<1x16xf32>,
            %get3A_805 = vector.shape_cast %get3A_804 : vector<1x16xf32> to vector<16xf32>
            %swap3A_806 = arith.index_cast %add3A_799 : i32 to index
            %swap3A_807 = arith.constant 16 : index
            %swap3A_808 = tpu.vector_load %arg11[%swap3A_806, %swap3A_807] {strides = array<i32>} : memref<448x64xf32, #tpu.memory_space<vmem>>, vector<1x16xf32>,
            %swap3A_809 = vector.shape_cast %swap3A_808 : vector<1x16xf32> to vector<16xf32>
            %swap3A_810 = vector.shape_cast %get3A_805 : vector<16xf32> to vector<1x16xf32>
            tpu.vector_store %arg11[%swap3A_806, %swap3A_807], %swap3A_810 {add = true, strides = array<i32>} : memref<448x64xf32, #tpu.memory_space<vmem>>, vector<1x16xf32>,
            %add3A_811 = arith.constant 14 : i32
            %add3A_812 = arith.addi %mul3A_58, %add3A_811 : i32
            %add3A_813 = arith.constant 14 : i32
            %add3A_814 = arith.addi %mul3A_58, %add3A_813 : i32
            %get3A_815 = arith.index_cast %add3A_814 : i32 to index
            %get3A_816 = arith.constant 32 : index
            %get3A_817 = tpu.vector_load %arg12[%get3A_815, %get3A_816] {strides = array<i32>} : memref<448x128xf32, #tpu.memory_space<vmem>>, vector<1x16xf32>,
            %get3A_818 = vector.shape_cast %get3A_817 : vector<1x16xf32> to vector<16xf32>
            %swap3A_819 = arith.index_cast %add3A_812 : i32 to index
            %swap3A_820 = arith.constant 32 : index
            %swap3A_821 = tpu.vector_load %arg11[%swap3A_819, %swap3A_820] {strides = array<i32>} : memref<448x64xf32, #tpu.memory_space<vmem>>, vector<1x16xf32>,
            %swap3A_822 = vector.shape_cast %swap3A_821 : vector<1x16xf32> to vector<16xf32>
            %swap3A_823 = vector.shape_cast %get3A_818 : vector<16xf32> to vector<1x16xf32>
            tpu.vector_store %arg11[%swap3A_819, %swap3A_820], %swap3A_823 {add = true, strides = array<i32>} : memref<448x64xf32, #tpu.memory_space<vmem>>, vector<1x16xf32>,
            %add3A_824 = arith.constant 14 : i32
            %add3A_825 = arith.addi %mul3A_58, %add3A_824 : i32
            %add3A_826 = arith.constant 14 : i32
            %add3A_827 = arith.addi %mul3A_58, %add3A_826 : i32
            %get3A_828 = arith.index_cast %add3A_827 : i32 to index
            %get3A_829 = arith.constant 48 : index
            %get3A_830 = tpu.vector_load %arg12[%get3A_828, %get3A_829] {strides = array<i32>} : memref<448x128xf32, #tpu.memory_space<vmem>>, vector<1x16xf32>,
            %get3A_831 = vector.shape_cast %get3A_830 : vector<1x16xf32> to vector<16xf32>
            %swap3A_832 = arith.index_cast %add3A_825 : i32 to index
            %swap3A_833 = arith.constant 48 : index
            %swap3A_834 = tpu.vector_load %arg11[%swap3A_832, %swap3A_833] {strides = array<i32>} : memref<448x64xf32, #tpu.memory_space<vmem>>, vector<1x16xf32>,
            %swap3A_835 = vector.shape_cast %swap3A_834 : vector<1x16xf32> to vector<16xf32>
            %swap3A_836 = vector.shape_cast %get3A_831 : vector<16xf32> to vector<1x16xf32>
            tpu.vector_store %arg11[%swap3A_832, %swap3A_833], %swap3A_836 {add = true, strides = array<i32>} : memref<448x64xf32, #tpu.memory_space<vmem>>, vector<1x16xf32>,
            %add3A_837 = arith.constant 15 : i32
            %add3A_838 = arith.addi %mul3A_58, %add3A_837 : i32
            %add3A_839 = arith.constant 15 : i32
            %add3A_840 = arith.addi %mul3A_58, %add3A_839 : i32
            %get3A_841 = arith.index_cast %add3A_840 : i32 to index
            %get3A_842 = arith.constant 0 : index
            %get3A_843 = tpu.vector_load %arg12[%get3A_841, %get3A_842] {strides = array<i32>} : memref<448x128xf32, #tpu.memory_space<vmem>>, vector<1x16xf32>,
            %get3A_844 = vector.shape_cast %get3A_843 : vector<1x16xf32> to vector<16xf32>
            %swap3A_845 = arith.index_cast %add3A_838 : i32 to index
            %swap3A_846 = arith.constant 0 : index
            %swap3A_847 = tpu.vector_load %arg11[%swap3A_845, %swap3A_846] {strides = array<i32>} : memref<448x64xf32, #tpu.memory_space<vmem>>, vector<1x16xf32>,
            %swap3A_848 = vector.shape_cast %swap3A_847 : vector<1x16xf32> to vector<16xf32>
            %swap3A_849 = vector.shape_cast %get3A_844 : vector<16xf32> to vector<1x16xf32>
            tpu.vector_store %arg11[%swap3A_845, %swap3A_846], %swap3A_849 {add = true, strides = array<i32>} : memref<448x64xf32, #tpu.memory_space<vmem>>, vector<1x16xf32>,
            %add3A_850 = arith.constant 15 : i32
            %add3A_851 = arith.addi %mul3A_58, %add3A_850 : i32
            %add3A_852 = arith.constant 15 : i32
            %add3A_853 = arith.addi %mul3A_58, %add3A_852 : i32
            %get3A_854 = arith.index_cast %add3A_853 : i32 to index
            %get3A_855 = arith.constant 16 : index
            %get3A_856 = tpu.vector_load %arg12[%get3A_854, %get3A_855] {strides = array<i32>} : memref<448x128xf32, #tpu.memory_space<vmem>>, vector<1x16xf32>,
            %get3A_857 = vector.shape_cast %get3A_856 : vector<1x16xf32> to vector<16xf32>
            %swap3A_858 = arith.index_cast %add3A_851 : i32 to index
            %swap3A_859 = arith.constant 16 : index
            %swap3A_860 = tpu.vector_load %arg11[%swap3A_858, %swap3A_859] {strides = array<i32>} : memref<448x64xf32, #tpu.memory_space<vmem>>, vector<1x16xf32>,
            %swap3A_861 = vector.shape_cast %swap3A_860 : vector<1x16xf32> to vector<16xf32>
            %swap3A_862 = vector.shape_cast %get3A_857 : vector<16xf32> to vector<1x16xf32>
            tpu.vector_store %arg11[%swap3A_858, %swap3A_859], %swap3A_862 {add = true, strides = array<i32>} : memref<448x64xf32, #tpu.memory_space<vmem>>, vector<1x16xf32>,
            %add3A_863 = arith.constant 15 : i32
            %add3A_864 = arith.addi %mul3A_58, %add3A_863 : i32
            %add3A_865 = arith.constant 15 : i32
            %add3A_866 = arith.addi %mul3A_58, %add3A_865 : i32
            %get3A_867 = arith.index_cast %add3A_866 : i32 to index
            %get3A_868 = arith.constant 32 : index
            %get3A_869 = tpu.vector_load %arg12[%get3A_867, %get3A_868] {strides = array<i32>} : memref<448x128xf32, #tpu.memory_space<vmem>>, vector<1x16xf32>,
            %get3A_870 = vector.shape_cast %get3A_869 : vector<1x16xf32> to vector<16xf32>
            %swap3A_871 = arith.index_cast %add3A_864 : i32 to index
            %swap3A_872 = arith.constant 32 : index
            %swap3A_873 = tpu.vector_load %arg11[%swap3A_871, %swap3A_872] {strides = array<i32>} : memref<448x64xf32, #tpu.memory_space<vmem>>, vector<1x16xf32>,
            %swap3A_874 = vector.shape_cast %swap3A_873 : vector<1x16xf32> to vector<16xf32>
            %swap3A_875 = vector.shape_cast %get3A_870 : vector<16xf32> to vector<1x16xf32>
            tpu.vector_store %arg11[%swap3A_871, %swap3A_872], %swap3A_875 {add = true, strides = array<i32>} : memref<448x64xf32, #tpu.memory_space<vmem>>, vector<1x16xf32>,
            %add3A_876 = arith.constant 15 : i32
            %add3A_877 = arith.addi %mul3A_58, %add3A_876 : i32
            %add3A_878 = arith.constant 15 : i32
            %add3A_879 = arith.addi %mul3A_58, %add3A_878 : i32
            %get3A_880 = arith.index_cast %add3A_879 : i32 to index
            %get3A_881 = arith.constant 48 : index
            %get3A_882 = tpu.vector_load %arg12[%get3A_880, %get3A_881] {strides = array<i32>} : memref<448x128xf32, #tpu.memory_space<vmem>>, vector<1x16xf32>,
            %get3A_883 = vector.shape_cast %get3A_882 : vector<1x16xf32> to vector<16xf32>
            %swap3A_884 = arith.index_cast %add3A_877 : i32 to index
            %swap3A_885 = arith.constant 48 : index
            %swap3A_886 = tpu.vector_load %arg11[%swap3A_884, %swap3A_885] {strides = array<i32>} : memref<448x64xf32, #tpu.memory_space<vmem>>, vector<1x16xf32>,
            %swap3A_887 = vector.shape_cast %swap3A_886 : vector<1x16xf32> to vector<16xf32>
            %swap3A_888 = vector.shape_cast %get3A_883 : vector<16xf32> to vector<1x16xf32>
            tpu.vector_store %arg11[%swap3A_884, %swap3A_885], %swap3A_888 {add = true, strides = array<i32>} : memref<448x64xf32, #tpu.memory_space<vmem>>, vector<1x16xf32>,
          }
          %scan3A_55 = arith.constant 28 : i32
        }
        %scan3A_38 = arith.constant 9 : i32
      }
      %scan3A_17 = arith.constant 3 : i32
      "tpu.region"() ({
        %run_scoped3A = tpu.sem_alloc : memref<!tpu.dma_semaphore, #tpu.memory_space<semaphore_mem>>
        %dma_start3A = arith.constant 0 : i32
        %dma_start3A_18 = tpu.memref_slice %arg6[%add3A_11, %dma_start3A] : memref<100352x64xf32, #tpu.memory_space<hbm>> -> memref<448x64xf32, #tpu.memory_space<hbm>>
        %dma_start3A_19 = arith.constant 0 : i32
        %dma_start3A_20 = tpu.memref_slice %arg6[%add3A_11, %dma_start3A_19] : memref<100352x64xf32, #tpu.memory_space<hbm>> -> memref<448x64xf32, #tpu.memory_space<hbm>>
        tpu.enqueue_dma source(%arg11 : memref<448x64xf32, #tpu.memory_space<vmem>>) target(%dma_start3A_20 : memref<448x64xf32, #tpu.memory_space<hbm>>) target_semaphore(%run_scoped3A : memref<!tpu.dma_semaphore, #tpu.memory_space<semaphore_mem>>)
        %dma_wait3A = arith.constant 0 : i32
        %dma_wait3A_21 = tpu.memref_slice %arg6[%add3A_11, %dma_wait3A] : memref<100352x64xf32, #tpu.memory_space<hbm>> -> memref<448x64xf32, #tpu.memory_space<hbm>>
        %dma_wait3A_22 = arith.constant 0 : i32
        %dma_wait3A_23 = tpu.memref_slice %arg6[%add3A_11, %dma_wait3A_22] : memref<100352x64xf32, #tpu.memory_space<hbm>> -> memref<448x64xf32, #tpu.memory_space<hbm>>
        tpu.wait_dma2 semaphore(%run_scoped3A : memref<!tpu.dma_semaphore, #tpu.memory_space<semaphore_mem>>) src(%arg11 : memref<448x64xf32, #tpu.memory_space<vmem>>) dst(%dma_wait3A_23 : memref<448x64xf32, #tpu.memory_space<hbm>>)
        tpu.yield
      }) : () -> ()
    }
    %scan3A_5 = arith.constant 7 : i32
    return
  }
}

module attributes {stable_mosaic.version = 14 : i64} {
  func.func @_stats_body(%arg0: i32, %arg1: memref<2000x64xf32, #tpu.memory_space<vmem>>, %arg2: memref<1x1x2000xi32, #tpu.memory_space<vmem>>, %arg3: memref<64x136xf32, #tpu.memory_space<vmem>>) attributes {dimension_semantics = [#tpu.dimension_semantics<arbitrary>], iteration_bounds = array<i64: 50>, scalar_prefetch = 0 : i64, scratch_operands = 0 : i64, tpu.core_type = #tpu.core_type<tc>, window_params = [{transform_indices = @transform_0, window_bounds = array<i64: 2000, 64>}, {transform_indices = @transform_1, window_bounds = array<i64: 1, 1, 2000>}, {pipeline_mode = #tpu.pipeline_mode<synchronous>, transform_indices = @transform_2, window_bounds = array<i64: 64, 136>}]} {
    %eq3A = arith.constant 0 : i32
    %eq3A_0 = arith.cmpi eq, %arg0, %eq3A : i32
    %convert_element_type3A = arith.extui %eq3A_0 : i1 to i32
    %cond3A = arith.constant 0 : i32
    %cond3A_1 = arith.cmpi ne, %convert_element_type3A, %cond3A : i32
    scf.if %cond3A_1 {
      %broadcast_in_dim3A_39 = arith.constant 0.000000e+00 : f32
      %broadcast_in_dim3A_40 = vector.broadcast %broadcast_in_dim3A_39 : f32 to vector<64x136xf32>
      %swap3A_41 = arith.constant 0 : index
      %swap3A_42 = arith.constant 0 : index
      %swap3A_43 = vector.load %arg3[%swap3A_41, %swap3A_42] : memref<64x136xf32, #tpu.memory_space<vmem>>, vector<64x136xf32>
      tpu.vector_store %arg3[%swap3A_41, %swap3A_42], %broadcast_in_dim3A_40 {strides = array<i32>} : memref<64x136xf32, #tpu.memory_space<vmem>>, vector<64x136xf32>,
    } else {
    }
    %get3A = arith.constant 0 : index
    %get3A_2 = arith.constant 0 : index
    %get3A_3 = arith.constant 0 : index
    %get3A_4 = vector.load %arg2[%get3A, %get3A_2, %get3A_3] : memref<1x1x2000xi32, #tpu.memory_space<vmem>>, vector<1x1x2000xi32>
    %get3A_5 = vector.shape_cast %get3A_4 : vector<1x1x2000xi32> to vector<2000xi32>
    %iota3A = tpu.iota {dimensions = array<i32: 0>} : vector<64x2000xi32>
    %broadcast_in_dim3A = vector.shape_cast %get3A_5 : vector<2000xi32> to vector<1x2000xi32>
    %eq3A_6 = vector.broadcast %broadcast_in_dim3A : vector<1x2000xi32> to vector<64x2000xi32>
    %eq3A_7 = arith.cmpi eq, %iota3A, %eq3A_6 : vector<64x2000xi32>
    %convert_element_type3A_8 = arith.extui %eq3A_7 : vector<64x2000xi1> to vector<64x2000xi32>
    %convert_element_type3A_9 = arith.sitofp %convert_element_type3A_8 : vector<64x2000xi32> to vector<64x2000xf32>
    %get3A_10 = arith.constant 0 : index
    %get3A_11 = arith.constant 0 : index
    %get3A_12 = vector.load %arg1[%get3A_10, %get3A_11] : memref<2000x64xf32, #tpu.memory_space<vmem>>, vector<2000x64xf32>
    %get3A_13 = arith.constant 0 : index
    %get3A_14 = arith.constant 0 : index
    %get3A_15 = vector.load %arg3[%get3A_13, %get3A_14] : memref<64x136xf32, #tpu.memory_space<vmem>>, vector<64x64xf32>
    %dot_general3A = arith.constant dense<0.000000e+00> : vector<64x64xf32>
    %dot_general3A_16 = tpu.matmul %convert_element_type3A_9, %get3A_12, %dot_general3A {dimension_numbers = #tpu.dot_dimension_numbers<[1], [0], [0], [1], [0, 0, 1, 1], [], []>, transpose_lhs_hint = false} : vector<64x2000xf32>, vector<2000x64xf32>, vector<64x64xf32> -> vector<64x64xf32>
    %add3A = arith.addf %get3A_15, %dot_general3A_16 : vector<64x64xf32>
    %swap3A = arith.constant 0 : index
    %swap3A_17 = arith.constant 0 : index
    %swap3A_18 = vector.load %arg3[%swap3A, %swap3A_17] : memref<64x136xf32, #tpu.memory_space<vmem>>, vector<64x64xf32>
    tpu.vector_store %arg3[%swap3A, %swap3A_17], %add3A {strides = array<i32>} : memref<64x136xf32, #tpu.memory_space<vmem>>, vector<64x64xf32>,
    %get3A_19 = arith.constant 0 : index
    %get3A_20 = arith.constant 64 : index
    %get3A_21 = vector.load %arg3[%get3A_19, %get3A_20] : memref<64x136xf32, #tpu.memory_space<vmem>>, vector<64x64xf32>
    %mul3A = arith.mulf %get3A_12, %get3A_12 : vector<2000x64xf32>
    %dot_general3A_22 = arith.constant dense<0.000000e+00> : vector<64x64xf32>
    %dot_general3A_23 = tpu.matmul %convert_element_type3A_9, %mul3A, %dot_general3A_22 {dimension_numbers = #tpu.dot_dimension_numbers<[1], [0], [0], [1], [0, 0, 1, 1], [], []>, transpose_lhs_hint = false} : vector<64x2000xf32>, vector<2000x64xf32>, vector<64x64xf32> -> vector<64x64xf32>
    %add3A_24 = arith.addf %get3A_21, %dot_general3A_23 : vector<64x64xf32>
    %swap3A_25 = arith.constant 0 : index
    %swap3A_26 = arith.constant 64 : index
    %swap3A_27 = vector.load %arg3[%swap3A_25, %swap3A_26] : memref<64x136xf32, #tpu.memory_space<vmem>>, vector<64x64xf32>
    tpu.vector_store %arg3[%swap3A_25, %swap3A_26], %add3A_24 {strides = array<i32>} : memref<64x136xf32, #tpu.memory_space<vmem>>, vector<64x64xf32>,
    %get3A_28 = arith.constant 0 : index
    %get3A_29 = arith.constant 128 : index
    %get3A_30 = vector.load %arg3[%get3A_28, %get3A_29] : memref<64x136xf32, #tpu.memory_space<vmem>>, vector<64x8xf32>
    %broadcast_in_dim3A_31 = arith.constant 1.000000e+00 : f32
    %broadcast_in_dim3A_32 = vector.broadcast %broadcast_in_dim3A_31 : f32 to vector<2000x8xf32>
    %dot_general3A_33 = arith.constant dense<0.000000e+00> : vector<64x8xf32>
    %dot_general3A_34 = tpu.matmul %convert_element_type3A_9, %broadcast_in_dim3A_32, %dot_general3A_33 {dimension_numbers = #tpu.dot_dimension_numbers<[1], [0], [0], [1], [0, 0, 1, 1], [], []>, transpose_lhs_hint = false} : vector<64x2000xf32>, vector<2000x8xf32>, vector<64x8xf32> -> vector<64x8xf32>
    %add3A_35 = arith.addf %get3A_30, %dot_general3A_34 : vector<64x8xf32>
    %swap3A_36 = arith.constant 0 : index
    %swap3A_37 = arith.constant 128 : index
    %swap3A_38 = vector.load %arg3[%swap3A_36, %swap3A_37] : memref<64x136xf32, #tpu.memory_space<vmem>>, vector<64x8xf32>
    tpu.vector_store %arg3[%swap3A_36, %swap3A_37], %add3A_35 {strides = array<i32>} : memref<64x136xf32, #tpu.memory_space<vmem>>, vector<64x8xf32>,
    return
  }
  func.func @transform_0(%arg0: i32) -> (i32, i32) {
    %c0_i32 = arith.constant 0 : i32
    %c0_i32_0 = arith.constant 0 : i32
    return %arg0, %c0_i32 : i32, i32
  }
  func.func @transform_1(%arg0: i32) -> (i32, i32, i32) {
    %c0_i32 = arith.constant 0 : i32
    %c0_i32_0 = arith.constant 0 : i32
    %c0_i32_1 = arith.constant 0 : i32
    return %arg0, %c0_i32, %c0_i32_0 : i32, i32, i32
  }
  func.func @transform_2(%arg0: i32) -> (i32, i32) {
    %c0_i32 = arith.constant 0 : i32
    %c0_i32_0 = arith.constant 0 : i32
    %c0_i32_1 = arith.constant 0 : i32
    return %c0_i32, %c0_i32_0 : i32, i32
  }
}

module attributes {stable_mosaic.version = 14 : i64} {
  func.func @_emb_body(%arg0: memref<64x512xf32, #tpu.memory_space<vmem>>, %arg1: memref<512x128xf32, #tpu.memory_space<vmem>>, %arg2: memref<1x128xf32, #tpu.memory_space<vmem>>, %arg3: memref<64x128xf32, #tpu.memory_space<vmem>>) attributes {dimension_semantics = [], scalar_prefetch = 0 : i64, scratch_operands = 0 : i64, tpu.core_type = #tpu.core_type<tc>} {
    %get3A = arith.constant 0 : index
    %get3A_0 = arith.constant 0 : index
    %get3A_1 = vector.load %arg0[%get3A, %get3A_0] : memref<64x512xf32, #tpu.memory_space<vmem>>, vector<64x512xf32>
    %logistic3A = arith.negf %get3A_1 : vector<64x512xf32>
    %logistic3A_2 = math.exp %logistic3A : vector<64x512xf32>
    %logistic3A_3 = arith.constant 1.000000e+00 : f32
    %logistic3A_4 = vector.broadcast %logistic3A_3 : f32 to vector<64x512xf32>
    %logistic3A_5 = arith.addf %logistic3A_4, %logistic3A_2 : vector<64x512xf32>
    %logistic3A_6 = arith.divf %logistic3A_4, %logistic3A_5 : vector<64x512xf32>
    %mul3A = arith.mulf %get3A_1, %logistic3A_6 : vector<64x512xf32>
    %get3A_7 = arith.constant 0 : index
    %get3A_8 = arith.constant 0 : index
    %get3A_9 = vector.load %arg1[%get3A_7, %get3A_8] : memref<512x128xf32, #tpu.memory_space<vmem>>, vector<512x128xf32>
    %dot_general3A = arith.constant dense<0.000000e+00> : vector<64x128xf32>
    %dot_general3A_10 = tpu.matmul %mul3A, %get3A_9, %dot_general3A {dimension_numbers = #tpu.dot_dimension_numbers<[1], [0], [0], [1], [0, 0, 1, 1], [], []>, transpose_lhs_hint = false} : vector<64x512xf32>, vector<512x128xf32>, vector<64x128xf32> -> vector<64x128xf32>
    %get3A_11 = arith.constant 0 : index
    %get3A_12 = arith.constant 0 : index
    %get3A_13 = vector.load %arg2[%get3A_11, %get3A_12] : memref<1x128xf32, #tpu.memory_space<vmem>>, vector<1x128xf32>
    %add3A = vector.broadcast %get3A_13 : vector<1x128xf32> to vector<64x128xf32>
    %add3A_14 = arith.addf %dot_general3A_10, %add3A : vector<64x128xf32>
    %swap3A = arith.constant 0 : index
    %swap3A_15 = arith.constant 0 : index
    %swap3A_16 = vector.load %arg3[%swap3A, %swap3A_15] : memref<64x128xf32, #tpu.memory_space<vmem>>, vector<64x128xf32>
    tpu.vector_store %arg3[%swap3A, %swap3A_15], %add3A_14 {strides = array<i32>} : memref<64x128xf32, #tpu.memory_space<vmem>>, vector<64x128xf32>,
    return
  }
}

module attributes {stable_mosaic.version = 14 : i64} {
  func.func @_film_conv_body(%arg0: i32, %arg1: memref<1024x64xf32, #tpu.memory_space<vmem>>, %arg2: memref<1x1x1024xi32, #tpu.memory_space<vmem>>, %arg3: memref<64x64xf32, #tpu.memory_space<vmem>>, %arg4: memref<64x64xf32, #tpu.memory_space<vmem>>, %arg5: memref<27x64x64xf32, #tpu.memory_space<vmem>>, %arg6: memref<27x1024x128xf32, #tpu.memory_space<vmem>>) attributes {dimension_semantics = [#tpu.dimension_semantics<arbitrary>], iteration_bounds = array<i64: 102>, scalar_prefetch = 0 : i64, scratch_operands = 0 : i64, tpu.core_type = #tpu.core_type<tc>, window_params = [{transform_indices = @transform_0, window_bounds = array<i64: 1024, 64>}, {transform_indices = @transform_1, window_bounds = array<i64: 1, 1, 1024>}, {pipeline_mode = #tpu.pipeline_mode<synchronous>, transform_indices = @transform_2, window_bounds = array<i64: 64, 64>}, {pipeline_mode = #tpu.pipeline_mode<synchronous>, transform_indices = @transform_3, window_bounds = array<i64: 64, 64>}, {pipeline_mode = #tpu.pipeline_mode<synchronous>, transform_indices = @transform_4, window_bounds = array<i64: 27, 64, 64>}, {transform_indices = @transform_5, window_bounds = array<i64: 27, 1024, 128>}]} {
    %ge3A = arith.constant 98 : i32
    %ge3A_0 = arith.cmpi sge, %arg0, %ge3A : i32
    %convert_element_type3A = arith.extui %ge3A_0 : i1 to i32
    %cond3A = arith.constant 0 : i32
    %cond3A_1 = arith.cmpi ne, %convert_element_type3A, %cond3A : i32
    scf.if %cond3A_1 {
      %broadcast_in_dim3A = arith.constant 0.000000e+00 : f32
      %broadcast_in_dim3A_6 = vector.broadcast %broadcast_in_dim3A : f32 to vector<27x1024x128xf32>
      %swap3A = arith.constant 0 : index
      %swap3A_7 = arith.constant 0 : index
      %swap3A_8 = arith.constant 0 : index
      %swap3A_9 = vector.load %arg6[%swap3A, %swap3A_7, %swap3A_8] : memref<27x1024x128xf32, #tpu.memory_space<vmem>>, vector<27x1024x128xf32>
      tpu.vector_store %arg6[%swap3A, %swap3A_7, %swap3A_8], %broadcast_in_dim3A_6 {strides = array<i32>} : memref<27x1024x128xf32, #tpu.memory_space<vmem>>, vector<27x1024x128xf32>,
    } else {
    }
    %lt3A = arith.constant 98 : i32
    %lt3A_2 = arith.cmpi slt, %arg0, %lt3A : i32
    %convert_element_type3A_3 = arith.extui %lt3A_2 : i1 to i32
    %cond3A_4 = arith.constant 0 : i32
    %cond3A_5 = arith.cmpi ne, %convert_element_type3A_3, %cond3A_4 : i32
    scf.if %cond3A_5 {
      %get3A = arith.constant 0 : index
      %get3A_6 = arith.constant 0 : index
      %get3A_7 = arith.constant 0 : index
      %get3A_8 = vector.load %arg2[%get3A, %get3A_6, %get3A_7] : memref<1x1x1024xi32, #tpu.memory_space<vmem>>, vector<1x1x1024xi32>
      %get3A_9 = vector.shape_cast %get3A_8 : vector<1x1x1024xi32> to vector<1024xi32>
      %broadcast_in_dim3A = vector.shape_cast %get3A_9 : vector<1024xi32> to vector<1024x1xi32>
      %iota3A = tpu.iota {dimensions = array<i32: 1>} : vector<1024x64xi32>
      %eq3A = vector.broadcast %broadcast_in_dim3A : vector<1024x1xi32> to vector<1024x64xi32>
      %eq3A_10 = arith.cmpi eq, %eq3A, %iota3A : vector<1024x64xi32>
      %convert_element_type3A_11 = arith.extui %eq3A_10 : vector<1024x64xi1> to vector<1024x64xi32>
      %convert_element_type3A_12 = arith.sitofp %convert_element_type3A_11 : vector<1024x64xi32> to vector<1024x64xf32>
      %get3A_13 = arith.constant 0 : index
      %get3A_14 = arith.constant 0 : index
      %get3A_15 = vector.load %arg3[%get3A_13, %get3A_14] : memref<64x64xf32, #tpu.memory_space<vmem>>, vector<64x64xf32>
      %dot_general3A = arith.constant dense<0.000000e+00> : vector<1024x64xf32>
      %dot_general3A_16 = tpu.matmul %convert_element_type3A_12, %get3A_15, %dot_general3A {dimension_numbers = #tpu.dot_dimension_numbers<[1], [0], [0], [1], [0, 0, 1, 1], [], []>, transpose_lhs_hint = false} : vector<1024x64xf32>, vector<64x64xf32>, vector<1024x64xf32> -> vector<1024x64xf32>
      %get3A_17 = arith.constant 0 : index
      %get3A_18 = arith.constant 0 : index
      %get3A_19 = vector.load %arg4[%get3A_17, %get3A_18] : memref<64x64xf32, #tpu.memory_space<vmem>>, vector<64x64xf32>
      %dot_general3A_20 = arith.constant dense<0.000000e+00> : vector<1024x64xf32>
      %dot_general3A_21 = tpu.matmul %convert_element_type3A_12, %get3A_19, %dot_general3A_20 {dimension_numbers = #tpu.dot_dimension_numbers<[1], [0], [0], [1], [0, 0, 1, 1], [], []>, transpose_lhs_hint = false} : vector<1024x64xf32>, vector<64x64xf32>, vector<1024x64xf32> -> vector<1024x64xf32>
      %get3A_22 = arith.constant 0 : index
      %get3A_23 = arith.constant 0 : index
      %get3A_24 = vector.load %arg1[%get3A_22, %get3A_23] : memref<1024x64xf32, #tpu.memory_space<vmem>>, vector<1024x64xf32>
      %mul3A = arith.mulf %get3A_24, %dot_general3A_16 : vector<1024x64xf32>
      %add3A = arith.addf %mul3A, %dot_general3A_21 : vector<1024x64xf32>
      %logistic3A = arith.negf %add3A : vector<1024x64xf32>
      %logistic3A_25 = math.exp %logistic3A : vector<1024x64xf32>
      %logistic3A_26 = arith.constant 1.000000e+00 : f32
      %logistic3A_27 = vector.broadcast %logistic3A_26 : f32 to vector<1024x64xf32>
      %logistic3A_28 = arith.addf %logistic3A_27, %logistic3A_25 : vector<1024x64xf32>
      %logistic3A_29 = arith.divf %logistic3A_27, %logistic3A_28 : vector<1024x64xf32>
      %mul3A_30 = arith.mulf %add3A, %logistic3A_29 : vector<1024x64xf32>
      %broadcast_in_dim3A_31 = arith.constant 0.000000e+00 : f32
      %broadcast_in_dim3A_32 = vector.broadcast %broadcast_in_dim3A_31 : f32 to vector<1024x64xf32>
      %get3A_33 = arith.constant 0 : index
      %get3A_34 = arith.constant 0 : index
      %get3A_35 = arith.constant 0 : index
      %get3A_36 = vector.load %arg5[%get3A_33, %get3A_34, %get3A_35] : memref<27x64x64xf32, #tpu.memory_space<vmem>>, vector<1x64x64xf32>
      %get3A_37 = vector.shape_cast %get3A_36 : vector<1x64x64xf32> to vector<64x64xf32>
      %dot_general3A_38 = arith.constant dense<0.000000e+00> : vector<1024x64xf32>
      %dot_general3A_39 = tpu.matmul %mul3A_30, %get3A_37, %dot_general3A_38 {dimension_numbers = #tpu.dot_dimension_numbers<[1], [0], [0], [1], [0, 0, 1, 1], [], []>, transpose_lhs_hint = false} : vector<1024x64xf32>, vector<64x64xf32>, vector<1024x64xf32> -> vector<1024x64xf32>
      %concatenate3A = tpu.concatenate %dot_general3A_39, %broadcast_in_dim3A_32 in 1 : vector<1024x64xf32>, vector<1024x64xf32> -> vector<1024x128xf32>
      %swap3A = arith.constant 0 : index
      %swap3A_40 = arith.constant 0 : index
      %swap3A_41 = arith.constant 0 : index
      %swap3A_42 = vector.load %arg6[%swap3A, %swap3A_40, %swap3A_41] : memref<27x1024x128xf32, #tpu.memory_space<vmem>>, vector<1x1024x128xf32>
      %swap3A_43 = vector.shape_cast %swap3A_42 : vector<1x1024x128xf32> to vector<1024x128xf32>
      %swap3A_44 = vector.shape_cast %concatenate3A : vector<1024x128xf32> to vector<1x1024x128xf32>
      tpu.vector_store %arg6[%swap3A, %swap3A_40, %swap3A_41], %swap3A_44 {strides = array<i32>} : memref<27x1024x128xf32, #tpu.memory_space<vmem>>, vector<1x1024x128xf32>,
      %get3A_45 = arith.constant 1 : index
      %get3A_46 = arith.constant 0 : index
      %get3A_47 = arith.constant 0 : index
      %get3A_48 = vector.load %arg5[%get3A_45, %get3A_46, %get3A_47] : memref<27x64x64xf32, #tpu.memory_space<vmem>>, vector<1x64x64xf32>
      %get3A_49 = vector.shape_cast %get3A_48 : vector<1x64x64xf32> to vector<64x64xf32>
      %dot_general3A_50 = arith.constant dense<0.000000e+00> : vector<1024x64xf32>
      %dot_general3A_51 = tpu.matmul %mul3A_30, %get3A_49, %dot_general3A_50 {dimension_numbers = #tpu.dot_dimension_numbers<[1], [0], [0], [1], [0, 0, 1, 1], [], []>, transpose_lhs_hint = false} : vector<1024x64xf32>, vector<64x64xf32>, vector<1024x64xf32> -> vector<1024x64xf32>
      %concatenate3A_52 = tpu.concatenate %dot_general3A_51, %broadcast_in_dim3A_32 in 1 : vector<1024x64xf32>, vector<1024x64xf32> -> vector<1024x128xf32>
      %swap3A_53 = arith.constant 1 : index
      %swap3A_54 = arith.constant 0 : index
      %swap3A_55 = arith.constant 0 : index
      %swap3A_56 = vector.load %arg6[%swap3A_53, %swap3A_54, %swap3A_55] : memref<27x1024x128xf32, #tpu.memory_space<vmem>>, vector<1x1024x128xf32>
      %swap3A_57 = vector.shape_cast %swap3A_56 : vector<1x1024x128xf32> to vector<1024x128xf32>
      %swap3A_58 = vector.shape_cast %concatenate3A_52 : vector<1024x128xf32> to vector<1x1024x128xf32>
      tpu.vector_store %arg6[%swap3A_53, %swap3A_54, %swap3A_55], %swap3A_58 {strides = array<i32>} : memref<27x1024x128xf32, #tpu.memory_space<vmem>>, vector<1x1024x128xf32>,
      %get3A_59 = arith.constant 2 : index
      %get3A_60 = arith.constant 0 : index
      %get3A_61 = arith.constant 0 : index
      %get3A_62 = vector.load %arg5[%get3A_59, %get3A_60, %get3A_61] : memref<27x64x64xf32, #tpu.memory_space<vmem>>, vector<1x64x64xf32>
      %get3A_63 = vector.shape_cast %get3A_62 : vector<1x64x64xf32> to vector<64x64xf32>
      %dot_general3A_64 = arith.constant dense<0.000000e+00> : vector<1024x64xf32>
      %dot_general3A_65 = tpu.matmul %mul3A_30, %get3A_63, %dot_general3A_64 {dimension_numbers = #tpu.dot_dimension_numbers<[1], [0], [0], [1], [0, 0, 1, 1], [], []>, transpose_lhs_hint = false} : vector<1024x64xf32>, vector<64x64xf32>, vector<1024x64xf32> -> vector<1024x64xf32>
      %concatenate3A_66 = tpu.concatenate %dot_general3A_65, %broadcast_in_dim3A_32 in 1 : vector<1024x64xf32>, vector<1024x64xf32> -> vector<1024x128xf32>
      %swap3A_67 = arith.constant 2 : index
      %swap3A_68 = arith.constant 0 : index
      %swap3A_69 = arith.constant 0 : index
      %swap3A_70 = vector.load %arg6[%swap3A_67, %swap3A_68, %swap3A_69] : memref<27x1024x128xf32, #tpu.memory_space<vmem>>, vector<1x1024x128xf32>
      %swap3A_71 = vector.shape_cast %swap3A_70 : vector<1x1024x128xf32> to vector<1024x128xf32>
      %swap3A_72 = vector.shape_cast %concatenate3A_66 : vector<1024x128xf32> to vector<1x1024x128xf32>
      tpu.vector_store %arg6[%swap3A_67, %swap3A_68, %swap3A_69], %swap3A_72 {strides = array<i32>} : memref<27x1024x128xf32, #tpu.memory_space<vmem>>, vector<1x1024x128xf32>,
      %get3A_73 = arith.constant 3 : index
      %get3A_74 = arith.constant 0 : index
      %get3A_75 = arith.constant 0 : index
      %get3A_76 = vector.load %arg5[%get3A_73, %get3A_74, %get3A_75] : memref<27x64x64xf32, #tpu.memory_space<vmem>>, vector<1x64x64xf32>
      %get3A_77 = vector.shape_cast %get3A_76 : vector<1x64x64xf32> to vector<64x64xf32>
      %dot_general3A_78 = arith.constant dense<0.000000e+00> : vector<1024x64xf32>
      %dot_general3A_79 = tpu.matmul %mul3A_30, %get3A_77, %dot_general3A_78 {dimension_numbers = #tpu.dot_dimension_numbers<[1], [0], [0], [1], [0, 0, 1, 1], [], []>, transpose_lhs_hint = false} : vector<1024x64xf32>, vector<64x64xf32>, vector<1024x64xf32> -> vector<1024x64xf32>
      %concatenate3A_80 = tpu.concatenate %dot_general3A_79, %broadcast_in_dim3A_32 in 1 : vector<1024x64xf32>, vector<1024x64xf32> -> vector<1024x128xf32>
      %swap3A_81 = arith.constant 3 : index
      %swap3A_82 = arith.constant 0 : index
      %swap3A_83 = arith.constant 0 : index
      %swap3A_84 = vector.load %arg6[%swap3A_81, %swap3A_82, %swap3A_83] : memref<27x1024x128xf32, #tpu.memory_space<vmem>>, vector<1x1024x128xf32>
      %swap3A_85 = vector.shape_cast %swap3A_84 : vector<1x1024x128xf32> to vector<1024x128xf32>
      %swap3A_86 = vector.shape_cast %concatenate3A_80 : vector<1024x128xf32> to vector<1x1024x128xf32>
      tpu.vector_store %arg6[%swap3A_81, %swap3A_82, %swap3A_83], %swap3A_86 {strides = array<i32>} : memref<27x1024x128xf32, #tpu.memory_space<vmem>>, vector<1x1024x128xf32>,
      %get3A_87 = arith.constant 4 : index
      %get3A_88 = arith.constant 0 : index
      %get3A_89 = arith.constant 0 : index
      %get3A_90 = vector.load %arg5[%get3A_87, %get3A_88, %get3A_89] : memref<27x64x64xf32, #tpu.memory_space<vmem>>, vector<1x64x64xf32>
      %get3A_91 = vector.shape_cast %get3A_90 : vector<1x64x64xf32> to vector<64x64xf32>
      %dot_general3A_92 = arith.constant dense<0.000000e+00> : vector<1024x64xf32>
      %dot_general3A_93 = tpu.matmul %mul3A_30, %get3A_91, %dot_general3A_92 {dimension_numbers = #tpu.dot_dimension_numbers<[1], [0], [0], [1], [0, 0, 1, 1], [], []>, transpose_lhs_hint = false} : vector<1024x64xf32>, vector<64x64xf32>, vector<1024x64xf32> -> vector<1024x64xf32>
      %concatenate3A_94 = tpu.concatenate %dot_general3A_93, %broadcast_in_dim3A_32 in 1 : vector<1024x64xf32>, vector<1024x64xf32> -> vector<1024x128xf32>
      %swap3A_95 = arith.constant 4 : index
      %swap3A_96 = arith.constant 0 : index
      %swap3A_97 = arith.constant 0 : index
      %swap3A_98 = vector.load %arg6[%swap3A_95, %swap3A_96, %swap3A_97] : memref<27x1024x128xf32, #tpu.memory_space<vmem>>, vector<1x1024x128xf32>
      %swap3A_99 = vector.shape_cast %swap3A_98 : vector<1x1024x128xf32> to vector<1024x128xf32>
      %swap3A_100 = vector.shape_cast %concatenate3A_94 : vector<1024x128xf32> to vector<1x1024x128xf32>
      tpu.vector_store %arg6[%swap3A_95, %swap3A_96, %swap3A_97], %swap3A_100 {strides = array<i32>} : memref<27x1024x128xf32, #tpu.memory_space<vmem>>, vector<1x1024x128xf32>,
      %get3A_101 = arith.constant 5 : index
      %get3A_102 = arith.constant 0 : index
      %get3A_103 = arith.constant 0 : index
      %get3A_104 = vector.load %arg5[%get3A_101, %get3A_102, %get3A_103] : memref<27x64x64xf32, #tpu.memory_space<vmem>>, vector<1x64x64xf32>
      %get3A_105 = vector.shape_cast %get3A_104 : vector<1x64x64xf32> to vector<64x64xf32>
      %dot_general3A_106 = arith.constant dense<0.000000e+00> : vector<1024x64xf32>
      %dot_general3A_107 = tpu.matmul %mul3A_30, %get3A_105, %dot_general3A_106 {dimension_numbers = #tpu.dot_dimension_numbers<[1], [0], [0], [1], [0, 0, 1, 1], [], []>, transpose_lhs_hint = false} : vector<1024x64xf32>, vector<64x64xf32>, vector<1024x64xf32> -> vector<1024x64xf32>
      %concatenate3A_108 = tpu.concatenate %dot_general3A_107, %broadcast_in_dim3A_32 in 1 : vector<1024x64xf32>, vector<1024x64xf32> -> vector<1024x128xf32>
      %swap3A_109 = arith.constant 5 : index
      %swap3A_110 = arith.constant 0 : index
      %swap3A_111 = arith.constant 0 : index
      %swap3A_112 = vector.load %arg6[%swap3A_109, %swap3A_110, %swap3A_111] : memref<27x1024x128xf32, #tpu.memory_space<vmem>>, vector<1x1024x128xf32>
      %swap3A_113 = vector.shape_cast %swap3A_112 : vector<1x1024x128xf32> to vector<1024x128xf32>
      %swap3A_114 = vector.shape_cast %concatenate3A_108 : vector<1024x128xf32> to vector<1x1024x128xf32>
      tpu.vector_store %arg6[%swap3A_109, %swap3A_110, %swap3A_111], %swap3A_114 {strides = array<i32>} : memref<27x1024x128xf32, #tpu.memory_space<vmem>>, vector<1x1024x128xf32>,
      %get3A_115 = arith.constant 6 : index
      %get3A_116 = arith.constant 0 : index
      %get3A_117 = arith.constant 0 : index
      %get3A_118 = vector.load %arg5[%get3A_115, %get3A_116, %get3A_117] : memref<27x64x64xf32, #tpu.memory_space<vmem>>, vector<1x64x64xf32>
      %get3A_119 = vector.shape_cast %get3A_118 : vector<1x64x64xf32> to vector<64x64xf32>
      %dot_general3A_120 = arith.constant dense<0.000000e+00> : vector<1024x64xf32>
      %dot_general3A_121 = tpu.matmul %mul3A_30, %get3A_119, %dot_general3A_120 {dimension_numbers = #tpu.dot_dimension_numbers<[1], [0], [0], [1], [0, 0, 1, 1], [], []>, transpose_lhs_hint = false} : vector<1024x64xf32>, vector<64x64xf32>, vector<1024x64xf32> -> vector<1024x64xf32>
      %concatenate3A_122 = tpu.concatenate %dot_general3A_121, %broadcast_in_dim3A_32 in 1 : vector<1024x64xf32>, vector<1024x64xf32> -> vector<1024x128xf32>
      %swap3A_123 = arith.constant 6 : index
      %swap3A_124 = arith.constant 0 : index
      %swap3A_125 = arith.constant 0 : index
      %swap3A_126 = vector.load %arg6[%swap3A_123, %swap3A_124, %swap3A_125] : memref<27x1024x128xf32, #tpu.memory_space<vmem>>, vector<1x1024x128xf32>
      %swap3A_127 = vector.shape_cast %swap3A_126 : vector<1x1024x128xf32> to vector<1024x128xf32>
      %swap3A_128 = vector.shape_cast %concatenate3A_122 : vector<1024x128xf32> to vector<1x1024x128xf32>
      tpu.vector_store %arg6[%swap3A_123, %swap3A_124, %swap3A_125], %swap3A_128 {strides = array<i32>} : memref<27x1024x128xf32, #tpu.memory_space<vmem>>, vector<1x1024x128xf32>,
      %get3A_129 = arith.constant 7 : index
      %get3A_130 = arith.constant 0 : index
      %get3A_131 = arith.constant 0 : index
      %get3A_132 = vector.load %arg5[%get3A_129, %get3A_130, %get3A_131] : memref<27x64x64xf32, #tpu.memory_space<vmem>>, vector<1x64x64xf32>
      %get3A_133 = vector.shape_cast %get3A_132 : vector<1x64x64xf32> to vector<64x64xf32>
      %dot_general3A_134 = arith.constant dense<0.000000e+00> : vector<1024x64xf32>
      %dot_general3A_135 = tpu.matmul %mul3A_30, %get3A_133, %dot_general3A_134 {dimension_numbers = #tpu.dot_dimension_numbers<[1], [0], [0], [1], [0, 0, 1, 1], [], []>, transpose_lhs_hint = false} : vector<1024x64xf32>, vector<64x64xf32>, vector<1024x64xf32> -> vector<1024x64xf32>
      %concatenate3A_136 = tpu.concatenate %dot_general3A_135, %broadcast_in_dim3A_32 in 1 : vector<1024x64xf32>, vector<1024x64xf32> -> vector<1024x128xf32>
      %swap3A_137 = arith.constant 7 : index
      %swap3A_138 = arith.constant 0 : index
      %swap3A_139 = arith.constant 0 : index
      %swap3A_140 = vector.load %arg6[%swap3A_137, %swap3A_138, %swap3A_139] : memref<27x1024x128xf32, #tpu.memory_space<vmem>>, vector<1x1024x128xf32>
      %swap3A_141 = vector.shape_cast %swap3A_140 : vector<1x1024x128xf32> to vector<1024x128xf32>
      %swap3A_142 = vector.shape_cast %concatenate3A_136 : vector<1024x128xf32> to vector<1x1024x128xf32>
      tpu.vector_store %arg6[%swap3A_137, %swap3A_138, %swap3A_139], %swap3A_142 {strides = array<i32>} : memref<27x1024x128xf32, #tpu.memory_space<vmem>>, vector<1x1024x128xf32>,
      %get3A_143 = arith.constant 8 : index
      %get3A_144 = arith.constant 0 : index
      %get3A_145 = arith.constant 0 : index
      %get3A_146 = vector.load %arg5[%get3A_143, %get3A_144, %get3A_145] : memref<27x64x64xf32, #tpu.memory_space<vmem>>, vector<1x64x64xf32>
      %get3A_147 = vector.shape_cast %get3A_146 : vector<1x64x64xf32> to vector<64x64xf32>
      %dot_general3A_148 = arith.constant dense<0.000000e+00> : vector<1024x64xf32>
      %dot_general3A_149 = tpu.matmul %mul3A_30, %get3A_147, %dot_general3A_148 {dimension_numbers = #tpu.dot_dimension_numbers<[1], [0], [0], [1], [0, 0, 1, 1], [], []>, transpose_lhs_hint = false} : vector<1024x64xf32>, vector<64x64xf32>, vector<1024x64xf32> -> vector<1024x64xf32>
      %concatenate3A_150 = tpu.concatenate %dot_general3A_149, %broadcast_in_dim3A_32 in 1 : vector<1024x64xf32>, vector<1024x64xf32> -> vector<1024x128xf32>
      %swap3A_151 = arith.constant 8 : index
      %swap3A_152 = arith.constant 0 : index
      %swap3A_153 = arith.constant 0 : index
      %swap3A_154 = vector.load %arg6[%swap3A_151, %swap3A_152, %swap3A_153] : memref<27x1024x128xf32, #tpu.memory_space<vmem>>, vector<1x1024x128xf32>
      %swap3A_155 = vector.shape_cast %swap3A_154 : vector<1x1024x128xf32> to vector<1024x128xf32>
      %swap3A_156 = vector.shape_cast %concatenate3A_150 : vector<1024x128xf32> to vector<1x1024x128xf32>
      tpu.vector_store %arg6[%swap3A_151, %swap3A_152, %swap3A_153], %swap3A_156 {strides = array<i32>} : memref<27x1024x128xf32, #tpu.memory_space<vmem>>, vector<1x1024x128xf32>,
      %get3A_157 = arith.constant 9 : index
      %get3A_158 = arith.constant 0 : index
      %get3A_159 = arith.constant 0 : index
      %get3A_160 = vector.load %arg5[%get3A_157, %get3A_158, %get3A_159] : memref<27x64x64xf32, #tpu.memory_space<vmem>>, vector<1x64x64xf32>
      %get3A_161 = vector.shape_cast %get3A_160 : vector<1x64x64xf32> to vector<64x64xf32>
      %dot_general3A_162 = arith.constant dense<0.000000e+00> : vector<1024x64xf32>
      %dot_general3A_163 = tpu.matmul %mul3A_30, %get3A_161, %dot_general3A_162 {dimension_numbers = #tpu.dot_dimension_numbers<[1], [0], [0], [1], [0, 0, 1, 1], [], []>, transpose_lhs_hint = false} : vector<1024x64xf32>, vector<64x64xf32>, vector<1024x64xf32> -> vector<1024x64xf32>
      %concatenate3A_164 = tpu.concatenate %dot_general3A_163, %broadcast_in_dim3A_32 in 1 : vector<1024x64xf32>, vector<1024x64xf32> -> vector<1024x128xf32>
      %swap3A_165 = arith.constant 9 : index
      %swap3A_166 = arith.constant 0 : index
      %swap3A_167 = arith.constant 0 : index
      %swap3A_168 = vector.load %arg6[%swap3A_165, %swap3A_166, %swap3A_167] : memref<27x1024x128xf32, #tpu.memory_space<vmem>>, vector<1x1024x128xf32>
      %swap3A_169 = vector.shape_cast %swap3A_168 : vector<1x1024x128xf32> to vector<1024x128xf32>
      %swap3A_170 = vector.shape_cast %concatenate3A_164 : vector<1024x128xf32> to vector<1x1024x128xf32>
      tpu.vector_store %arg6[%swap3A_165, %swap3A_166, %swap3A_167], %swap3A_170 {strides = array<i32>} : memref<27x1024x128xf32, #tpu.memory_space<vmem>>, vector<1x1024x128xf32>,
      %get3A_171 = arith.constant 10 : index
      %get3A_172 = arith.constant 0 : index
      %get3A_173 = arith.constant 0 : index
      %get3A_174 = vector.load %arg5[%get3A_171, %get3A_172, %get3A_173] : memref<27x64x64xf32, #tpu.memory_space<vmem>>, vector<1x64x64xf32>
      %get3A_175 = vector.shape_cast %get3A_174 : vector<1x64x64xf32> to vector<64x64xf32>
      %dot_general3A_176 = arith.constant dense<0.000000e+00> : vector<1024x64xf32>
      %dot_general3A_177 = tpu.matmul %mul3A_30, %get3A_175, %dot_general3A_176 {dimension_numbers = #tpu.dot_dimension_numbers<[1], [0], [0], [1], [0, 0, 1, 1], [], []>, transpose_lhs_hint = false} : vector<1024x64xf32>, vector<64x64xf32>, vector<1024x64xf32> -> vector<1024x64xf32>
      %concatenate3A_178 = tpu.concatenate %dot_general3A_177, %broadcast_in_dim3A_32 in 1 : vector<1024x64xf32>, vector<1024x64xf32> -> vector<1024x128xf32>
      %swap3A_179 = arith.constant 10 : index
      %swap3A_180 = arith.constant 0 : index
      %swap3A_181 = arith.constant 0 : index
      %swap3A_182 = vector.load %arg6[%swap3A_179, %swap3A_180, %swap3A_181] : memref<27x1024x128xf32, #tpu.memory_space<vmem>>, vector<1x1024x128xf32>
      %swap3A_183 = vector.shape_cast %swap3A_182 : vector<1x1024x128xf32> to vector<1024x128xf32>
      %swap3A_184 = vector.shape_cast %concatenate3A_178 : vector<1024x128xf32> to vector<1x1024x128xf32>
      tpu.vector_store %arg6[%swap3A_179, %swap3A_180, %swap3A_181], %swap3A_184 {strides = array<i32>} : memref<27x1024x128xf32, #tpu.memory_space<vmem>>, vector<1x1024x128xf32>,
      %get3A_185 = arith.constant 11 : index
      %get3A_186 = arith.constant 0 : index
      %get3A_187 = arith.constant 0 : index
      %get3A_188 = vector.load %arg5[%get3A_185, %get3A_186, %get3A_187] : memref<27x64x64xf32, #tpu.memory_space<vmem>>, vector<1x64x64xf32>
      %get3A_189 = vector.shape_cast %get3A_188 : vector<1x64x64xf32> to vector<64x64xf32>
      %dot_general3A_190 = arith.constant dense<0.000000e+00> : vector<1024x64xf32>
      %dot_general3A_191 = tpu.matmul %mul3A_30, %get3A_189, %dot_general3A_190 {dimension_numbers = #tpu.dot_dimension_numbers<[1], [0], [0], [1], [0, 0, 1, 1], [], []>, transpose_lhs_hint = false} : vector<1024x64xf32>, vector<64x64xf32>, vector<1024x64xf32> -> vector<1024x64xf32>
      %concatenate3A_192 = tpu.concatenate %dot_general3A_191, %broadcast_in_dim3A_32 in 1 : vector<1024x64xf32>, vector<1024x64xf32> -> vector<1024x128xf32>
      %swap3A_193 = arith.constant 11 : index
      %swap3A_194 = arith.constant 0 : index
      %swap3A_195 = arith.constant 0 : index
      %swap3A_196 = vector.load %arg6[%swap3A_193, %swap3A_194, %swap3A_195] : memref<27x1024x128xf32, #tpu.memory_space<vmem>>, vector<1x1024x128xf32>
      %swap3A_197 = vector.shape_cast %swap3A_196 : vector<1x1024x128xf32> to vector<1024x128xf32>
      %swap3A_198 = vector.shape_cast %concatenate3A_192 : vector<1024x128xf32> to vector<1x1024x128xf32>
      tpu.vector_store %arg6[%swap3A_193, %swap3A_194, %swap3A_195], %swap3A_198 {strides = array<i32>} : memref<27x1024x128xf32, #tpu.memory_space<vmem>>, vector<1x1024x128xf32>,
      %get3A_199 = arith.constant 12 : index
      %get3A_200 = arith.constant 0 : index
      %get3A_201 = arith.constant 0 : index
      %get3A_202 = vector.load %arg5[%get3A_199, %get3A_200, %get3A_201] : memref<27x64x64xf32, #tpu.memory_space<vmem>>, vector<1x64x64xf32>
      %get3A_203 = vector.shape_cast %get3A_202 : vector<1x64x64xf32> to vector<64x64xf32>
      %dot_general3A_204 = arith.constant dense<0.000000e+00> : vector<1024x64xf32>
      %dot_general3A_205 = tpu.matmul %mul3A_30, %get3A_203, %dot_general3A_204 {dimension_numbers = #tpu.dot_dimension_numbers<[1], [0], [0], [1], [0, 0, 1, 1], [], []>, transpose_lhs_hint = false} : vector<1024x64xf32>, vector<64x64xf32>, vector<1024x64xf32> -> vector<1024x64xf32>
      %concatenate3A_206 = tpu.concatenate %dot_general3A_205, %broadcast_in_dim3A_32 in 1 : vector<1024x64xf32>, vector<1024x64xf32> -> vector<1024x128xf32>
      %swap3A_207 = arith.constant 12 : index
      %swap3A_208 = arith.constant 0 : index
      %swap3A_209 = arith.constant 0 : index
      %swap3A_210 = vector.load %arg6[%swap3A_207, %swap3A_208, %swap3A_209] : memref<27x1024x128xf32, #tpu.memory_space<vmem>>, vector<1x1024x128xf32>
      %swap3A_211 = vector.shape_cast %swap3A_210 : vector<1x1024x128xf32> to vector<1024x128xf32>
      %swap3A_212 = vector.shape_cast %concatenate3A_206 : vector<1024x128xf32> to vector<1x1024x128xf32>
      tpu.vector_store %arg6[%swap3A_207, %swap3A_208, %swap3A_209], %swap3A_212 {strides = array<i32>} : memref<27x1024x128xf32, #tpu.memory_space<vmem>>, vector<1x1024x128xf32>,
      %get3A_213 = arith.constant 13 : index
      %get3A_214 = arith.constant 0 : index
      %get3A_215 = arith.constant 0 : index
      %get3A_216 = vector.load %arg5[%get3A_213, %get3A_214, %get3A_215] : memref<27x64x64xf32, #tpu.memory_space<vmem>>, vector<1x64x64xf32>
      %get3A_217 = vector.shape_cast %get3A_216 : vector<1x64x64xf32> to vector<64x64xf32>
      %dot_general3A_218 = arith.constant dense<0.000000e+00> : vector<1024x64xf32>
      %dot_general3A_219 = tpu.matmul %mul3A_30, %get3A_217, %dot_general3A_218 {dimension_numbers = #tpu.dot_dimension_numbers<[1], [0], [0], [1], [0, 0, 1, 1], [], []>, transpose_lhs_hint = false} : vector<1024x64xf32>, vector<64x64xf32>, vector<1024x64xf32> -> vector<1024x64xf32>
      %concatenate3A_220 = tpu.concatenate %dot_general3A_219, %broadcast_in_dim3A_32 in 1 : vector<1024x64xf32>, vector<1024x64xf32> -> vector<1024x128xf32>
      %swap3A_221 = arith.constant 13 : index
      %swap3A_222 = arith.constant 0 : index
      %swap3A_223 = arith.constant 0 : index
      %swap3A_224 = vector.load %arg6[%swap3A_221, %swap3A_222, %swap3A_223] : memref<27x1024x128xf32, #tpu.memory_space<vmem>>, vector<1x1024x128xf32>
      %swap3A_225 = vector.shape_cast %swap3A_224 : vector<1x1024x128xf32> to vector<1024x128xf32>
      %swap3A_226 = vector.shape_cast %concatenate3A_220 : vector<1024x128xf32> to vector<1x1024x128xf32>
      tpu.vector_store %arg6[%swap3A_221, %swap3A_222, %swap3A_223], %swap3A_226 {strides = array<i32>} : memref<27x1024x128xf32, #tpu.memory_space<vmem>>, vector<1x1024x128xf32>,
      %get3A_227 = arith.constant 14 : index
      %get3A_228 = arith.constant 0 : index
      %get3A_229 = arith.constant 0 : index
      %get3A_230 = vector.load %arg5[%get3A_227, %get3A_228, %get3A_229] : memref<27x64x64xf32, #tpu.memory_space<vmem>>, vector<1x64x64xf32>
      %get3A_231 = vector.shape_cast %get3A_230 : vector<1x64x64xf32> to vector<64x64xf32>
      %dot_general3A_232 = arith.constant dense<0.000000e+00> : vector<1024x64xf32>
      %dot_general3A_233 = tpu.matmul %mul3A_30, %get3A_231, %dot_general3A_232 {dimension_numbers = #tpu.dot_dimension_numbers<[1], [0], [0], [1], [0, 0, 1, 1], [], []>, transpose_lhs_hint = false} : vector<1024x64xf32>, vector<64x64xf32>, vector<1024x64xf32> -> vector<1024x64xf32>
      %concatenate3A_234 = tpu.concatenate %dot_general3A_233, %broadcast_in_dim3A_32 in 1 : vector<1024x64xf32>, vector<1024x64xf32> -> vector<1024x128xf32>
      %swap3A_235 = arith.constant 14 : index
      %swap3A_236 = arith.constant 0 : index
      %swap3A_237 = arith.constant 0 : index
      %swap3A_238 = vector.load %arg6[%swap3A_235, %swap3A_236, %swap3A_237] : memref<27x1024x128xf32, #tpu.memory_space<vmem>>, vector<1x1024x128xf32>
      %swap3A_239 = vector.shape_cast %swap3A_238 : vector<1x1024x128xf32> to vector<1024x128xf32>
      %swap3A_240 = vector.shape_cast %concatenate3A_234 : vector<1024x128xf32> to vector<1x1024x128xf32>
      tpu.vector_store %arg6[%swap3A_235, %swap3A_236, %swap3A_237], %swap3A_240 {strides = array<i32>} : memref<27x1024x128xf32, #tpu.memory_space<vmem>>, vector<1x1024x128xf32>,
      %get3A_241 = arith.constant 15 : index
      %get3A_242 = arith.constant 0 : index
      %get3A_243 = arith.constant 0 : index
      %get3A_244 = vector.load %arg5[%get3A_241, %get3A_242, %get3A_243] : memref<27x64x64xf32, #tpu.memory_space<vmem>>, vector<1x64x64xf32>
      %get3A_245 = vector.shape_cast %get3A_244 : vector<1x64x64xf32> to vector<64x64xf32>
      %dot_general3A_246 = arith.constant dense<0.000000e+00> : vector<1024x64xf32>
      %dot_general3A_247 = tpu.matmul %mul3A_30, %get3A_245, %dot_general3A_246 {dimension_numbers = #tpu.dot_dimension_numbers<[1], [0], [0], [1], [0, 0, 1, 1], [], []>, transpose_lhs_hint = false} : vector<1024x64xf32>, vector<64x64xf32>, vector<1024x64xf32> -> vector<1024x64xf32>
      %concatenate3A_248 = tpu.concatenate %dot_general3A_247, %broadcast_in_dim3A_32 in 1 : vector<1024x64xf32>, vector<1024x64xf32> -> vector<1024x128xf32>
      %swap3A_249 = arith.constant 15 : index
      %swap3A_250 = arith.constant 0 : index
      %swap3A_251 = arith.constant 0 : index
      %swap3A_252 = vector.load %arg6[%swap3A_249, %swap3A_250, %swap3A_251] : memref<27x1024x128xf32, #tpu.memory_space<vmem>>, vector<1x1024x128xf32>
      %swap3A_253 = vector.shape_cast %swap3A_252 : vector<1x1024x128xf32> to vector<1024x128xf32>
      %swap3A_254 = vector.shape_cast %concatenate3A_248 : vector<1024x128xf32> to vector<1x1024x128xf32>
      tpu.vector_store %arg6[%swap3A_249, %swap3A_250, %swap3A_251], %swap3A_254 {strides = array<i32>} : memref<27x1024x128xf32, #tpu.memory_space<vmem>>, vector<1x1024x128xf32>,
      %get3A_255 = arith.constant 16 : index
      %get3A_256 = arith.constant 0 : index
      %get3A_257 = arith.constant 0 : index
      %get3A_258 = vector.load %arg5[%get3A_255, %get3A_256, %get3A_257] : memref<27x64x64xf32, #tpu.memory_space<vmem>>, vector<1x64x64xf32>
      %get3A_259 = vector.shape_cast %get3A_258 : vector<1x64x64xf32> to vector<64x64xf32>
      %dot_general3A_260 = arith.constant dense<0.000000e+00> : vector<1024x64xf32>
      %dot_general3A_261 = tpu.matmul %mul3A_30, %get3A_259, %dot_general3A_260 {dimension_numbers = #tpu.dot_dimension_numbers<[1], [0], [0], [1], [0, 0, 1, 1], [], []>, transpose_lhs_hint = false} : vector<1024x64xf32>, vector<64x64xf32>, vector<1024x64xf32> -> vector<1024x64xf32>
      %concatenate3A_262 = tpu.concatenate %dot_general3A_261, %broadcast_in_dim3A_32 in 1 : vector<1024x64xf32>, vector<1024x64xf32> -> vector<1024x128xf32>
      %swap3A_263 = arith.constant 16 : index
      %swap3A_264 = arith.constant 0 : index
      %swap3A_265 = arith.constant 0 : index
      %swap3A_266 = vector.load %arg6[%swap3A_263, %swap3A_264, %swap3A_265] : memref<27x1024x128xf32, #tpu.memory_space<vmem>>, vector<1x1024x128xf32>
      %swap3A_267 = vector.shape_cast %swap3A_266 : vector<1x1024x128xf32> to vector<1024x128xf32>
      %swap3A_268 = vector.shape_cast %concatenate3A_262 : vector<1024x128xf32> to vector<1x1024x128xf32>
      tpu.vector_store %arg6[%swap3A_263, %swap3A_264, %swap3A_265], %swap3A_268 {strides = array<i32>} : memref<27x1024x128xf32, #tpu.memory_space<vmem>>, vector<1x1024x128xf32>,
      %get3A_269 = arith.constant 17 : index
      %get3A_270 = arith.constant 0 : index
      %get3A_271 = arith.constant 0 : index
      %get3A_272 = vector.load %arg5[%get3A_269, %get3A_270, %get3A_271] : memref<27x64x64xf32, #tpu.memory_space<vmem>>, vector<1x64x64xf32>
      %get3A_273 = vector.shape_cast %get3A_272 : vector<1x64x64xf32> to vector<64x64xf32>
      %dot_general3A_274 = arith.constant dense<0.000000e+00> : vector<1024x64xf32>
      %dot_general3A_275 = tpu.matmul %mul3A_30, %get3A_273, %dot_general3A_274 {dimension_numbers = #tpu.dot_dimension_numbers<[1], [0], [0], [1], [0, 0, 1, 1], [], []>, transpose_lhs_hint = false} : vector<1024x64xf32>, vector<64x64xf32>, vector<1024x64xf32> -> vector<1024x64xf32>
      %concatenate3A_276 = tpu.concatenate %dot_general3A_275, %broadcast_in_dim3A_32 in 1 : vector<1024x64xf32>, vector<1024x64xf32> -> vector<1024x128xf32>
      %swap3A_277 = arith.constant 17 : index
      %swap3A_278 = arith.constant 0 : index
      %swap3A_279 = arith.constant 0 : index
      %swap3A_280 = vector.load %arg6[%swap3A_277, %swap3A_278, %swap3A_279] : memref<27x1024x128xf32, #tpu.memory_space<vmem>>, vector<1x1024x128xf32>
      %swap3A_281 = vector.shape_cast %swap3A_280 : vector<1x1024x128xf32> to vector<1024x128xf32>
      %swap3A_282 = vector.shape_cast %concatenate3A_276 : vector<1024x128xf32> to vector<1x1024x128xf32>
      tpu.vector_store %arg6[%swap3A_277, %swap3A_278, %swap3A_279], %swap3A_282 {strides = array<i32>} : memref<27x1024x128xf32, #tpu.memory_space<vmem>>, vector<1x1024x128xf32>,
      %get3A_283 = arith.constant 18 : index
      %get3A_284 = arith.constant 0 : index
      %get3A_285 = arith.constant 0 : index
      %get3A_286 = vector.load %arg5[%get3A_283, %get3A_284, %get3A_285] : memref<27x64x64xf32, #tpu.memory_space<vmem>>, vector<1x64x64xf32>
      %get3A_287 = vector.shape_cast %get3A_286 : vector<1x64x64xf32> to vector<64x64xf32>
      %dot_general3A_288 = arith.constant dense<0.000000e+00> : vector<1024x64xf32>
      %dot_general3A_289 = tpu.matmul %mul3A_30, %get3A_287, %dot_general3A_288 {dimension_numbers = #tpu.dot_dimension_numbers<[1], [0], [0], [1], [0, 0, 1, 1], [], []>, transpose_lhs_hint = false} : vector<1024x64xf32>, vector<64x64xf32>, vector<1024x64xf32> -> vector<1024x64xf32>
      %concatenate3A_290 = tpu.concatenate %dot_general3A_289, %broadcast_in_dim3A_32 in 1 : vector<1024x64xf32>, vector<1024x64xf32> -> vector<1024x128xf32>
      %swap3A_291 = arith.constant 18 : index
      %swap3A_292 = arith.constant 0 : index
      %swap3A_293 = arith.constant 0 : index
      %swap3A_294 = vector.load %arg6[%swap3A_291, %swap3A_292, %swap3A_293] : memref<27x1024x128xf32, #tpu.memory_space<vmem>>, vector<1x1024x128xf32>
      %swap3A_295 = vector.shape_cast %swap3A_294 : vector<1x1024x128xf32> to vector<1024x128xf32>
      %swap3A_296 = vector.shape_cast %concatenate3A_290 : vector<1024x128xf32> to vector<1x1024x128xf32>
      tpu.vector_store %arg6[%swap3A_291, %swap3A_292, %swap3A_293], %swap3A_296 {strides = array<i32>} : memref<27x1024x128xf32, #tpu.memory_space<vmem>>, vector<1x1024x128xf32>,
      %get3A_297 = arith.constant 19 : index
      %get3A_298 = arith.constant 0 : index
      %get3A_299 = arith.constant 0 : index
      %get3A_300 = vector.load %arg5[%get3A_297, %get3A_298, %get3A_299] : memref<27x64x64xf32, #tpu.memory_space<vmem>>, vector<1x64x64xf32>
      %get3A_301 = vector.shape_cast %get3A_300 : vector<1x64x64xf32> to vector<64x64xf32>
      %dot_general3A_302 = arith.constant dense<0.000000e+00> : vector<1024x64xf32>
      %dot_general3A_303 = tpu.matmul %mul3A_30, %get3A_301, %dot_general3A_302 {dimension_numbers = #tpu.dot_dimension_numbers<[1], [0], [0], [1], [0, 0, 1, 1], [], []>, transpose_lhs_hint = false} : vector<1024x64xf32>, vector<64x64xf32>, vector<1024x64xf32> -> vector<1024x64xf32>
      %concatenate3A_304 = tpu.concatenate %dot_general3A_303, %broadcast_in_dim3A_32 in 1 : vector<1024x64xf32>, vector<1024x64xf32> -> vector<1024x128xf32>
      %swap3A_305 = arith.constant 19 : index
      %swap3A_306 = arith.constant 0 : index
      %swap3A_307 = arith.constant 0 : index
      %swap3A_308 = vector.load %arg6[%swap3A_305, %swap3A_306, %swap3A_307] : memref<27x1024x128xf32, #tpu.memory_space<vmem>>, vector<1x1024x128xf32>
      %swap3A_309 = vector.shape_cast %swap3A_308 : vector<1x1024x128xf32> to vector<1024x128xf32>
      %swap3A_310 = vector.shape_cast %concatenate3A_304 : vector<1024x128xf32> to vector<1x1024x128xf32>
      tpu.vector_store %arg6[%swap3A_305, %swap3A_306, %swap3A_307], %swap3A_310 {strides = array<i32>} : memref<27x1024x128xf32, #tpu.memory_space<vmem>>, vector<1x1024x128xf32>,
      %get3A_311 = arith.constant 20 : index
      %get3A_312 = arith.constant 0 : index
      %get3A_313 = arith.constant 0 : index
      %get3A_314 = vector.load %arg5[%get3A_311, %get3A_312, %get3A_313] : memref<27x64x64xf32, #tpu.memory_space<vmem>>, vector<1x64x64xf32>
      %get3A_315 = vector.shape_cast %get3A_314 : vector<1x64x64xf32> to vector<64x64xf32>
      %dot_general3A_316 = arith.constant dense<0.000000e+00> : vector<1024x64xf32>
      %dot_general3A_317 = tpu.matmul %mul3A_30, %get3A_315, %dot_general3A_316 {dimension_numbers = #tpu.dot_dimension_numbers<[1], [0], [0], [1], [0, 0, 1, 1], [], []>, transpose_lhs_hint = false} : vector<1024x64xf32>, vector<64x64xf32>, vector<1024x64xf32> -> vector<1024x64xf32>
      %concatenate3A_318 = tpu.concatenate %dot_general3A_317, %broadcast_in_dim3A_32 in 1 : vector<1024x64xf32>, vector<1024x64xf32> -> vector<1024x128xf32>
      %swap3A_319 = arith.constant 20 : index
      %swap3A_320 = arith.constant 0 : index
      %swap3A_321 = arith.constant 0 : index
      %swap3A_322 = vector.load %arg6[%swap3A_319, %swap3A_320, %swap3A_321] : memref<27x1024x128xf32, #tpu.memory_space<vmem>>, vector<1x1024x128xf32>
      %swap3A_323 = vector.shape_cast %swap3A_322 : vector<1x1024x128xf32> to vector<1024x128xf32>
      %swap3A_324 = vector.shape_cast %concatenate3A_318 : vector<1024x128xf32> to vector<1x1024x128xf32>
      tpu.vector_store %arg6[%swap3A_319, %swap3A_320, %swap3A_321], %swap3A_324 {strides = array<i32>} : memref<27x1024x128xf32, #tpu.memory_space<vmem>>, vector<1x1024x128xf32>,
      %get3A_325 = arith.constant 21 : index
      %get3A_326 = arith.constant 0 : index
      %get3A_327 = arith.constant 0 : index
      %get3A_328 = vector.load %arg5[%get3A_325, %get3A_326, %get3A_327] : memref<27x64x64xf32, #tpu.memory_space<vmem>>, vector<1x64x64xf32>
      %get3A_329 = vector.shape_cast %get3A_328 : vector<1x64x64xf32> to vector<64x64xf32>
      %dot_general3A_330 = arith.constant dense<0.000000e+00> : vector<1024x64xf32>
      %dot_general3A_331 = tpu.matmul %mul3A_30, %get3A_329, %dot_general3A_330 {dimension_numbers = #tpu.dot_dimension_numbers<[1], [0], [0], [1], [0, 0, 1, 1], [], []>, transpose_lhs_hint = false} : vector<1024x64xf32>, vector<64x64xf32>, vector<1024x64xf32> -> vector<1024x64xf32>
      %concatenate3A_332 = tpu.concatenate %dot_general3A_331, %broadcast_in_dim3A_32 in 1 : vector<1024x64xf32>, vector<1024x64xf32> -> vector<1024x128xf32>
      %swap3A_333 = arith.constant 21 : index
      %swap3A_334 = arith.constant 0 : index
      %swap3A_335 = arith.constant 0 : index
      %swap3A_336 = vector.load %arg6[%swap3A_333, %swap3A_334, %swap3A_335] : memref<27x1024x128xf32, #tpu.memory_space<vmem>>, vector<1x1024x128xf32>
      %swap3A_337 = vector.shape_cast %swap3A_336 : vector<1x1024x128xf32> to vector<1024x128xf32>
      %swap3A_338 = vector.shape_cast %concatenate3A_332 : vector<1024x128xf32> to vector<1x1024x128xf32>
      tpu.vector_store %arg6[%swap3A_333, %swap3A_334, %swap3A_335], %swap3A_338 {strides = array<i32>} : memref<27x1024x128xf32, #tpu.memory_space<vmem>>, vector<1x1024x128xf32>,
      %get3A_339 = arith.constant 22 : index
      %get3A_340 = arith.constant 0 : index
      %get3A_341 = arith.constant 0 : index
      %get3A_342 = vector.load %arg5[%get3A_339, %get3A_340, %get3A_341] : memref<27x64x64xf32, #tpu.memory_space<vmem>>, vector<1x64x64xf32>
      %get3A_343 = vector.shape_cast %get3A_342 : vector<1x64x64xf32> to vector<64x64xf32>
      %dot_general3A_344 = arith.constant dense<0.000000e+00> : vector<1024x64xf32>
      %dot_general3A_345 = tpu.matmul %mul3A_30, %get3A_343, %dot_general3A_344 {dimension_numbers = #tpu.dot_dimension_numbers<[1], [0], [0], [1], [0, 0, 1, 1], [], []>, transpose_lhs_hint = false} : vector<1024x64xf32>, vector<64x64xf32>, vector<1024x64xf32> -> vector<1024x64xf32>
      %concatenate3A_346 = tpu.concatenate %dot_general3A_345, %broadcast_in_dim3A_32 in 1 : vector<1024x64xf32>, vector<1024x64xf32> -> vector<1024x128xf32>
      %swap3A_347 = arith.constant 22 : index
      %swap3A_348 = arith.constant 0 : index
      %swap3A_349 = arith.constant 0 : index
      %swap3A_350 = vector.load %arg6[%swap3A_347, %swap3A_348, %swap3A_349] : memref<27x1024x128xf32, #tpu.memory_space<vmem>>, vector<1x1024x128xf32>
      %swap3A_351 = vector.shape_cast %swap3A_350 : vector<1x1024x128xf32> to vector<1024x128xf32>
      %swap3A_352 = vector.shape_cast %concatenate3A_346 : vector<1024x128xf32> to vector<1x1024x128xf32>
      tpu.vector_store %arg6[%swap3A_347, %swap3A_348, %swap3A_349], %swap3A_352 {strides = array<i32>} : memref<27x1024x128xf32, #tpu.memory_space<vmem>>, vector<1x1024x128xf32>,
      %get3A_353 = arith.constant 23 : index
      %get3A_354 = arith.constant 0 : index
      %get3A_355 = arith.constant 0 : index
      %get3A_356 = vector.load %arg5[%get3A_353, %get3A_354, %get3A_355] : memref<27x64x64xf32, #tpu.memory_space<vmem>>, vector<1x64x64xf32>
      %get3A_357 = vector.shape_cast %get3A_356 : vector<1x64x64xf32> to vector<64x64xf32>
      %dot_general3A_358 = arith.constant dense<0.000000e+00> : vector<1024x64xf32>
      %dot_general3A_359 = tpu.matmul %mul3A_30, %get3A_357, %dot_general3A_358 {dimension_numbers = #tpu.dot_dimension_numbers<[1], [0], [0], [1], [0, 0, 1, 1], [], []>, transpose_lhs_hint = false} : vector<1024x64xf32>, vector<64x64xf32>, vector<1024x64xf32> -> vector<1024x64xf32>
      %concatenate3A_360 = tpu.concatenate %dot_general3A_359, %broadcast_in_dim3A_32 in 1 : vector<1024x64xf32>, vector<1024x64xf32> -> vector<1024x128xf32>
      %swap3A_361 = arith.constant 23 : index
      %swap3A_362 = arith.constant 0 : index
      %swap3A_363 = arith.constant 0 : index
      %swap3A_364 = vector.load %arg6[%swap3A_361, %swap3A_362, %swap3A_363] : memref<27x1024x128xf32, #tpu.memory_space<vmem>>, vector<1x1024x128xf32>
      %swap3A_365 = vector.shape_cast %swap3A_364 : vector<1x1024x128xf32> to vector<1024x128xf32>
      %swap3A_366 = vector.shape_cast %concatenate3A_360 : vector<1024x128xf32> to vector<1x1024x128xf32>
      tpu.vector_store %arg6[%swap3A_361, %swap3A_362, %swap3A_363], %swap3A_366 {strides = array<i32>} : memref<27x1024x128xf32, #tpu.memory_space<vmem>>, vector<1x1024x128xf32>,
      %get3A_367 = arith.constant 24 : index
      %get3A_368 = arith.constant 0 : index
      %get3A_369 = arith.constant 0 : index
      %get3A_370 = vector.load %arg5[%get3A_367, %get3A_368, %get3A_369] : memref<27x64x64xf32, #tpu.memory_space<vmem>>, vector<1x64x64xf32>
      %get3A_371 = vector.shape_cast %get3A_370 : vector<1x64x64xf32> to vector<64x64xf32>
      %dot_general3A_372 = arith.constant dense<0.000000e+00> : vector<1024x64xf32>
      %dot_general3A_373 = tpu.matmul %mul3A_30, %get3A_371, %dot_general3A_372 {dimension_numbers = #tpu.dot_dimension_numbers<[1], [0], [0], [1], [0, 0, 1, 1], [], []>, transpose_lhs_hint = false} : vector<1024x64xf32>, vector<64x64xf32>, vector<1024x64xf32> -> vector<1024x64xf32>
      %concatenate3A_374 = tpu.concatenate %dot_general3A_373, %broadcast_in_dim3A_32 in 1 : vector<1024x64xf32>, vector<1024x64xf32> -> vector<1024x128xf32>
      %swap3A_375 = arith.constant 24 : index
      %swap3A_376 = arith.constant 0 : index
      %swap3A_377 = arith.constant 0 : index
      %swap3A_378 = vector.load %arg6[%swap3A_375, %swap3A_376, %swap3A_377] : memref<27x1024x128xf32, #tpu.memory_space<vmem>>, vector<1x1024x128xf32>
      %swap3A_379 = vector.shape_cast %swap3A_378 : vector<1x1024x128xf32> to vector<1024x128xf32>
      %swap3A_380 = vector.shape_cast %concatenate3A_374 : vector<1024x128xf32> to vector<1x1024x128xf32>
      tpu.vector_store %arg6[%swap3A_375, %swap3A_376, %swap3A_377], %swap3A_380 {strides = array<i32>} : memref<27x1024x128xf32, #tpu.memory_space<vmem>>, vector<1x1024x128xf32>,
      %get3A_381 = arith.constant 25 : index
      %get3A_382 = arith.constant 0 : index
      %get3A_383 = arith.constant 0 : index
      %get3A_384 = vector.load %arg5[%get3A_381, %get3A_382, %get3A_383] : memref<27x64x64xf32, #tpu.memory_space<vmem>>, vector<1x64x64xf32>
      %get3A_385 = vector.shape_cast %get3A_384 : vector<1x64x64xf32> to vector<64x64xf32>
      %dot_general3A_386 = arith.constant dense<0.000000e+00> : vector<1024x64xf32>
      %dot_general3A_387 = tpu.matmul %mul3A_30, %get3A_385, %dot_general3A_386 {dimension_numbers = #tpu.dot_dimension_numbers<[1], [0], [0], [1], [0, 0, 1, 1], [], []>, transpose_lhs_hint = false} : vector<1024x64xf32>, vector<64x64xf32>, vector<1024x64xf32> -> vector<1024x64xf32>
      %concatenate3A_388 = tpu.concatenate %dot_general3A_387, %broadcast_in_dim3A_32 in 1 : vector<1024x64xf32>, vector<1024x64xf32> -> vector<1024x128xf32>
      %swap3A_389 = arith.constant 25 : index
      %swap3A_390 = arith.constant 0 : index
      %swap3A_391 = arith.constant 0 : index
      %swap3A_392 = vector.load %arg6[%swap3A_389, %swap3A_390, %swap3A_391] : memref<27x1024x128xf32, #tpu.memory_space<vmem>>, vector<1x1024x128xf32>
      %swap3A_393 = vector.shape_cast %swap3A_392 : vector<1x1024x128xf32> to vector<1024x128xf32>
      %swap3A_394 = vector.shape_cast %concatenate3A_388 : vector<1024x128xf32> to vector<1x1024x128xf32>
      tpu.vector_store %arg6[%swap3A_389, %swap3A_390, %swap3A_391], %swap3A_394 {strides = array<i32>} : memref<27x1024x128xf32, #tpu.memory_space<vmem>>, vector<1x1024x128xf32>,
      %get3A_395 = arith.constant 26 : index
      %get3A_396 = arith.constant 0 : index
      %get3A_397 = arith.constant 0 : index
      %get3A_398 = vector.load %arg5[%get3A_395, %get3A_396, %get3A_397] : memref<27x64x64xf32, #tpu.memory_space<vmem>>, vector<1x64x64xf32>
      %get3A_399 = vector.shape_cast %get3A_398 : vector<1x64x64xf32> to vector<64x64xf32>
      %dot_general3A_400 = arith.constant dense<0.000000e+00> : vector<1024x64xf32>
      %dot_general3A_401 = tpu.matmul %mul3A_30, %get3A_399, %dot_general3A_400 {dimension_numbers = #tpu.dot_dimension_numbers<[1], [0], [0], [1], [0, 0, 1, 1], [], []>, transpose_lhs_hint = false} : vector<1024x64xf32>, vector<64x64xf32>, vector<1024x64xf32> -> vector<1024x64xf32>
      %concatenate3A_402 = tpu.concatenate %dot_general3A_401, %broadcast_in_dim3A_32 in 1 : vector<1024x64xf32>, vector<1024x64xf32> -> vector<1024x128xf32>
      %swap3A_403 = arith.constant 26 : index
      %swap3A_404 = arith.constant 0 : index
      %swap3A_405 = arith.constant 0 : index
      %swap3A_406 = vector.load %arg6[%swap3A_403, %swap3A_404, %swap3A_405] : memref<27x1024x128xf32, #tpu.memory_space<vmem>>, vector<1x1024x128xf32>
      %swap3A_407 = vector.shape_cast %swap3A_406 : vector<1x1024x128xf32> to vector<1024x128xf32>
      %swap3A_408 = vector.shape_cast %concatenate3A_402 : vector<1024x128xf32> to vector<1x1024x128xf32>
      tpu.vector_store %arg6[%swap3A_403, %swap3A_404, %swap3A_405], %swap3A_408 {strides = array<i32>} : memref<27x1024x128xf32, #tpu.memory_space<vmem>>, vector<1x1024x128xf32>,
    } else {
    }
    return
  }
  func.func @transform_0(%arg0: i32) -> (i32, i32) {
    %min3A = arith.constant 97 : i32
    %min3A_0 = arith.minsi %arg0, %min3A : i32
    %c0_i32 = arith.constant 0 : i32
    %c0_i32_1 = arith.constant 0 : i32
    return %min3A_0, %c0_i32 : i32, i32
  }
  func.func @transform_1(%arg0: i32) -> (i32, i32, i32) {
    %min3A = arith.constant 97 : i32
    %min3A_0 = arith.minsi %arg0, %min3A : i32
    %c0_i32 = arith.constant 0 : i32
    %c0_i32_1 = arith.constant 0 : i32
    %c0_i32_2 = arith.constant 0 : i32
    return %min3A_0, %c0_i32, %c0_i32_1 : i32, i32, i32
  }
  func.func @transform_2(%arg0: i32) -> (i32, i32) {
    %c0_i32 = arith.constant 0 : i32
    %c0_i32_0 = arith.constant 0 : i32
    %c0_i32_1 = arith.constant 0 : i32
    return %c0_i32, %c0_i32_0 : i32, i32
  }
  func.func @transform_3(%arg0: i32) -> (i32, i32) {
    %c0_i32 = arith.constant 0 : i32
    %c0_i32_0 = arith.constant 0 : i32
    %c0_i32_1 = arith.constant 0 : i32
    return %c0_i32, %c0_i32_0 : i32, i32
  }
  func.func @transform_4(%arg0: i32) -> (i32, i32, i32) {
    %c0_i32 = arith.constant 0 : i32
    %c0_i32_0 = arith.constant 0 : i32
    %c0_i32_1 = arith.constant 0 : i32
    %c0_i32_2 = arith.constant 0 : i32
    return %c0_i32, %c0_i32_0, %c0_i32_1 : i32, i32, i32
  }
  func.func @transform_5(%arg0: i32) -> (i32, i32, i32) {
    %c0_i32 = arith.constant 0 : i32
    %c0_i32_0 = arith.constant 0 : i32
    %c0_i32_1 = arith.constant 0 : i32
    return %c0_i32, %arg0, %c0_i32_0 : i32, i32, i32
  }
}

module attributes {stable_mosaic.version = 14 : i64} {
  func.func @_final_body(%arg0: i32, %arg1: memref<2000x64xf32, #tpu.memory_space<vmem>>, %arg2: memref<1x64xf32, #tpu.memory_space<vmem>>, %arg3: memref<2000x64xf32, #tpu.memory_space<vmem>>) attributes {dimension_semantics = [#tpu.dimension_semantics<arbitrary>], iteration_bounds = array<i64: 50>, scalar_prefetch = 0 : i64, scratch_operands = 0 : i64, tpu.core_type = #tpu.core_type<tc>, window_params = [{transform_indices = @transform_0, window_bounds = array<i64: 2000, 64>}, {pipeline_mode = #tpu.pipeline_mode<synchronous>, transform_indices = @transform_1, window_bounds = array<i64: 1, 64>}, {transform_indices = @transform_2, window_bounds = array<i64: 2000, 64>}]} {
    %get3A = arith.constant 0 : index
    %get3A_0 = arith.constant 0 : index
    %get3A_1 = vector.load %arg1[%get3A, %get3A_0] : memref<2000x64xf32, #tpu.memory_space<vmem>>, vector<2000x64xf32>
    %get3A_2 = arith.constant 0 : index
    %get3A_3 = arith.constant 0 : index
    %get3A_4 = vector.load %arg2[%get3A_2, %get3A_3] : memref<1x64xf32, #tpu.memory_space<vmem>>, vector<1x64xf32>
    %add3A = vector.broadcast %get3A_4 : vector<1x64xf32> to vector<2000x64xf32>
    %add3A_5 = arith.addf %get3A_1, %add3A : vector<2000x64xf32>
    %swap3A = arith.constant 0 : index
    %swap3A_6 = arith.constant 0 : index
    %swap3A_7 = vector.load %arg3[%swap3A, %swap3A_6] : memref<2000x64xf32, #tpu.memory_space<vmem>>, vector<2000x64xf32>
    tpu.vector_store %arg3[%swap3A, %swap3A_6], %add3A_5 {strides = array<i32>} : memref<2000x64xf32, #tpu.memory_space<vmem>>, vector<2000x64xf32>,
    return
  }
  func.func @transform_0(%arg0: i32) -> (i32, i32) {
    %c0_i32 = arith.constant 0 : i32
    %c0_i32_0 = arith.constant 0 : i32
    return %arg0, %c0_i32 : i32, i32
  }
  func.func @transform_1(%arg0: i32) -> (i32, i32) {
    %c0_i32 = arith.constant 0 : i32
    %c0_i32_0 = arith.constant 0 : i32
    %c0_i32_1 = arith.constant 0 : i32
    return %c0_i32, %c0_i32_0 : i32, i32
  }
  func.func @transform_2(%arg0: i32) -> (i32, i32) {
    %c0_i32 = arith.constant 0 : i32
    %c0_i32_0 = arith.constant 0 : i32
    return %arg0, %c0_i32 : i32, i32
  }
}

</mosaic_0001>

<sc_bundles>
// kernel: kernel.13.cloned.1.call-start
scs
__scs_entry_jumppad:
0x0: {  	(pc) =	sbr.rel $0x88, $3  }
0x1: {  	(tag) =	ssettag $0x0;
	lr =	simm.s32 $0x1  }
0x2: {  	[smem:$0x3F94] =	sst lr;
	_ =	strace $0xD0000000  }
0x3: {  	_ = 	snop  }
0x4: {  	_ = 	snop  }
0x5: {  	_ = 	snop  }
0x6: {  	_ = 	snop  }
0x7: {  	_ = 	snop  }
__scs_overlays_trampoline_lowered:
0x8: {  	[smem:$0x3FA3] =	sst s0  }
0x9: {  	[smem:$0x3FA4] =	sst s1  }
0xa: {  	[smem:$0x3FA5] =	sst s2  }
0xb: {  	[smem:$0x3FA6] =	sst s3  }
0xc: {  	[smem:$0x3FA7] =	sst s4  }
0xd: {  	[smem:$0x3FA8] =	sst s5  }
0xe: {  	[smem:$0x3FA9] =	sst s6  }
0xf: {  	[smem:$0x3FAA] =	sst s7  }
0x10: {  	[smem:$0x3FAB] =	sst s8  }
0x11: {  	[smem:$0x3FAC] =	sst s9;
	s0 =	simm.s32 @!p0 $0x0  }
0x12: {  	s1 =	sld [smem:$0x3F92];
	s0 =	simm.s32 @p0 $0x1  }
0x13: {  	[smem:$0x3FAD] =	sst s0;
	s0 =	simm.s32 @!p1 $0x0  }
0x14: {  	s2 =	sld [smem:$0x3F91];
	s0 =	simm.s32 @p1 $0x1  }
0x15: {  	[smem:$0x3FAE] =	sst s0;
	s0 =	simm.s32 @!p2 $0x0  }
0x16: {  	s3 =	sld [smem:$0x3FDB];
	s0 =	simm.s32 @p2 $0x1  }
0x17: {  	s4 =	simm.s32 $0x1BF5;
	[smem:$0x3FB0] =	sst s0  }
0x18: {  	s0 =	sld [smem:$0x3F93];
	_ =	swait.ge [sflag:s4], $0x0  }
0x19: {  	s7 =	sld [smem:$0x3F94]  }
0x1a: {  	s8 =	sadd.s32 $0xFFFFE003, lr  }
0x1b: {  	s9 =	sadd.s32 $0xFFFFFEF7, lr;
	s5 =	simm.s32 $0xFFFFFFFF;
	p2 =	slt.u32 s8, $0xFFFFF086  }
0x1c: {  	p1 =	slt.u32 s9, $0xF7A;
	s5 =	simm.s32 @!p2 $0x0  }
0x1d: {  	s5 =	simm.s32 @p1 $0x1;
	p0 =	seq.s32 s7, s2  }
0x1e: {  	s7 =	smul.u32 @!p0 $0xF7A, s2;
	p2 =	seq.s32 @!p0 s5, $0x0  }
0x1f: {  	s9 =	smul.u32 $0xF7A, s1;
	s8 =	simm.s32 @!p0 $0x1BF5;
	p2 =	por !p2, p0  }
0x20: {  	[sflag:s8] =	ssyncset.s32 @!p0 $0xFFFFF086;
	s6 =	sadd.s32 @!p0 s3, s7;
	s7 =	simm.s32 @!p0 $0x108  }
0x21: {  	s3 =	sadd.s32 s3, s9;
	s6 =	sadd.s32 @!p0 $0x88, s6;
	s7 =	simm.s32 @p2 $0x1082  }
0x22: {  	[simem:s7], [sflag:s8] =	dma.local @!p0 [hbm:s6], $0xF7A  }
0x23: {  	s9 =	sor.u32 $0xD0000000, s2;
	s6 =	simm.s32 $0x108;
	_ =	swait.ge @!p0 [sflag:s8], $0x0  }
0x24: {  	s3 =	sadd.s32 $0x88, s3;
	s6 =	simm.s32 @!p1 $0x1082;
	[sflag:s4] =	ssyncset.s32 $0xFFFFF086  }
0x25: {  	[simem:s6], [sflag:s4] =	dma.local [hbm:s3], $0xF7A  }
0x26: {  	[smem:$0x3F94] =	sst s1;
	(tag) =	ssettag s2;
	_ =	strace s9  }
0x27: {  	s1 =	sld [smem:$0x3FA4]  }
0x28: {  	s2 =	sld [smem:$0x3FA5]  }
0x29: {  	s4 =	sld [smem:$0x3FA7]  }
0x2a: {  	p0 =	seq.s32 s5, $0x0;
	s5 =	sld [smem:$0x3FA8]  }
0x2b: {  	s6 =	sld [smem:$0x3FA9]  }
0x2c: {  	s7 =	sld [smem:$0x3FAA]  }
0x2d: {  	s3 =	simm.s32 $0x108;
	s8 =	sld [smem:$0x3FAB]  }
0x2e: {  	s3 =	simm.s32 @!p0 $0x1082;
	s9 =	sld [smem:$0x3FAC]  }
0x2f: {  	lr =	sadd.s32 s0, s3;
	s0 =	sld [smem:$0x3FA3]  }
0x30: {  	s3 =	sld [smem:$0x3FA6]  }
0x31: {  	[smem:$0x3FAF] =	sst s10  }
0x32: {  	s10 =	sld [smem:$0x3FAD];
	_ =	sdelay $0x3  }
0x33: {  	p0 =	seq.s32 s10, $0x1;
	s10 =	sld [smem:$0x3FAF];
	_ =	sdelay $0x3  }
0x34: {  	[smem:$0x3FAF] =	sst s10  }
0x35: {  	s10 =	sld [smem:$0x3FAE];
	_ =	sdelay $0x3  }
0x36: {  	p1 =	seq.s32 s10, $0x1;
	s10 =	sld [smem:$0x3FAF];
	_ =	sdelay $0x3  }
0x37: {  	[smem:$0x3FAF] =	sst s10  }
0x38: {  	s10 =	sld [smem:$0x3FB0]  }
0x39: {  	_ = 	snop;
	(pc) =	sbr.ind lr, $3  }
0x3a: {  	_ = 	snop  }
0x3b: {  	_ = 	snop  }
0x3c: {  	p2 =	seq.s32 s10, $0x1;
	s10 =	sld [smem:$0x3FAF]  }
0x3d: {  	_ =	shalt  }
0x3e: {  	_ =	shalt  }
0x3f: {  	_ =	shalt  }
0x40: {  	_ =	shalt  }
0x41: {  	_ =	shalt  }
0x42: {  	_ =	shalt  }
0x43: {  	_ =	shalt  }
0x44: {  	_ =	shalt  }
0x45: {  	_ =	shalt  }
0x46: {  	_ =	shalt  }
0x47: {  	_ =	shalt  }
0x48: {  	_ =	shalt  }
0x49: {  	_ =	shalt  }
0x4a: {  	_ =	shalt  }
0x4b: {  	_ =	shalt  }
0x4c: {  	_ =	shalt  }
0x4d: {  	_ =	shalt  }
0x4e: {  	_ =	shalt  }
0x4f: {  	_ =	shalt  }
0x50: {  	_ =	shalt  }
0x51: {  	_ =	shalt  }
0x52: {  	_ =	shalt  }
0x53: {  	_ =	shalt  }
0x54: {  	_ =	shalt  }
0x55: {  	_ =	shalt  }
0x56: {  	_ =	shalt  }
0x57: {  	_ =	shalt  }
0x58: {  	_ =	shalt  }
0x59: {  	_ =	shalt  }
0x5a: {  	_ =	shalt  }
0x5b: {  	_ =	shalt  }
0x5c: {  	_ =	shalt  }
0x5d: {  	_ =	shalt  }
0x5e: {  	_ =	shalt  }
0x5f: {  	_ =	shalt  }
0x60: {  	_ =	shalt  }
0x61: {  	_ =	shalt  }
0x62: {  	_ =	shalt  }
0x63: {  	_ =	shalt  }
0x64: {  	_ =	shalt  }
0x65: {  	_ =	shalt  }
0x66: {  	_ =	shalt  }
0x67: {  	_ =	shalt  }
0x68: {  	_ =	shalt  }
0x69: {  	_ =	shalt  }
0x6a: {  	_ =	shalt  }
0x6b: {  	_ =	shalt  }
0x6c: {  	_ =	shalt  }
0x6d: {  	_ =	shalt  }
0x6e: {  	_ =	shalt  }
0x6f: {  	_ =	shalt  }
0x70: {  	_ =	shalt  }
0x71: {  	_ =	shalt  }
0x72: {  	_ =	shalt  }
0x73: {  	_ =	shalt  }
0x74: {  	_ =	shalt  }
0x75: {  	_ =	shalt  }
0x76: {  	_ =	shalt  }
0x77: {  	_ =	shalt  }
0x78: {  	_ =	shalt  }
0x79: {  	_ =	shalt  }
0x7a: {  	_ =	shalt  }
0x7b: {  	_ =	shalt  }
0x7c: {  	_ =	shalt  }
0x7d: {  	_ =	shalt  }
0x7e: {  	_ =	shalt  }
0x7f: {  	_ =	shalt  }
0x80: {  	_ =	shalt  }
0x81: {  	_ =	shalt  }
0x82: {  	_ =	shalt  }
0x83: {  	_ =	shalt  }
0x84: {  	_ =	shalt  }
0x85: {  	_ =	shalt  }
0x86: {  	_ =	shalt  }
0x87: {  	_ =	shalt  }
.Lfunc_end0:
.L_simem_size_0:
called_computation_lowered:
.L_overlay_start_0:
0x88: {  	s2 =	sld [smem:$0x3FD9]  }
0x89: {  	s3 =	sld [smem:$0x3FFE];
	_ =	sdelay $0x1  }
0x8a: {  	s1 =	srdreg.scid  }
0x8b: {  	s0 =	sand.u32 $0x1, s1  }
0x8c: {  	s17 =	sshll.u32 s0, $0xA;
	s2 =	sadd.s32 s3, s2  }
0x8d: {  	s2 =	sadd.s32 s2, s17  }
0x8e: {  	[smem:$0x3FBB] =	sst s2  }
0x8f: {  	_ = 	snop  }
0x90: {  	s2 =	sld [smem:$0x3FD0];
	(tm) =	ssettm $0x1  }
0x91: {  	s18 =	sld [smem:$0x3FFB];
	_ =	sdelay $0x3  }
0x92: {  	_ =	strace s18  }
0x93: {  	s3 =	sld [smem:$0x3FFC];
	_ =	sdelay $0x3  }
0x94: {  	_ =	strace s3  }
0x95: {  	s3 =	sld [smem:$0x3FFD];
	_ =	sdelay $0x3  }
0x96: {  	_ =	strace s3  }
0x97: {  	_ =	strace $0x8FFFFFFF  }
0x98: {  	s19 =	sld [smem:$0x3FDB];
	_ =	sdelay $0x1  }
0x99: {  	s4 =	simm.s32 $_scs_section_size  }
0x9a: {  	s5 =	simm.s32 $_size__tile_overlayer_lowered;
	s6 =	simm.s32 $_tile_overlayer_lowered  }
0x9b: {  	s22 =	simm.s32 $0x1BFF;
	s21 =	sshll.u32 s6, $0x1;
	s3 =	sadd.s32 s4, s19  }
0x9c: {  	s7 =	simm.s32 $0x0;
	s20 =	sshll.u32 s5, $0x1;
	s5 =	sadd.s32 s21, s3  }
0x9d: {  	[timem:s7], [sflag:s22] =	dma.local [hbm:s5], s20  }
0x9e: {  	_ =	swait.ge [sflag:s22], s20  }
0x9f: {  	s4 =	ssub.s32 $0x0, s20;
	[sflag:s22] =	ssyncset.done $0x0  }
0xa0: {  	[sflag:s22] =	ssyncadd.s32 s4;
	_ =	sdelay $0x1  }
0xa1: {  	s23 =	simm.s32 $0x1B8B  }
0xa2: {  	_ =	swait.ge [sflag:s23], $0x1  }
0xa3: {  	[sflag:s23] =	ssyncset.done $0x0  }
0xa4: {  	s25 =	simm.s32 $0x1B8E;
	s24 =	sld [smem:$0x3FFE];
	[sflag:s23] =	ssyncadd.s32 $0xFFFFFFFF  }
0xa5: {  	s26 =	simm.s32 $execute0_lowered;
	[smem:$0x3FD2] =	sst s25  }
0xa6: {  	s5 =	sshll.u32 s26, $0x1;
	_ =	strace $0x80000046;
	[dreg:$0x1] =	wrdreg $0xFFFFFFFF  }
0xa7: {  	s28 =	simm.s32 $_size_execute0_lowered;
	s3 =	sadd.s32 s3, s5;
	[dreg:$0x0] =	wrdreg $0x0  }
0xa8: {  	s5 =	sshll.u32 s28, $0x1;
	[dreg:$0x2] =	wrdreg s3  }
0xa9: {  	[dreg:$0x3] =	wrdreg s5  }
0xaa: {  	[dreg:$0x4] =	wrdreg $0xC0  }
0xab: {  	_ =	task [dreg:s7], $0x5FFFF  }
0xac: {  	[dreg:$0x1] =	wrdreg $0xFFFFFFFF  }
0xad: {  	[dreg:$0x0] =	wrdreg $0x60  }
0xae: {  	[dreg:$0x2] =	wrdreg s2  }
0xaf: {  	[dreg:$0x3] =	wrdreg s24  }
0xb0: {  	[dreg:$0x4] =	wrdreg $0x9  }
0xb1: {  	_ =	task.clear_ibuf [dreg:s7], $0x5FFFF;
	_ =	strace $0x90000046  }
0xb2: {  	s29 =	simm.s32 $0x9;
	_ =	strace $0x80000048  }
0xb3: {  	_ =	swait.ge [sflag:s29], $0x1  }
0xb4: {  	[sflag:s29] =	ssyncadd.s32 $0xFFFFFFFF  }
0xb5: {  	_ =	strace $0x90000048  }
0xb6: {  	_ =	sfence  }
0xb7: {  	s30 =	sld [smem:$0x0];
	_ =	sdelay $0x2  }
0xb8: {  	s31 =	sshll.u32 s1, $0xD;
	s1 =	sshrl.u32 s1, $0x2  }
0xb9: {  	s3 =	sand.u32 $0x4000, s31;
	s1 =	sadd.s32 s1, s30  }
0xba: {  	s0 =	sor.u32 s3, s0;
	s1 =	sshll.u32 s1, $0x11  }
0xbb: {  	s0 =	sor.u32 s1, s0  }
0xbc: {  	s0 =	sadd.s32 $0x8F2B, s0  }
0xbd: {  	[sflag:s0] =	ssyncadd.remote.s32 $0x1  }
0xbe: {  	_ =	sfence.sel $0xFFFF  }
0xbf: {  	[dreg:$0x0] =	wrdreg $0xFFFFFFFF;
	(pc) =	sbr.abs _section_cstart, $3  }
0xc0: {  	[dreg:$0x1] =	wrdreg $0xFFFFFFFF  }
0xc1: {  	_ =	task.clear_ibuf [dreg:s7], $0x2FFFF;
	_ =	strace $0x9FFFFFFF  }
0xc2: {  	(tm) =	ssettm $0x7FFFFFFF  }
0xc3: {  	_ =	shalt  }
tec
execute0_lowered:
.L_overlay_start_1:
0x0: {  	(tag) =	ssettag $0x1  }
0x1: {  	s1 =	srdreg.scid;
	s4 =	rddreg [dreg:$0x0]  }
0x2: {  	s0 =	stileid.u32;
	s5 =	rddreg [dreg:$0x1];
	s2 =	simm.s32 $0x0  }
0x3: {  	s13 =	simm.s32 $0x70;
	s7 =	sand.u32 $0x1, s1;
	s30 =	sshll.u32 s0, $0x1  }
0x4: {  	s14 =	simm.s32 $0x1;
	s1 =	rddreg [dreg:$0x2];
	s3 =	sor.u32 s7, s30  }
0x5: {  	s15 =	simm.s32 $0x0;
	[smem:$0x7FF] =	sst s2;
	s3 =	smul.u32 $0xC40, s3  }
0x6: {  	s11 =	smul.u32 $0x1880, s0;
	_ =	strace $0x80000047;
	s8 =	ssub.s32 $0x2, s7  }
0x7: {  	s12 =	smul.u32 $0xC40, s7;
	s31 =	sshrl.u32 s8, $0x1;
	s6 =	sshrl.u32 s3, $0x3  }
0x8: {  	s10 =	ssub.s32 s8, s31;
	s3 =	sadd.s32 $0xE000, s5;
	s9 =	sadd.s32 s6, s5  }
0x9: {  	s4 =	sadd.s32 s4, s6;
	s5 =	sadd.s32 $0x4A00, s9;
	s6 =	sadd.s32 $0x7C00, s9  }
0xa: {  	s7 =	sadd.s32 $0xAE00, s9;
	s8 =	sadd.s32 $0x245C00, s9;
	s9 =	smax.u32 s10, $0x1  }
0xb: {  	v0 =	vlaneseq.u32;
	s10 =	sadd.s32 s12, s11;
	s11 =	simm.s32 $0x2;
	s12 =	simm.s32 $0x3200  }
.LBB2_1:
0xc: {  	[tilespmem:s2], [sflag:$0x2] =	stream.linear.gather [hbm4b:s4+s2], $0xC40, $0x38;
	[tilespmem:$0x5E80] =	vst v63  }
0xd: {  	_ =	swait.ge [sflag:s11], $0xC40  }
0xe: {  	[sflag:s11] =	ssyncset.done $0x0  }
0xf: {  	s16 =	simm.s32 $0xC80;
	[sflag:s11] =	ssyncadd.s32 $0xFFFFF3C0  }
0x10: {  	[tilespmem:s16], [sflag:$0x2] =	stream.linear.gather [hbm4b:s5+s2], $0xC40, $0x38;
	[tilespmem:$0x5E80] =	vst v63  }
0x11: {  	_ =	swait.ge [sflag:s11], $0xC40  }
0x12: {  	[sflag:s11] =	ssyncset.done $0x0  }
0x13: {  	s17 =	simm.s32 $0x1900;
	[sflag:s11] =	ssyncadd.s32 $0xFFFFF3C0  }
0x14: {  	[tilespmem:s17], [sflag:$0x2] =	stream.linear.gather [hbm4b:s6+s2], $0xC40, $0x38;
	[tilespmem:$0x5E80] =	vst v63  }
0x15: {  	_ =	swait.ge [sflag:s11], $0xC40  }
0x16: {  	[sflag:s11] =	ssyncset.done $0x0  }
0x17: {  	s18 =	simm.s32 $0x2580;
	[sflag:s11] =	ssyncadd.s32 $0xFFFFF3C0  }
0x18: {  	[tilespmem:s18], [sflag:$0x2] =	stream.linear.gather [hbm4b:s7+s2], $0xC40, $0x38;
	[tilespmem:$0x5E80] =	vst v63  }
0x19: {  	_ =	swait.ge [sflag:s11], $0xC40  }
0x1a: {  	[sflag:s11] =	ssyncset.done $0x0  }
0x1b: {  	[sflag:s11] =	ssyncadd.s32 $0xFFFFF3C0  }
0x1c: {  	v1 =	vld [tilespmem:s18+$0x0];
	_ =	sdelay $0x1  }
0x1d: {  	v2 =	vld [tilespmem:s17+$0x0]  }
0x1e: {  	s29 =	smul.u32 $0x25, s2;
	_ =	sdelay $0x1  }
0x1f: {  	s30 =	sshrl.u32 s29, $0x8;
	v3 =	vld [tilespmem:s16+$0x0];
	v1 =	vmul.u32 $0x42, v1  }
0x20: {  	s17 =	ssub.s32 $0x0, s30  }
0x21: {  	s17 =	sand.u32 $0xFE, s17;
	v1 =	vadd.s32 v1, v2  }
0x22: {  	s17 =	sshrl.u32 s17, $0x1;
	v1 =	vmul.u32 $0x42, v1  }
0x23: {  	s16 =	sadd.s32 s30, s17;
	v2 =	vld [tilespmem:s2+$0x0]  }
0x24: {  	s16 =	sand.u32 $0xFC, s16;
	v1 =	vadd.s32 v3, v1  }
0x25: {  	s16 =	sshrl.u32 s16, $0x2;
	v1 =	vmul.u32 $0x42, v1  }
0x26: {  	s31 =	smul.u32 $0x7, s16  }
0x27: {  	v1 =	vadd.s32 $0x1104, v1  }
0x28: {  	s17 =	ssub.s32 $0x0, s31;
	v1 =	vadd.s32 v2, v1;
	v2 =	vmov s10  }
0x29: {  	s17 =	sshll.u32 s17, $0x4;
	v1 =	vadd.s32 $0x43, v1;
	vm0 =	vlt.u32 v2, $0x186A0  }
0x2a: {  	s16 =	sshll.u32 s16, $0x7;
	s17 =	sand.u32 $0xF0, s17;
	v1 =	vnsel vm0, $0x118C200, v1  }
0x2b: {  	s16 =	sor.u32 s17, s16;
	v2 =	vor.u32 s10, v0;
	[tilespmem:s12+$0x0] =	vst v1  }
0x2c: {  	[tilespmem:s16+$0x4E80] =	vst v2  }
0x2d: {  	s20 =	simm.s32 $0x2590;
	s21 =	simm.s32 $0x1910;
	[tilespmem:s16+$0x3E80] =	vst v1  }
0x2e: {  	s23 =	simm.s32 $0x2;
	s22 =	simm.s32 $0xC90;
	s19 =	simm.s32 $0x0;
	v2 =	vld [tilespmem:s20+$0x0]  }
0x2f: {  	s18 =	smov.u32 s10;
	s17 =	simm.s32 $0x3200;
	s16 =	simm.s32 $0x1;
	v1 =	vld [tilespmem:s21+$0x0]  }
.LBB2_2:
0x30: {  	p0 =	sne.s32 s23, $0xC3;
	v3 =	vld [tilespmem:s22+$0x0];
	s19 =	sadd.s32 $0x10, s19  }
0x31: {  	s24 =	smul.u32 $0x25, s16;
	v4 =	vld [tilespmem:s19+$0x0];
	_ =	sdelay $0x1  }
0x32: {  	s24 =	sshrl.u32 s24, $0x8;
	v2 =	vmul.u32 $0x42, v2  }
0x33: {  	s25 =	ssub.s32 s16, s24  }
0x34: {  	s25 =	sand.u32 $0xFE, s25;
	v1 =	vadd.s32 v2, v1  }
0x35: {  	s25 =	sshrl.u32 s25, $0x1;
	v1 =	vmul.u32 $0x42, v1  }
0x36: {  	s24 =	sadd.s32 s24, s25  }
0x37: {  	s24 =	sand.u32 $0xFC, s24;
	v1 =	vadd.s32 v3, v1  }
0x38: {  	s24 =	sshrl.u32 s24, $0x2;
	v1 =	vmul.u32 $0x42, v1  }
0x39: {  	s25 =	smul.u32 $0x7, s24  }
0x3a: {  	s18 =	sadd.s32 $0x10, s18;
	v1 =	vadd.s32 $0x1104, v1  }
0x3b: {  	v2 =	vmov s18;
	s25 =	ssub.s32 s16, s25;
	s16 =	smov.u32 s23;
	v1 =	vadd.s32 v4, v1  }
0x3c: {  	vm0 =	vlt.u32 v2, $0x186A0;
	s25 =	sshll.u32 s25, $0x4;
	v1 =	vadd.s32 $0x43, v1  }
0x3d: {  	s17 =	sadd.s32 $0x10, s17;
	s24 =	sshll.u32 s24, $0x7;
	s25 =	sand.u32 $0xF0, s25;
	v1 =	vnsel vm0, $0x118C200, v1  }
.Ltmp0:
0x3e: {  	v2 =	vor.u32 s18, v0;
	s24 =	sor.u32 s25, s24;
	[tilespmem:s17+$0x0] =	vst v1;
	(pc) =	sbr.rel @p0 .LBB2_2-.Ltmp0, $4  }
0x3f: {  	[tilespmem:s24+$0x4E80] =	vst v2  }
0x40: {  	s20 =	sadd.s32 $0x10, s20;
	[tilespmem:s24+$0x3E80] =	vst v1  }
0x41: {  	s21 =	sadd.s32 $0x10, s21;
	v2 =	vld [tilespmem:s20+$0x0]  }
0x42: {  	s22 =	sadd.s32 $0x10, s22;
	s23 =	sadd.s32 $0x1, s23;
	v1 =	vld [tilespmem:s21+$0x0]  }
0x43: {  	_ = 	snop  }
0x44: {  	s20 =	smul.u32 $0x25, s16;
	_ =	sdelay $0x1  }
0x45: {  	v3 =	vld [tilespmem:s22+$0x0];
	s20 =	sshrl.u32 s20, $0x8;
	v2 =	vmul.u32 $0x42, v2  }
0x46: {  	s21 =	ssub.s32 s16, s20  }
0x47: {  	s21 =	sand.u32 $0xFE, s21;
	v1 =	vadd.s32 v2, v1  }
0x48: {  	s19 =	sadd.s32 $0x10, s19;
	s21 =	sshrl.u32 s21, $0x1;
	v1 =	vmul.u32 $0x42, v1  }
0x49: {  	v2 =	vld [tilespmem:s19+$0x0];
	s25 =	sadd.s32 s20, s21  }
0x4a: {  	s19 =	sand.u32 $0xFC, s25;
	v1 =	vadd.s32 v3, v1  }
0x4b: {  	s19 =	sshrl.u32 s19, $0x2;
	v1 =	vmul.u32 $0x42, v1  }
0x4c: {  	s26 =	smul.u32 $0x7, s19  }
0x4d: {  	s18 =	sadd.s32 $0x10, s18;
	v1 =	vadd.s32 $0x1104, v1  }
0x4e: {  	s28 =	ssub.s32 s16, s26;
	v1 =	vadd.s32 v2, v1;
	v2 =	vmov s18  }
0x4f: {  	s16 =	sshll.u32 s28, $0x4;
	v1 =	vadd.s32 $0x43, v1;
	vm0 =	vlt.u32 v2, $0x186A0  }
0x50: {  	s17 =	sadd.s32 $0x10, s17;
	s19 =	sshll.u32 s19, $0x7;
	s16 =	sand.u32 $0xF0, s16;
	v1 =	vnsel vm0, $0x118C200, v1  }
0x51: {  	v2 =	vor.u32 s18, v0;
	s16 =	sor.u32 s16, s19;
	[tilespmem:s17+$0x0] =	vst v1  }
0x52: {  	[tilespmem:s16+$0x4E80] =	vst v2  }
0x53: {  	s29 =	simm.s32 $0x0;
	[tilespmem:s16+$0x3E80] =	vst v1  }
0x54: {  	[hbm4b:s8+s29] =	stream.linear.scatter [tilespmem:s12], [sflag:$0x2], $0xC40, $0x38;
	[tilespmem:$0x5E80] =	vst v63  }
0x55: {  	_ =	swait.ge [sflag:s11], $0xC40  }
0x56: {  	[sflag:s11] =	ssyncset.done $0x0  }
0x57: {  	s30 =	simm.s32 $0x4E80;
	s31 =	simm.s32 $0x3E80;
	[sflag:s11] =	ssyncadd.s32 $0xFFFFF3C0  }
0x58: {  	[hbm4b:s3+s13] =	stream.indirect.scatter [tilespmem:s30], [sflag:$0x1], $0x1, s31, s13, $0xb8;
	[tilespmem:$0x5E80] =	vst v63  }
0x59: {  	s16 =	simm.s32 $0x200;
	_ =	swait.ge [sflag:s14], $0x70  }
.LBB2_4:
0x5a: {  	s17 =	sshra.s32 s16, $0x2  }
0x5b: {  	[sflag:s14] =	ssyncset.done $0x0;
	p0 =	sne.s32 s16, $0x3600;
	s18 =	sadd.s32 $0x4E80, s17  }
.Ltmp1:
0x5c: {  	s17 =	sadd.s32 $0x3E80, s17;
	[sflag:s14] =	ssyncadd.s32 $0xFFFFFF90;
	(pc) =	sbr.rel @p0 .LBB2_4-.Ltmp1, $3  }
0x5d: {  	[hbm4b:s3+s13] =	stream.indirect.scatter [tilespmem:s18], [sflag:$0x1], $0x1, s17, s13, $0xb8;
	[tilespmem:$0x5E80] =	vst v63  }
0x5e: {  	s16 =	sadd.s32 $0x200, s16;
	_ =	sdelay $0x1  }
0x5f: {  	_ =	swait.ge [sflag:s14], $0x70  }
0x60: {  	s15 =	sadd.s32 $0x1, s15  }
0x61: {  	p0 =	sne.s32 s15, s9  }
.Ltmp2:
0x62: {  	_ = 	snop;
	(pc) =	sbr.rel @p0 .LBB2_1-.Ltmp2, $3  }
0x63: {  	_ =	sdelay $0x1  }
0x64: {  	[sflag:s14] =	ssyncset.done $0x0  }
0x65: {  	[sflag:s14] =	ssyncadd.s32 $0xFFFFFF90  }
0x66: {  	_ =	sfence.sel $0x180000  }
0x67: {  	[bflag:$0x0] =	sbarrier.arrive $0xFFFF  }
0x68: {  	p0 =	sne.s32 s0, $0x0;
	_ =	strace $0x90000047  }
0x69: {  	s0 =	sadd.s32 @!p0 $0x100000, s1;
	[bflag:$0x2] =	sbarrier.arrive $0xFFFF  }
0x6a: {  	[sflag:s0] =	ssyncadd.tile.s32 @!p0 $0x1;
	_ =	shalt  }
.Lfunc_end2:
_tile_overlayer_lowered:
.L_overlay_start_2:
0x6b: {  	(tag) =	ssettag $0x2  }
0x6c: {  	s0 =	rddreg [dreg:$0x0];
	s2 =	stileid.u32  }
0x6d: {  	s1 =	rddreg [dreg:$0x1];
	p0 =	sne.s32 s2, $0x0  }
0x6e: {  	s3 =	rddreg [dreg:$0x2];
	[bflag:$0x3] =	sbarrier.arrive $0xFFFF;
	s2 =	simm.s32 @!p0 $0x1C02  }
0x6f: {  	[timem:s3], [sflag:s2] =	dma.local @!p0 [hbm:s0], s1  }
0x70: {  	s0 =	simm.s32 @!p0 $0x2  }
0x71: {  	_ =	swait.ge @!p0 [sflag:s0], s1  }
0x72: {  	s1 =	ssub.s32 @!p0 $0x0, s1;
	[sflag:s0] =	ssyncset.done @!p0 $0x0  }
0x73: {  	[sflag:s0] =	ssyncadd.s32 @!p0 s1  }
0x74: {  	[bflag:$0x3] =	sbarrier.arrive $0xFFFF  }
0x75: {  	_ =	shalt  }

// kernel: kernel.16.cloned.1.call-start
scs
__scs_entry_jumppad:
0x0: {  	(pc) =	sbr.rel $0x88, $3  }
0x1: {  	(tag) =	ssettag $0x0;
	lr =	simm.s32 $0x1  }
0x2: {  	[smem:$0x3F94] =	sst lr;
	_ =	strace $0xD0000000  }
0x3: {  	_ = 	snop  }
0x4: {  	_ = 	snop  }
0x5: {  	_ = 	snop  }
0x6: {  	_ = 	snop  }
0x7: {  	_ = 	snop  }
__scs_overlays_trampoline_lowered:
0x8: {  	[smem:$0x3FA3] =	sst s0  }
0x9: {  	[smem:$0x3FA4] =	sst s1  }
0xa: {  	[smem:$0x3FA5] =	sst s2  }
0xb: {  	[smem:$0x3FA6] =	sst s3  }
0xc: {  	[smem:$0x3FA7] =	sst s4  }
0xd: {  	[smem:$0x3FA8] =	sst s5  }
0xe: {  	[smem:$0x3FA9] =	sst s6  }
0xf: {  	[smem:$0x3FAA] =	sst s7  }
0x10: {  	[smem:$0x3FAB] =	sst s8  }
0x11: {  	[smem:$0x3FAC] =	sst s9;
	s0 =	simm.s32 @!p0 $0x0  }
0x12: {  	s1 =	sld [smem:$0x3F92];
	s0 =	simm.s32 @p0 $0x1  }
0x13: {  	[smem:$0x3FAD] =	sst s0;
	s0 =	simm.s32 @!p1 $0x0  }
0x14: {  	s2 =	sld [smem:$0x3F91];
	s0 =	simm.s32 @p1 $0x1  }
0x15: {  	[smem:$0x3FAE] =	sst s0;
	s0 =	simm.s32 @!p2 $0x0  }
0x16: {  	s3 =	sld [smem:$0x3FDB];
	s0 =	simm.s32 @p2 $0x1  }
0x17: {  	s4 =	simm.s32 $0x1BF5;
	[smem:$0x3FB0] =	sst s0  }
0x18: {  	s0 =	sld [smem:$0x3F93];
	_ =	swait.ge [sflag:s4], $0x0  }
0x19: {  	s7 =	sld [smem:$0x3F94]  }
0x1a: {  	s8 =	sadd.s32 $0xFFFFE003, lr  }
0x1b: {  	s9 =	sadd.s32 $0xFFFFFEF7, lr;
	s5 =	simm.s32 $0xFFFFFFFF;
	p2 =	slt.u32 s8, $0xFFFFF086  }
0x1c: {  	p1 =	slt.u32 s9, $0xF7A;
	s5 =	simm.s32 @!p2 $0x0  }
0x1d: {  	s5 =	simm.s32 @p1 $0x1;
	p0 =	seq.s32 s7, s2  }
0x1e: {  	s7 =	smul.u32 @!p0 $0xF7A, s2;
	p2 =	seq.s32 @!p0 s5, $0x0  }
0x1f: {  	s9 =	smul.u32 $0xF7A, s1;
	s8 =	simm.s32 @!p0 $0x1BF5;
	p2 =	por !p2, p0  }
0x20: {  	[sflag:s8] =	ssyncset.s32 @!p0 $0xFFFFF086;
	s6 =	sadd.s32 @!p0 s3, s7;
	s7 =	simm.s32 @!p0 $0x108  }
0x21: {  	s3 =	sadd.s32 s3, s9;
	s6 =	sadd.s32 @!p0 $0x88, s6;
	s7 =	simm.s32 @p2 $0x1082  }
0x22: {  	[simem:s7], [sflag:s8] =	dma.local @!p0 [hbm:s6], $0xF7A  }
0x23: {  	s9 =	sor.u32 $0xD0000000, s2;
	s6 =	simm.s32 $0x108;
	_ =	swait.ge @!p0 [sflag:s8], $0x0  }
0x24: {  	s3 =	sadd.s32 $0x88, s3;
	s6 =	simm.s32 @!p1 $0x1082;
	[sflag:s4] =	ssyncset.s32 $0xFFFFF086  }
0x25: {  	[simem:s6], [sflag:s4] =	dma.local [hbm:s3], $0xF7A  }
0x26: {  	[smem:$0x3F94] =	sst s1;
	(tag) =	ssettag s2;
	_ =	strace s9  }
0x27: {  	s1 =	sld [smem:$0x3FA4]  }
0x28: {  	s2 =	sld [smem:$0x3FA5]  }
0x29: {  	s4 =	sld [smem:$0x3FA7]  }
0x2a: {  	p0 =	seq.s32 s5, $0x0;
	s5 =	sld [smem:$0x3FA8]  }
0x2b: {  	s6 =	sld [smem:$0x3FA9]  }
0x2c: {  	s7 =	sld [smem:$0x3FAA]  }
0x2d: {  	s3 =	simm.s32 $0x108;
	s8 =	sld [smem:$0x3FAB]  }
0x2e: {  	s3 =	simm.s32 @!p0 $0x1082;
	s9 =	sld [smem:$0x3FAC]  }
0x2f: {  	lr =	sadd.s32 s0, s3;
	s0 =	sld [smem:$0x3FA3]  }
0x30: {  	s3 =	sld [smem:$0x3FA6]  }
0x31: {  	[smem:$0x3FAF] =	sst s10  }
0x32: {  	s10 =	sld [smem:$0x3FAD];
	_ =	sdelay $0x3  }
0x33: {  	p0 =	seq.s32 s10, $0x1;
	s10 =	sld [smem:$0x3FAF];
	_ =	sdelay $0x3  }
0x34: {  	[smem:$0x3FAF] =	sst s10  }
0x35: {  	s10 =	sld [smem:$0x3FAE];
	_ =	sdelay $0x3  }
0x36: {  	p1 =	seq.s32 s10, $0x1;
	s10 =	sld [smem:$0x3FAF];
	_ =	sdelay $0x3  }
0x37: {  	[smem:$0x3FAF] =	sst s10  }
0x38: {  	s10 =	sld [smem:$0x3FB0]  }
0x39: {  	_ = 	snop;
	(pc) =	sbr.ind lr, $3  }
0x3a: {  	_ = 	snop  }
0x3b: {  	_ = 	snop  }
0x3c: {  	p2 =	seq.s32 s10, $0x1;
	s10 =	sld [smem:$0x3FAF]  }
0x3d: {  	_ =	shalt  }
0x3e: {  	_ =	shalt  }
0x3f: {  	_ =	shalt  }
0x40: {  	_ =	shalt  }
0x41: {  	_ =	shalt  }
0x42: {  	_ =	shalt  }
0x43: {  	_ =	shalt  }
0x44: {  	_ =	shalt  }
0x45: {  	_ =	shalt  }
0x46: {  	_ =	shalt  }
0x47: {  	_ =	shalt  }
0x48: {  	_ =	shalt  }
0x49: {  	_ =	shalt  }
0x4a: {  	_ =	shalt  }
0x4b: {  	_ =	shalt  }
0x4c: {  	_ =	shalt  }
0x4d: {  	_ =	shalt  }
0x4e: {  	_ =	shalt  }
0x4f: {  	_ =	shalt  }
0x50: {  	_ =	shalt  }
0x51: {  	_ =	shalt  }
0x52: {  	_ =	shalt  }
0x53: {  	_ =	shalt  }
0x54: {  	_ =	shalt  }
0x55: {  	_ =	shalt  }
0x56: {  	_ =	shalt  }
0x57: {  	_ =	shalt  }
0x58: {  	_ =	shalt  }
0x59: {  	_ =	shalt  }
0x5a: {  	_ =	shalt  }
0x5b: {  	_ =	shalt  }
0x5c: {  	_ =	shalt  }
0x5d: {  	_ =	shalt  }
0x5e: {  	_ =	shalt  }
0x5f: {  	_ =	shalt  }
0x60: {  	_ =	shalt  }
0x61: {  	_ =	shalt  }
0x62: {  	_ =	shalt  }
0x63: {  	_ =	shalt  }
0x64: {  	_ =	shalt  }
0x65: {  	_ =	shalt  }
0x66: {  	_ =	shalt  }
0x67: {  	_ =	shalt  }
0x68: {  	_ =	shalt  }
0x69: {  	_ =	shalt  }
0x6a: {  	_ =	shalt  }
0x6b: {  	_ =	shalt  }
0x6c: {  	_ =	shalt  }
0x6d: {  	_ =	shalt  }
0x6e: {  	_ =	shalt  }
0x6f: {  	_ =	shalt  }
0x70: {  	_ =	shalt  }
0x71: {  	_ =	shalt  }
0x72: {  	_ =	shalt  }
0x73: {  	_ =	shalt  }
0x74: {  	_ =	shalt  }
0x75: {  	_ =	shalt  }
0x76: {  	_ =	shalt  }
0x77: {  	_ =	shalt  }
0x78: {  	_ =	shalt  }
0x79: {  	_ =	shalt  }
0x7a: {  	_ =	shalt  }
0x7b: {  	_ =	shalt  }
0x7c: {  	_ =	shalt  }
0x7d: {  	_ =	shalt  }
0x7e: {  	_ =	shalt  }
0x7f: {  	_ =	shalt  }
0x80: {  	_ =	shalt  }
0x81: {  	_ =	shalt  }
0x82: {  	_ =	shalt  }
0x83: {  	_ =	shalt  }
0x84: {  	_ =	shalt  }
0x85: {  	_ =	shalt  }
0x86: {  	_ =	shalt  }
0x87: {  	_ =	shalt  }
.Lfunc_end0:
.L_simem_size_0:
called_computation.1_lowered:
.L_overlay_start_0:
0x88: {  	s2 =	sld [smem:$0x3FD9]  }
0x89: {  	s3 =	sld [smem:$0x3FFE];
	_ =	sdelay $0x1  }
0x8a: {  	s1 =	srdreg.scid  }
0x8b: {  	s0 =	sand.u32 $0x1, s1  }
0x8c: {  	s16 =	sshll.u32 s0, $0xA;
	s2 =	sadd.s32 s3, s2  }
0x8d: {  	s2 =	sadd.s32 s2, s16  }
0x8e: {  	[smem:$0x3FBB] =	sst s2  }
0x8f: {  	_ = 	snop  }
0x90: {  	(tm) =	ssettm $0x1  }
0x91: {  	s17 =	sld [smem:$0x3FFB];
	_ =	sdelay $0x3  }
0x92: {  	_ =	strace s17  }
0x93: {  	s2 =	sld [smem:$0x3FFC];
	_ =	sdelay $0x3  }
0x94: {  	_ =	strace s2  }
0x95: {  	s2 =	sld [smem:$0x3FFD];
	_ =	sdelay $0x3  }
0x96: {  	_ =	strace s2  }
0x97: {  	_ =	strace $0x8FFFFFFF  }
0x98: {  	s18 =	sld [smem:$0x3FDB];
	_ =	sdelay $0x1  }
0x99: {  	s19 =	simm.s32 $_scs_section_size  }
0x9a: {  	s4 =	simm.s32 $_size__tile_overlayer_lowered;
	s5 =	simm.s32 $_tile_overlayer_lowered  }
0x9b: {  	s22 =	simm.s32 $0x1BFF;
	s21 =	sshll.u32 s5, $0x1;
	s2 =	sadd.s32 s19, s18  }
0x9c: {  	s6 =	simm.s32 $0x0;
	s20 =	sshll.u32 s4, $0x1;
	s4 =	sadd.s32 s21, s2  }
0x9d: {  	[timem:s6], [sflag:s22] =	dma.local [hbm:s4], s20  }
0x9e: {  	_ =	swait.ge [sflag:s22], s20  }
0x9f: {  	s3 =	ssub.s32 $0x0, s20;
	[sflag:s22] =	ssyncset.done $0x0  }
0xa0: {  	[sflag:s22] =	ssyncadd.s32 s3;
	_ =	sdelay $0x1  }
0xa1: {  	s23 =	simm.s32 $0x1B8B  }
0xa2: {  	_ =	swait.ge [sflag:s23], $0x1  }
0xa3: {  	[sflag:s23] =	ssyncset.done $0x0  }
0xa4: {  	s25 =	simm.s32 $0x1B8E;
	s24 =	sld [smem:$0x3FFE];
	[sflag:s23] =	ssyncadd.s32 $0xFFFFFFFF  }
0xa5: {  	s26 =	simm.s32 $execute0_lowered;
	[smem:$0x3FD2] =	sst s25  }
0xa6: {  	s4 =	sshll.u32 s26, $0x1;
	_ =	strace $0x80000049;
	[dreg:$0x1] =	wrdreg $0xFFFFFFFF  }
0xa7: {  	s28 =	simm.s32 $_size_execute0_lowered;
	s2 =	sadd.s32 s2, s4;
	[dreg:$0x0] =	wrdreg $0x0  }
0xa8: {  	s4 =	sshll.u32 s28, $0x1;
	[dreg:$0x2] =	wrdreg s2  }
0xa9: {  	[dreg:$0x3] =	wrdreg s4  }
0xaa: {  	[dreg:$0x4] =	wrdreg $0xC0  }
0xab: {  	_ =	task [dreg:s6], $0x5FFFF  }
0xac: {  	[dreg:$0x1] =	wrdreg $0xFFFFFFFF  }
0xad: {  	[dreg:$0x0] =	wrdreg $0x60  }
0xae: {  	[dreg:$0x2] =	wrdreg s24  }
0xaf: {  	[dreg:$0x3] =	wrdreg $0x9  }
0xb0: {  	_ =	task.clear_ibuf [dreg:s6], $0x4FFFF;
	_ =	strace $0x90000049  }
0xb1: {  	s29 =	simm.s32 $0x9;
	_ =	strace $0x8000004B  }
0xb2: {  	_ =	swait.ge [sflag:s29], $0x1  }
0xb3: {  	[sflag:s29] =	ssyncadd.s32 $0xFFFFFFFF  }
0xb4: {  	_ =	strace $0x9000004B  }
0xb5: {  	_ =	sfence  }
0xb6: {  	s30 =	sld [smem:$0x0];
	_ =	sdelay $0x2  }
0xb7: {  	s31 =	sshll.u32 s1, $0xD;
	s1 =	sshrl.u32 s1, $0x2  }
0xb8: {  	s3 =	sand.u32 $0x4000, s31;
	s1 =	sadd.s32 s1, s30  }
0xb9: {  	s0 =	sor.u32 s3, s0;
	s1 =	sshll.u32 s1, $0x11  }
0xba: {  	s0 =	sor.u32 s1, s0  }
0xbb: {  	s0 =	sadd.s32 $0x8F2B, s0  }
0xbc: {  	[sflag:s0] =	ssyncadd.remote.s32 $0x1  }
0xbd: {  	_ =	sfence.sel $0xFFFF  }
0xbe: {  	[dreg:$0x0] =	wrdreg $0xFFFFFFFF;
	(pc) =	sbr.abs _section_cstart, $3  }
0xbf: {  	[dreg:$0x1] =	wrdreg $0xFFFFFFFF  }
0xc0: {  	_ =	task.clear_ibuf [dreg:s6], $0x2FFFF;
	_ =	strace $0x9FFFFFFF  }
0xc1: {  	(tm) =	ssettm $0x7FFFFFFF  }
tec
execute0_lowered:
.L_overlay_start_1:
0x0: {  	(tag) =	ssettag $0x1  }
0x1: {  	s1 =	srdreg.scid  }
0x2: {  	s0 =	stileid.u32;
	s3 =	rddreg [dreg:$0x0]  }
0x3: {  	s2 =	simm.s32 $0x0;
	s4 =	sand.u32 $0x1, s1;
	s5 =	sshll.u32 s0, $0x1  }
0x4: {  	s9 =	simm.s32 $0x1;
	s10 =	simm.s32 $0x70;
	s5 =	sor.u32 s4, s5  }
0x5: {  	s11 =	simm.s32 $0x0;
	s1 =	rddreg [dreg:$0x1];
	s5 =	smul.u32 $0xC40, s5  }
0x6: {  	[smem:$0x7FF] =	sst s2;
	s8 =	smul.u32 $0x1880, s0;
	s6 =	ssub.s32 $0x2, s4  }
0x7: {  	_ =	strace $0x8000004A;
	s7 =	sshrl.u32 s6, $0x1;
	s5 =	sshrl.u32 s5, $0x3  }
0x8: {  	s31 =	smul.u32 $0xC40, s4;
	s6 =	ssub.s32 s6, s7;
	s5 =	sadd.s32 s5, s3  }
0x9: {  	s7 =	simm.s32 $0x2;
	s3 =	sadd.s32 $0xE000, s3;
	s4 =	sadd.s32 $0x245C00, s5  }
0xa: {  	v0 =	vlaneseq.u32;
	s5 =	smax.u32 s6, $0x1;
	s6 =	sadd.s32 s31, s8;
	s8 =	simm.s32 $0xC40  }
.LBB2_1:
0xb: {  	[tilespmem:s2], [sflag:$0x2] =	stream.linear.gather [hbm4b:s4+s2], $0xC40, $0x38;
	[tilespmem:$0x3900] =	vst v63  }
0xc: {  	s13 =	smul.u32 $0x25, s2;
	_ =	swait.ge [sflag:s7], $0xC40  }
0xd: {  	[sflag:s7] =	ssyncset.done $0x0  }
0xe: {  	s12 =	simm.s32 $0xC80;
	s13 =	sshrl.u32 s13, $0x8;
	[sflag:s7] =	ssyncadd.s32 $0xFFFFF3C0  }
0xf: {  	[tilespmem:s12], [sflag:$0x1] =	stream.indirect.gather [hbm4b:s3+s8], $0x1, s2, s8, $0xb8;
	[tilespmem:$0x3900] =	vst v63  }
0x10: {  	s14 =	ssub.s32 $0x0, s13;
	_ =	swait.ge [sflag:s9], $0xC40  }
0x11: {  	s14 =	sand.u32 $0xFE, s14;
	[sflag:s9] =	ssyncset.done $0x0  }
0x12: {  	s14 =	sshrl.u32 s14, $0x1;
	[sflag:s9] =	ssyncadd.s32 $0xFFFFF3C0  }
0x13: {  	s14 =	sadd.s32 s13, s14;
	v2 =	vld [tilespmem:s12+$0x0]  }
0x14: {  	s13 =	simm.s32 $0x1;
	s14 =	sand.u32 $0xFC, s14  }
0x15: {  	s15 =	smul.u32 $0x25, s13;
	s18 =	sshrl.u32 s14, $0x2  }
0x16: {  	s14 =	smul.u32 $0x7, s18  }
0x17: {  	s17 =	simm.s32 $0x2;
	v1 =	vor.u32 s6, v0  }
0x18: {  	s20 =	sadd.s32 $0x118C200, s6;
	s16 =	sshrl.u32 s15, $0x8;
	s31 =	ssub.s32 $0x0, s14;
	vm0 =	vlt.s32 v1, v2;
	v2 =	vld [tilespmem:s2+$0x0]  }
0x19: {  	v3 =	vmov s6;
	s18 =	sshll.u32 s18, $0x7;
	s19 =	ssub.s32 $0x1, s16;
	s15 =	sshll.u32 s31, $0x4  }
0x1a: {  	vm1 =	vlt.u32 v3, $0x186A0;
	s14 =	sadd.s32 $0x10, s6;
	s19 =	sand.u32 $0xFE, s19;
	s15 =	sand.u32 $0xF0, s15  }
0x1b: {  	v3 =	vor.u32 s20, v0;
	s19 =	sshrl.u32 s19, $0x1;
	vm0 =	vmand vm1, vm0;
	s18 =	sor.u32 s15, s18;
	s15 =	simm.s32 $0x10  }
.LBB2_2:
0x1c: {  	s16 =	sadd.s32 s16, s19;
	s12 =	sadd.s32 $0x10, s12;
	s19 =	smov.u32 s13  }
0x1d: {  	v2 =	vsel vm0, v2, v3;
	[tilespmem:s18+$0x2900] =	vst v1;
	s13 =	smov.u32 s17;
	s20 =	sadd.s32 $0x1, s17;
	s21 =	smov.u32 s14  }
0x1e: {  	p0 =	sne.s32 s17, $0xC3;
	s16 =	sand.u32 $0xFC, s16;
	[tilespmem:s18+$0x1900] =	vst v2  }
0x1f: {  	s17 =	smul.u32 $0x25, s13;
	v3 =	vld [tilespmem:s12+$0x0];
	s18 =	sshrl.u32 s16, $0x2  }
0x20: {  	s22 =	smul.u32 $0x7, s18  }
.Ltmp0:
0x21: {  	s14 =	sadd.s32 $0x10, s14;
	v2 =	vld [tilespmem:s15+$0x0];
	(pc) =	sbr.rel @p0 .LBB2_2-.Ltmp0, $4  }
0x22: {  	v4 =	vmov s21;
	v1 =	vor.u32 s21, v0;
	s21 =	sadd.s32 $0x118C200, s21;
	s16 =	sshrl.u32 s17, $0x8;
	s17 =	ssub.s32 s19, s22  }
0x23: {  	s18 =	sshll.u32 s18, $0x7;
	s19 =	ssub.s32 s13, s16;
	s17 =	sshll.u32 s17, $0x4  }
0x24: {  	vm1 =	vlt.u32 v4, $0x186A0;
	s15 =	sadd.s32 $0x10, s15;
	s19 =	sand.u32 $0xFE, s19;
	vm0 =	vlt.s32 v1, v3;
	s17 =	sand.u32 $0xF0, s17  }
0x25: {  	s19 =	sshrl.u32 s19, $0x1;
	v3 =	vor.u32 s21, v0;
	vm0 =	vmand vm1, vm0;
	s18 =	sor.u32 s17, s18;
	s17 =	smov.u32 s20  }
0x26: {  	s16 =	sadd.s32 s16, s19;
	v2 =	vsel vm0, v2, v3;
	[tilespmem:s18+$0x2900] =	vst v1  }
0x27: {  	s12 =	sadd.s32 $0x10, s12;
	s16 =	sand.u32 $0xFC, s16;
	[tilespmem:s18+$0x1900] =	vst v2  }
0x28: {  	v1 =	vld [tilespmem:s12+$0x0];
	s28 =	sshrl.u32 s16, $0x2  }
0x29: {  	s16 =	smul.u32 $0x7, s28  }
0x2a: {  	v2 =	vld [tilespmem:s15+$0x0]  }
0x2b: {  	s13 =	ssub.s32 s13, s16  }
0x2c: {  	v3 =	vmov s14;
	v4 =	vor.u32 s14, v0;
	s13 =	sshll.u32 s13, $0x4  }
0x2d: {  	s29 =	sadd.s32 $0x118C200, s14;
	vm1 =	vlt.u32 v3, $0x186A0;
	s12 =	sshll.u32 s28, $0x7;
	vm15 =	vlt.s32 v4, v1;
	s13 =	sand.u32 $0xF0, s13  }
0x2e: {  	v1 =	vor.u32 s29, v0;
	vm0 =	vmand vm1, vm15;
	s12 =	sor.u32 s13, s12  }
0x2f: {  	v1 =	vsel vm0, v2, v1;
	[tilespmem:s12+$0x2900] =	vst v4  }
0x30: {  	s30 =	simm.s32 $0x2900;
	s31 =	simm.s32 $0x1900;
	[tilespmem:s12+$0x1900] =	vst v1  }
0x31: {  	[hbm4b:s3+s10] =	stream.indirect.scatter [tilespmem:s30], [sflag:$0x1], $0x1, s31, s10, $0xb8;
	[tilespmem:$0x3900] =	vst v63  }
0x32: {  	s12 =	simm.s32 $0x200;
	_ =	swait.ge [sflag:s9], $0x70  }
.LBB2_4:
0x33: {  	s13 =	sshra.s32 s12, $0x2  }
0x34: {  	[sflag:s9] =	ssyncset.done $0x0;
	p0 =	sne.s32 s12, $0x3600;
	s14 =	sadd.s32 $0x2900, s13  }
.Ltmp1:
0x35: {  	s13 =	sadd.s32 $0x1900, s13;
	[sflag:s9] =	ssyncadd.s32 $0xFFFFFF90;
	(pc) =	sbr.rel @p0 .LBB2_4-.Ltmp1, $3  }
0x36: {  	[hbm4b:s3+s10] =	stream.indirect.scatter [tilespmem:s14], [sflag:$0x1], $0x1, s13, s10, $0xb8;
	[tilespmem:$0x3900] =	vst v63  }
0x37: {  	s12 =	sadd.s32 $0x200, s12;
	_ =	sdelay $0x1  }
0x38: {  	_ =	swait.ge [sflag:s9], $0x70  }
0x39: {  	s11 =	sadd.s32 $0x1, s11  }
0x3a: {  	p0 =	sne.s32 s11, s5  }
.Ltmp2:
0x3b: {  	_ = 	snop;
	(pc) =	sbr.rel @p0 .LBB2_1-.Ltmp2, $3  }
0x3c: {  	_ =	sdelay $0x1  }
0x3d: {  	[sflag:s9] =	ssyncset.done $0x0  }
0x3e: {  	[sflag:s9] =	ssyncadd.s32 $0xFFFFFF90  }
0x3f: {  	_ =	sfence.sel $0x180000  }
0x40: {  	[bflag:$0x0] =	sbarrier.arrive $0xFFFF  }
0x41: {  	p0 =	sne.s32 s0, $0x0;
	_ =	strace $0x9000004A  }
0x42: {  	s0 =	sadd.s32 @!p0 $0x100000, s1;
	[bflag:$0x2] =	sbarrier.arrive $0xFFFF  }
0x43: {  	[sflag:s0] =	ssyncadd.tile.s32 @!p0 $0x1;
	_ =	shalt  }
.Lfunc_end2:
_tile_overlayer_lowered:
.L_overlay_start_2:
0x44: {  	(tag) =	ssettag $0x2  }
0x45: {  	s0 =	rddreg [dreg:$0x0];
	s2 =	stileid.u32  }
0x46: {  	s1 =	rddreg [dreg:$0x1];
	p0 =	sne.s32 s2, $0x0  }
0x47: {  	s3 =	rddreg [dreg:$0x2];
	[bflag:$0x3] =	sbarrier.arrive $0xFFFF;
	s2 =	simm.s32 @!p0 $0x1C02  }
0x48: {  	[timem:s3], [sflag:s2] =	dma.local @!p0 [hbm:s0], s1  }
0x49: {  	s0 =	simm.s32 @!p0 $0x2  }
0x4a: {  	_ =	swait.ge @!p0 [sflag:s0], s1  }
0x4b: {  	s1 =	ssub.s32 @!p0 $0x0, s1;
	[sflag:s0] =	ssyncset.done @!p0 $0x0  }
0x4c: {  	[sflag:s0] =	ssyncadd.s32 @!p0 s1  }
0x4d: {  	[bflag:$0x3] =	sbarrier.arrive $0xFFFF  }
0x4e: {  	_ =	shalt  }

// kernel: kernel.19.cloned.1.call-start
scs
__scs_entry_jumppad:
0x0: {  	(pc) =	sbr.rel $0x88, $3  }
0x1: {  	(tag) =	ssettag $0x0;
	lr =	simm.s32 $0x1  }
0x2: {  	[smem:$0x3F94] =	sst lr;
	_ =	strace $0xD0000000  }
0x3: {  	_ = 	snop  }
0x4: {  	_ = 	snop  }
0x5: {  	_ = 	snop  }
0x6: {  	_ = 	snop  }
0x7: {  	_ = 	snop  }
__scs_overlays_trampoline_lowered:
0x8: {  	[smem:$0x3FA3] =	sst s0  }
0x9: {  	[smem:$0x3FA4] =	sst s1  }
0xa: {  	[smem:$0x3FA5] =	sst s2  }
0xb: {  	[smem:$0x3FA6] =	sst s3  }
0xc: {  	[smem:$0x3FA7] =	sst s4  }
0xd: {  	[smem:$0x3FA8] =	sst s5  }
0xe: {  	[smem:$0x3FA9] =	sst s6  }
0xf: {  	[smem:$0x3FAA] =	sst s7  }
0x10: {  	[smem:$0x3FAB] =	sst s8  }
0x11: {  	[smem:$0x3FAC] =	sst s9;
	s0 =	simm.s32 @!p0 $0x0  }
0x12: {  	s1 =	sld [smem:$0x3F92];
	s0 =	simm.s32 @p0 $0x1  }
0x13: {  	[smem:$0x3FAD] =	sst s0;
	s0 =	simm.s32 @!p1 $0x0  }
0x14: {  	s2 =	sld [smem:$0x3F91];
	s0 =	simm.s32 @p1 $0x1  }
0x15: {  	[smem:$0x3FAE] =	sst s0;
	s0 =	simm.s32 @!p2 $0x0  }
0x16: {  	s3 =	sld [smem:$0x3FDB];
	s0 =	simm.s32 @p2 $0x1  }
0x17: {  	s4 =	simm.s32 $0x1BF5;
	[smem:$0x3FB0] =	sst s0  }
0x18: {  	s0 =	sld [smem:$0x3F93];
	_ =	swait.ge [sflag:s4], $0x0  }
0x19: {  	s7 =	sld [smem:$0x3F94]  }
0x1a: {  	s8 =	sadd.s32 $0xFFFFE003, lr  }
0x1b: {  	s9 =	sadd.s32 $0xFFFFFEF7, lr;
	s5 =	simm.s32 $0xFFFFFFFF;
	p2 =	slt.u32 s8, $0xFFFFF086  }
0x1c: {  	p1 =	slt.u32 s9, $0xF7A;
	s5 =	simm.s32 @!p2 $0x0  }
0x1d: {  	s5 =	simm.s32 @p1 $0x1;
	p0 =	seq.s32 s7, s2  }
0x1e: {  	s7 =	smul.u32 @!p0 $0xF7A, s2;
	p2 =	seq.s32 @!p0 s5, $0x0  }
0x1f: {  	s9 =	smul.u32 $0xF7A, s1;
	s8 =	simm.s32 @!p0 $0x1BF5;
	p2 =	por !p2, p0  }
0x20: {  	[sflag:s8] =	ssyncset.s32 @!p0 $0xFFFFF086;
	s6 =	sadd.s32 @!p0 s3, s7;
	s7 =	simm.s32 @!p0 $0x108  }
0x21: {  	s3 =	sadd.s32 s3, s9;
	s6 =	sadd.s32 @!p0 $0x88, s6;
	s7 =	simm.s32 @p2 $0x1082  }
0x22: {  	[simem:s7], [sflag:s8] =	dma.local @!p0 [hbm:s6], $0xF7A  }
0x23: {  	s9 =	sor.u32 $0xD0000000, s2;
	s6 =	simm.s32 $0x108;
	_ =	swait.ge @!p0 [sflag:s8], $0x0  }
0x24: {  	s3 =	sadd.s32 $0x88, s3;
	s6 =	simm.s32 @!p1 $0x1082;
	[sflag:s4] =	ssyncset.s32 $0xFFFFF086  }
0x25: {  	[simem:s6], [sflag:s4] =	dma.local [hbm:s3], $0xF7A  }
0x26: {  	[smem:$0x3F94] =	sst s1;
	(tag) =	ssettag s2;
	_ =	strace s9  }
0x27: {  	s1 =	sld [smem:$0x3FA4]  }
0x28: {  	s2 =	sld [smem:$0x3FA5]  }
0x29: {  	s4 =	sld [smem:$0x3FA7]  }
0x2a: {  	p0 =	seq.s32 s5, $0x0;
	s5 =	sld [smem:$0x3FA8]  }
0x2b: {  	s6 =	sld [smem:$0x3FA9]  }
0x2c: {  	s7 =	sld [smem:$0x3FAA]  }
0x2d: {  	s3 =	simm.s32 $0x108;
	s8 =	sld [smem:$0x3FAB]  }
0x2e: {  	s3 =	simm.s32 @!p0 $0x1082;
	s9 =	sld [smem:$0x3FAC]  }
0x2f: {  	lr =	sadd.s32 s0, s3;
	s0 =	sld [smem:$0x3FA3]  }
0x30: {  	s3 =	sld [smem:$0x3FA6]  }
0x31: {  	[smem:$0x3FAF] =	sst s10  }
0x32: {  	s10 =	sld [smem:$0x3FAD];
	_ =	sdelay $0x3  }
0x33: {  	p0 =	seq.s32 s10, $0x1;
	s10 =	sld [smem:$0x3FAF];
	_ =	sdelay $0x3  }
0x34: {  	[smem:$0x3FAF] =	sst s10  }
0x35: {  	s10 =	sld [smem:$0x3FAE];
	_ =	sdelay $0x3  }
0x36: {  	p1 =	seq.s32 s10, $0x1;
	s10 =	sld [smem:$0x3FAF];
	_ =	sdelay $0x3  }
0x37: {  	[smem:$0x3FAF] =	sst s10  }
0x38: {  	s10 =	sld [smem:$0x3FB0]  }
0x39: {  	_ = 	snop;
	(pc) =	sbr.ind lr, $3  }
0x3a: {  	_ = 	snop  }
0x3b: {  	_ = 	snop  }
0x3c: {  	p2 =	seq.s32 s10, $0x1;
	s10 =	sld [smem:$0x3FAF]  }
0x3d: {  	_ =	shalt  }
0x3e: {  	_ =	shalt  }
0x3f: {  	_ =	shalt  }
0x40: {  	_ =	shalt  }
0x41: {  	_ =	shalt  }
0x42: {  	_ =	shalt  }
0x43: {  	_ =	shalt  }
0x44: {  	_ =	shalt  }
0x45: {  	_ =	shalt  }
0x46: {  	_ =	shalt  }
0x47: {  	_ =	shalt  }
0x48: {  	_ =	shalt  }
0x49: {  	_ =	shalt  }
0x4a: {  	_ =	shalt  }
0x4b: {  	_ =	shalt  }
0x4c: {  	_ =	shalt  }
0x4d: {  	_ =	shalt  }
0x4e: {  	_ =	shalt  }
0x4f: {  	_ =	shalt  }
0x50: {  	_ =	shalt  }
0x51: {  	_ =	shalt  }
0x52: {  	_ =	shalt  }
0x53: {  	_ =	shalt  }
0x54: {  	_ =	shalt  }
0x55: {  	_ =	shalt  }
0x56: {  	_ =	shalt  }
0x57: {  	_ =	shalt  }
0x58: {  	_ =	shalt  }
0x59: {  	_ =	shalt  }
0x5a: {  	_ =	shalt  }
0x5b: {  	_ =	shalt  }
0x5c: {  	_ =	shalt  }
0x5d: {  	_ =	shalt  }
0x5e: {  	_ =	shalt  }
0x5f: {  	_ =	shalt  }
0x60: {  	_ =	shalt  }
0x61: {  	_ =	shalt  }
0x62: {  	_ =	shalt  }
0x63: {  	_ =	shalt  }
0x64: {  	_ =	shalt  }
0x65: {  	_ =	shalt  }
0x66: {  	_ =	shalt  }
0x67: {  	_ =	shalt  }
0x68: {  	_ =	shalt  }
0x69: {  	_ =	shalt  }
0x6a: {  	_ =	shalt  }
0x6b: {  	_ =	shalt  }
0x6c: {  	_ =	shalt  }
0x6d: {  	_ =	shalt  }
0x6e: {  	_ =	shalt  }
0x6f: {  	_ =	shalt  }
0x70: {  	_ =	shalt  }
0x71: {  	_ =	shalt  }
0x72: {  	_ =	shalt  }
0x73: {  	_ =	shalt  }
0x74: {  	_ =	shalt  }
0x75: {  	_ =	shalt  }
0x76: {  	_ =	shalt  }
0x77: {  	_ =	shalt  }
0x78: {  	_ =	shalt  }
0x79: {  	_ =	shalt  }
0x7a: {  	_ =	shalt  }
0x7b: {  	_ =	shalt  }
0x7c: {  	_ =	shalt  }
0x7d: {  	_ =	shalt  }
0x7e: {  	_ =	shalt  }
0x7f: {  	_ =	shalt  }
0x80: {  	_ =	shalt  }
0x81: {  	_ =	shalt  }
0x82: {  	_ =	shalt  }
0x83: {  	_ =	shalt  }
0x84: {  	_ =	shalt  }
0x85: {  	_ =	shalt  }
0x86: {  	_ =	shalt  }
0x87: {  	_ =	shalt  }
.Lfunc_end0:
.L_simem_size_0:
called_computation.2_lowered:
.L_overlay_start_0:
0x88: {  	s2 =	sld [smem:$0x3FD9]  }
0x89: {  	s3 =	sld [smem:$0x3FFE];
	_ =	sdelay $0x1  }
0x8a: {  	s1 =	srdreg.scid  }
0x8b: {  	s0 =	sand.u32 $0x1, s1  }
0x8c: {  	s16 =	sshll.u32 s0, $0xA;
	s2 =	sadd.s32 s3, s2  }
0x8d: {  	s2 =	sadd.s32 s2, s16  }
0x8e: {  	[smem:$0x3FBB] =	sst s2  }
0x8f: {  	_ = 	snop  }
0x90: {  	(tm) =	ssettm $0x1  }
0x91: {  	s17 =	sld [smem:$0x3FFB];
	_ =	sdelay $0x3  }
0x92: {  	_ =	strace s17  }
0x93: {  	s2 =	sld [smem:$0x3FFC];
	_ =	sdelay $0x3  }
0x94: {  	_ =	strace s2  }
0x95: {  	s2 =	sld [smem:$0x3FFD];
	_ =	sdelay $0x3  }
0x96: {  	_ =	strace s2  }
0x97: {  	_ =	strace $0x8FFFFFFF  }
0x98: {  	s18 =	sld [smem:$0x3FDB];
	_ =	sdelay $0x1  }
0x99: {  	s19 =	simm.s32 $_scs_section_size  }
0x9a: {  	s4 =	simm.s32 $_size__tile_overlayer_lowered;
	s5 =	simm.s32 $_tile_overlayer_lowered  }
0x9b: {  	s22 =	simm.s32 $0x1BFF;
	s21 =	sshll.u32 s5, $0x1;
	s2 =	sadd.s32 s19, s18  }
0x9c: {  	s6 =	simm.s32 $0x0;
	s20 =	sshll.u32 s4, $0x1;
	s4 =	sadd.s32 s21, s2  }
0x9d: {  	[timem:s6], [sflag:s22] =	dma.local [hbm:s4], s20  }
0x9e: {  	_ =	swait.ge [sflag:s22], s20  }
0x9f: {  	s3 =	ssub.s32 $0x0, s20;
	[sflag:s22] =	ssyncset.done $0x0  }
0xa0: {  	[sflag:s22] =	ssyncadd.s32 s3;
	_ =	sdelay $0x1  }
0xa1: {  	s23 =	simm.s32 $0x1B8B  }
0xa2: {  	_ =	swait.ge [sflag:s23], $0x1  }
0xa3: {  	[sflag:s23] =	ssyncset.done $0x0  }
0xa4: {  	s25 =	simm.s32 $0x1B8E;
	s24 =	sld [smem:$0x3FFE];
	[sflag:s23] =	ssyncadd.s32 $0xFFFFFFFF  }
0xa5: {  	s26 =	simm.s32 $execute0_lowered;
	[smem:$0x3FD2] =	sst s25  }
0xa6: {  	s4 =	sshll.u32 s26, $0x1;
	_ =	strace $0x8000004C;
	[dreg:$0x1] =	wrdreg $0xFFFFFFFF  }
0xa7: {  	s28 =	simm.s32 $_size_execute0_lowered;
	s2 =	sadd.s32 s2, s4;
	[dreg:$0x0] =	wrdreg $0x0  }
0xa8: {  	s4 =	sshll.u32 s28, $0x1;
	[dreg:$0x2] =	wrdreg s2  }
0xa9: {  	[dreg:$0x3] =	wrdreg s4  }
0xaa: {  	[dreg:$0x4] =	wrdreg $0xC0  }
0xab: {  	_ =	task [dreg:s6], $0x5FFFF  }
0xac: {  	[dreg:$0x1] =	wrdreg $0xFFFFFFFF  }
0xad: {  	[dreg:$0x0] =	wrdreg $0x60  }
0xae: {  	[dreg:$0x2] =	wrdreg s24  }
0xaf: {  	[dreg:$0x3] =	wrdreg $0x9  }
0xb0: {  	_ =	task.clear_ibuf [dreg:s6], $0x4FFFF;
	_ =	strace $0x9000004C  }
0xb1: {  	s29 =	simm.s32 $0x9;
	_ =	strace $0x8000004E  }
0xb2: {  	_ =	swait.ge [sflag:s29], $0x1  }
0xb3: {  	[sflag:s29] =	ssyncadd.s32 $0xFFFFFFFF  }
0xb4: {  	_ =	strace $0x9000004E  }
0xb5: {  	_ =	sfence  }
0xb6: {  	s30 =	sld [smem:$0x0];
	_ =	sdelay $0x2  }
0xb7: {  	s31 =	sshll.u32 s1, $0xD;
	s1 =	sshrl.u32 s1, $0x2  }
0xb8: {  	s3 =	sand.u32 $0x4000, s31;
	s1 =	sadd.s32 s1, s30  }
0xb9: {  	s0 =	sor.u32 s3, s0;
	s1 =	sshll.u32 s1, $0x11  }
0xba: {  	s0 =	sor.u32 s1, s0  }
0xbb: {  	s0 =	sadd.s32 $0x8F2B, s0  }
0xbc: {  	[sflag:s0] =	ssyncadd.remote.s32 $0x1  }
0xbd: {  	_ =	sfence.sel $0xFFFF  }
0xbe: {  	[dreg:$0x0] =	wrdreg $0xFFFFFFFF;
	(pc) =	sbr.abs _section_cstart, $3  }
0xbf: {  	[dreg:$0x1] =	wrdreg $0xFFFFFFFF  }
0xc0: {  	_ =	task.clear_ibuf [dreg:s6], $0x2FFFF;
	_ =	strace $0x9FFFFFFF  }
0xc1: {  	(tm) =	ssettm $0x7FFFFFFF  }
tec
execute0_lowered:
.L_overlay_start_1:
0x0: {  	(tag) =	ssettag $0x1  }
0x1: {  	s1 =	srdreg.scid  }
0x2: {  	s0 =	stileid.u32;
	s3 =	rddreg [dreg:$0x0]  }
0x3: {  	s2 =	simm.s32 $0x0;
	s4 =	sand.u32 $0x1, s1;
	s5 =	sshll.u32 s0, $0x1  }
0x4: {  	s9 =	simm.s32 $0x1;
	s10 =	simm.s32 $0x70;
	s5 =	sor.u32 s4, s5  }
0x5: {  	s11 =	simm.s32 $0x0;
	s1 =	rddreg [dreg:$0x1];
	s5 =	smul.u32 $0xC40, s5  }
0x6: {  	[smem:$0x7FF] =	sst s2;
	s8 =	smul.u32 $0x1880, s0;
	s6 =	ssub.s32 $0x2, s4  }
0x7: {  	_ =	strace $0x8000004D;
	s7 =	sshrl.u32 s6, $0x1;
	s5 =	sshrl.u32 s5, $0x3  }
0x8: {  	s31 =	smul.u32 $0xC40, s4;
	s6 =	ssub.s32 s6, s7;
	s5 =	sadd.s32 s5, s3  }
0x9: {  	s7 =	simm.s32 $0x2;
	s3 =	sadd.s32 $0xE000, s3;
	s4 =	sadd.s32 $0x245C00, s5  }
0xa: {  	v0 =	vlaneseq.u32;
	s5 =	smax.u32 s6, $0x1;
	s6 =	sadd.s32 s31, s8;
	s8 =	simm.s32 $0xC40  }
.LBB2_1:
0xb: {  	[tilespmem:s2], [sflag:$0x2] =	stream.linear.gather [hbm4b:s4+s2], $0xC40, $0x38;
	[tilespmem:$0x3900] =	vst v63  }
0xc: {  	s13 =	smul.u32 $0x25, s2;
	_ =	swait.ge [sflag:s7], $0xC40  }
0xd: {  	[sflag:s7] =	ssyncset.done $0x0  }
0xe: {  	s12 =	simm.s32 $0xC80;
	s13 =	sshrl.u32 s13, $0x8;
	[sflag:s7] =	ssyncadd.s32 $0xFFFFF3C0  }
0xf: {  	[tilespmem:s12], [sflag:$0x1] =	stream.indirect.gather [hbm4b:s3+s8], $0x1, s2, s8, $0xb8;
	[tilespmem:$0x3900] =	vst v63  }
0x10: {  	s14 =	ssub.s32 $0x0, s13;
	_ =	swait.ge [sflag:s9], $0xC40  }
0x11: {  	s14 =	sand.u32 $0xFE, s14;
	[sflag:s9] =	ssyncset.done $0x0  }
0x12: {  	s14 =	sshrl.u32 s14, $0x1;
	[sflag:s9] =	ssyncadd.s32 $0xFFFFF3C0  }
0x13: {  	s14 =	sadd.s32 s13, s14;
	v2 =	vld [tilespmem:s12+$0x0]  }
0x14: {  	s13 =	simm.s32 $0x1;
	s14 =	sand.u32 $0xFC, s14  }
0x15: {  	s15 =	smul.u32 $0x25, s13;
	s18 =	sshrl.u32 s14, $0x2  }
0x16: {  	s14 =	smul.u32 $0x7, s18  }
0x17: {  	s17 =	simm.s32 $0x2;
	v1 =	vor.u32 s6, v0  }
0x18: {  	s20 =	sadd.s32 $0x118C200, s6;
	s16 =	sshrl.u32 s15, $0x8;
	s31 =	ssub.s32 $0x0, s14;
	vm0 =	vlt.s32 v1, v2;
	v2 =	vld [tilespmem:s2+$0x0]  }
0x19: {  	v3 =	vmov s6;
	s18 =	sshll.u32 s18, $0x7;
	s19 =	ssub.s32 $0x1, s16;
	s15 =	sshll.u32 s31, $0x4  }
0x1a: {  	vm1 =	vlt.u32 v3, $0x186A0;
	s14 =	sadd.s32 $0x10, s6;
	s19 =	sand.u32 $0xFE, s19;
	s15 =	sand.u32 $0xF0, s15  }
0x1b: {  	v3 =	vor.u32 s20, v0;
	s19 =	sshrl.u32 s19, $0x1;
	vm0 =	vmand vm1, vm0;
	s18 =	sor.u32 s15, s18;
	s15 =	simm.s32 $0x10  }
.LBB2_2:
0x1c: {  	s16 =	sadd.s32 s16, s19;
	s12 =	sadd.s32 $0x10, s12;
	s19 =	smov.u32 s13  }
0x1d: {  	v2 =	vsel vm0, v2, v3;
	[tilespmem:s18+$0x2900] =	vst v1;
	s13 =	smov.u32 s17;
	s20 =	sadd.s32 $0x1, s17;
	s21 =	smov.u32 s14  }
0x1e: {  	p0 =	sne.s32 s17, $0xC3;
	s16 =	sand.u32 $0xFC, s16;
	[tilespmem:s18+$0x1900] =	vst v2  }
0x1f: {  	s17 =	smul.u32 $0x25, s13;
	v3 =	vld [tilespmem:s12+$0x0];
	s18 =	sshrl.u32 s16, $0x2  }
0x20: {  	s22 =	smul.u32 $0x7, s18  }
.Ltmp0:
0x21: {  	s14 =	sadd.s32 $0x10, s14;
	v2 =	vld [tilespmem:s15+$0x0];
	(pc) =	sbr.rel @p0 .LBB2_2-.Ltmp0, $4  }
0x22: {  	v4 =	vmov s21;
	v1 =	vor.u32 s21, v0;
	s21 =	sadd.s32 $0x118C200, s21;
	s16 =	sshrl.u32 s17, $0x8;
	s17 =	ssub.s32 s19, s22  }
0x23: {  	s18 =	sshll.u32 s18, $0x7;
	s19 =	ssub.s32 s13, s16;
	s17 =	sshll.u32 s17, $0x4  }
0x24: {  	vm1 =	vlt.u32 v4, $0x186A0;
	s15 =	sadd.s32 $0x10, s15;
	s19 =	sand.u32 $0xFE, s19;
	vm0 =	vlt.s32 v1, v3;
	s17 =	sand.u32 $0xF0, s17  }
0x25: {  	s19 =	sshrl.u32 s19, $0x1;
	v3 =	vor.u32 s21, v0;
	vm0 =	vmand vm1, vm0;
	s18 =	sor.u32 s17, s18;
	s17 =	smov.u32 s20  }
0x26: {  	s16 =	sadd.s32 s16, s19;
	v2 =	vsel vm0, v2, v3;
	[tilespmem:s18+$0x2900] =	vst v1  }
0x27: {  	s12 =	sadd.s32 $0x10, s12;
	s16 =	sand.u32 $0xFC, s16;
	[tilespmem:s18+$0x1900] =	vst v2  }
0x28: {  	v1 =	vld [tilespmem:s12+$0x0];
	s28 =	sshrl.u32 s16, $0x2  }
0x29: {  	s16 =	smul.u32 $0x7, s28  }
0x2a: {  	v2 =	vld [tilespmem:s15+$0x0]  }
0x2b: {  	s13 =	ssub.s32 s13, s16  }
0x2c: {  	v3 =	vmov s14;
	v4 =	vor.u32 s14, v0;
	s13 =	sshll.u32 s13, $0x4  }
0x2d: {  	s29 =	sadd.s32 $0x118C200, s14;
	vm1 =	vlt.u32 v3, $0x186A0;
	s12 =	sshll.u32 s28, $0x7;
	vm15 =	vlt.s32 v4, v1;
	s13 =	sand.u32 $0xF0, s13  }
0x2e: {  	v1 =	vor.u32 s29, v0;
	vm0 =	vmand vm1, vm15;
	s12 =	sor.u32 s13, s12  }
0x2f: {  	v1 =	vsel vm0, v2, v1;
	[tilespmem:s12+$0x2900] =	vst v4  }
0x30: {  	s30 =	simm.s32 $0x2900;
	s31 =	simm.s32 $0x1900;
	[tilespmem:s12+$0x1900] =	vst v1  }
0x31: {  	[hbm4b:s3+s10] =	stream.indirect.scatter [tilespmem:s30], [sflag:$0x1], $0x1, s31, s10, $0xb8;
	[tilespmem:$0x3900] =	vst v63  }
0x32: {  	s12 =	simm.s32 $0x200;
	_ =	swait.ge [sflag:s9], $0x70  }
.LBB2_4:
0x33: {  	s13 =	sshra.s32 s12, $0x2  }
0x34: {  	[sflag:s9] =	ssyncset.done $0x0;
	p0 =	sne.s32 s12, $0x3600;
	s14 =	sadd.s32 $0x2900, s13  }
.Ltmp1:
0x35: {  	s13 =	sadd.s32 $0x1900, s13;
	[sflag:s9] =	ssyncadd.s32 $0xFFFFFF90;
	(pc) =	sbr.rel @p0 .LBB2_4-.Ltmp1, $3  }
0x36: {  	[hbm4b:s3+s10] =	stream.indirect.scatter [tilespmem:s14], [sflag:$0x1], $0x1, s13, s10, $0xb8;
	[tilespmem:$0x3900] =	vst v63  }
0x37: {  	s12 =	sadd.s32 $0x200, s12;
	_ =	sdelay $0x1  }
0x38: {  	_ =	swait.ge [sflag:s9], $0x70  }
0x39: {  	s11 =	sadd.s32 $0x1, s11  }
0x3a: {  	p0 =	sne.s32 s11, s5  }
.Ltmp2:
0x3b: {  	_ = 	snop;
	(pc) =	sbr.rel @p0 .LBB2_1-.Ltmp2, $3  }
0x3c: {  	_ =	sdelay $0x1  }
0x3d: {  	[sflag:s9] =	ssyncset.done $0x0  }
0x3e: {  	[sflag:s9] =	ssyncadd.s32 $0xFFFFFF90  }
0x3f: {  	_ =	sfence.sel $0x180000  }
0x40: {  	[bflag:$0x0] =	sbarrier.arrive $0xFFFF  }
0x41: {  	p0 =	sne.s32 s0, $0x0;
	_ =	strace $0x9000004D  }
0x42: {  	s0 =	sadd.s32 @!p0 $0x100000, s1;
	[bflag:$0x2] =	sbarrier.arrive $0xFFFF  }
0x43: {  	[sflag:s0] =	ssyncadd.tile.s32 @!p0 $0x1;
	_ =	shalt  }
.Lfunc_end2:
_tile_overlayer_lowered:
.L_overlay_start_2:
0x44: {  	(tag) =	ssettag $0x2  }
0x45: {  	s0 =	rddreg [dreg:$0x0];
	s2 =	stileid.u32  }
0x46: {  	s1 =	rddreg [dreg:$0x1];
	p0 =	sne.s32 s2, $0x0  }
0x47: {  	s3 =	rddreg [dreg:$0x2];
	[bflag:$0x3] =	sbarrier.arrive $0xFFFF;
	s2 =	simm.s32 @!p0 $0x1C02  }
0x48: {  	[timem:s3], [sflag:s2] =	dma.local @!p0 [hbm:s0], s1  }
0x49: {  	s0 =	simm.s32 @!p0 $0x2  }
0x4a: {  	_ =	swait.ge @!p0 [sflag:s0], s1  }
0x4b: {  	s1 =	ssub.s32 @!p0 $0x0, s1;
	[sflag:s0] =	ssyncset.done @!p0 $0x0  }
0x4c: {  	[sflag:s0] =	ssyncadd.s32 @!p0 s1  }
0x4d: {  	[bflag:$0x3] =	sbarrier.arrive $0xFFFF  }
0x4e: {  	_ =	shalt  }

// kernel: kernel.22.cloned.1.call-start
scs
__scs_entry_jumppad:
0x0: {  	(pc) =	sbr.rel $0x88, $3  }
0x1: {  	(tag) =	ssettag $0x0;
	lr =	simm.s32 $0x1  }
0x2: {  	[smem:$0x3F94] =	sst lr;
	_ =	strace $0xD0000000  }
0x3: {  	_ = 	snop  }
0x4: {  	_ = 	snop  }
0x5: {  	_ = 	snop  }
0x6: {  	_ = 	snop  }
0x7: {  	_ = 	snop  }
__scs_overlays_trampoline_lowered:
0x8: {  	[smem:$0x3FA3] =	sst s0  }
0x9: {  	[smem:$0x3FA4] =	sst s1  }
0xa: {  	[smem:$0x3FA5] =	sst s2  }
0xb: {  	[smem:$0x3FA6] =	sst s3  }
0xc: {  	[smem:$0x3FA7] =	sst s4  }
0xd: {  	[smem:$0x3FA8] =	sst s5  }
0xe: {  	[smem:$0x3FA9] =	sst s6  }
0xf: {  	[smem:$0x3FAA] =	sst s7  }
0x10: {  	[smem:$0x3FAB] =	sst s8  }
0x11: {  	[smem:$0x3FAC] =	sst s9;
	s0 =	simm.s32 @!p0 $0x0  }
0x12: {  	s1 =	sld [smem:$0x3F92];
	s0 =	simm.s32 @p0 $0x1  }
0x13: {  	[smem:$0x3FAD] =	sst s0;
	s0 =	simm.s32 @!p1 $0x0  }
0x14: {  	s2 =	sld [smem:$0x3F91];
	s0 =	simm.s32 @p1 $0x1  }
0x15: {  	[smem:$0x3FAE] =	sst s0;
	s0 =	simm.s32 @!p2 $0x0  }
0x16: {  	s3 =	sld [smem:$0x3FDB];
	s0 =	simm.s32 @p2 $0x1  }
0x17: {  	s4 =	simm.s32 $0x1BF5;
	[smem:$0x3FB0] =	sst s0  }
0x18: {  	s0 =	sld [smem:$0x3F93];
	_ =	swait.ge [sflag:s4], $0x0  }
0x19: {  	s7 =	sld [smem:$0x3F94]  }
0x1a: {  	s8 =	sadd.s32 $0xFFFFE003, lr  }
0x1b: {  	s9 =	sadd.s32 $0xFFFFFEF7, lr;
	s5 =	simm.s32 $0xFFFFFFFF;
	p2 =	slt.u32 s8, $0xFFFFF086  }
0x1c: {  	p1 =	slt.u32 s9, $0xF7A;
	s5 =	simm.s32 @!p2 $0x0  }
0x1d: {  	s5 =	simm.s32 @p1 $0x1;
	p0 =	seq.s32 s7, s2  }
0x1e: {  	s7 =	smul.u32 @!p0 $0xF7A, s2;
	p2 =	seq.s32 @!p0 s5, $0x0  }
0x1f: {  	s9 =	smul.u32 $0xF7A, s1;
	s8 =	simm.s32 @!p0 $0x1BF5;
	p2 =	por !p2, p0  }
0x20: {  	[sflag:s8] =	ssyncset.s32 @!p0 $0xFFFFF086;
	s6 =	sadd.s32 @!p0 s3, s7;
	s7 =	simm.s32 @!p0 $0x108  }
0x21: {  	s3 =	sadd.s32 s3, s9;
	s6 =	sadd.s32 @!p0 $0x88, s6;
	s7 =	simm.s32 @p2 $0x1082  }
0x22: {  	[simem:s7], [sflag:s8] =	dma.local @!p0 [hbm:s6], $0xF7A  }
0x23: {  	s9 =	sor.u32 $0xD0000000, s2;
	s6 =	simm.s32 $0x108;
	_ =	swait.ge @!p0 [sflag:s8], $0x0  }
0x24: {  	s3 =	sadd.s32 $0x88, s3;
	s6 =	simm.s32 @!p1 $0x1082;
	[sflag:s4] =	ssyncset.s32 $0xFFFFF086  }
0x25: {  	[simem:s6], [sflag:s4] =	dma.local [hbm:s3], $0xF7A  }
0x26: {  	[smem:$0x3F94] =	sst s1;
	(tag) =	ssettag s2;
	_ =	strace s9  }
0x27: {  	s1 =	sld [smem:$0x3FA4]  }
0x28: {  	s2 =	sld [smem:$0x3FA5]  }
0x29: {  	s4 =	sld [smem:$0x3FA7]  }
0x2a: {  	p0 =	seq.s32 s5, $0x0;
	s5 =	sld [smem:$0x3FA8]  }
0x2b: {  	s6 =	sld [smem:$0x3FA9]  }
0x2c: {  	s7 =	sld [smem:$0x3FAA]  }
0x2d: {  	s3 =	simm.s32 $0x108;
	s8 =	sld [smem:$0x3FAB]  }
0x2e: {  	s3 =	simm.s32 @!p0 $0x1082;
	s9 =	sld [smem:$0x3FAC]  }
0x2f: {  	lr =	sadd.s32 s0, s3;
	s0 =	sld [smem:$0x3FA3]  }
0x30: {  	s3 =	sld [smem:$0x3FA6]  }
0x31: {  	[smem:$0x3FAF] =	sst s10  }
0x32: {  	s10 =	sld [smem:$0x3FAD];
	_ =	sdelay $0x3  }
0x33: {  	p0 =	seq.s32 s10, $0x1;
	s10 =	sld [smem:$0x3FAF];
	_ =	sdelay $0x3  }
0x34: {  	[smem:$0x3FAF] =	sst s10  }
0x35: {  	s10 =	sld [smem:$0x3FAE];
	_ =	sdelay $0x3  }
0x36: {  	p1 =	seq.s32 s10, $0x1;
	s10 =	sld [smem:$0x3FAF];
	_ =	sdelay $0x3  }
0x37: {  	[smem:$0x3FAF] =	sst s10  }
0x38: {  	s10 =	sld [smem:$0x3FB0]  }
0x39: {  	_ = 	snop;
	(pc) =	sbr.ind lr, $3  }
0x3a: {  	_ = 	snop  }
0x3b: {  	_ = 	snop  }
0x3c: {  	p2 =	seq.s32 s10, $0x1;
	s10 =	sld [smem:$0x3FAF]  }
0x3d: {  	_ =	shalt  }
0x3e: {  	_ =	shalt  }
0x3f: {  	_ =	shalt  }
0x40: {  	_ =	shalt  }
0x41: {  	_ =	shalt  }
0x42: {  	_ =	shalt  }
0x43: {  	_ =	shalt  }
0x44: {  	_ =	shalt  }
0x45: {  	_ =	shalt  }
0x46: {  	_ =	shalt  }
0x47: {  	_ =	shalt  }
0x48: {  	_ =	shalt  }
0x49: {  	_ =	shalt  }
0x4a: {  	_ =	shalt  }
0x4b: {  	_ =	shalt  }
0x4c: {  	_ =	shalt  }
0x4d: {  	_ =	shalt  }
0x4e: {  	_ =	shalt  }
0x4f: {  	_ =	shalt  }
0x50: {  	_ =	shalt  }
0x51: {  	_ =	shalt  }
0x52: {  	_ =	shalt  }
0x53: {  	_ =	shalt  }
0x54: {  	_ =	shalt  }
0x55: {  	_ =	shalt  }
0x56: {  	_ =	shalt  }
0x57: {  	_ =	shalt  }
0x58: {  	_ =	shalt  }
0x59: {  	_ =	shalt  }
0x5a: {  	_ =	shalt  }
0x5b: {  	_ =	shalt  }
0x5c: {  	_ =	shalt  }
0x5d: {  	_ =	shalt  }
0x5e: {  	_ =	shalt  }
0x5f: {  	_ =	shalt  }
0x60: {  	_ =	shalt  }
0x61: {  	_ =	shalt  }
0x62: {  	_ =	shalt  }
0x63: {  	_ =	shalt  }
0x64: {  	_ =	shalt  }
0x65: {  	_ =	shalt  }
0x66: {  	_ =	shalt  }
0x67: {  	_ =	shalt  }
0x68: {  	_ =	shalt  }
0x69: {  	_ =	shalt  }
0x6a: {  	_ =	shalt  }
0x6b: {  	_ =	shalt  }
0x6c: {  	_ =	shalt  }
0x6d: {  	_ =	shalt  }
0x6e: {  	_ =	shalt  }
0x6f: {  	_ =	shalt  }
0x70: {  	_ =	shalt  }
0x71: {  	_ =	shalt  }
0x72: {  	_ =	shalt  }
0x73: {  	_ =	shalt  }
0x74: {  	_ =	shalt  }
0x75: {  	_ =	shalt  }
0x76: {  	_ =	shalt  }
0x77: {  	_ =	shalt  }
0x78: {  	_ =	shalt  }
0x79: {  	_ =	shalt  }
0x7a: {  	_ =	shalt  }
0x7b: {  	_ =	shalt  }
0x7c: {  	_ =	shalt  }
0x7d: {  	_ =	shalt  }
0x7e: {  	_ =	shalt  }
0x7f: {  	_ =	shalt  }
0x80: {  	_ =	shalt  }
0x81: {  	_ =	shalt  }
0x82: {  	_ =	shalt  }
0x83: {  	_ =	shalt  }
0x84: {  	_ =	shalt  }
0x85: {  	_ =	shalt  }
0x86: {  	_ =	shalt  }
0x87: {  	_ =	shalt  }
.Lfunc_end0:
.L_simem_size_0:
called_computation.3_lowered:
.L_overlay_start_0:
0x88: {  	s2 =	sld [smem:$0x3FD9]  }
0x89: {  	s3 =	sld [smem:$0x3FFE];
	_ =	sdelay $0x1  }
0x8a: {  	s1 =	srdreg.scid  }
0x8b: {  	s0 =	sand.u32 $0x1, s1  }
0x8c: {  	s16 =	sshll.u32 s0, $0xA;
	s2 =	sadd.s32 s3, s2  }
0x8d: {  	s2 =	sadd.s32 s2, s16  }
0x8e: {  	[smem:$0x3FBB] =	sst s2  }
0x8f: {  	_ = 	snop  }
0x90: {  	(tm) =	ssettm $0x1  }
0x91: {  	s17 =	sld [smem:$0x3FFB];
	_ =	sdelay $0x3  }
0x92: {  	_ =	strace s17  }
0x93: {  	s2 =	sld [smem:$0x3FFC];
	_ =	sdelay $0x3  }
0x94: {  	_ =	strace s2  }
0x95: {  	s2 =	sld [smem:$0x3FFD];
	_ =	sdelay $0x3  }
0x96: {  	_ =	strace s2  }
0x97: {  	_ =	strace $0x8FFFFFFF  }
0x98: {  	s18 =	sld [smem:$0x3FDB];
	_ =	sdelay $0x1  }
0x99: {  	s19 =	simm.s32 $_scs_section_size  }
0x9a: {  	s4 =	simm.s32 $_size__tile_overlayer_lowered;
	s5 =	simm.s32 $_tile_overlayer_lowered  }
0x9b: {  	s22 =	simm.s32 $0x1BFF;
	s21 =	sshll.u32 s5, $0x1;
	s2 =	sadd.s32 s19, s18  }
0x9c: {  	s6 =	simm.s32 $0x0;
	s20 =	sshll.u32 s4, $0x1;
	s4 =	sadd.s32 s21, s2  }
0x9d: {  	[timem:s6], [sflag:s22] =	dma.local [hbm:s4], s20  }
0x9e: {  	_ =	swait.ge [sflag:s22], s20  }
0x9f: {  	s3 =	ssub.s32 $0x0, s20;
	[sflag:s22] =	ssyncset.done $0x0  }
0xa0: {  	[sflag:s22] =	ssyncadd.s32 s3;
	_ =	sdelay $0x1  }
0xa1: {  	s23 =	simm.s32 $0x1B8B  }
0xa2: {  	_ =	swait.ge [sflag:s23], $0x1  }
0xa3: {  	[sflag:s23] =	ssyncset.done $0x0  }
0xa4: {  	s25 =	simm.s32 $0x1B8E;
	s24 =	sld [smem:$0x3FFE];
	[sflag:s23] =	ssyncadd.s32 $0xFFFFFFFF  }
0xa5: {  	s26 =	simm.s32 $execute0_lowered;
	[smem:$0x3FD2] =	sst s25  }
0xa6: {  	s4 =	sshll.u32 s26, $0x1;
	_ =	strace $0x8000004F;
	[dreg:$0x1] =	wrdreg $0xFFFFFFFF  }
0xa7: {  	s28 =	simm.s32 $_size_execute0_lowered;
	s2 =	sadd.s32 s2, s4;
	[dreg:$0x0] =	wrdreg $0x0  }
0xa8: {  	s4 =	sshll.u32 s28, $0x1;
	[dreg:$0x2] =	wrdreg s2  }
0xa9: {  	[dreg:$0x3] =	wrdreg s4  }
0xaa: {  	[dreg:$0x4] =	wrdreg $0xC0  }
0xab: {  	_ =	task [dreg:s6], $0x5FFFF  }
0xac: {  	[dreg:$0x1] =	wrdreg $0xFFFFFFFF  }
0xad: {  	[dreg:$0x0] =	wrdreg $0x60  }
0xae: {  	[dreg:$0x2] =	wrdreg s24  }
0xaf: {  	[dreg:$0x3] =	wrdreg $0x9  }
0xb0: {  	_ =	task.clear_ibuf [dreg:s6], $0x4FFFF;
	_ =	strace $0x9000004F  }
0xb1: {  	s29 =	simm.s32 $0x9;
	_ =	strace $0x80000051  }
0xb2: {  	_ =	swait.ge [sflag:s29], $0x1  }
0xb3: {  	[sflag:s29] =	ssyncadd.s32 $0xFFFFFFFF  }
0xb4: {  	_ =	strace $0x90000051  }
0xb5: {  	_ =	sfence  }
0xb6: {  	s30 =	sld [smem:$0x0];
	_ =	sdelay $0x2  }
0xb7: {  	s31 =	sshll.u32 s1, $0xD;
	s1 =	sshrl.u32 s1, $0x2  }
0xb8: {  	s3 =	sand.u32 $0x4000, s31;
	s1 =	sadd.s32 s1, s30  }
0xb9: {  	s0 =	sor.u32 s3, s0;
	s1 =	sshll.u32 s1, $0x11  }
0xba: {  	s0 =	sor.u32 s1, s0  }
0xbb: {  	s0 =	sadd.s32 $0x8F2B, s0  }
0xbc: {  	[sflag:s0] =	ssyncadd.remote.s32 $0x1  }
0xbd: {  	_ =	sfence.sel $0xFFFF  }
0xbe: {  	[dreg:$0x0] =	wrdreg $0xFFFFFFFF;
	(pc) =	sbr.abs _section_cstart, $3  }
0xbf: {  	[dreg:$0x1] =	wrdreg $0xFFFFFFFF  }
0xc0: {  	_ =	task.clear_ibuf [dreg:s6], $0x2FFFF;
	_ =	strace $0x9FFFFFFF  }
0xc1: {  	(tm) =	ssettm $0x7FFFFFFF  }
tec
execute0_lowered:
.L_overlay_start_1:
0x0: {  	(tag) =	ssettag $0x1  }
0x1: {  	s0 =	rddreg [dreg:$0x0]  }
0x2: {  	s1 =	simm.s32 $0x0;
	s26 =	srdreg.scid;
	s2 =	stileid.u32  }
0x3: {  	[smem:$0x7FF] =	sst s1;
	s25 =	sadd.s32 $0x245C00, s0;
	s3 =	sadd.s32 $0xE000, s0  }
0x4: {  	s1 =	sand.u32 $0x1, s26;
	s2 =	sshll.u32 s2, $0x1;
	s5 =	sadd.s32 $0x557800, s0  }
0x5: {  	v1 =	vimm.s32 $0xECA86420;
	v0 =	vlaneseq.u32;
	s29 =	sadd.s32 $0x305F800, s0;
	_ =	strace $0x80000050;
	[dreg:$0xc] =	wrdreg s25  }
0x6: {  	vm0 =	vcmask $0xB08;
	vm1 =	vcmask $0x1310;
	v1 =	vunpack.c.l.s4.s8 v1;
	[dreg:$0xd] =	wrdreg s3;
	s28 =	ssub.s32 $0x2, s1;
	s1 =	sor.u32 s1, s2  }
0x7: {  	vm2 =	vcmask $0x1B18;
	vm4 =	vcmask $0x300;
	vm5 =	vcmask $0x2320;
	s0 =	sadd.s32 $0x31E7800, s0;
	[dreg:$0xf] =	wrdreg s29;
	s4 =	smul.u32 $0x8B, s1  }
0x8: {  	vm6 =	vcmask $0x2B28;
	vm7 =	vcmask $0x3330;
	[dreg:$0x10] =	wrdreg s0;
	v1 =	vunpack.c.0.s8.s32 v1;
	s1 =	smul.u32 $0xC40, s1  }
0x9: {  	vm8 =	vcmask $0x3B38;
	vm3 =	vmmov $0xff;
	vm9 =	vcmask $0x704;
	[dreg:$0xe] =	wrdreg s5;
	s30 =	sshrl.u32 s28, $0x1  }
0xa: {  	vm11 =	vcmask $0xF0C;
	vm12 =	vcmask $0x1714;
	s31 =	ssub.s32 s28, s30;
	[tilespmem:$0x1FFE0] =	vst v1;
	[dreg:$0x11] =	wrdreg s1;
	v1 =	vimm.s32 $0x0  }
0xb: {  	vm13 =	vcmask $0x1F1C;
	vm14 =	vcmask $0x2724;
	[dreg:$0x2] =	wrdreg s4;
	s0 =	smax.u32 s31, $0x1;
	v1 =	vsel vm3, $0xFFFFFFFF, v1  }
0xc: {  	s13 =	simm.s32 $0x1;
	vm10 =	vcmask $0x2F2C;
	v2 =	vmul.u32 $0x2, v0;
	s1 =	simm.s32 $0x0;
	[dreg:$0x12] =	wrdreg s0;
	vm3 =	vcmask $0x3734;
	[tilespmem:$0x1FFF0] =	vst v1  }
.LBB2_1:
0xd: {  	[dreg:$0x13] =	wrdreg s1;
	s0 =	simm.s32 $0x0  }
0xe: {  	s1 =	simm.s32 $0x0;
	[dreg:$0x14] =	wrdreg s0  }
.LBB2_2:
0xf: {  	s0 =	smul.u32 $0x1C0, s1  }
0x10: {  	s28 =	rddreg [dreg:$0x11]  }
0x11: {  	[dreg:$0x15] =	wrdreg s1;
	s0 =	sadd.s32 s28, s0  }
0x12: {  	s2 =	rddreg [dreg:$0xc];
	s1 =	sshrl.u32 s0, $0x3  }
0x13: {  	s3 =	simm.s32 $0x2;
	s29 =	simm.s32 $0x0;
	s1 =	sadd.s32 s2, s1  }
0x14: {  	[tilespmem:s29], [sflag:$0x2] =	stream.linear.gather [hbm4b:s1+s29], $0x1C0, $0x38;
	[tilespmem:$0x1E200] =	vst v63  }
0x15: {  	s4 =	simm.s32 $0x2200;
	_ =	swait.ge [sflag:s3], $0x1C0  }
0x16: {  	s30 =	sshll.u32 s0, $0x4;
	[sflag:s3] =	ssyncset.done $0x0;
	s31 =	rddreg [dreg:$0xf]  }
0x17: {  	[dreg:$0x16] =	wrdreg s30;
	[sflag:s3] =	ssyncadd.s32 $0xFFFFFE40;
	s0 =	sadd.s32 s31, s30  }
0x18: {  	[tilespmem:s4], [sflag:$0x2] =	stream.linear.gather [hbm4b:s0+s29], $0xE000, $0x38;
	[tilespmem:$0x1E200] =	vst v63  }
0x19: {  	_ =	swait.ge [sflag:s3], $0xE000  }
0x1a: {  	[sflag:s3] =	ssyncset.done $0x0  }
0x1b: {  	s1 =	simm.s32 $0x0;
	[sflag:s3] =	ssyncadd.s32 $0xFFFF2000  }
.LBB2_3:
0x1c: {  	s0 =	simm.s32 $0x0  }
0x1d: {  	s0 =	sand.u32 $0xFC, s0  }
0x1e: {  	s0 =	sshrl.u32 s0, $0x2  }
0x1f: {  	s0 =	smul.u32 $0x25, s0  }
0x20: {  	s23 =	smul.u32 $0x9, s1  }
0x21: {  	s22 =	simm.s32 $0x1;
	s0 =	sshrl.u32 s0, $0x8  }
0x22: {  	[dreg:$0x17] =	wrdreg s1;
	s1 =	sand.u32 $0xFC, s22;
	s2 =	sadd.s32 s0, s23  }
0x23: {  	s1 =	sshrl.u32 s1, $0x2;
	s3 =	smulhi.u32 $0xAAAAAAAB, s2  }
0x24: {  	s1 =	smul.u32 $0x25, s1  }
0x25: {  	s0 =	smul.u32 $0x1C, s0;
	s3 =	sshrl.u32 s3, $0x1  }
0x26: {  	s4 =	smulhi.u32 $0x55555556, s3  }
0x27: {  	s6 =	ssub.s32 $0x0, s0;
	s5 =	smul.u32 $0x3, s3  }
0x28: {  	s1 =	sshrl.u32 s1, $0x8;
	s6 =	sand.u32 $0xFF, s6;
	s4 =	smul.u32 $0x3, s4  }
0x29: {  	s7 =	smulhi.u32 $0x38E38E39, s2;
	s24 =	sshll.u32 s6, $0x4;
	s2 =	ssub.s32 s2, s5  }
0x2a: {  	s0 =	simm.s32 $0x2;
	v3 =	vld [tilespmem:s24+$0x0];
	s25 =	smul.u32 $0x1104, s2;
	s3 =	ssub.s32 s3, s4  }
0x2b: {  	s26 =	sshrl.u32 s7, $0x1;
	s2 =	sadd.s32 s1, s23;
	s3 =	smul.u32 $0x42, s3  }
0x2c: {  	s28 =	sand.u32 $0xFC, s0;
	s30 =	smulhi.u32 $0xAAAAAAAB, s2;
	s4 =	sadd.s32 s25, s26  }
0x2d: {  	s31 =	smul.u32 $0x1C, s1;
	s29 =	sshrl.u32 s28, $0x2;
	s4 =	sadd.s32 s3, s4  }
0x2e: {  	s5 =	sshrl.u32 s30, $0x1;
	s3 =	smul.u32 $0x25, s29;
	s4 =	sadd.s32 $0xFFFFEEB9, s4  }
0x2f: {  	s1 =	simm.s32 $0x200;
	s6 =	smulhi.u32 $0x55555556, s5;
	v3 =	vadd.s32 s4, v3  }
0x30: {  	s8 =	ssub.s32 $0x1, s31;
	s7 =	smul.u32 $0x3, s5;
	s4 =	simm.s32 $0x3;
	[tilespmem:s1+$0x0] =	vst v3  }
.LBB2_4:
0x31: {  	s6 =	smul.u32 $0x3, s6  }
0x32: {  	p0 =	sne.s32 s4, $0xFB;
	s8 =	sand.u32 $0xFF, s8;
	s7 =	ssub.s32 s2, s7  }
0x33: {  	s2 =	smulhi.u32 $0x38E38E39, s2;
	s8 =	sshll.u32 s8, $0x4;
	s5 =	ssub.s32 s5, s6  }
0x34: {  	s6 =	smul.u32 $0x1104, s7;
	v3 =	vld [tilespmem:s8+$0x0];
	s7 =	smov.u32 s0;
	s8 =	sshrl.u32 s3, $0x8  }
0x35: {  	s0 =	sshrl.u32 s2, $0x1;
	s3 =	smul.u32 $0x42, s5;
	s2 =	sadd.s32 s8, s23  }
0x36: {  	s5 =	sand.u32 $0xFC, s4;
	s0 =	sadd.s32 s6, s0;
	s6 =	smulhi.u32 $0xAAAAAAAB, s2  }
.Ltmp0:
0x37: {  	s5 =	sshrl.u32 s5, $0x2;
	s0 =	sadd.s32 s3, s0;
	(pc) =	sbr.rel @p0 .LBB2_4-.Ltmp0, $4  }
0x38: {  	s3 =	smul.u32 $0x25, s5;
	s9 =	sadd.s32 $0xFFFFEEB9, s0;
	s0 =	smov.u32 s4  }
0x39: {  	s1 =	sadd.s32 $0x10, s1;
	s8 =	smul.u32 $0x1C, s8;
	s5 =	sshrl.u32 s6, $0x1;
	v3 =	vadd.s32 s9, v3  }
0x3a: {  	s6 =	smulhi.u32 $0x55555556, s5;
	[tilespmem:s1+$0x0] =	vst v3  }
0x3b: {  	s8 =	ssub.s32 s7, s8;
	s4 =	sadd.s32 $0x1, s4;
	s7 =	smul.u32 $0x3, s5  }
0x3c: {  	s4 =	sand.u32 $0xFF, s8;
	s6 =	smul.u32 $0x3, s6  }
0x3d: {  	s22 =	smulhi.u32 $0x38E38E39, s2;
	s3 =	sshrl.u32 s3, $0x8;
	s7 =	ssub.s32 s2, s7  }
0x3e: {  	s4 =	sshll.u32 s4, $0x4;
	s24 =	sadd.s32 s3, s23;
	s7 =	smul.u32 $0x1104, s7  }
0x3f: {  	s5 =	ssub.s32 s5, s6;
	v3 =	vld [tilespmem:s4+$0x0];
	s25 =	smulhi.u32 $0xAAAAAAAB, s24  }
0x40: {  	s2 =	sshrl.u32 s22, $0x1;
	s5 =	smul.u32 $0x42, s5  }
0x41: {  	s3 =	smul.u32 $0x1C, s3;
	s2 =	sadd.s32 s7, s2;
	s4 =	sshrl.u32 s25, $0x1  }
0x42: {  	s2 =	sadd.s32 s5, s2;
	s26 =	smulhi.u32 $0x55555556, s4  }
0x43: {  	s0 =	ssub.s32 s0, s3;
	s28 =	smul.u32 $0x3, s4;
	s2 =	sadd.s32 $0xFFFFEEB9, s2  }
0x44: {  	s1 =	sadd.s32 $0x10, s1;
	s0 =	sand.u32 $0xFF, s0;
	v3 =	vadd.s32 s2, v3;
	s29 =	smul.u32 $0x3, s26  }
0x45: {  	s30 =	smulhi.u32 $0x38E38E39, s24;
	s0 =	sshll.u32 s0, $0x4;
	s3 =	ssub.s32 s24, s28;
	[tilespmem:s1+$0x0] =	vst v3  }
0x46: {  	s3 =	smul.u32 $0x1104, s3;
	s2 =	ssub.s32 s4, s29;
	v3 =	vld [tilespmem:s0+$0x0]  }
0x47: {  	s4 =	sshrl.u32 s30, $0x1;
	s2 =	smul.u32 $0x42, s2  }
0x48: {  	s0 =	sadd.s32 s3, s4  }
0x49: {  	s5 =	simm.s32 $0x0;
	s0 =	sadd.s32 s2, s0  }
0x4a: {  	s8 =	simm.s32 $0x200;
	s2 =	sand.u32 $0xFC, s5;
	s0 =	sadd.s32 $0xFFFFEEB9, s0  }
0x4b: {  	s31 =	simm.s32 $0x1200;
	s6 =	sadd.s32 $0x10, s1;
	s7 =	sshrl.u32 s2, $0x2;
	v3 =	vadd.s32 s0, v3  }
0x4c: {  	s10 =	rddreg [dreg:$0xd];
	s11 =	simm.s32 $0xFC0;
	s9 =	smul.u32 $0x25, s7;
	[tilespmem:s6+$0x0] =	vst v3  }
0x4d: {  	[tilespmem:s31], [sflag:$0x1] =	stream.indirect.gather [hbm4b:s10+s11], $0x1, s8, s11, $0xb8;
	[tilespmem:$0x1E200] =	vst v63  }
0x4e: {  	s12 =	simm.s32 $0x200;
	s0 =	sshrl.u32 s9, $0x8  }
0x4f: {  	[dreg:$0x4] =	wrdreg s12;
	s24 =	sadd.s32 s0, s23  }
0x50: {  	_ =	swait.ge [sflag:s13], $0xFC0;
	s15 =	smul.u32 $0x3D1, s24  }
0x51: {  	s14 =	rddreg [dreg:$0x2]  }
0x52: {  	s1 =	sadd.s32 s14, s15  }
0x53: {  	s22 =	rddreg [dreg:$0x14];
	v3 =	vmov s1  }
0x54: {  	v3 =	vadd.s32 s22, v3  }
0x55: {  	v3 =	vbroadcast v3, $0x0;
	_ =	sdelay $0x1  }
0x56: {  	v3 =	vadd.s32 v0, v3  }
0x57: {  	(v2sf) =	vpush v3, $0xE  }
0x58: {  	(v2sf) =	vpush v3, $0x0  }
0x59: {  	(v2sf) =	vpush v3, $0x7  }
0x5a: {  	(v2sf) =	vpush v3, $0x1  }
0x5b: {  	(v2sf) =	vpush v3, $0x2  }
0x5c: {  	(v2sf) =	vpush v3, $0x3  }
0x5d: {  	(v2sf) =	vpush v3, $0xF  }
0x5e: {  	(v2sf) =	vpush v3, $0x4  }
0x5f: {  	s16 =	simm.s32 $0x1;
	(v2sf) =	vpush v3, $0x6  }
0x60: {  	s1 =	sand.u32 $0xFC, s16;
	(v2sf) =	vpush v3, $0xC  }
0x61: {  	s1 =	sshrl.u32 s1, $0x2  }
0x62: {  	s1 =	smul.u32 $0x25, s1;
	_ =	sdelay $0x1  }
0x63: {  	s1 =	sshrl.u32 s1, $0x8  }
0x64: {  	[dreg:$0x9] =	wrdreg s23;
	s29 =	sadd.s32 s1, s23  }
0x65: {  	s0 =	smul.u32 $0x3D1, s29;
	s17 =	spop (v2sf)  }
0x66: {  	(v2sf) =	vpush v3, $0x8;
	s18 =	spop (v2sf);
	s4 =	smulhi.u32 $0x75DED953, s17;
	s2 =	sshra.s32 s17, $0x1F  }
0x67: {  	(v2sf) =	vpush v3, $0x9;
	s19 =	spop (v2sf);
	s2 =	smul.u32 $0x75DED953, s2  }
0x68: {  	(v2sf) =	vpush v3, $0xB;
	s15 =	smulhi.u32 $0x75DED953, s18;
	s20 =	spop (v2sf)  }
0x69: {  	s21 =	sshra.s32 s18, $0x1F;
	s8 =	smulhi.u32 $0x75DED953, s19;
	s10 =	spop (v2sf)  }
0x6a: {  	s5 =	sshra.s32 s19, $0x1F;
	s7 =	smul.u32 $0x75DED953, s21;
	s11 =	spop (v2sf);
	(v2sf) =	vpush v3, $0xD  }
0x6b: {  	s5 =	smul.u32 $0x75DED953, s5;
	s9 =	spop (v2sf)  }
0x6c: {  	s12 =	smulhi.u32 $0x75DED953, s20;
	s14 =	spop (v2sf)  }
0x6d: {  	s25 =	sshra.s32 s20, $0x1F;
	s6 =	smulhi.u32 $0x75DED953, s10;
	s18 =	spop (v2sf);
	(v2sf) =	vpush v3, $0x5  }
0x6e: {  	s10 =	sshra.s32 s10, $0x1F;
	s16 =	smul.u32 $0x75DED953, s25;
	s19 =	spop (v2sf);
	(v2sf) =	vpush v3, $0xA  }
0x6f: {  	s30 =	rddreg [dreg:$0x2];
	[sflag:s13] =	ssyncset.done $0x0;
	s10 =	smul.u32 $0x75DED953, s10  }
0x70: {  	[sflag:s13] =	ssyncadd.s32 $0xFFFFF040;
	s26 =	sshra.s32 s11, $0x1F;
	s11 =	smulhi.u32 $0x75DED953, s11  }
0x71: {  	s13 =	simm.s32 $0x210;
	[dreg:$0x3] =	wrdreg s29;
	s25 =	smul.u32 $0x75DED953, s26  }
0x72: {  	s0 =	sadd.s32 s30, s0;
	s30 =	sadd.s32 s2, s4;
	s4 =	smulhi.u32 $0x75DED953, s14  }
0x73: {  	s3 =	sadd.s32 s5, s8;
	s8 =	sshra.s32 s14, $0x1F;
	s29 =	smulhi.u32 $0x75DED953, s18  }
0x74: {  	[dreg:$0x5] =	wrdreg s13;
	s5 =	sadd.s32 s16, s12;
	s12 =	smul.u32 $0x75DED953, s8  }
0x75: {  	s20 =	spop (v2sf);
	s14 =	smulhi.u32 $0x75DED953, s19;
	s19 =	sshra.s32 s19, $0x1F  }
0x76: {  	s21 =	spop (v2sf);
	s19 =	smul.u32 $0x75DED953, s19  }
0x77: {  	s15 =	sadd.s32 s7, s15;
	s17 =	spop (v2sf);
	s8 =	smulhi.u32 $0x75DED953, s21  }
0x78: {  	s18 =	sshra.s32 s18, $0x1F;
	s26 =	smulhi.u32 $0x75DED953, s17;
	s28 =	sshra.s32 s17, $0x1F  }
0x79: {  	s17 =	sadd.s32 s10, s6;
	s28 =	smul.u32 $0x75DED953, s28;
	s16 =	spop (v2sf)  }
0x7a: {  	s10 =	sadd.s32 s25, s11;
	s25 =	sshra.s32 s16, $0x1F;
	s11 =	smulhi.u32 $0x75DED953, s16  }
0x7b: {  	s1 =	sshra.s32 s21, $0x1F;
	s13 =	sshra.s32 s17, $0xB;
	s6 =	smul.u32 $0x75DED953, s25  }
0x7c: {  	s2 =	sadd.s32 s28, s26;
	s25 =	smul.u32 $0x75DED953, s1;
	s21 =	spop (v2sf)  }
0x7d: {  	s28 =	smulhi.u32 $0x75DED953, s20;
	s20 =	sshra.s32 s20, $0x1F;
	s26 =	spop (v2sf)  }
0x7e: {  	s6 =	sadd.s32 s6, s11;
	s11 =	sadd.s32 s25, s8;
	s25 =	smul.u32 $0x75DED953, s20  }
0x7f: {  	s16 =	sadd.s32 s12, s4;
	s12 =	sshra.s32 s3, $0x1F;
	s1 =	smulhi.u32 $0x75DED953, s26  }
0x80: {  	v5 =	vmov s12;
	s12 =	sadd.s32 s19, s14;
	s7 =	sshra.s32 s26, $0x1F;
	s26 =	smul.u32 $0x75DED953, s18  }
0x81: {  	s19 =	sshra.s32 s15, $0xB;
	s20 =	simm.s32 $0x2;
	s7 =	smul.u32 $0x75DED953, s7  }
0x82: {  	v5 =	vsel vm4, s19, v5;
	s19 =	sshra.s32 s6, $0xB;
	s6 =	sshrl.u32 s6, $0x1F;
	s8 =	sadd.s32 s25, s28  }
0x83: {  	v4 =	vmov s0;
	s25 =	sshra.s32 s15, $0x1F;
	s18 =	sadd.s32 s7, s1;
	s7 =	sadd.s32 $0x10, s22  }
0x84: {  	s28 =	sshra.s32 s5, $0xB;
	s15 =	sshrl.u32 s15, $0x1F;
	s4 =	sadd.s32 s26, s29;
	v4 =	vadd.s32 s7, v4  }
0x85: {  	s26 =	smulhi.u32 $0x75DED953, s9;
	s9 =	sshra.s32 s9, $0x1F;
	s29 =	sshra.s32 s5, $0x1F;
	v4 =	vbroadcast v4, $0x0  }
0x86: {  	v5 =	vsel vm9, s25, v5;
	s5 =	sshrl.u32 s5, $0x1F;
	s25 =	sshrl.u32 s17, $0x1F;
	s1 =	smulhi.u32 $0x75DED953, s21  }
0x87: {  	s21 =	sshra.s32 s21, $0x1F;
	s22 =	simm.s32 $0x1210;
	s9 =	smul.u32 $0x75DED953, s9;
	v4 =	vadd.s32 v0, v4  }
0x88: {  	v6 =	vmov s15;
	v5 =	vsel vm0, s28, v5;
	s28 =	sshra.s32 s10, $0x1F;
	s21 =	smul.u32 $0x75DED953, s21;
	[dreg:$0x6] =	wrdreg s22;
	(v2sf) =	vpush v4, $0xE  }
0x89: {  	v6 =	vnsel vm4, $0x0, v6;
	v5 =	vsel vm11, s29, v5;
	s22 =	sshra.s32 s10, $0xB;
	s29 =	sshrl.u32 s16, $0x1F;
	s15 =	sadd.s32 s9, s26;
	(v2sf) =	vpush v4, $0x0  }
0x8a: {  	v6 =	vsel vm0, s5, v6;
	v5 =	vsel vm1, s13, v5;
	s26 =	sshrl.u32 s10, $0x1F;
	s14 =	sadd.s32 s21, s1;
	s1 =	sshra.s32 s17, $0x1F;
	(v2sf) =	vpush v4, $0x7  }
0x8b: {  	s10 =	simm.s32 $0x3;
	v6 =	vsel vm1, s25, v6;
	s13 =	sshra.s32 s16, $0x1F;
	s9 =	sadd.s32 $0x10, s7;
	v5 =	vsel vm12, s1, v5  }
0x8c: {  	s21 =	sshra.s32 s11, $0xB;
	v6 =	vsel vm2, s26, v6;
	s17 =	sshrl.u32 s30, $0x1F;
	s26 =	sshrl.u32 s12, $0x1F;
	v5 =	vsel vm2, s22, v5  }
0x8d: {  	s1 =	sshra.s32 s16, $0xB;
	v6 =	vsel vm5, s29, v6;
	v7 =	vmov s26;
	s29 =	sshrl.u32 s11, $0x1F;
	s11 =	sshrl.u32 s14, $0x1F;
	v5 =	vsel vm13, s28, v5  }
0x8e: {  	s7 =	sshrl.u32 s15, $0x1F;
	s16 =	sshra.s32 s14, $0xB;
	s26 =	sshrl.u32 s4, $0x1F;
	v6 =	vsel vm6, s11, v6;
	v7 =	vsel vm0, s6, v7;
	v5 =	vsel vm5, s1, v5  }
0x8f: {  	s22 =	sand.u32 $0xFC, s20;
	s20 =	sshra.s32 s4, $0xB;
	s4 =	sshra.s32 s4, $0x1F;
	v6 =	vsel vm7, s26, v6;
	v5 =	vsel vm14, s13, v5;
	(v2sf) =	vpush v4, $0x1  }
0x90: {  	s25 =	sshrl.u32 s22, $0x2;
	s28 =	sshrl.u32 s8, $0x1F;
	v11 =	vsel vm1, s17, v7;
	s1 =	sshra.s32 s14, $0x1F;
	v5 =	vsel vm6, s16, v5;
	(v2sf) =	vpush v4, $0x2  }
0x91: {  	s26 =	simm.s32 $0x1220;
	v8 =	vmov s28;
	s22 =	smul.u32 $0x25, s25;
	s28 =	sshra.s32 s8, $0xB;
	(v2sf) =	vpush v4, $0x3;
	v5 =	vsel vm10, s1, v5  }
0x92: {  	s25 =	sshrl.u32 s18, $0x1F;
	s14 =	sshra.s32 s12, $0xB;
	[dreg:$0x8] =	wrdreg s26;
	v9 =	vmov s28;
	(v2sf) =	vpush v4, $0xF;
	v5 =	vsel vm7, s20, v5  }
0x93: {  	s13 =	sshrl.u32 s2, $0x1F;
	v9 =	vsel vm0, s21, v9;
	s21 =	sshra.s32 s30, $0xB;
	s30 =	sshra.s32 s3, $0xB;
	(v2sf) =	vpush v4, $0x4;
	v5 =	vsel vm3, s4, v5  }
0x94: {  	v8 =	vsel vm0, s29, v8;
	s29 =	sshrl.u32 s3, $0x1F;
	s16 =	sshra.s32 s2, $0xB;
	s0 =	sshrl.u32 s22, $0x8;
	(v2sf) =	vpush v4, $0x6;
	v7 =	vsel vm8, s30, v5;
	v5 =	vld [tilespmem:$0x1FFF0]  }
0x95: {  	vm15 =	vmmov vm14;
	v10 =	vmov s14;
	s2 =	smul.u32 $0x19800, s24;
	s22 =	sshra.s32 s18, $0xB;
	s0 =	sadd.s32 s0, s23;
	(v2sf) =	vpush v4, $0xC  }
0x96: {  	v8 =	vsel vm1, s25, v8;
	v10 =	vsel vm0, s19, v10;
	s25 =	rddreg [dreg:$0x2];
	s20 =	simm.s32 $0x220;
	s28 =	smul.u32 $0x3D1, s0;
	(v2sf) =	vpush v4, $0x8  }
0x97: {  	s24 =	sshra.s32 s15, $0xB;
	v6 =	vsel vm8, s29, v6;
	v10 =	vsel vm1, s21, v10;
	[dreg:$0x7] =	wrdreg s20;
	(v2sf) =	vpush v4, $0x9;
	s29 =	spop (v2sf)  }
0x98: {  	v9 =	vsel vm1, s22, v9;
	v8 =	vsel vm2, s13, v8;
	s8 =	sadd.s32 s25, s28;
	(v2sf) =	vpush v4, $0xB;
	s4 =	smulhi.u32 $0x75DED953, s29;
	s11 =	spop (v2sf)  }
0x99: {  	v1 =	vld [tilespmem:$0x1FFE0];
	v10 =	vsel vm2, s24, v10;
	vm14 =	vnez.u8 v5;
	s3 =	sshra.s32 s29, $0x1F;
	(v2sf) =	vpush v4, $0xD;
	s5 =	sshra.s32 s11, $0x1F;
	s6 =	spop (v2sf)  }
.LBB2_6:
0x9a: {  	s12 =	smul.u32 $0x75DED953, s3;
	v9 =	vsel vm2, s16, v9;
	s16 =	smov.u32 s10;
	s1 =	sadd.s32 $0x1, s10  }
0x9b: {  	s22 =	rddreg [dreg:$0x3];
	s24 =	smov.u32 s0;
	s17 =	smulhi.u32 $0x75DED953, s6  }
0x9c: {  	s25 =	sshra.s32 s6, $0x1F;
	s26 =	smul.u32 $0x75DED953, s5;
	[dreg:$0xa] =	wrdreg s1  }
0x9d: {  	s11 =	smulhi.u32 $0x75DED953, s11;
	p0 =	sne.s32 s10, $0xFB;
	[dreg:$0x3] =	wrdreg s24  }
0x9e: {  	s23 =	smov.u32 s22;
	s6 =	smul.u32 $0x75DED953, s25;
	s14 =	spop (v2sf)  }
0x9f: {  	v5 =	vsel vm2, s7, v11;
	s15 =	sshra.s32 s14, $0x1F;
	s28 =	spop (v2sf);
	s14 =	smulhi.u32 $0x75DED953, s14  }
0xa0: {  	v9 =	vcombine.low v9, v10;
	v5 =	vcombine.low v8, v5;
	[dreg:$0xb] =	wrdreg s23;
	s3 =	sadd.s32 s12, s4;
	s13 =	smulhi.u32 $0x75DED953, s28  }
0xa1: {  	v6 =	vperm.xlane v6, v2;
	v7 =	vperm.xlane v7, v2;
	s22 =	sadd.s32 s26, s11;
	s18 =	sshra.s32 s28, $0x1F;
	s15 =	smul.u32 $0x75DED953, s15  }
0xa2: {  	v8 =	vperm.xlane v9, v1;
	v5 =	vperm.xlane v5, v1;
	s6 =	sadd.s32 s6, s17;
	s12 =	spop (v2sf);
	s18 =	smul.u32 $0x75DED953, s18  }
0xa3: {  	s19 =	sshra.s32 s12, $0x1F;
	s20 =	spop (v2sf);
	s12 =	smulhi.u32 $0x75DED953, s12  }
0xa4: {  	v10 =	vld [tilespmem:s31+$0x0];
	s0 =	sshrl.u32 s22, $0x1F;
	s23 =	sshra.s32 s22, $0x1F;
	v5 =	vsel vm14, v6, v5;
	v6 =	vsel vm14, v7, v8;
	s7 =	smulhi.u32 $0x75DED953, s20  }
0xa5: {  	s1 =	sshra.s32 s22, $0xB;
	v5 =	vadd.s32 v5, v6;
	s21 =	spop (v2sf);
	s19 =	smul.u32 $0x75DED953, s19  }
0xa6: {  	v5 =	vmul.u32 $0x1160, v5;
	s31 =	spop (v2sf);
	s30 =	sshra.s32 s21, $0x1F;
	s21 =	smulhi.u32 $0x75DED953, s21  }
0xa7: {  	s17 =	sshra.s32 s6, $0x1F;
	s29 =	spop (v2sf);
	s4 =	smulhi.u32 $0x75DED953, s31  }
0xa8: {  	vm10 =	vmmov vm9;
	v6 =	vmov s17;
	s14 =	sadd.s32 s15, s14;
	v5 =	vsub.s32 v3, v5;
	s30 =	smul.u32 $0x75DED953, s30;
	s17 =	spop (v2sf)  }
0xa9: {  	(v2sf) =	vpush v4, $0x5;
	vm9 =	vlt.s32 v10, $0x186A0;
	v5 =	vadd.s32 $0x186A0, v5;
	s5 =	smulhi.u32 $0x75DED953, s29;
	s10 =	sshra.s32 s29, $0x1F;
	s29 =	rddreg [dreg:$0x4]  }
0xaa: {  	v5 =	vsel vm9, v10, v5;
	s24 =	spop (v2sf);
	s11 =	sshra.s32 s17, $0x1F;
	s17 =	smulhi.u32 $0x75DED953, s17  }
0xab: {  	v5 =	vadd.s32 s2, v5;
	s2 =	sshra.s32 s20, $0x1F;
	s22 =	sshra.s32 s24, $0x1F;
	s24 =	smulhi.u32 $0x75DED953, s24  }
0xac: {  	v6 =	vsel vm4, s1, v6;
	s15 =	sshra.s32 s14, $0xB;
	s25 =	spop (v2sf);
	s2 =	smul.u32 $0x75DED953, s2  }
0xad: {  	v7 =	vmov s0;
	s13 =	sadd.s32 s18, s13;
	s0 =	sshra.s32 s31, $0x1F;
	[tilespmem:s29+$0x0] =	vst v5;
	v5 =	vsel vm10, s23, v6;
	s23 =	smulhi.u32 $0x75DED953, s25  }
0xae: {  	(v2sf) =	vpush v4, $0xA;
	s19 =	sadd.s32 s19, s12;
	s20 =	sshra.s32 s14, $0x1F;
	v5 =	vsel vm0, s15, v5;
	s15 =	smul.u32 $0x75DED953, s0  }
0xaf: {  	s14 =	sshrl.u32 s14, $0x1F;
	s28 =	sshra.s32 s25, $0x1F;
	s22 =	smul.u32 $0x75DED953, s22  }
0xb0: {  	s26 =	spop (v2sf);
	s25 =	sshra.s32 s13, $0x1F;
	s28 =	smul.u32 $0x75DED953, s28  }
0xb1: {  	v6 =	vmov s8;
	s0 =	sshra.s32 s19, $0xB;
	s1 =	sshra.s32 s26, $0x1F;
	v5 =	vsel vm11, s20, v5;
	s20 =	smulhi.u32 $0x75DED953, s26  }
0xb2: {  	v3 =	vmov v4;
	v4 =	vnsel vm4, $0x0, v7;
	v6 =	vadd.s32 s9, v6;
	s9 =	sadd.s32 $0x10, s9;
	s1 =	smul.u32 $0x75DED953, s1;
	s4 =	sadd.s32 s15, s4  }
0xb3: {  	v4 =	vsel vm0, s14, v4;
	s12 =	sadd.s32 s28, s23;
	s23 =	sshra.s32 s13, $0xB;
	s13 =	sshrl.u32 s13, $0x1F  }
0xb4: {  	s28 =	sshrl.u32 s19, $0x1F;
	s19 =	sshra.s32 s19, $0x1F;
	v4 =	vsel vm1, s13, v4;
	s13 =	sadd.s32 s30, s21  }
0xb5: {  	v5 =	vsel vm1, s23, v5;
	s23 =	rddreg [dreg:$0x7];
	s1 =	sadd.s32 s1, s20;
	s20 =	smul.u32 $0x75DED953, s11  }
0xb6: {  	v5 =	vsel vm12, s25, v5;
	s30 =	sshrl.u32 s13, $0x1F;
	s21 =	sshra.s32 s13, $0xB;
	s25 =	rddreg [dreg:$0x5]  }
0xb7: {  	v4 =	vsel vm2, s28, v4;
	s28 =	smov.u32 s23;
	s13 =	sshra.s32 s13, $0x1F;
	s23 =	sadd.s32 $0x10, s23  }
0xb8: {  	s18 =	spop (v2sf);
	s26 =	smov.u32 s25;
	[dreg:$0x5] =	wrdreg s28  }
0xb9: {  	v5 =	vsel vm2, s0, v5;
	s0 =	sadd.s32 s22, s24;
	s24 =	rddreg [dreg:$0x8];
	s25 =	smul.u32 $0x75DED953, s10  }
0xba: {  	v7 =	vsel vm5, s30, v4;
	s10 =	sshra.s32 s1, $0xB;
	s28 =	sand.u32 $0xFC, s16;
	[dreg:$0x7] =	wrdreg s23;
	v4 =	vsel vm13, s19, v5;
	v5 =	vbroadcast v6, $0x0  }
0xbb: {  	s1 =	sshrl.u32 s1, $0x1F;
	s14 =	sshra.s32 s18, $0x1F;
	[dreg:$0x4] =	wrdreg s26  }
0xbc: {  	s19 =	rddreg [dreg:$0x6];
	s18 =	smulhi.u32 $0x75DED953, s18;
	s11 =	sshra.s32 s0, $0xB;
	v6 =	vsel vm5, s21, v4;
	v4 =	vadd.s32 v0, v5  }
0xbd: {  	s15 =	sshrl.u32 s28, $0x2;
	s0 =	sshrl.u32 s0, $0x1F;
	s31 =	spop (v2sf);
	(v2sf) =	vpush v4, $0xE  }
0xbe: {  	s26 =	smul.u32 $0x75DED953, s14;
	s14 =	sadd.s32 s25, s5;
	s29 =	sshra.s32 s31, $0x1F;
	(v2sf) =	vpush v4, $0x0  }
0xbf: {  	s30 =	smulhi.u32 $0x75DED953, s31;
	s31 =	smov.u32 s19;
	s19 =	sadd.s32 s20, s17;
	(v2sf) =	vpush v4, $0x7  }
0xc0: {  	vm3 =	vcmask $0x2F2C;
	s22 =	smul.u32 $0x75DED953, s29;
	s29 =	sshrl.u32 s14, $0x1F;
	s14 =	sshra.s32 s14, $0xB  }
0xc1: {  	s21 =	smov.u32 s24;
	v5 =	vsel vm15, s13, v6;
	s18 =	sadd.s32 s26, s18;
	v6 =	vmov s29;
	s29 =	sshra.s32 s19, $0xB;
	v10 =	vmov s14  }
0xc2: {  	s17 =	sadd.s32 s22, s30;
	s30 =	sshrl.u32 s19, $0x1F;
	s22 =	sshra.s32 s18, $0xB;
	v9 =	vmov s29;
	v10 =	vsel vm0, s10, v10;
	v11 =	vsel vm0, s1, v6  }
0xc3: {  	s28 =	sshrl.u32 s6, $0x1F;
	[dreg:$0x6] =	wrdreg s21;
	s21 =	sshra.s32 s18, $0x1F;
	(v2sf) =	vpush v4, $0x1;
	v8 =	vmov s30;
	v5 =	vsel vm6, s22, v5  }
0xc4: {  	s30 =	sadd.s32 s2, s7;
	s7 =	sshrl.u32 s18, $0x1F;
	v9 =	vsel vm0, s11, v9;
	s22 =	sshra.s32 s17, $0xB;
	(v2sf) =	vpush v4, $0x2;
	v8 =	vsel vm0, s0, v8  }
0xc5: {  	s5 =	sshrl.u32 s3, $0x1F;
	s24 =	sadd.s32 $0x10, s24;
	s25 =	sshrl.u32 s17, $0x1F;
	v5 =	vsel vm3, s21, v5;
	v7 =	vsel vm6, s7, v7;
	v9 =	vsel vm1, s22, v9  }
0xc6: {  	s20 =	sshra.s32 s4, $0xB;
	[dreg:$0x8] =	wrdreg s24;
	s26 =	sshrl.u32 s4, $0x1F;
	vm3 =	vmmov vm2;
	(v2sf) =	vpush v4, $0x3;
	v8 =	vsel vm1, s25, v8  }
0xc7: {  	s15 =	smul.u32 $0x25, s15;
	s3 =	sshra.s32 s3, $0xB;
	s10 =	rddreg [dreg:$0xa];
	v5 =	vsel vm7, s20, v5;
	v7 =	vsel vm7, s26, v7;
	(v2sf) =	vpush v4, $0xF  }
0xc8: {  	s8 =	sshrl.u32 s12, $0x1F;
	s16 =	sshra.s32 s12, $0xB;
	s18 =	rddreg [dreg:$0x9];
	v6 =	vsel vm8, s28, v7;
	v7 =	vsel vm1, s3, v10;
	(v2sf) =	vpush v4, $0x4  }
0xc9: {  	s6 =	sshra.s32 s6, $0xB;
	s21 =	sshrl.u32 s15, $0x8;
	s20 =	rddreg [dreg:$0xb];
	v8 =	vsel vm2, s8, v8;
	vm2 =	vmmov vm1;
	(v2sf) =	vpush v4, $0x6  }
.Ltmp1:
0xca: {  	s0 =	sadd.s32 s21, s18;
	s28 =	sshra.s32 s4, $0x1F;
	vm1 =	vmmov vm0;
	vm0 =	vcmask $0x3734;
	(v2sf) =	vpush v4, $0xC;
	(pc) =	sbr.rel @p0 .LBB2_6-.Ltmp1, $4  }
0xcb: {  	vm9 =	vmmov vm10;
	s7 =	sshrl.u32 s30, $0x1F;
	s26 =	rddreg [dreg:$0x2];
	s29 =	smul.u32 $0x3D1, s0;
	v5 =	vsel vm0, s28, v5;
	(v2sf) =	vpush v4, $0x8  }
0xcc: {  	s25 =	sshra.s32 s30, $0xB;
	s2 =	smul.u32 $0x19800, s20;
	vm0 =	vmmov vm1;
	vm1 =	vmmov vm2;
	(v2sf) =	vpush v4, $0x9;
	s30 =	spop (v2sf)  }
0xcd: {  	vm2 =	vmmov vm3;
	v10 =	vsel vm3, s25, v7;
	s8 =	sadd.s32 s26, s29;
	(v2sf) =	vpush v4, $0xB;
	s4 =	smulhi.u32 $0x75DED953, s30;
	s11 =	spop (v2sf)  }
0xce: {  	v11 =	vsel vm1, s5, v11;
	v7 =	vsel vm8, s6, v5;
	(v2sf) =	vpush v4, $0xD;
	s3 =	sshra.s32 s30, $0x1F;
	s5 =	sshra.s32 s11, $0x1F;
	s6 =	spop (v2sf)  }
0xcf: {  	s1 =	smul.u32 $0x75DED953, s3  }
0xd0: {  	s14 =	smulhi.u32 $0x75DED953, s6  }
0xd1: {  	s25 =	smul.u32 $0x75DED953, s5  }
0xd2: {  	s24 =	sshra.s32 s6, $0x1F;
	s11 =	smulhi.u32 $0x75DED953, s11;
	(v2sf) =	vpush v4, $0x5  }
0xd3: {  	s15 =	smul.u32 $0x75DED953, s24;
	(v2sf) =	vpush v4, $0xA  }
0xd4: {  	[smem:$0x7F1] =	sst s25;
	s26 =	spop (v2sf)  }
0xd5: {  	s28 =	spop (v2sf);
	s25 =	smulhi.u32 $0x75DED953, s26  }
0xd6: {  	[smem:$0x7F0] =	sst s1;
	s5 =	sshra.s32 s26, $0x1F;
	s21 =	smulhi.u32 $0x75DED953, s28  }
0xd7: {  	s1 =	sshra.s32 s28, $0x1F;
	s19 =	smul.u32 $0x75DED953, s5;
	s13 =	spop (v2sf)  }
0xd8: {  	s3 =	smul.u32 $0x75DED953, s1;
	s6 =	spop (v2sf);
	s29 =	sshra.s32 s13, $0x1F  }
0xd9: {  	s18 =	spop (v2sf);
	s12 =	smul.u32 $0x75DED953, s29  }
0xda: {  	s20 =	spop (v2sf);
	s1 =	smulhi.u32 $0x75DED953, s18  }
0xdb: {  	s22 =	spop (v2sf);
	s30 =	smulhi.u32 $0x75DED953, s20;
	s5 =	sshra.s32 s20, $0x1F  }
0xdc: {  	v5 =	vmov s8;
	s8 =	spop (v2sf);
	s17 =	smul.u32 $0x75DED953, s5  }
0xdd: {  	v5 =	vadd.s32 s9, v5;
	[smem:$0x7F2] =	sst s30;
	s10 =	spop (v2sf)  }
0xde: {  	v5 =	vbroadcast v5, $0x0;
	s18 =	sshra.s32 s18, $0x1F;
	s30 =	smulhi.u32 $0x75DED953, s8;
	[smem:$0x7F3] =	sst s17  }
0xdf: {  	s23 =	spop (v2sf);
	s17 =	smul.u32 $0x75DED953, s18  }
0xe0: {  	v5 =	vadd.s32 v0, v5;
	s29 =	smulhi.u32 $0x75DED953, s10;
	s20 =	sshra.s32 s10, $0x1F;
	s26 =	spop (v2sf)  }
0xe1: {  	(v2sf) =	vpush v5, $0xE;
	s8 =	sshra.s32 s8, $0x1F;
	s9 =	smul.u32 $0x75DED953, s20;
	s20 =	spop (v2sf)  }
0xe2: {  	s10 =	smul.u32 $0x75DED953, s8;
	s18 =	spop (v2sf)  }
0xe3: {  	(v2sf) =	vpush v5, $0x0;
	s5 =	smulhi.u32 $0x75DED953, s18  }
0xe4: {  	s8 =	sshra.s32 s18, $0x1F;
	s18 =	smulhi.u32 $0x75DED953, s22  }
0xe5: {  	s13 =	smulhi.u32 $0x75DED953, s13;
	(v2sf) =	vpush v5, $0x7  }
0xe6: {  	s24 =	smulhi.u32 $0x75DED953, s23;
	s23 =	sshra.s32 s23, $0x1F;
	[smem:$0x7F4] =	sst s18  }
0xe7: {  	s23 =	smul.u32 $0x75DED953, s23;
	s18 =	sld [smem:$0x7F0]  }
0xe8: {  	s15 =	sadd.s32 s15, s14;
	(v2sf) =	vpush v5, $0x1;
	s28 =	sshra.s32 s26, $0x1F;
	s26 =	smulhi.u32 $0x75DED953, s26  }
0xe9: {  	[smem:$0x7F8] =	sst s15;
	(v2sf) =	vpush v5, $0x2;
	s22 =	sshra.s32 s22, $0x1F;
	s8 =	smul.u32 $0x75DED953, s8  }
0xea: {  	(v2sf) =	vpush v5, $0x3;
	s4 =	sadd.s32 s18, s4;
	s18 =	smul.u32 $0x75DED953, s22;
	s22 =	sld [smem:$0x7F1]  }
0xeb: {  	(v2sf) =	vpush v5, $0xF;
	s28 =	smul.u32 $0x75DED953, s28;
	s15 =	sshra.s32 s20, $0x1F;
	s5 =	sadd.s32 s8, s5  }
0xec: {  	(v2sf) =	vpush v5, $0x4;
	[smem:$0x7F5] =	sst s18;
	s18 =	sadd.s32 s19, s25;
	s19 =	smulhi.u32 $0x75DED953, s6  }
0xed: {  	(v2sf) =	vpush v5, $0x6;
	[dreg:$0x1f] =	wrdreg s5;
	s14 =	sadd.s32 s22, s11;
	s11 =	smulhi.u32 $0x75DED953, s20  }
0xee: {  	(v2sf) =	vpush v5, $0xC;
	s6 =	sshra.s32 s6, $0x1F;
	s22 =	sadd.s32 s12, s13;
	s13 =	smul.u32 $0x75DED953, s15  }
0xef: {  	s21 =	sadd.s32 s3, s21;
	[dreg:$0x1b] =	wrdreg s4;
	s25 =	smul.u32 $0x75DED953, s6  }
0xf0: {  	s20 =	sadd.s32 s23, s24;
	s23 =	spop (v2sf);
	[smem:$0x7F7] =	sst s19  }
0xf1: {  	s6 =	sadd.s32 s28, s26;
	[smem:$0x7FA] =	sst s20;
	s24 =	smulhi.u32 $0x75DED953, s23  }
0xf2: {  	(v2sf) =	vpush v5, $0x8;
	s3 =	sshra.s32 s23, $0x1F;
	s19 =	spop (v2sf);
	[smem:$0x7FB] =	sst s6  }
0xf3: {  	(v2sf) =	vpush v5, $0x9;
	s12 =	sadd.s32 s9, s29;
	[smem:$0x7F6] =	sst s11;
	s20 =	smul.u32 $0x75DED953, s3  }
0xf4: {  	s4 =	spop (v2sf);
	s11 =	sshra.s32 s19, $0x1F;
	s19 =	smulhi.u32 $0x75DED953, s19  }
0xf5: {  	s17 =	sadd.s32 s17, s1;
	(v2sf) =	vpush v5, $0xB;
	[smem:$0x7F9] =	sst s12;
	s28 =	smulhi.u32 $0x75DED953, s4  }
0xf6: {  	s3 =	sld [smem:$0x7F4];
	s15 =	sshra.s32 s4, $0x1F;
	s26 =	smul.u32 $0x75DED953, s11  }
0xf7: {  	(v2sf) =	vpush v5, $0xD;
	s1 =	spop (v2sf);
	s4 =	sadd.s32 s10, s30;
	s30 =	sld [smem:$0x7F3]  }
0xf8: {  	s29 =	smul.u32 $0x75DED953, s15;
	s23 =	spop (v2sf)  }
0xf9: {  	[smem:$0x7FC] =	sst s4;
	s10 =	spop (v2sf)  }
0xfa: {  	(v2sf) =	vpush v5, $0x5;
	s20 =	sadd.s32 s20, s24;
	s15 =	smulhi.u32 $0x75DED953, s23;
	s6 =	spop (v2sf)  }
0xfb: {  	(v2sf) =	vpush v5, $0xA;
	s9 =	sshra.s32 s23, $0x1F;
	s23 =	sld [smem:$0x7F2];
	s5 =	spop (v2sf)  }
0xfc: {  	[dreg:$0x18] =	wrdreg s20;
	s8 =	spop (v2sf)  }
0xfd: {  	[dreg:$0x19] =	wrdreg s6;
	s12 =	spop (v2sf)  }
0xfe: {  	s11 =	smulhi.u32 $0x75DED953, s1;
	s1 =	sshra.s32 s1, $0x1F;
	[dreg:$0x1d] =	wrdreg s12  }
0xff: {  	s6 =	smul.u32 $0x75DED953, s1;
	s12 =	sld [smem:$0x7F5]  }
0x100: {  	[dreg:$0x1c] =	wrdreg s8;
	s8 =	smul.u32 $0x75DED953, s9  }
0x101: {  	s9 =	sshra.s32 s10, $0x1F;
	s10 =	smulhi.u32 $0x75DED953, s10;
	s4 =	spop (v2sf)  }
0x102: {  	s9 =	smul.u32 $0x75DED953, s9;
	s1 =	sadd.s32 s12, s3;
	s3 =	spop (v2sf)  }
0x103: {  	s12 =	smulhi.u32 $0x75DED953, s5;
	s5 =	sshra.s32 s5, $0x1F;
	[smem:$0x7FD] =	sst s1  }
0x104: {  	s23 =	sadd.s32 s30, s23;
	s30 =	spop (v2sf);
	s5 =	smul.u32 $0x75DED953, s5  }
0x105: {  	s24 =	smulhi.u32 $0x75DED953, s3;
	[dreg:$0x1a] =	wrdreg s30  }
0x106: {  	s30 =	sld [smem:$0x7F6];
	s1 =	spop (v2sf)  }
0x107: {  	s19 =	sadd.s32 s26, s19;
	s20 =	smulhi.u32 $0x75DED953, s1;
	s1 =	sshra.s32 s1, $0x1F  }
0x108: {  	s3 =	sshra.s32 s3, $0x1F;
	s26 =	smul.u32 $0x75DED953, s1;
	s1 =	sadd.s32 s6, s11  }
0x109: {  	s11 =	spop (v2sf);
	s13 =	sadd.s32 s13, s30;
	s30 =	sld [smem:$0x7F7]  }
0x10a: {  	v9 =	vsel vm2, s16, v9;
	v11 =	vsel vm2, s7, v11;
	s28 =	sadd.s32 s29, s28;
	s3 =	smul.u32 $0x75DED953, s3;
	s29 =	spop (v2sf)  }
0x10b: {  	v9 =	vcombine.low v9, v10;
	v8 =	vcombine.low v8, v11;
	s7 =	sshra.s32 s14, $0x1F;
	s6 =	sadd.s32 s9, s10;
	s9 =	smulhi.u32 $0x75DED953, s29  }
0x10c: {  	v6 =	vperm.xlane v6, v2;
	v7 =	vperm.xlane v7, v2;
	s25 =	sadd.s32 s25, s30;
	s30 =	sshra.s32 s29, $0x1F;
	s29 =	sld [smem:$0x7F8]  }
0x10d: {  	v9 =	vperm.xlane v9, v1;
	v8 =	vperm.xlane v8, v1;
	s8 =	sadd.s32 s8, s15;
	s15 =	smulhi.u32 $0x75DED953, s4;
	s4 =	sshra.s32 s4, $0x1F  }
0x10e: {  	s10 =	smul.u32 $0x75DED953, s4;
	s4 =	sadd.s32 s5, s12;
	s16 =	sadd.s32 s3, s24  }
0x10f: {  	v6 =	vsel vm14, v6, v8;
	v7 =	vsel vm14, v7, v9;
	[dreg:$0x1e] =	wrdreg s11;
	s12 =	smul.u32 $0x75DED953, s30;
	s11 =	sshra.s32 s29, $0x1F  }
0x110: {  	v42 =	vld [tilespmem:s31+$0x0];
	v6 =	vadd.s32 v6, v7;
	s26 =	sadd.s32 s26, s20;
	s20 =	sshrl.u32 s18, $0x1F;
	s30 =	sshra.s32 s14, $0xB;
	v41 =	vmov s11  }
0x111: {  	v6 =	vmul.u32 $0x1160, v6;
	s24 =	sadd.s32 s12, s9;
	s9 =	sshra.s32 s18, $0xB;
	s12 =	sshra.s32 s21, $0xB;
	v10 =	vsel vm4, s30, v41  }
0x112: {  	s11 =	sshra.s32 s21, $0x1F;
	v10 =	vsel vm9, s7, v10;
	s7 =	sadd.s32 s10, s15;
	s10 =	sshrl.u32 s14, $0x1F  }
0x113: {  	v3 =	vsub.s32 v3, v6;
	s30 =	sshra.s32 s22, $0x1F;
	s15 =	sshra.s32 s18, $0x1F;
	s14 =	sshrl.u32 s21, $0x1F;
	v10 =	vsel vm0, s9, v10;
	v44 =	vmov s10  }
0x114: {  	v3 =	vadd.s32 $0x186A0, v3;
	s21 =	sshra.s32 s22, $0xB;
	s10 =	sshrl.u32 s22, $0x1F;
	s22 =	sld [smem:$0x7FB];
	v43 =	vsel vm11, s15, v10;
	v7 =	vnsel vm4, $0x0, v44  }
0x115: {  	vm9 =	vlt.s32 v42, $0x186A0;
	v8 =	vsel vm1, s12, v43;
	v7 =	vsel vm0, s20, v7;
	s20 =	sld [smem:$0x7F9]  }
0x116: {  	s31 =	sshra.s32 s17, $0xB;
	s5 =	sshrl.u32 s17, $0x1F;
	v3 =	vsel vm9, v42, v3;
	v8 =	vsel vm12, s11, v8  }
0x117: {  	s15 =	sshra.s32 s17, $0x1F;
	v3 =	vadd.s32 s2, v3;
	s2 =	sshra.s32 s23, $0x1F;
	v7 =	vsel vm1, s14, v7;
	v8 =	vsel vm2, s21, v8;
	s21 =	sld [smem:$0x7FA]  }
0x118: {  	s12 =	sshra.s32 s22, $0xB;
	v7 =	vsel vm2, s10, v7;
	s10 =	sshrl.u32 s13, $0x1F;
	s9 =	sshra.s32 s20, $0xB  }
0x119: {  	s17 =	sshrl.u32 s20, $0x1F;
	v45 =	vsel vm13, s30, v8;
	s20 =	sshrl.u32 s22, $0x1F;
	s30 =	sld [smem:$0x7FC];
	v7 =	vsel vm5, s5, v7  }
0x11a: {  	s22 =	sld [smem:$0x7FD];
	v6 =	vsel vm5, s31, v45;
	v7 =	vsel vm6, s10, v7;
	s10 =	sshra.s32 s29, $0xB;
	s18 =	sshrl.u32 s21, $0x1F  }
0x11b: {  	s3 =	sshra.s32 s21, $0xB;
	s21 =	sshra.s32 s13, $0x1F;
	v6 =	vsel vm15, s15, v6;
	s15 =	sshra.s32 s13, $0xB  }
0x11c: {  	s13 =	sshrl.u32 s25, $0x1F;
	s31 =	sshrl.u32 s30, $0x1F;
	s14 =	sshra.s32 s30, $0xB  }
0x11d: {  	s30 =	sshrl.u32 s22, $0x1F;
	v6 =	vsel vm6, s15, v6;
	s15 =	rddreg [dreg:$0x1b];
	v46 =	vmov s31;
	s31 =	sshra.s32 s22, $0xB  }
0x11e: {  	s5 =	sshrl.u32 s15, $0x1F;
	s11 =	sshra.s32 s15, $0xB;
	s22 =	sshra.s32 s23, $0xB  }
0x11f: {  	vm9 =	vcmask $0x2F2C;
	v47 =	vmov s30;
	v48 =	vmov s14;
	s14 =	sshra.s32 s25, $0xB;
	s30 =	sshrl.u32 s29, $0x1F;
	s29 =	rddreg [dreg:$0x1c]  }
0x120: {  	vm3 =	vmmov vm15;
	v6 =	vsel vm9, s21, v6;
	s25 =	sshrl.u32 s23, $0x1F;
	s23 =	sshra.s32 s19, $0x1F;
	v8 =	vsel vm0, s17, v46;
	s17 =	rddreg [dreg:$0x1f]  }
0x121: {  	v6 =	vsel vm7, s22, v6;
	v49 =	vmov s31;
	s31 =	sshra.s32 s28, $0x1F;
	v7 =	vsel vm7, s25, v7;
	s22 =	sshra.s32 s19, $0xB;
	s25 =	rddreg [dreg:$0x1d]  }
0x122: {  	vm15 =	vcmask $0x704;
	v10 =	vsel vm0, s9, v48;
	v9 =	vsel vm0, s20, v47;
	s9 =	smulhi.u32 $0x75DED953, s29;
	s20 =	rddreg [dreg:$0x1e];
	s21 =	sshrl.u32 s17, $0x1F  }
0x123: {  	s15 =	sshra.s32 s17, $0xB;
	v11 =	vsel vm0, s12, v49;
	v12 =	vmov s31;
	v7 =	vsel vm8, s30, v7;
	s17 =	smulhi.u32 $0x75DED953, s25;
	s30 =	sshra.s32 s1, $0xB  }
0x124: {  	s31 =	sshra.s32 s1, $0x1F;
	s1 =	sshrl.u32 s1, $0x1F;
	v9 =	vsel vm1, s5, v9;
	s12 =	smulhi.u32 $0x75DED953, s20;
	v8 =	vsel vm1, s21, v8;
	v12 =	vsel vm4, s22, v12  }
0x125: {  	s21 =	sshrl.u32 s19, $0x1F;
	s19 =	sshra.s32 s25, $0x1F;
	v11 =	vsel vm1, s11, v11;
	v10 =	vsel vm1, s15, v10;
	s11 =	sshra.s32 s29, $0x1F;
	v9 =	vsel vm2, s13, v9  }
0x126: {  	s15 =	sshra.s32 s8, $0x1F;
	s22 =	sshra.s32 s6, $0xB;
	s25 =	sshra.s32 s6, $0x1F;
	v7 =	vperm.xlane v7, v2;
	v12 =	vsel vm15, s23, v12;
	v8 =	vsel vm2, s18, v8  }
0x127: {  	s13 =	sshra.s32 s4, $0x1F;
	vm15 =	vcmask $0x3734;
	s11 =	smul.u32 $0x75DED953, s11;
	v13 =	vmov s21;
	s18 =	sshra.s32 s8, $0xB;
	v11 =	vsel vm2, s14, v11  }
0x128: {  	s8 =	sshrl.u32 s8, $0x1F;
	s21 =	sshra.s32 s20, $0x1F;
	s23 =	sshrl.u32 s6, $0x1F;
	v10 =	vsel vm2, s3, v10;
	v6 =	vsel vm15, s2, v6;
	v12 =	vsel vm0, s30, v12  }
0x129: {  	s29 =	smul.u32 $0x75DED953, s19;
	s19 =	sshrl.u32 s16, $0x1F;
	v13 =	vnsel vm4, $0x0, v13;
	s30 =	sshrl.u32 s4, $0x1F;
	v10 =	vcombine.low v10, v11;
	v8 =	vcombine.low v8, v9  }
0x12a: {  	s5 =	smul.u32 $0x75DED953, s21;
	s21 =	sshrl.u32 s24, $0x1F;
	v12 =	vsel vm11, s31, v12;
	v6 =	vsel vm8, s10, v6;
	v13 =	vsel vm0, s1, v13;
	s31 =	sshra.s32 s4, $0xB  }
0x12b: {  	s14 =	sadd.s32 s29, s17;
	s6 =	sadd.s32 s11, s9;
	s29 =	sshra.s32 s7, $0xB;
	v12 =	vsel vm1, s18, v12;
	v13 =	vsel vm1, s8, v13;
	v10 =	vperm.xlane v10, v1  }
0x12c: {  	s17 =	sadd.s32 s5, s12;
	s18 =	sshrl.u32 s14, $0x1F;
	v53 =	vmov s29;
	s2 =	sshra.s32 s14, $0xB;
	v8 =	vperm.xlane v8, v1;
	v6 =	vperm.xlane v6, v2  }
0x12d: {  	s12 =	sshra.s32 s16, $0xB;
	s14 =	sshra.s32 s26, $0xB;
	v12 =	vsel vm12, s15, v12;
	v13 =	vsel vm2, s23, v13;
	v15 =	vmov s18;
	s18 =	rddreg [dreg:$0x18]  }
0x12e: {  	s15 =	sshrl.u32 s7, $0x1F;
	s20 =	sshra.s32 s17, $0xB;
	v54 =	vmov s2;
	v11 =	vsel vm0, s12, v53;
	v12 =	vsel vm2, s22, v12;
	s22 =	rddreg [dreg:$0x19]  }
0x12f: {  	s4 =	sshrl.u32 s17, $0x1F;
	v13 =	vsel vm5, s30, v13;
	v14 =	vmov s15;
	s30 =	rddreg [dreg:$0x1a];
	s15 =	sshrl.u32 s26, $0x1F;
	v7 =	vsel vm14, v7, v8  }
0x130: {  	v6 =	vsel vm14, v6, v10;
	v12 =	vsel vm13, s25, v12;
	v14 =	vsel vm0, s19, v14;
	s23 =	smulhi.u32 $0x75DED953, s22;
	s25 =	sshra.s32 s17, $0x1F;
	s10 =	sshra.s32 s22, $0x1F  }
0x131: {  	v13 =	vsel vm6, s4, v13;
	s11 =	smulhi.u32 $0x75DED953, s30;
	s17 =	rddreg [dreg:$0x4];
	v55 =	vsel vm0, s15, v15;
	s19 =	sshra.s32 s18, $0xB;
	v12 =	vsel vm5, s31, v12  }
0x132: {  	s22 =	sshra.s32 s24, $0xB;
	v6 =	vadd.s32 v7, v6;
	v51 =	vsel vm1, s21, v14;
	s31 =	sshra.s32 s30, $0x1F;
	s4 =	smul.u32 $0x75DED953, s10;
	v12 =	vsel vm3, s13, v12  }
0x133: {  	[tilespmem:s17+$0x0] =	vst v3;
	v3 =	vsel vm0, s14, v54;
	v6 =	vmul.u32 $0x1160, v6;
	s3 =	smul.u32 $0x75DED953, s31;
	s13 =	sshrl.u32 s6, $0x1F;
	v50 =	vsel vm6, s20, v12;
	s20 =	rddreg [dreg:$0x6]  }
0x134: {  	s9 =	sshra.s32 s6, $0xB;
	s16 =	sshrl.u32 s28, $0x1F;
	v57 =	vsel vm1, s22, v11;
	v3 =	vsel vm1, s19, v3;
	v13 =	vsel vm7, s13, v13;
	v56 =	vld [tilespmem:s20+$0x0]  }
0x135: {  	s1 =	sadd.s32 s4, s23;
	s23 =	sshrl.u32 s18, $0x1F;
	v61 =	vsub.s32 v4, v6;
	v52 =	vsel vm9, s25, v50;
	s3 =	sadd.s32 s3, s11;
	v13 =	vsel vm8, s16, v13  }
0x136: {  	s24 =	sshra.s32 s6, $0x1F;
	v60 =	vsel vm1, s23, v55;
	s25 =	sshra.s32 s1, $0xB;
	v4 =	vadd.s32 $0x186A0, v61;
	v9 =	vsel vm7, s9, v52;
	s21 =	sshrl.u32 s3, $0x1F  }
0x137: {  	s26 =	sshra.s32 s28, $0xB;
	s1 =	sshrl.u32 s1, $0x1F;
	s3 =	sshra.s32 s3, $0xB;
	v3 =	vsel vm2, s25, v3;
	v58 =	vsel vm2, s21, v51;
	v59 =	vsel vm15, s24, v9  }
0x138: {  	s28 =	rddreg [dreg:$0x3];
	v8 =	vsel vm2, s3, v57;
	v9 =	vsel vm2, s1, v60;
	v7 =	vsel vm8, s26, v59  }
0x139: {  	s1 =	smul.u32 $0x19800, s28;
	v3 =	vcombine.low v8, v3;
	v62 =	vcombine.low v58, v9;
	vm9 =	vlt.s32 v56, $0x186A0  }
0x13a: {  	v63 =	vperm.xlane v13, v2;
	v7 =	vperm.xlane v7, v2;
	v4 =	vsel vm9, v56, v4  }
0x13b: {  	s29 =	rddreg [dreg:$0x5];
	v3 =	vperm.xlane v3, v1;
	v6 =	vperm.xlane v62, v1;
	v4 =	vadd.s32 s1, v4  }
0x13c: {  	s30 =	rddreg [dreg:$0x8];
	[tilespmem:s29+$0x0] =	vst v4  }
0x13d: {  	v6 =	vsel vm14, v63, v6;
	v3 =	vsel vm14, v7, v3;
	v4 =	vld [tilespmem:s30+$0x0]  }
0x13e: {  	v3 =	vadd.s32 v6, v3  }
0x13f: {  	v3 =	vmul.u32 $0x1160, v3;
	_ =	sdelay $0x1  }
0x140: {  	v3 =	vsub.s32 v5, v3  }
0x141: {  	s0 =	smul.u32 $0x19800, s0;
	v3 =	vadd.s32 $0x186A0, v3;
	vm9 =	vlt.s32 v4, $0x186A0  }
0x142: {  	s5 =	rddreg [dreg:$0xe];
	v3 =	vsel vm9, v4, v3  }
0x143: {  	s31 =	rddreg [dreg:$0x7];
	s13 =	simm.s32 $0x1;
	v3 =	vadd.s32 s0, v3  }
0x144: {  	s4 =	simm.s32 $0x0;
	s3 =	simm.s32 $0x10200;
	s1 =	simm.s32 $0x1C0;
	[tilespmem:s31+$0x0] =	vst v3  }
.LBB2_8:
0x145: {  	s0 =	smul.u32 $0x700, s4;
	_ =	sdelay $0x1  }
0x146: {  	s0 =	sshra.s32 s0, $0x2  }
0x147: {  	s0 =	sadd.s32 $0x200, s0  }
0x148: {  	[tilespmem:s3], [sflag:$0x1] =	stream.indirect.gather [hbm4b:s5+s1], $0x80, s0, s1, $0xb8;
	[tilespmem:$0x1E200] =	vst v63  }
0x149: {  	_ =	swait.ge [sflag:s13], $0xE000  }
0x14a: {  	[sflag:s13] =	ssyncset.done $0x0  }
0x14b: {  	s2 =	simm.s32 $0x2000;
	s0 =	simm.s32 $0x0;
	[sflag:s13] =	ssyncadd.s32 $0xFFFF2000  }
.LBB2_9:
0x14c: {  	p0 =	sne.s32 s2, $0x36000;
	v3 =	vld [tilespmem:s0+$0x109B0]  }
0x14d: {  	v4 =	vld [tilespmem:s0+$0x10200]  }
0x14e: {  	v5 =	vld [tilespmem:s0+$0x10210]  }
0x14f: {  	v6 =	vld [tilespmem:s0+$0x10220]  }
0x150: {  	v7 =	vld [tilespmem:s0+$0x10230]  }
0x151: {  	[tilespmem:s0+$0x29B0] =	vst.add.f32.msk $0xffff, v3  }
0x152: {  	v3 =	vld [tilespmem:s0+$0x10280]  }
0x153: {  	v8 =	vld [tilespmem:s0+$0x10290]  }
0x154: {  	v9 =	vld [tilespmem:s0+$0x102A0]  }
0x155: {  	v10 =	vld [tilespmem:s0+$0x102B0]  }
0x156: {  	v11 =	vld [tilespmem:s0+$0x10300]  }
0x157: {  	v12 =	vld [tilespmem:s0+$0x10310]  }
0x158: {  	v13 =	vld [tilespmem:s0+$0x10320]  }
0x159: {  	v14 =	vld [tilespmem:s0+$0x10330]  }
0x15a: {  	v15 =	vld [tilespmem:s0+$0x10380]  }
0x15b: {  	v16 =	vld [tilespmem:s0+$0x10390]  }
0x15c: {  	v17 =	vld [tilespmem:s0+$0x103A0]  }
0x15d: {  	v18 =	vld [tilespmem:s0+$0x103B0]  }
0x15e: {  	v19 =	vld [tilespmem:s0+$0x10400]  }
0x15f: {  	v20 =	vld [tilespmem:s0+$0x10410]  }
0x160: {  	v21 =	vld [tilespmem:s0+$0x10420]  }
0x161: {  	v22 =	vld [tilespmem:s0+$0x10430]  }
0x162: {  	v23 =	vld [tilespmem:s0+$0x10480]  }
0x163: {  	v24 =	vld [tilespmem:s0+$0x10490]  }
0x164: {  	v25 =	vld [tilespmem:s0+$0x104A0]  }
0x165: {  	v26 =	vld [tilespmem:s0+$0x104B0]  }
0x166: {  	v27 =	vld [tilespmem:s0+$0x10500]  }
0x167: {  	v28 =	vld [tilespmem:s0+$0x10510]  }
0x168: {  	v29 =	vld [tilespmem:s0+$0x10520]  }
0x169: {  	v30 =	vld [tilespmem:s0+$0x10530]  }
0x16a: {  	v31 =	vld [tilespmem:s0+$0x10580]  }
0x16b: {  	v32 =	vld [tilespmem:s0+$0x10590]  }
0x16c: {  	v33 =	vld [tilespmem:s0+$0x105A0]  }
0x16d: {  	v34 =	vld [tilespmem:s0+$0x105B0]  }
0x16e: {  	v35 =	vld [tilespmem:s0+$0x10600]  }
0x16f: {  	v36 =	vld [tilespmem:s0+$0x10610]  }
0x170: {  	v37 =	vld [tilespmem:s0+$0x10620]  }
0x171: {  	v38 =	vld [tilespmem:s0+$0x10630]  }
0x172: {  	v39 =	vld [tilespmem:s0+$0x10680]  }
0x173: {  	v40 =	vld [tilespmem:s0+$0x10690]  }
0x174: {  	v41 =	vld [tilespmem:s0+$0x106A0]  }
0x175: {  	v42 =	vld [tilespmem:s0+$0x106B0]  }
0x176: {  	v43 =	vld [tilespmem:s0+$0x10700]  }
0x177: {  	v44 =	vld [tilespmem:s0+$0x10710]  }
0x178: {  	v45 =	vld [tilespmem:s0+$0x10720]  }
0x179: {  	v46 =	vld [tilespmem:s0+$0x10730]  }
0x17a: {  	v47 =	vld [tilespmem:s0+$0x10780]  }
0x17b: {  	v48 =	vld [tilespmem:s0+$0x10790]  }
0x17c: {  	v49 =	vld [tilespmem:s0+$0x107A0]  }
0x17d: {  	v50 =	vld [tilespmem:s0+$0x107B0]  }
0x17e: {  	v51 =	vld [tilespmem:s0+$0x10800]  }
0x17f: {  	v52 =	vld [tilespmem:s0+$0x10810]  }
0x180: {  	v53 =	vld [tilespmem:s0+$0x10820]  }
0x181: {  	v54 =	vld [tilespmem:s0+$0x10830]  }
0x182: {  	v55 =	vld [tilespmem:s0+$0x10880]  }
0x183: {  	v56 =	vld [tilespmem:s0+$0x10890]  }
0x184: {  	v57 =	vld [tilespmem:s0+$0x108A0]  }
0x185: {  	v58 =	vld [tilespmem:s0+$0x108B0]  }
0x186: {  	v59 =	vld [tilespmem:s0+$0x10900]  }
0x187: {  	v60 =	vld [tilespmem:s0+$0x10910]  }
0x188: {  	v61 =	vld [tilespmem:s0+$0x10920]  }
0x189: {  	v62 =	vld [tilespmem:s0+$0x10930]  }
0x18a: {  	v63 =	vld [tilespmem:s0+$0x10980]  }
0x18b: {  	v0 =	vld [tilespmem:s0+$0x10990]  }
0x18c: {  	v1 =	vld [tilespmem:s0+$0x109A0]  }
0x18d: {  	[tilespmem:s0+$0x2200] =	vst.add.f32.msk $0xffff, v4  }
0x18e: {  	[tilespmem:s0+$0x2210] =	vst.add.f32.msk $0xffff, v5  }
0x18f: {  	[tilespmem:s0+$0x2220] =	vst.add.f32.msk $0xffff, v6  }
0x190: {  	[tilespmem:s0+$0x2230] =	vst.add.f32.msk $0xffff, v7  }
0x191: {  	[tilespmem:s0+$0x2280] =	vst.add.f32.msk $0xffff, v3  }
0x192: {  	[tilespmem:s0+$0x2290] =	vst.add.f32.msk $0xffff, v8  }
0x193: {  	[tilespmem:s0+$0x22A0] =	vst.add.f32.msk $0xffff, v9  }
0x194: {  	[tilespmem:s0+$0x22B0] =	vst.add.f32.msk $0xffff, v10  }
0x195: {  	[tilespmem:s0+$0x2300] =	vst.add.f32.msk $0xffff, v11  }
0x196: {  	[tilespmem:s0+$0x2310] =	vst.add.f32.msk $0xffff, v12  }
0x197: {  	[tilespmem:s0+$0x2320] =	vst.add.f32.msk $0xffff, v13  }
0x198: {  	[tilespmem:s0+$0x2330] =	vst.add.f32.msk $0xffff, v14  }
0x199: {  	[tilespmem:s0+$0x2380] =	vst.add.f32.msk $0xffff, v15  }
0x19a: {  	[tilespmem:s0+$0x2390] =	vst.add.f32.msk $0xffff, v16  }
0x19b: {  	[tilespmem:s0+$0x23A0] =	vst.add.f32.msk $0xffff, v17  }
0x19c: {  	[tilespmem:s0+$0x23B0] =	vst.add.f32.msk $0xffff, v18  }
0x19d: {  	[tilespmem:s0+$0x2400] =	vst.add.f32.msk $0xffff, v19  }
0x19e: {  	[tilespmem:s0+$0x2410] =	vst.add.f32.msk $0xffff, v20  }
0x19f: {  	[tilespmem:s0+$0x2420] =	vst.add.f32.msk $0xffff, v21  }
0x1a0: {  	[tilespmem:s0+$0x2430] =	vst.add.f32.msk $0xffff, v22  }
0x1a1: {  	[tilespmem:s0+$0x2480] =	vst.add.f32.msk $0xffff, v23  }
0x1a2: {  	[tilespmem:s0+$0x2490] =	vst.add.f32.msk $0xffff, v24  }
0x1a3: {  	[tilespmem:s0+$0x24A0] =	vst.add.f32.msk $0xffff, v25  }
0x1a4: {  	[tilespmem:s0+$0x24B0] =	vst.add.f32.msk $0xffff, v26  }
0x1a5: {  	[tilespmem:s0+$0x2500] =	vst.add.f32.msk $0xffff, v27  }
0x1a6: {  	[tilespmem:s0+$0x2510] =	vst.add.f32.msk $0xffff, v28  }
0x1a7: {  	[tilespmem:s0+$0x2520] =	vst.add.f32.msk $0xffff, v29  }
0x1a8: {  	[tilespmem:s0+$0x2530] =	vst.add.f32.msk $0xffff, v30  }
0x1a9: {  	[tilespmem:s0+$0x2580] =	vst.add.f32.msk $0xffff, v31  }
0x1aa: {  	[tilespmem:s0+$0x2590] =	vst.add.f32.msk $0xffff, v32  }
0x1ab: {  	[tilespmem:s0+$0x25A0] =	vst.add.f32.msk $0xffff, v33  }
0x1ac: {  	[tilespmem:s0+$0x25B0] =	vst.add.f32.msk $0xffff, v34  }
0x1ad: {  	[tilespmem:s0+$0x2600] =	vst.add.f32.msk $0xffff, v35  }
0x1ae: {  	[tilespmem:s0+$0x2610] =	vst.add.f32.msk $0xffff, v36  }
0x1af: {  	[tilespmem:s0+$0x2620] =	vst.add.f32.msk $0xffff, v37  }
0x1b0: {  	[tilespmem:s0+$0x2630] =	vst.add.f32.msk $0xffff, v38  }
0x1b1: {  	[tilespmem:s0+$0x2680] =	vst.add.f32.msk $0xffff, v39  }
0x1b2: {  	[tilespmem:s0+$0x2690] =	vst.add.f32.msk $0xffff, v40  }
0x1b3: {  	[tilespmem:s0+$0x26A0] =	vst.add.f32.msk $0xffff, v41  }
0x1b4: {  	[tilespmem:s0+$0x26B0] =	vst.add.f32.msk $0xffff, v42  }
0x1b5: {  	[tilespmem:s0+$0x2700] =	vst.add.f32.msk $0xffff, v43  }
0x1b6: {  	[tilespmem:s0+$0x2710] =	vst.add.f32.msk $0xffff, v44  }
0x1b7: {  	[tilespmem:s0+$0x2720] =	vst.add.f32.msk $0xffff, v45  }
0x1b8: {  	[tilespmem:s0+$0x2730] =	vst.add.f32.msk $0xffff, v46  }
0x1b9: {  	[tilespmem:s0+$0x2780] =	vst.add.f32.msk $0xffff, v47  }
0x1ba: {  	[tilespmem:s0+$0x2790] =	vst.add.f32.msk $0xffff, v48  }
0x1bb: {  	[tilespmem:s0+$0x27A0] =	vst.add.f32.msk $0xffff, v49  }
0x1bc: {  	[tilespmem:s0+$0x27B0] =	vst.add.f32.msk $0xffff, v50  }
0x1bd: {  	[tilespmem:s0+$0x2800] =	vst.add.f32.msk $0xffff, v51  }
0x1be: {  	[tilespmem:s0+$0x2810] =	vst.add.f32.msk $0xffff, v52  }
0x1bf: {  	[tilespmem:s0+$0x2820] =	vst.add.f32.msk $0xffff, v53  }
0x1c0: {  	[tilespmem:s0+$0x2830] =	vst.add.f32.msk $0xffff, v54  }
0x1c1: {  	[tilespmem:s0+$0x2880] =	vst.add.f32.msk $0xffff, v55  }
0x1c2: {  	[tilespmem:s0+$0x2890] =	vst.add.f32.msk $0xffff, v56  }
0x1c3: {  	[tilespmem:s0+$0x28A0] =	vst.add.f32.msk $0xffff, v57  }
0x1c4: {  	[tilespmem:s0+$0x28B0] =	vst.add.f32.msk $0xffff, v58  }
0x1c5: {  	[tilespmem:s0+$0x2900] =	vst.add.f32.msk $0xffff, v59  }
0x1c6: {  	[tilespmem:s0+$0x2910] =	vst.add.f32.msk $0xffff, v60  }
.Ltmp2:
0x1c7: {  	[tilespmem:s0+$0x2920] =	vst.add.f32.msk $0xffff, v61;
	(pc) =	sbr.rel @p0 .LBB2_9-.Ltmp2, $4  }
0x1c8: {  	[tilespmem:s0+$0x2930] =	vst.add.f32.msk $0xffff, v62  }
0x1c9: {  	[tilespmem:s0+$0x2980] =	vst.add.f32.msk $0xffff, v63  }
0x1ca: {  	[tilespmem:s0+$0x2990] =	vst.add.f32.msk $0xffff, v0  }
0x1cb: {  	[tilespmem:s0+$0x29A0] =	vst.add.f32.msk $0xffff, v1;
	s0 =	sshra.s32 s2, $0x2;
	s2 =	sadd.s32 $0x2000, s2  }
0x1cc: {  	v0 =	vld [tilespmem:s0+$0x109B0]  }
0x1cd: {  	v1 =	vld [tilespmem:s0+$0x10200]  }
0x1ce: {  	v3 =	vld [tilespmem:s0+$0x10210]  }
0x1cf: {  	v4 =	vld [tilespmem:s0+$0x10220]  }
0x1d0: {  	v5 =	vld [tilespmem:s0+$0x10230]  }
0x1d1: {  	v6 =	vld [tilespmem:s0+$0x10290]  }
0x1d2: {  	v7 =	vld [tilespmem:s0+$0x102A0]  }
0x1d3: {  	v8 =	vld [tilespmem:s0+$0x102B0]  }
0x1d4: {  	v9 =	vld [tilespmem:s0+$0x10300]  }
0x1d5: {  	v10 =	vld [tilespmem:s0+$0x10310]  }
0x1d6: {  	v11 =	vld [tilespmem:s0+$0x10320]  }
0x1d7: {  	v12 =	vld [tilespmem:s0+$0x10330]  }
0x1d8: {  	v13 =	vld [tilespmem:s0+$0x10380]  }
0x1d9: {  	v14 =	vld [tilespmem:s0+$0x10390]  }
0x1da: {  	v15 =	vld [tilespmem:s0+$0x103A0]  }
0x1db: {  	v16 =	vld [tilespmem:s0+$0x103B0]  }
0x1dc: {  	v17 =	vld [tilespmem:s0+$0x10400]  }
0x1dd: {  	v18 =	vld [tilespmem:s0+$0x10410]  }
0x1de: {  	v19 =	vld [tilespmem:s0+$0x10420]  }
0x1df: {  	v20 =	vld [tilespmem:s0+$0x10430]  }
0x1e0: {  	v21 =	vld [tilespmem:s0+$0x10480]  }
0x1e1: {  	v22 =	vld [tilespmem:s0+$0x10490]  }
0x1e2: {  	v23 =	vld [tilespmem:s0+$0x104A0]  }
0x1e3: {  	v24 =	vld [tilespmem:s0+$0x104B0]  }
0x1e4: {  	v25 =	vld [tilespmem:s0+$0x10500]  }
0x1e5: {  	v26 =	vld [tilespmem:s0+$0x10510]  }
0x1e6: {  	v27 =	vld [tilespmem:s0+$0x10520]  }
0x1e7: {  	v28 =	vld [tilespmem:s0+$0x10530]  }
0x1e8: {  	v29 =	vld [tilespmem:s0+$0x10580]  }
0x1e9: {  	v30 =	vld [tilespmem:s0+$0x10590]  }
0x1ea: {  	v31 =	vld [tilespmem:s0+$0x105A0]  }
0x1eb: {  	v32 =	vld [tilespmem:s0+$0x105B0]  }
0x1ec: {  	v33 =	vld [tilespmem:s0+$0x10600]  }
0x1ed: {  	v34 =	vld [tilespmem:s0+$0x10610]  }
0x1ee: {  	v35 =	vld [tilespmem:s0+$0x10620]  }
0x1ef: {  	v36 =	vld [tilespmem:s0+$0x10630]  }
0x1f0: {  	v37 =	vld [tilespmem:s0+$0x10680]  }
0x1f1: {  	v38 =	vld [tilespmem:s0+$0x10690]  }
0x1f2: {  	v39 =	vld [tilespmem:s0+$0x106A0]  }
0x1f3: {  	v40 =	vld [tilespmem:s0+$0x106B0]  }
0x1f4: {  	v41 =	vld [tilespmem:s0+$0x10700]  }
0x1f5: {  	v42 =	vld [tilespmem:s0+$0x10710]  }
0x1f6: {  	v43 =	vld [tilespmem:s0+$0x10720]  }
0x1f7: {  	v44 =	vld [tilespmem:s0+$0x10730]  }
0x1f8: {  	v45 =	vld [tilespmem:s0+$0x10780]  }
0x1f9: {  	v46 =	vld [tilespmem:s0+$0x10790]  }
0x1fa: {  	v47 =	vld [tilespmem:s0+$0x107A0]  }
0x1fb: {  	v48 =	vld [tilespmem:s0+$0x107B0]  }
0x1fc: {  	v49 =	vld [tilespmem:s0+$0x10800]  }
0x1fd: {  	v50 =	vld [tilespmem:s0+$0x10810]  }
0x1fe: {  	v51 =	vld [tilespmem:s0+$0x10820]  }
0x1ff: {  	v52 =	vld [tilespmem:s0+$0x10830]  }
0x200: {  	v53 =	vld [tilespmem:s0+$0x10880]  }
0x201: {  	v54 =	vld [tilespmem:s0+$0x10890]  }
0x202: {  	v55 =	vld [tilespmem:s0+$0x108A0]  }
0x203: {  	v56 =	vld [tilespmem:s0+$0x108B0]  }
0x204: {  	v57 =	vld [tilespmem:s0+$0x10900]  }
0x205: {  	v58 =	vld [tilespmem:s0+$0x10910]  }
0x206: {  	v59 =	vld [tilespmem:s0+$0x10920]  }
0x207: {  	v60 =	vld [tilespmem:s0+$0x10930]  }
0x208: {  	v61 =	vld [tilespmem:s0+$0x10980]  }
0x209: {  	v62 =	vld [tilespmem:s0+$0x10990]  }
0x20a: {  	v63 =	vld [tilespmem:s0+$0x109A0]  }
0x20b: {  	[tilespmem:s0+$0x29B0] =	vst.add.f32.msk $0xffff, v0  }
0x20c: {  	v0 =	vld [tilespmem:s0+$0x10280]  }
0x20d: {  	[tilespmem:s0+$0x2200] =	vst.add.f32.msk $0xffff, v1  }
0x20e: {  	[tilespmem:s0+$0x2210] =	vst.add.f32.msk $0xffff, v3  }
0x20f: {  	[tilespmem:s0+$0x2220] =	vst.add.f32.msk $0xffff, v4  }
0x210: {  	[tilespmem:s0+$0x2230] =	vst.add.f32.msk $0xffff, v5  }
0x211: {  	[tilespmem:s0+$0x2290] =	vst.add.f32.msk $0xffff, v6  }
0x212: {  	[tilespmem:s0+$0x22A0] =	vst.add.f32.msk $0xffff, v7  }
0x213: {  	[tilespmem:s0+$0x22B0] =	vst.add.f32.msk $0xffff, v8  }
0x214: {  	[tilespmem:s0+$0x2300] =	vst.add.f32.msk $0xffff, v9  }
0x215: {  	[tilespmem:s0+$0x2310] =	vst.add.f32.msk $0xffff, v10  }
0x216: {  	[tilespmem:s0+$0x2320] =	vst.add.f32.msk $0xffff, v11  }
0x217: {  	[tilespmem:s0+$0x2330] =	vst.add.f32.msk $0xffff, v12  }
0x218: {  	[tilespmem:s0+$0x2380] =	vst.add.f32.msk $0xffff, v13  }
0x219: {  	[tilespmem:s0+$0x2390] =	vst.add.f32.msk $0xffff, v14  }
0x21a: {  	[tilespmem:s0+$0x23A0] =	vst.add.f32.msk $0xffff, v15  }
0x21b: {  	[tilespmem:s0+$0x23B0] =	vst.add.f32.msk $0xffff, v16  }
0x21c: {  	[tilespmem:s0+$0x2400] =	vst.add.f32.msk $0xffff, v17  }
0x21d: {  	[tilespmem:s0+$0x2410] =	vst.add.f32.msk $0xffff, v18  }
0x21e: {  	[tilespmem:s0+$0x2420] =	vst.add.f32.msk $0xffff, v19  }
0x21f: {  	[tilespmem:s0+$0x2430] =	vst.add.f32.msk $0xffff, v20  }
0x220: {  	[tilespmem:s0+$0x2480] =	vst.add.f32.msk $0xffff, v21  }
0x221: {  	[tilespmem:s0+$0x2490] =	vst.add.f32.msk $0xffff, v22  }
0x222: {  	[tilespmem:s0+$0x24A0] =	vst.add.f32.msk $0xffff, v23  }
0x223: {  	[tilespmem:s0+$0x24B0] =	vst.add.f32.msk $0xffff, v24  }
0x224: {  	[tilespmem:s0+$0x2500] =	vst.add.f32.msk $0xffff, v25  }
0x225: {  	[tilespmem:s0+$0x2510] =	vst.add.f32.msk $0xffff, v26  }
0x226: {  	[tilespmem:s0+$0x2520] =	vst.add.f32.msk $0xffff, v27  }
0x227: {  	[tilespmem:s0+$0x2530] =	vst.add.f32.msk $0xffff, v28  }
0x228: {  	[tilespmem:s0+$0x2580] =	vst.add.f32.msk $0xffff, v29  }
0x229: {  	[tilespmem:s0+$0x2590] =	vst.add.f32.msk $0xffff, v30  }
0x22a: {  	[tilespmem:s0+$0x25A0] =	vst.add.f32.msk $0xffff, v31  }
0x22b: {  	[tilespmem:s0+$0x25B0] =	vst.add.f32.msk $0xffff, v32  }
0x22c: {  	[tilespmem:s0+$0x2600] =	vst.add.f32.msk $0xffff, v33  }
0x22d: {  	[tilespmem:s0+$0x2610] =	vst.add.f32.msk $0xffff, v34  }
0x22e: {  	[tilespmem:s0+$0x2620] =	vst.add.f32.msk $0xffff, v35  }
0x22f: {  	[tilespmem:s0+$0x2630] =	vst.add.f32.msk $0xffff, v36  }
0x230: {  	[tilespmem:s0+$0x2680] =	vst.add.f32.msk $0xffff, v37  }
0x231: {  	[tilespmem:s0+$0x2690] =	vst.add.f32.msk $0xffff, v38  }
0x232: {  	[tilespmem:s0+$0x26A0] =	vst.add.f32.msk $0xffff, v39  }
0x233: {  	[tilespmem:s0+$0x26B0] =	vst.add.f32.msk $0xffff, v40  }
0x234: {  	[tilespmem:s0+$0x2700] =	vst.add.f32.msk $0xffff, v41  }
0x235: {  	[tilespmem:s0+$0x2710] =	vst.add.f32.msk $0xffff, v42  }
0x236: {  	[tilespmem:s0+$0x2720] =	vst.add.f32.msk $0xffff, v43  }
0x237: {  	[tilespmem:s0+$0x2730] =	vst.add.f32.msk $0xffff, v44  }
0x238: {  	[tilespmem:s0+$0x2780] =	vst.add.f32.msk $0xffff, v45  }
0x239: {  	[tilespmem:s0+$0x2790] =	vst.add.f32.msk $0xffff, v46  }
0x23a: {  	[tilespmem:s0+$0x27A0] =	vst.add.f32.msk $0xffff, v47  }
0x23b: {  	[tilespmem:s0+$0x27B0] =	vst.add.f32.msk $0xffff, v48  }
0x23c: {  	[tilespmem:s0+$0x2800] =	vst.add.f32.msk $0xffff, v49  }
0x23d: {  	[tilespmem:s0+$0x2810] =	vst.add.f32.msk $0xffff, v50  }
0x23e: {  	[tilespmem:s0+$0x2820] =	vst.add.f32.msk $0xffff, v51  }
0x23f: {  	[tilespmem:s0+$0x2830] =	vst.add.f32.msk $0xffff, v52  }
0x240: {  	[tilespmem:s0+$0x2880] =	vst.add.f32.msk $0xffff, v53  }
0x241: {  	[tilespmem:s0+$0x2890] =	vst.add.f32.msk $0xffff, v54  }
0x242: {  	[tilespmem:s0+$0x28A0] =	vst.add.f32.msk $0xffff, v55  }
0x243: {  	[tilespmem:s0+$0x28B0] =	vst.add.f32.msk $0xffff, v56  }
0x244: {  	[tilespmem:s0+$0x2900] =	vst.add.f32.msk $0xffff, v57  }
0x245: {  	s4 =	sadd.s32 $0x1, s4;
	[tilespmem:s0+$0x2910] =	vst.add.f32.msk $0xffff, v58  }
0x246: {  	p0 =	sne.s32 s4, $0x9;
	[tilespmem:s0+$0x2920] =	vst.add.f32.msk $0xffff, v59  }
.Ltmp3:
0x247: {  	[tilespmem:s0+$0x2930] =	vst.add.f32.msk $0xffff, v60;
	(pc) =	sbr.rel @p0 .LBB2_8-.Ltmp3, $4  }
0x248: {  	[tilespmem:s0+$0x2980] =	vst.add.f32.msk $0xffff, v61  }
0x249: {  	[tilespmem:s0+$0x2990] =	vst.add.f32.msk $0xffff, v62  }
0x24a: {  	[tilespmem:s0+$0x29A0] =	vst.add.f32.msk $0xffff, v63  }
0x24b: {  	[tilespmem:s0+$0x2280] =	vst.add.f32.msk $0xffff, v0  }
0x24c: {  	s1 =	rddreg [dreg:$0x17]  }
0x24d: {  	s1 =	sadd.s32 $0x1, s1  }
0x24e: {  	p0 =	sne.s32 s1, $0x3  }
.Ltmp4:
0x24f: {  	v0 =	vlaneseq.u32;
	(pc) =	sbr.rel @p0 .LBB2_3-.Ltmp4, $4  }
0x250: {  	vm9 =	vmmov vm10;
	vm11 =	vcmask $0xF0C;
	vm12 =	vcmask $0x1714  }
0x251: {  	vm13 =	vcmask $0x1F1C;
	vm14 =	vcmask $0x2724;
	vm10 =	vcmask $0x2F2C  }
0x252: {  	vm3 =	vcmask $0x3734;
	vm4 =	vcmask $0x300;
	vm5 =	vcmask $0x2320  }
0x253: {  	vm6 =	vcmask $0x2B28;
	vm7 =	vcmask $0x3330;
	vm8 =	vcmask $0x3B38  }
0x254: {  	s0 =	rddreg [dreg:$0x10]  }
0x255: {  	s1 =	rddreg [dreg:$0x16];
	s28 =	simm.s32 $0x0  }
0x256: {  	s2 =	simm.s32 $0x2200;
	s29 =	simm.s32 $0x2;
	s0 =	sadd.s32 s0, s1  }
0x257: {  	[hbm4b:s0+s28] =	stream.linear.scatter [tilespmem:s2], [sflag:$0x2], $0xE000, $0x38;
	[tilespmem:$0x1E200] =	vst v63  }
0x258: {  	_ =	swait.ge [sflag:s29], $0xE000  }
0x259: {  	s30 =	rddreg [dreg:$0x15]  }
0x25a: {  	s1 =	sadd.s32 $0x1, s30  }
0x25b: {  	p0 =	sne.s32 s1, $0x7  }
.Ltmp5:
0x25c: {  	_ = 	snop;
	(pc) =	sbr.rel @p0 .LBB2_2-.Ltmp5, $4  }
0x25d: {  	_ = 	snop  }
0x25e: {  	s31 =	rddreg [dreg:$0x14]  }
0x25f: {  	[sflag:s29] =	ssyncset.done $0x0;
	s0 =	sadd.s32 $0x1C0, s31  }
0x260: {  	[sflag:s29] =	ssyncadd.s32 $0xFFFF2000;
	[dreg:$0x14] =	wrdreg s0  }
0x261: {  	s1 =	rddreg [dreg:$0x13]  }
0x262: {  	s0 =	rddreg [dreg:$0x12];
	s1 =	sadd.s32 $0x1, s1  }
0x263: {  	p0 =	sne.s32 s1, s0  }
.Ltmp6:
0x264: {  	_ = 	snop;
	(pc) =	sbr.rel @p0 .LBB2_1-.Ltmp6, $1  }
0x265: {  	_ =	sdelay $0x3  }
0x266: {  	_ =	sfence.sel $0x180000  }
0x267: {  	[bflag:$0x0] =	sbarrier.arrive $0xFFFF  }
0x268: {  	_ =	strace $0x90000050  }
0x269: {  	s0 =	stileid.u32;
	[bflag:$0x2] =	sbarrier.arrive $0xFFFF  }
0x26a: {  	p0 =	sne.s32 s0, $0x0;
	s0 =	rddreg [dreg:$0x1]  }
0x26b: {  	s0 =	sadd.s32 @!p0 $0x100000, s0  }
0x26c: {  	[sflag:s0] =	ssyncadd.tile.s32 @!p0 $0x1;
	_ =	shalt  }
.Lfunc_end2:
_tile_overlayer_lowered:
.L_overlay_start_2:
0x26d: {  	(tag) =	ssettag $0x2  }
0x26e: {  	s0 =	rddreg [dreg:$0x0];
	s2 =	stileid.u32  }
0x26f: {  	s1 =	rddreg [dreg:$0x1];
	p0 =	sne.s32 s2, $0x0  }
0x270: {  	s3 =	rddreg [dreg:$0x2];
	[bflag:$0x3] =	sbarrier.arrive $0xFFFF;
	s2 =	simm.s32 @!p0 $0x1C02  }
0x271: {  	[timem:s3], [sflag:s2] =	dma.local @!p0 [hbm:s0], s1  }
0x272: {  	s0 =	simm.s32 @!p0 $0x2  }
0x273: {  	_ =	swait.ge @!p0 [sflag:s0], s1  }
0x274: {  	s1 =	ssub.s32 @!p0 $0x0, s1;
	[sflag:s0] =	ssyncset.done @!p0 $0x0  }
0x275: {  	[sflag:s0] =	ssyncadd.s32 @!p0 s1  }
0x276: {  	[bflag:$0x3] =	sbarrier.arrive $0xFFFF  }
0x277: {  	_ =	shalt  }

// kernel: kernel.25.cloned.1.call-start
scs
__scs_entry_jumppad:
0x0: {  	(pc) =	sbr.rel $0x88, $3  }
0x1: {  	(tag) =	ssettag $0x0;
	lr =	simm.s32 $0x1  }
0x2: {  	[smem:$0x3F94] =	sst lr;
	_ =	strace $0xD0000000  }
0x3: {  	_ = 	snop  }
0x4: {  	_ = 	snop  }
0x5: {  	_ = 	snop  }
0x6: {  	_ = 	snop  }
0x7: {  	_ = 	snop  }
__scs_overlays_trampoline_lowered:
0x8: {  	[smem:$0x3FA3] =	sst s0  }
0x9: {  	[smem:$0x3FA4] =	sst s1  }
0xa: {  	[smem:$0x3FA5] =	sst s2  }
0xb: {  	[smem:$0x3FA6] =	sst s3  }
0xc: {  	[smem:$0x3FA7] =	sst s4  }
0xd: {  	[smem:$0x3FA8] =	sst s5  }
0xe: {  	[smem:$0x3FA9] =	sst s6  }
0xf: {  	[smem:$0x3FAA] =	sst s7  }
0x10: {  	[smem:$0x3FAB] =	sst s8  }
0x11: {  	[smem:$0x3FAC] =	sst s9;
	s0 =	simm.s32 @!p0 $0x0  }
0x12: {  	s1 =	sld [smem:$0x3F92];
	s0 =	simm.s32 @p0 $0x1  }
0x13: {  	[smem:$0x3FAD] =	sst s0;
	s0 =	simm.s32 @!p1 $0x0  }
0x14: {  	s2 =	sld [smem:$0x3F91];
	s0 =	simm.s32 @p1 $0x1  }
0x15: {  	[smem:$0x3FAE] =	sst s0;
	s0 =	simm.s32 @!p2 $0x0  }
0x16: {  	s3 =	sld [smem:$0x3FDB];
	s0 =	simm.s32 @p2 $0x1  }
0x17: {  	s4 =	simm.s32 $0x1BF5;
	[smem:$0x3FB0] =	sst s0  }
0x18: {  	s0 =	sld [smem:$0x3F93];
	_ =	swait.ge [sflag:s4], $0x0  }
0x19: {  	s7 =	sld [smem:$0x3F94]  }
0x1a: {  	s8 =	sadd.s32 $0xFFFFE003, lr  }
0x1b: {  	s9 =	sadd.s32 $0xFFFFFEF7, lr;
	s5 =	simm.s32 $0xFFFFFFFF;
	p2 =	slt.u32 s8, $0xFFFFF086  }
0x1c: {  	p1 =	slt.u32 s9, $0xF7A;
	s5 =	simm.s32 @!p2 $0x0  }
0x1d: {  	s5 =	simm.s32 @p1 $0x1;
	p0 =	seq.s32 s7, s2  }
0x1e: {  	s7 =	smul.u32 @!p0 $0xF7A, s2;
	p2 =	seq.s32 @!p0 s5, $0x0  }
0x1f: {  	s9 =	smul.u32 $0xF7A, s1;
	s8 =	simm.s32 @!p0 $0x1BF5;
	p2 =	por !p2, p0  }
0x20: {  	[sflag:s8] =	ssyncset.s32 @!p0 $0xFFFFF086;
	s6 =	sadd.s32 @!p0 s3, s7;
	s7 =	simm.s32 @!p0 $0x108  }
0x21: {  	s3 =	sadd.s32 s3, s9;
	s6 =	sadd.s32 @!p0 $0x88, s6;
	s7 =	simm.s32 @p2 $0x1082  }
0x22: {  	[simem:s7], [sflag:s8] =	dma.local @!p0 [hbm:s6], $0xF7A  }
0x23: {  	s9 =	sor.u32 $0xD0000000, s2;
	s6 =	simm.s32 $0x108;
	_ =	swait.ge @!p0 [sflag:s8], $0x0  }
0x24: {  	s3 =	sadd.s32 $0x88, s3;
	s6 =	simm.s32 @!p1 $0x1082;
	[sflag:s4] =	ssyncset.s32 $0xFFFFF086  }
0x25: {  	[simem:s6], [sflag:s4] =	dma.local [hbm:s3], $0xF7A  }
0x26: {  	[smem:$0x3F94] =	sst s1;
	(tag) =	ssettag s2;
	_ =	strace s9  }
0x27: {  	s1 =	sld [smem:$0x3FA4]  }
0x28: {  	s2 =	sld [smem:$0x3FA5]  }
0x29: {  	s4 =	sld [smem:$0x3FA7]  }
0x2a: {  	p0 =	seq.s32 s5, $0x0;
	s5 =	sld [smem:$0x3FA8]  }
0x2b: {  	s6 =	sld [smem:$0x3FA9]  }
0x2c: {  	s7 =	sld [smem:$0x3FAA]  }
0x2d: {  	s3 =	simm.s32 $0x108;
	s8 =	sld [smem:$0x3FAB]  }
0x2e: {  	s3 =	simm.s32 @!p0 $0x1082;
	s9 =	sld [smem:$0x3FAC]  }
0x2f: {  	lr =	sadd.s32 s0, s3;
	s0 =	sld [smem:$0x3FA3]  }
0x30: {  	s3 =	sld [smem:$0x3FA6]  }
0x31: {  	[smem:$0x3FAF] =	sst s10  }
0x32: {  	s10 =	sld [smem:$0x3FAD];
	_ =	sdelay $0x3  }
0x33: {  	p0 =	seq.s32 s10, $0x1;
	s10 =	sld [smem:$0x3FAF];
	_ =	sdelay $0x3  }
0x34: {  	[smem:$0x3FAF] =	sst s10  }
0x35: {  	s10 =	sld [smem:$0x3FAE];
	_ =	sdelay $0x3  }
0x36: {  	p1 =	seq.s32 s10, $0x1;
	s10 =	sld [smem:$0x3FAF];
	_ =	sdelay $0x3  }
0x37: {  	[smem:$0x3FAF] =	sst s10  }
0x38: {  	s10 =	sld [smem:$0x3FB0]  }
0x39: {  	_ = 	snop;
	(pc) =	sbr.ind lr, $3  }
0x3a: {  	_ = 	snop  }
0x3b: {  	_ = 	snop  }
0x3c: {  	p2 =	seq.s32 s10, $0x1;
	s10 =	sld [smem:$0x3FAF]  }
0x3d: {  	_ =	shalt  }
0x3e: {  	_ =	shalt  }
0x3f: {  	_ =	shalt  }
0x40: {  	_ =	shalt  }
0x41: {  	_ =	shalt  }
0x42: {  	_ =	shalt  }
0x43: {  	_ =	shalt  }
0x44: {  	_ =	shalt  }
0x45: {  	_ =	shalt  }
0x46: {  	_ =	shalt  }
0x47: {  	_ =	shalt  }
0x48: {  	_ =	shalt  }
0x49: {  	_ =	shalt  }
0x4a: {  	_ =	shalt  }
0x4b: {  	_ =	shalt  }
0x4c: {  	_ =	shalt  }
0x4d: {  	_ =	shalt  }
0x4e: {  	_ =	shalt  }
0x4f: {  	_ =	shalt  }
0x50: {  	_ =	shalt  }
0x51: {  	_ =	shalt  }
0x52: {  	_ =	shalt  }
0x53: {  	_ =	shalt  }
0x54: {  	_ =	shalt  }
0x55: {  	_ =	shalt  }
0x56: {  	_ =	shalt  }
0x57: {  	_ =	shalt  }
0x58: {  	_ =	shalt  }
0x59: {  	_ =	shalt  }
0x5a: {  	_ =	shalt  }
0x5b: {  	_ =	shalt  }
0x5c: {  	_ =	shalt  }
0x5d: {  	_ =	shalt  }
0x5e: {  	_ =	shalt  }
0x5f: {  	_ =	shalt  }
0x60: {  	_ =	shalt  }
0x61: {  	_ =	shalt  }
0x62: {  	_ =	shalt  }
0x63: {  	_ =	shalt  }
0x64: {  	_ =	shalt  }
0x65: {  	_ =	shalt  }
0x66: {  	_ =	shalt  }
0x67: {  	_ =	shalt  }
0x68: {  	_ =	shalt  }
0x69: {  	_ =	shalt  }
0x6a: {  	_ =	shalt  }
0x6b: {  	_ =	shalt  }
0x6c: {  	_ =	shalt  }
0x6d: {  	_ =	shalt  }
0x6e: {  	_ =	shalt  }
0x6f: {  	_ =	shalt  }
0x70: {  	_ =	shalt  }
0x71: {  	_ =	shalt  }
0x72: {  	_ =	shalt  }
0x73: {  	_ =	shalt  }
0x74: {  	_ =	shalt  }
0x75: {  	_ =	shalt  }
0x76: {  	_ =	shalt  }
0x77: {  	_ =	shalt  }
0x78: {  	_ =	shalt  }
0x79: {  	_ =	shalt  }
0x7a: {  	_ =	shalt  }
0x7b: {  	_ =	shalt  }
0x7c: {  	_ =	shalt  }
0x7d: {  	_ =	shalt  }
0x7e: {  	_ =	shalt  }
0x7f: {  	_ =	shalt  }
0x80: {  	_ =	shalt  }
0x81: {  	_ =	shalt  }
0x82: {  	_ =	shalt  }
0x83: {  	_ =	shalt  }
0x84: {  	_ =	shalt  }
0x85: {  	_ =	shalt  }
0x86: {  	_ =	shalt  }
0x87: {  	_ =	shalt  }
.Lfunc_end0:
.L_simem_size_0:
called_computation.4_lowered:
.L_overlay_start_0:
0x88: {  	s2 =	sld [smem:$0x3FD9]  }
0x89: {  	s3 =	sld [smem:$0x3FFE];
	_ =	sdelay $0x1  }
0x8a: {  	s1 =	srdreg.scid  }
0x8b: {  	s0 =	sand.u32 $0x1, s1  }
0x8c: {  	s16 =	sshll.u32 s0, $0xA;
	s2 =	sadd.s32 s3, s2  }
0x8d: {  	s2 =	sadd.s32 s2, s16  }
0x8e: {  	[smem:$0x3FBB] =	sst s2  }
0x8f: {  	_ = 	snop  }
0x90: {  	(tm) =	ssettm $0x1  }
0x91: {  	s17 =	sld [smem:$0x3FFB];
	_ =	sdelay $0x3  }
0x92: {  	_ =	strace s17  }
0x93: {  	s2 =	sld [smem:$0x3FFC];
	_ =	sdelay $0x3  }
0x94: {  	_ =	strace s2  }
0x95: {  	s2 =	sld [smem:$0x3FFD];
	_ =	sdelay $0x3  }
0x96: {  	_ =	strace s2  }
0x97: {  	_ =	strace $0x8FFFFFFF  }
0x98: {  	s18 =	sld [smem:$0x3FDB];
	_ =	sdelay $0x1  }
0x99: {  	s19 =	simm.s32 $_scs_section_size  }
0x9a: {  	s4 =	simm.s32 $_size__tile_overlayer_lowered;
	s5 =	simm.s32 $_tile_overlayer_lowered  }
0x9b: {  	s22 =	simm.s32 $0x1BFF;
	s21 =	sshll.u32 s5, $0x1;
	s2 =	sadd.s32 s19, s18  }
0x9c: {  	s6 =	simm.s32 $0x0;
	s20 =	sshll.u32 s4, $0x1;
	s4 =	sadd.s32 s21, s2  }
0x9d: {  	[timem:s6], [sflag:s22] =	dma.local [hbm:s4], s20  }
0x9e: {  	_ =	swait.ge [sflag:s22], s20  }
0x9f: {  	s3 =	ssub.s32 $0x0, s20;
	[sflag:s22] =	ssyncset.done $0x0  }
0xa0: {  	[sflag:s22] =	ssyncadd.s32 s3;
	_ =	sdelay $0x1  }
0xa1: {  	s23 =	simm.s32 $0x1B8B  }
0xa2: {  	_ =	swait.ge [sflag:s23], $0x1  }
0xa3: {  	[sflag:s23] =	ssyncset.done $0x0  }
0xa4: {  	s25 =	simm.s32 $0x1B8E;
	s24 =	sld [smem:$0x3FFE];
	[sflag:s23] =	ssyncadd.s32 $0xFFFFFFFF  }
0xa5: {  	s26 =	simm.s32 $execute0_lowered;
	[smem:$0x3FD2] =	sst s25  }
0xa6: {  	s4 =	sshll.u32 s26, $0x1;
	_ =	strace $0x80000052;
	[dreg:$0x1] =	wrdreg $0xFFFFFFFF  }
0xa7: {  	s28 =	simm.s32 $_size_execute0_lowered;
	s2 =	sadd.s32 s2, s4;
	[dreg:$0x0] =	wrdreg $0x0  }
0xa8: {  	s4 =	sshll.u32 s28, $0x1;
	[dreg:$0x2] =	wrdreg s2  }
0xa9: {  	[dreg:$0x3] =	wrdreg s4  }
0xaa: {  	[dreg:$0x4] =	wrdreg $0xC0  }
0xab: {  	_ =	task [dreg:s6], $0x5FFFF  }
0xac: {  	[dreg:$0x1] =	wrdreg $0xFFFFFFFF  }
0xad: {  	[dreg:$0x0] =	wrdreg $0x60  }
0xae: {  	[dreg:$0x2] =	wrdreg s24  }
0xaf: {  	[dreg:$0x3] =	wrdreg $0x9  }
0xb0: {  	_ =	task.clear_ibuf [dreg:s6], $0x4FFFF;
	_ =	strace $0x90000052  }
0xb1: {  	s29 =	simm.s32 $0x9;
	_ =	strace $0x80000054  }
0xb2: {  	_ =	swait.ge [sflag:s29], $0x1  }
0xb3: {  	[sflag:s29] =	ssyncadd.s32 $0xFFFFFFFF  }
0xb4: {  	_ =	strace $0x90000054  }
0xb5: {  	_ =	sfence  }
0xb6: {  	s30 =	sld [smem:$0x0];
	_ =	sdelay $0x2  }
0xb7: {  	s31 =	sshll.u32 s1, $0xD;
	s1 =	sshrl.u32 s1, $0x2  }
0xb8: {  	s3 =	sand.u32 $0x4000, s31;
	s1 =	sadd.s32 s1, s30  }
0xb9: {  	s0 =	sor.u32 s3, s0;
	s1 =	sshll.u32 s1, $0x11  }
0xba: {  	s0 =	sor.u32 s1, s0  }
0xbb: {  	s0 =	sadd.s32 $0x8F2B, s0  }
0xbc: {  	[sflag:s0] =	ssyncadd.remote.s32 $0x1  }
0xbd: {  	_ =	sfence.sel $0xFFFF  }
0xbe: {  	[dreg:$0x0] =	wrdreg $0xFFFFFFFF;
	(pc) =	sbr.abs _section_cstart, $3  }
0xbf: {  	[dreg:$0x1] =	wrdreg $0xFFFFFFFF  }
0xc0: {  	_ =	task.clear_ibuf [dreg:s6], $0x2FFFF;
	_ =	strace $0x9FFFFFFF  }
0xc1: {  	(tm) =	ssettm $0x7FFFFFFF  }
tec
execute0_lowered:
.L_overlay_start_1:
0x0: {  	(tag) =	ssettag $0x1  }
0x1: {  	s0 =	rddreg [dreg:$0x0]  }
0x2: {  	s1 =	simm.s32 $0x0;
	s26 =	srdreg.scid;
	s2 =	stileid.u32  }
0x3: {  	[smem:$0x7FF] =	sst s1;
	s25 =	sadd.s32 $0x245C00, s0;
	s3 =	sadd.s32 $0xE000, s0  }
0x4: {  	s1 =	sand.u32 $0x1, s26;
	s2 =	sshll.u32 s2, $0x1;
	s5 =	sadd.s32 $0x557800, s0  }
0x5: {  	v1 =	vimm.s32 $0xECA86420;
	v0 =	vlaneseq.u32;
	s29 =	sadd.s32 $0x3CF800, s0;
	_ =	strace $0x80000053;
	[dreg:$0xc] =	wrdreg s25  }
0x6: {  	vm0 =	vcmask $0xB08;
	vm1 =	vcmask $0x1310;
	v1 =	vunpack.c.l.s4.s8 v1;
	[dreg:$0xd] =	wrdreg s3;
	s28 =	ssub.s32 $0x2, s1;
	s1 =	sor.u32 s1, s2  }
0x7: {  	vm2 =	vcmask $0x1B18;
	vm4 =	vcmask $0x300;
	vm5 =	vcmask $0x2320;
	s0 =	sadd.s32 $0x305F800, s0;
	[dreg:$0xf] =	wrdreg s29;
	s4 =	smul.u32 $0x8B, s1  }
0x8: {  	vm6 =	vcmask $0x2B28;
	vm7 =	vcmask $0x3330;
	[dreg:$0x10] =	wrdreg s0;
	v1 =	vunpack.c.0.s8.s32 v1;
	s1 =	smul.u32 $0xC40, s1  }
0x9: {  	vm8 =	vcmask $0x3B38;
	vm3 =	vmmov $0xff;
	vm9 =	vcmask $0x704;
	[dreg:$0xe] =	wrdreg s5;
	s30 =	sshrl.u32 s28, $0x1  }
0xa: {  	vm11 =	vcmask $0xF0C;
	vm12 =	vcmask $0x1714;
	s31 =	ssub.s32 s28, s30;
	[tilespmem:$0x1FFE0] =	vst v1;
	[dreg:$0x11] =	wrdreg s1;
	v1 =	vimm.s32 $0x0  }
0xb: {  	vm13 =	vcmask $0x1F1C;
	vm14 =	vcmask $0x2724;
	[dreg:$0x2] =	wrdreg s4;
	s0 =	smax.u32 s31, $0x1;
	v1 =	vsel vm3, $0xFFFFFFFF, v1  }
0xc: {  	s13 =	simm.s32 $0x1;
	vm10 =	vcmask $0x2F2C;
	v2 =	vmul.u32 $0x2, v0;
	s1 =	simm.s32 $0x0;
	[dreg:$0x12] =	wrdreg s0;
	vm3 =	vcmask $0x3734;
	[tilespmem:$0x1FFF0] =	vst v1  }
.LBB2_1:
0xd: {  	[dreg:$0x13] =	wrdreg s1;
	s0 =	simm.s32 $0x0  }
0xe: {  	s1 =	simm.s32 $0x0;
	[dreg:$0x14] =	wrdreg s0  }
.LBB2_2:
0xf: {  	s0 =	smul.u32 $0x1C0, s1  }
0x10: {  	s28 =	rddreg [dreg:$0x11]  }
0x11: {  	[dreg:$0x15] =	wrdreg s1;
	s0 =	sadd.s32 s28, s0  }
0x12: {  	s2 =	rddreg [dreg:$0xc];
	s1 =	sshrl.u32 s0, $0x3  }
0x13: {  	s3 =	simm.s32 $0x2;
	s29 =	simm.s32 $0x0;
	s1 =	sadd.s32 s2, s1  }
0x14: {  	[tilespmem:s29], [sflag:$0x2] =	stream.linear.gather [hbm4b:s1+s29], $0x1C0, $0x38;
	[tilespmem:$0x1E200] =	vst v63  }
0x15: {  	s4 =	simm.s32 $0x2200;
	_ =	swait.ge [sflag:s3], $0x1C0  }
0x16: {  	s30 =	sshll.u32 s0, $0x4;
	[sflag:s3] =	ssyncset.done $0x0;
	s31 =	rddreg [dreg:$0xf]  }
0x17: {  	[dreg:$0x16] =	wrdreg s30;
	[sflag:s3] =	ssyncadd.s32 $0xFFFFFE40;
	s0 =	sadd.s32 s31, s30  }
0x18: {  	[tilespmem:s4], [sflag:$0x2] =	stream.linear.gather [hbm4b:s0+s29], $0xE000, $0x38;
	[tilespmem:$0x1E200] =	vst v63  }
0x19: {  	_ =	swait.ge [sflag:s3], $0xE000  }
0x1a: {  	[sflag:s3] =	ssyncset.done $0x0  }
0x1b: {  	s1 =	simm.s32 $0x0;
	[sflag:s3] =	ssyncadd.s32 $0xFFFF2000  }
.LBB2_3:
0x1c: {  	s0 =	simm.s32 $0x0  }
0x1d: {  	s0 =	sand.u32 $0xFC, s0  }
0x1e: {  	s0 =	sshrl.u32 s0, $0x2  }
0x1f: {  	s0 =	smul.u32 $0x25, s0  }
0x20: {  	s23 =	smul.u32 $0x9, s1  }
0x21: {  	s22 =	simm.s32 $0x1;
	s0 =	sshrl.u32 s0, $0x8  }
0x22: {  	[dreg:$0x17] =	wrdreg s1;
	s1 =	sand.u32 $0xFC, s22;
	s2 =	sadd.s32 s0, s23  }
0x23: {  	s1 =	sshrl.u32 s1, $0x2;
	s3 =	smulhi.u32 $0xAAAAAAAB, s2  }
0x24: {  	s1 =	smul.u32 $0x25, s1  }
0x25: {  	s0 =	smul.u32 $0x1C, s0;
	s3 =	sshrl.u32 s3, $0x1  }
0x26: {  	s4 =	smulhi.u32 $0x55555556, s3  }
0x27: {  	s6 =	ssub.s32 $0x0, s0;
	s5 =	smul.u32 $0x3, s3  }
0x28: {  	s1 =	sshrl.u32 s1, $0x8;
	s6 =	sand.u32 $0xFF, s6;
	s4 =	smul.u32 $0x3, s4  }
0x29: {  	s7 =	smulhi.u32 $0x38E38E39, s2;
	s24 =	sshll.u32 s6, $0x4;
	s2 =	ssub.s32 s2, s5  }
0x2a: {  	s0 =	simm.s32 $0x2;
	v3 =	vld [tilespmem:s24+$0x0];
	s25 =	smul.u32 $0x1104, s2;
	s3 =	ssub.s32 s3, s4  }
0x2b: {  	s26 =	sshrl.u32 s7, $0x1;
	s2 =	sadd.s32 s1, s23;
	s3 =	smul.u32 $0x42, s3  }
0x2c: {  	s28 =	sand.u32 $0xFC, s0;
	s30 =	smulhi.u32 $0xAAAAAAAB, s2;
	s4 =	sadd.s32 s25, s26  }
0x2d: {  	s31 =	smul.u32 $0x1C, s1;
	s29 =	sshrl.u32 s28, $0x2;
	s4 =	sadd.s32 s3, s4  }
0x2e: {  	s5 =	sshrl.u32 s30, $0x1;
	s3 =	smul.u32 $0x25, s29;
	s4 =	sadd.s32 $0xFFFFEEB9, s4  }
0x2f: {  	s1 =	simm.s32 $0x200;
	s6 =	smulhi.u32 $0x55555556, s5;
	v3 =	vadd.s32 s4, v3  }
0x30: {  	s8 =	ssub.s32 $0x1, s31;
	s7 =	smul.u32 $0x3, s5;
	s4 =	simm.s32 $0x3;
	[tilespmem:s1+$0x0] =	vst v3  }
.LBB2_4:
0x31: {  	s6 =	smul.u32 $0x3, s6  }
0x32: {  	p0 =	sne.s32 s4, $0xFB;
	s8 =	sand.u32 $0xFF, s8;
	s7 =	ssub.s32 s2, s7  }
0x33: {  	s2 =	smulhi.u32 $0x38E38E39, s2;
	s8 =	sshll.u32 s8, $0x4;
	s5 =	ssub.s32 s5, s6  }
0x34: {  	s6 =	smul.u32 $0x1104, s7;
	v3 =	vld [tilespmem:s8+$0x0];
	s7 =	smov.u32 s0;
	s8 =	sshrl.u32 s3, $0x8  }
0x35: {  	s0 =	sshrl.u32 s2, $0x1;
	s3 =	smul.u32 $0x42, s5;
	s2 =	sadd.s32 s8, s23  }
0x36: {  	s5 =	sand.u32 $0xFC, s4;
	s0 =	sadd.s32 s6, s0;
	s6 =	smulhi.u32 $0xAAAAAAAB, s2  }
.Ltmp0:
0x37: {  	s5 =	sshrl.u32 s5, $0x2;
	s0 =	sadd.s32 s3, s0;
	(pc) =	sbr.rel @p0 .LBB2_4-.Ltmp0, $4  }
0x38: {  	s3 =	smul.u32 $0x25, s5;
	s9 =	sadd.s32 $0xFFFFEEB9, s0;
	s0 =	smov.u32 s4  }
0x39: {  	s1 =	sadd.s32 $0x10, s1;
	s8 =	smul.u32 $0x1C, s8;
	s5 =	sshrl.u32 s6, $0x1;
	v3 =	vadd.s32 s9, v3  }
0x3a: {  	s6 =	smulhi.u32 $0x55555556, s5;
	[tilespmem:s1+$0x0] =	vst v3  }
0x3b: {  	s8 =	ssub.s32 s7, s8;
	s4 =	sadd.s32 $0x1, s4;
	s7 =	smul.u32 $0x3, s5  }
0x3c: {  	s4 =	sand.u32 $0xFF, s8;
	s6 =	smul.u32 $0x3, s6  }
0x3d: {  	s22 =	smulhi.u32 $0x38E38E39, s2;
	s3 =	sshrl.u32 s3, $0x8;
	s7 =	ssub.s32 s2, s7  }
0x3e: {  	s4 =	sshll.u32 s4, $0x4;
	s24 =	sadd.s32 s3, s23;
	s7 =	smul.u32 $0x1104, s7  }
0x3f: {  	s5 =	ssub.s32 s5, s6;
	v3 =	vld [tilespmem:s4+$0x0];
	s25 =	smulhi.u32 $0xAAAAAAAB, s24  }
0x40: {  	s2 =	sshrl.u32 s22, $0x1;
	s5 =	smul.u32 $0x42, s5  }
0x41: {  	s3 =	smul.u32 $0x1C, s3;
	s2 =	sadd.s32 s7, s2;
	s4 =	sshrl.u32 s25, $0x1  }
0x42: {  	s2 =	sadd.s32 s5, s2;
	s26 =	smulhi.u32 $0x55555556, s4  }
0x43: {  	s0 =	ssub.s32 s0, s3;
	s28 =	smul.u32 $0x3, s4;
	s2 =	sadd.s32 $0xFFFFEEB9, s2  }
0x44: {  	s1 =	sadd.s32 $0x10, s1;
	s0 =	sand.u32 $0xFF, s0;
	v3 =	vadd.s32 s2, v3;
	s29 =	smul.u32 $0x3, s26  }
0x45: {  	s30 =	smulhi.u32 $0x38E38E39, s24;
	s0 =	sshll.u32 s0, $0x4;
	s3 =	ssub.s32 s24, s28;
	[tilespmem:s1+$0x0] =	vst v3  }
0x46: {  	s3 =	smul.u32 $0x1104, s3;
	s2 =	ssub.s32 s4, s29;
	v3 =	vld [tilespmem:s0+$0x0]  }
0x47: {  	s4 =	sshrl.u32 s30, $0x1;
	s2 =	smul.u32 $0x42, s2  }
0x48: {  	s0 =	sadd.s32 s3, s4  }
0x49: {  	s5 =	simm.s32 $0x0;
	s0 =	sadd.s32 s2, s0  }
0x4a: {  	s8 =	simm.s32 $0x200;
	s2 =	sand.u32 $0xFC, s5;
	s0 =	sadd.s32 $0xFFFFEEB9, s0  }
0x4b: {  	s31 =	simm.s32 $0x1200;
	s6 =	sadd.s32 $0x10, s1;
	s7 =	sshrl.u32 s2, $0x2;
	v3 =	vadd.s32 s0, v3  }
0x4c: {  	s10 =	rddreg [dreg:$0xd];
	s11 =	simm.s32 $0xFC0;
	s9 =	smul.u32 $0x25, s7;
	[tilespmem:s6+$0x0] =	vst v3  }
0x4d: {  	[tilespmem:s31], [sflag:$0x1] =	stream.indirect.gather [hbm4b:s10+s11], $0x1, s8, s11, $0xb8;
	[tilespmem:$0x1E200] =	vst v63  }
0x4e: {  	s12 =	simm.s32 $0x200;
	s0 =	sshrl.u32 s9, $0x8  }
0x4f: {  	[dreg:$0x4] =	wrdreg s12;
	s24 =	sadd.s32 s0, s23  }
0x50: {  	_ =	swait.ge [sflag:s13], $0xFC0;
	s15 =	smul.u32 $0x3D1, s24  }
0x51: {  	s14 =	rddreg [dreg:$0x2]  }
0x52: {  	s1 =	sadd.s32 s14, s15  }
0x53: {  	s22 =	rddreg [dreg:$0x14];
	v3 =	vmov s1  }
0x54: {  	v3 =	vadd.s32 s22, v3  }
0x55: {  	v3 =	vbroadcast v3, $0x0;
	_ =	sdelay $0x1  }
0x56: {  	v3 =	vadd.s32 v0, v3  }
0x57: {  	(v2sf) =	vpush v3, $0xE  }
0x58: {  	(v2sf) =	vpush v3, $0x0  }
0x59: {  	(v2sf) =	vpush v3, $0x7  }
0x5a: {  	(v2sf) =	vpush v3, $0x1  }
0x5b: {  	(v2sf) =	vpush v3, $0x2  }
0x5c: {  	(v2sf) =	vpush v3, $0x3  }
0x5d: {  	(v2sf) =	vpush v3, $0xF  }
0x5e: {  	(v2sf) =	vpush v3, $0x4  }
0x5f: {  	s16 =	simm.s32 $0x1;
	(v2sf) =	vpush v3, $0x6  }
0x60: {  	s1 =	sand.u32 $0xFC, s16;
	(v2sf) =	vpush v3, $0xC  }
0x61: {  	s1 =	sshrl.u32 s1, $0x2  }
0x62: {  	s1 =	smul.u32 $0x25, s1;
	_ =	sdelay $0x1  }
0x63: {  	s1 =	sshrl.u32 s1, $0x8  }
0x64: {  	[dreg:$0x9] =	wrdreg s23;
	s29 =	sadd.s32 s1, s23  }
0x65: {  	s0 =	smul.u32 $0x3D1, s29;
	s17 =	spop (v2sf)  }
0x66: {  	(v2sf) =	vpush v3, $0x8;
	s18 =	spop (v2sf);
	s4 =	smulhi.u32 $0x75DED953, s17;
	s2 =	sshra.s32 s17, $0x1F  }
0x67: {  	(v2sf) =	vpush v3, $0x9;
	s19 =	spop (v2sf);
	s2 =	smul.u32 $0x75DED953, s2  }
0x68: {  	(v2sf) =	vpush v3, $0xB;
	s15 =	smulhi.u32 $0x75DED953, s18;
	s20 =	spop (v2sf)  }
0x69: {  	s21 =	sshra.s32 s18, $0x1F;
	s8 =	smulhi.u32 $0x75DED953, s19;
	s10 =	spop (v2sf)  }
0x6a: {  	s5 =	sshra.s32 s19, $0x1F;
	s7 =	smul.u32 $0x75DED953, s21;
	s11 =	spop (v2sf);
	(v2sf) =	vpush v3, $0xD  }
0x6b: {  	s5 =	smul.u32 $0x75DED953, s5;
	s9 =	spop (v2sf)  }
0x6c: {  	s12 =	smulhi.u32 $0x75DED953, s20;
	s14 =	spop (v2sf)  }
0x6d: {  	s25 =	sshra.s32 s20, $0x1F;
	s6 =	smulhi.u32 $0x75DED953, s10;
	s18 =	spop (v2sf);
	(v2sf) =	vpush v3, $0x5  }
0x6e: {  	s10 =	sshra.s32 s10, $0x1F;
	s16 =	smul.u32 $0x75DED953, s25;
	s19 =	spop (v2sf);
	(v2sf) =	vpush v3, $0xA  }
0x6f: {  	s30 =	rddreg [dreg:$0x2];
	[sflag:s13] =	ssyncset.done $0x0;
	s10 =	smul.u32 $0x75DED953, s10  }
0x70: {  	[sflag:s13] =	ssyncadd.s32 $0xFFFFF040;
	s26 =	sshra.s32 s11, $0x1F;
	s11 =	smulhi.u32 $0x75DED953, s11  }
0x71: {  	s13 =	simm.s32 $0x210;
	[dreg:$0x3] =	wrdreg s29;
	s25 =	smul.u32 $0x75DED953, s26  }
0x72: {  	s0 =	sadd.s32 s30, s0;
	s30 =	sadd.s32 s2, s4;
	s4 =	smulhi.u32 $0x75DED953, s14  }
0x73: {  	s3 =	sadd.s32 s5, s8;
	s8 =	sshra.s32 s14, $0x1F;
	s29 =	smulhi.u32 $0x75DED953, s18  }
0x74: {  	[dreg:$0x5] =	wrdreg s13;
	s5 =	sadd.s32 s16, s12;
	s12 =	smul.u32 $0x75DED953, s8  }
0x75: {  	s20 =	spop (v2sf);
	s14 =	smulhi.u32 $0x75DED953, s19;
	s19 =	sshra.s32 s19, $0x1F  }
0x76: {  	s21 =	spop (v2sf);
	s19 =	smul.u32 $0x75DED953, s19  }
0x77: {  	s15 =	sadd.s32 s7, s15;
	s17 =	spop (v2sf);
	s8 =	smulhi.u32 $0x75DED953, s21  }
0x78: {  	s18 =	sshra.s32 s18, $0x1F;
	s26 =	smulhi.u32 $0x75DED953, s17;
	s28 =	sshra.s32 s17, $0x1F  }
0x79: {  	s17 =	sadd.s32 s10, s6;
	s28 =	smul.u32 $0x75DED953, s28;
	s16 =	spop (v2sf)  }
0x7a: {  	s10 =	sadd.s32 s25, s11;
	s25 =	sshra.s32 s16, $0x1F;
	s11 =	smulhi.u32 $0x75DED953, s16  }
0x7b: {  	s1 =	sshra.s32 s21, $0x1F;
	s13 =	sshra.s32 s17, $0xB;
	s6 =	smul.u32 $0x75DED953, s25  }
0x7c: {  	s2 =	sadd.s32 s28, s26;
	s25 =	smul.u32 $0x75DED953, s1;
	s21 =	spop (v2sf)  }
0x7d: {  	s28 =	smulhi.u32 $0x75DED953, s20;
	s20 =	sshra.s32 s20, $0x1F;
	s26 =	spop (v2sf)  }
0x7e: {  	s6 =	sadd.s32 s6, s11;
	s11 =	sadd.s32 s25, s8;
	s25 =	smul.u32 $0x75DED953, s20  }
0x7f: {  	s16 =	sadd.s32 s12, s4;
	s12 =	sshra.s32 s3, $0x1F;
	s1 =	smulhi.u32 $0x75DED953, s26  }
0x80: {  	v5 =	vmov s12;
	s12 =	sadd.s32 s19, s14;
	s7 =	sshra.s32 s26, $0x1F;
	s26 =	smul.u32 $0x75DED953, s18  }
0x81: {  	s19 =	sshra.s32 s15, $0xB;
	s20 =	simm.s32 $0x2;
	s7 =	smul.u32 $0x75DED953, s7  }
0x82: {  	v5 =	vsel vm4, s19, v5;
	s19 =	sshra.s32 s6, $0xB;
	s6 =	sshrl.u32 s6, $0x1F;
	s8 =	sadd.s32 s25, s28  }
0x83: {  	v4 =	vmov s0;
	s25 =	sshra.s32 s15, $0x1F;
	s18 =	sadd.s32 s7, s1;
	s7 =	sadd.s32 $0x10, s22  }
0x84: {  	s28 =	sshra.s32 s5, $0xB;
	s15 =	sshrl.u32 s15, $0x1F;
	s4 =	sadd.s32 s26, s29;
	v4 =	vadd.s32 s7, v4  }
0x85: {  	s26 =	smulhi.u32 $0x75DED953, s9;
	s9 =	sshra.s32 s9, $0x1F;
	s29 =	sshra.s32 s5, $0x1F;
	v4 =	vbroadcast v4, $0x0  }
0x86: {  	v5 =	vsel vm9, s25, v5;
	s5 =	sshrl.u32 s5, $0x1F;
	s25 =	sshrl.u32 s17, $0x1F;
	s1 =	smulhi.u32 $0x75DED953, s21  }
0x87: {  	s21 =	sshra.s32 s21, $0x1F;
	s22 =	simm.s32 $0x1210;
	s9 =	smul.u32 $0x75DED953, s9;
	v4 =	vadd.s32 v0, v4  }
0x88: {  	v6 =	vmov s15;
	v5 =	vsel vm0, s28, v5;
	s28 =	sshra.s32 s10, $0x1F;
	s21 =	smul.u32 $0x75DED953, s21;
	[dreg:$0x6] =	wrdreg s22;
	(v2sf) =	vpush v4, $0xE  }
0x89: {  	v6 =	vnsel vm4, $0x0, v6;
	v5 =	vsel vm11, s29, v5;
	s22 =	sshra.s32 s10, $0xB;
	s29 =	sshrl.u32 s16, $0x1F;
	s15 =	sadd.s32 s9, s26;
	(v2sf) =	vpush v4, $0x0  }
0x8a: {  	v6 =	vsel vm0, s5, v6;
	v5 =	vsel vm1, s13, v5;
	s26 =	sshrl.u32 s10, $0x1F;
	s14 =	sadd.s32 s21, s1;
	s1 =	sshra.s32 s17, $0x1F;
	(v2sf) =	vpush v4, $0x7  }
0x8b: {  	s10 =	simm.s32 $0x3;
	v6 =	vsel vm1, s25, v6;
	s13 =	sshra.s32 s16, $0x1F;
	s9 =	sadd.s32 $0x10, s7;
	v5 =	vsel vm12, s1, v5  }
0x8c: {  	s21 =	sshra.s32 s11, $0xB;
	v6 =	vsel vm2, s26, v6;
	s17 =	sshrl.u32 s30, $0x1F;
	s26 =	sshrl.u32 s12, $0x1F;
	v5 =	vsel vm2, s22, v5  }
0x8d: {  	s1 =	sshra.s32 s16, $0xB;
	v6 =	vsel vm5, s29, v6;
	v7 =	vmov s26;
	s29 =	sshrl.u32 s11, $0x1F;
	s11 =	sshrl.u32 s14, $0x1F;
	v5 =	vsel vm13, s28, v5  }
0x8e: {  	s7 =	sshrl.u32 s15, $0x1F;
	s16 =	sshra.s32 s14, $0xB;
	s26 =	sshrl.u32 s4, $0x1F;
	v6 =	vsel vm6, s11, v6;
	v7 =	vsel vm0, s6, v7;
	v5 =	vsel vm5, s1, v5  }
0x8f: {  	s22 =	sand.u32 $0xFC, s20;
	s20 =	sshra.s32 s4, $0xB;
	s4 =	sshra.s32 s4, $0x1F;
	v6 =	vsel vm7, s26, v6;
	v5 =	vsel vm14, s13, v5;
	(v2sf) =	vpush v4, $0x1  }
0x90: {  	s25 =	sshrl.u32 s22, $0x2;
	s28 =	sshrl.u32 s8, $0x1F;
	v11 =	vsel vm1, s17, v7;
	s1 =	sshra.s32 s14, $0x1F;
	v5 =	vsel vm6, s16, v5;
	(v2sf) =	vpush v4, $0x2  }
0x91: {  	s26 =	simm.s32 $0x1220;
	v8 =	vmov s28;
	s22 =	smul.u32 $0x25, s25;
	s28 =	sshra.s32 s8, $0xB;
	(v2sf) =	vpush v4, $0x3;
	v5 =	vsel vm10, s1, v5  }
0x92: {  	s25 =	sshrl.u32 s18, $0x1F;
	s14 =	sshra.s32 s12, $0xB;
	[dreg:$0x8] =	wrdreg s26;
	v9 =	vmov s28;
	(v2sf) =	vpush v4, $0xF;
	v5 =	vsel vm7, s20, v5  }
0x93: {  	s13 =	sshrl.u32 s2, $0x1F;
	v9 =	vsel vm0, s21, v9;
	s21 =	sshra.s32 s30, $0xB;
	s30 =	sshra.s32 s3, $0xB;
	(v2sf) =	vpush v4, $0x4;
	v5 =	vsel vm3, s4, v5  }
0x94: {  	v8 =	vsel vm0, s29, v8;
	s29 =	sshrl.u32 s3, $0x1F;
	s16 =	sshra.s32 s2, $0xB;
	s0 =	sshrl.u32 s22, $0x8;
	(v2sf) =	vpush v4, $0x6;
	v7 =	vsel vm8, s30, v5;
	v5 =	vld [tilespmem:$0x1FFF0]  }
0x95: {  	vm15 =	vmmov vm14;
	v10 =	vmov s14;
	s2 =	smul.u32 $0x19800, s24;
	s22 =	sshra.s32 s18, $0xB;
	s0 =	sadd.s32 s0, s23;
	(v2sf) =	vpush v4, $0xC  }
0x96: {  	v8 =	vsel vm1, s25, v8;
	v10 =	vsel vm0, s19, v10;
	s25 =	rddreg [dreg:$0x2];
	s20 =	simm.s32 $0x220;
	s28 =	smul.u32 $0x3D1, s0;
	(v2sf) =	vpush v4, $0x8  }
0x97: {  	s24 =	sshra.s32 s15, $0xB;
	v6 =	vsel vm8, s29, v6;
	v10 =	vsel vm1, s21, v10;
	[dreg:$0x7] =	wrdreg s20;
	(v2sf) =	vpush v4, $0x9;
	s29 =	spop (v2sf)  }
0x98: {  	v9 =	vsel vm1, s22, v9;
	v8 =	vsel vm2, s13, v8;
	s8 =	sadd.s32 s25, s28;
	(v2sf) =	vpush v4, $0xB;
	s4 =	smulhi.u32 $0x75DED953, s29;
	s11 =	spop (v2sf)  }
0x99: {  	v1 =	vld [tilespmem:$0x1FFE0];
	v10 =	vsel vm2, s24, v10;
	vm14 =	vnez.u8 v5;
	s3 =	sshra.s32 s29, $0x1F;
	(v2sf) =	vpush v4, $0xD;
	s5 =	sshra.s32 s11, $0x1F;
	s6 =	spop (v2sf)  }
.LBB2_6:
0x9a: {  	s12 =	smul.u32 $0x75DED953, s3;
	v9 =	vsel vm2, s16, v9;
	s16 =	smov.u32 s10;
	s1 =	sadd.s32 $0x1, s10  }
0x9b: {  	s22 =	rddreg [dreg:$0x3];
	s24 =	smov.u32 s0;
	s17 =	smulhi.u32 $0x75DED953, s6  }
0x9c: {  	s25 =	sshra.s32 s6, $0x1F;
	s26 =	smul.u32 $0x75DED953, s5;
	[dreg:$0xa] =	wrdreg s1  }
0x9d: {  	s11 =	smulhi.u32 $0x75DED953, s11;
	p0 =	sne.s32 s10, $0xFB;
	[dreg:$0x3] =	wrdreg s24  }
0x9e: {  	s23 =	smov.u32 s22;
	s6 =	smul.u32 $0x75DED953, s25;
	s14 =	spop (v2sf)  }
0x9f: {  	v5 =	vsel vm2, s7, v11;
	s15 =	sshra.s32 s14, $0x1F;
	s28 =	spop (v2sf);
	s14 =	smulhi.u32 $0x75DED953, s14  }
0xa0: {  	v9 =	vcombine.low v9, v10;
	v5 =	vcombine.low v8, v5;
	[dreg:$0xb] =	wrdreg s23;
	s3 =	sadd.s32 s12, s4;
	s13 =	smulhi.u32 $0x75DED953, s28  }
0xa1: {  	v6 =	vperm.xlane v6, v2;
	v7 =	vperm.xlane v7, v2;
	s22 =	sadd.s32 s26, s11;
	s18 =	sshra.s32 s28, $0x1F;
	s15 =	smul.u32 $0x75DED953, s15  }
0xa2: {  	v8 =	vperm.xlane v9, v1;
	v5 =	vperm.xlane v5, v1;
	s6 =	sadd.s32 s6, s17;
	s12 =	spop (v2sf);
	s18 =	smul.u32 $0x75DED953, s18  }
0xa3: {  	s19 =	sshra.s32 s12, $0x1F;
	s20 =	spop (v2sf);
	s12 =	smulhi.u32 $0x75DED953, s12  }
0xa4: {  	v10 =	vld [tilespmem:s31+$0x0];
	s0 =	sshrl.u32 s22, $0x1F;
	s23 =	sshra.s32 s22, $0x1F;
	v5 =	vsel vm14, v6, v5;
	v6 =	vsel vm14, v7, v8;
	s7 =	smulhi.u32 $0x75DED953, s20  }
0xa5: {  	s1 =	sshra.s32 s22, $0xB;
	v5 =	vadd.s32 v5, v6;
	s21 =	spop (v2sf);
	s19 =	smul.u32 $0x75DED953, s19  }
0xa6: {  	v5 =	vmul.u32 $0x1160, v5;
	s31 =	spop (v2sf);
	s30 =	sshra.s32 s21, $0x1F;
	s21 =	smulhi.u32 $0x75DED953, s21  }
0xa7: {  	s17 =	sshra.s32 s6, $0x1F;
	s29 =	spop (v2sf);
	s4 =	smulhi.u32 $0x75DED953, s31  }
0xa8: {  	vm10 =	vmmov vm9;
	v6 =	vmov s17;
	s14 =	sadd.s32 s15, s14;
	v5 =	vsub.s32 v3, v5;
	s30 =	smul.u32 $0x75DED953, s30;
	s17 =	spop (v2sf)  }
0xa9: {  	(v2sf) =	vpush v4, $0x5;
	vm9 =	vlt.s32 v10, $0x186A0;
	v5 =	vadd.s32 $0x186A0, v5;
	s5 =	smulhi.u32 $0x75DED953, s29;
	s10 =	sshra.s32 s29, $0x1F;
	s29 =	rddreg [dreg:$0x4]  }
0xaa: {  	v5 =	vsel vm9, v10, v5;
	s24 =	spop (v2sf);
	s11 =	sshra.s32 s17, $0x1F;
	s17 =	smulhi.u32 $0x75DED953, s17  }
0xab: {  	v5 =	vadd.s32 s2, v5;
	s2 =	sshra.s32 s20, $0x1F;
	s22 =	sshra.s32 s24, $0x1F;
	s24 =	smulhi.u32 $0x75DED953, s24  }
0xac: {  	v6 =	vsel vm4, s1, v6;
	s15 =	sshra.s32 s14, $0xB;
	s25 =	spop (v2sf);
	s2 =	smul.u32 $0x75DED953, s2  }
0xad: {  	v7 =	vmov s0;
	s13 =	sadd.s32 s18, s13;
	s0 =	sshra.s32 s31, $0x1F;
	[tilespmem:s29+$0x0] =	vst v5;
	v5 =	vsel vm10, s23, v6;
	s23 =	smulhi.u32 $0x75DED953, s25  }
0xae: {  	(v2sf) =	vpush v4, $0xA;
	s19 =	sadd.s32 s19, s12;
	s20 =	sshra.s32 s14, $0x1F;
	v5 =	vsel vm0, s15, v5;
	s15 =	smul.u32 $0x75DED953, s0  }
0xaf: {  	s14 =	sshrl.u32 s14, $0x1F;
	s28 =	sshra.s32 s25, $0x1F;
	s22 =	smul.u32 $0x75DED953, s22  }
0xb0: {  	s26 =	spop (v2sf);
	s25 =	sshra.s32 s13, $0x1F;
	s28 =	smul.u32 $0x75DED953, s28  }
0xb1: {  	v6 =	vmov s8;
	s0 =	sshra.s32 s19, $0xB;
	s1 =	sshra.s32 s26, $0x1F;
	v5 =	vsel vm11, s20, v5;
	s20 =	smulhi.u32 $0x75DED953, s26  }
0xb2: {  	v3 =	vmov v4;
	v4 =	vnsel vm4, $0x0, v7;
	v6 =	vadd.s32 s9, v6;
	s9 =	sadd.s32 $0x10, s9;
	s1 =	smul.u32 $0x75DED953, s1;
	s4 =	sadd.s32 s15, s4  }
0xb3: {  	v4 =	vsel vm0, s14, v4;
	s12 =	sadd.s32 s28, s23;
	s23 =	sshra.s32 s13, $0xB;
	s13 =	sshrl.u32 s13, $0x1F  }
0xb4: {  	s28 =	sshrl.u32 s19, $0x1F;
	s19 =	sshra.s32 s19, $0x1F;
	v4 =	vsel vm1, s13, v4;
	s13 =	sadd.s32 s30, s21  }
0xb5: {  	v5 =	vsel vm1, s23, v5;
	s23 =	rddreg [dreg:$0x7];
	s1 =	sadd.s32 s1, s20;
	s20 =	smul.u32 $0x75DED953, s11  }
0xb6: {  	v5 =	vsel vm12, s25, v5;
	s30 =	sshrl.u32 s13, $0x1F;
	s21 =	sshra.s32 s13, $0xB;
	s25 =	rddreg [dreg:$0x5]  }
0xb7: {  	v4 =	vsel vm2, s28, v4;
	s28 =	smov.u32 s23;
	s13 =	sshra.s32 s13, $0x1F;
	s23 =	sadd.s32 $0x10, s23  }
0xb8: {  	s18 =	spop (v2sf);
	s26 =	smov.u32 s25;
	[dreg:$0x5] =	wrdreg s28  }
0xb9: {  	v5 =	vsel vm2, s0, v5;
	s0 =	sadd.s32 s22, s24;
	s24 =	rddreg [dreg:$0x8];
	s25 =	smul.u32 $0x75DED953, s10  }
0xba: {  	v7 =	vsel vm5, s30, v4;
	s10 =	sshra.s32 s1, $0xB;
	s28 =	sand.u32 $0xFC, s16;
	[dreg:$0x7] =	wrdreg s23;
	v4 =	vsel vm13, s19, v5;
	v5 =	vbroadcast v6, $0x0  }
0xbb: {  	s1 =	sshrl.u32 s1, $0x1F;
	s14 =	sshra.s32 s18, $0x1F;
	[dreg:$0x4] =	wrdreg s26  }
0xbc: {  	s19 =	rddreg [dreg:$0x6];
	s18 =	smulhi.u32 $0x75DED953, s18;
	s11 =	sshra.s32 s0, $0xB;
	v6 =	vsel vm5, s21, v4;
	v4 =	vadd.s32 v0, v5  }
0xbd: {  	s15 =	sshrl.u32 s28, $0x2;
	s0 =	sshrl.u32 s0, $0x1F;
	s31 =	spop (v2sf);
	(v2sf) =	vpush v4, $0xE  }
0xbe: {  	s26 =	smul.u32 $0x75DED953, s14;
	s14 =	sadd.s32 s25, s5;
	s29 =	sshra.s32 s31, $0x1F;
	(v2sf) =	vpush v4, $0x0  }
0xbf: {  	s30 =	smulhi.u32 $0x75DED953, s31;
	s31 =	smov.u32 s19;
	s19 =	sadd.s32 s20, s17;
	(v2sf) =	vpush v4, $0x7  }
0xc0: {  	vm3 =	vcmask $0x2F2C;
	s22 =	smul.u32 $0x75DED953, s29;
	s29 =	sshrl.u32 s14, $0x1F;
	s14 =	sshra.s32 s14, $0xB  }
0xc1: {  	s21 =	smov.u32 s24;
	v5 =	vsel vm15, s13, v6;
	s18 =	sadd.s32 s26, s18;
	v6 =	vmov s29;
	s29 =	sshra.s32 s19, $0xB;
	v10 =	vmov s14  }
0xc2: {  	s17 =	sadd.s32 s22, s30;
	s30 =	sshrl.u32 s19, $0x1F;
	s22 =	sshra.s32 s18, $0xB;
	v9 =	vmov s29;
	v10 =	vsel vm0, s10, v10;
	v11 =	vsel vm0, s1, v6  }
0xc3: {  	s28 =	sshrl.u32 s6, $0x1F;
	[dreg:$0x6] =	wrdreg s21;
	s21 =	sshra.s32 s18, $0x1F;
	(v2sf) =	vpush v4, $0x1;
	v8 =	vmov s30;
	v5 =	vsel vm6, s22, v5  }
0xc4: {  	s30 =	sadd.s32 s2, s7;
	s7 =	sshrl.u32 s18, $0x1F;
	v9 =	vsel vm0, s11, v9;
	s22 =	sshra.s32 s17, $0xB;
	(v2sf) =	vpush v4, $0x2;
	v8 =	vsel vm0, s0, v8  }
0xc5: {  	s5 =	sshrl.u32 s3, $0x1F;
	s24 =	sadd.s32 $0x10, s24;
	s25 =	sshrl.u32 s17, $0x1F;
	v5 =	vsel vm3, s21, v5;
	v7 =	vsel vm6, s7, v7;
	v9 =	vsel vm1, s22, v9  }
0xc6: {  	s20 =	sshra.s32 s4, $0xB;
	[dreg:$0x8] =	wrdreg s24;
	s26 =	sshrl.u32 s4, $0x1F;
	vm3 =	vmmov vm2;
	(v2sf) =	vpush v4, $0x3;
	v8 =	vsel vm1, s25, v8  }
0xc7: {  	s15 =	smul.u32 $0x25, s15;
	s3 =	sshra.s32 s3, $0xB;
	s10 =	rddreg [dreg:$0xa];
	v5 =	vsel vm7, s20, v5;
	v7 =	vsel vm7, s26, v7;
	(v2sf) =	vpush v4, $0xF  }
0xc8: {  	s8 =	sshrl.u32 s12, $0x1F;
	s16 =	sshra.s32 s12, $0xB;
	s18 =	rddreg [dreg:$0x9];
	v6 =	vsel vm8, s28, v7;
	v7 =	vsel vm1, s3, v10;
	(v2sf) =	vpush v4, $0x4  }
0xc9: {  	s6 =	sshra.s32 s6, $0xB;
	s21 =	sshrl.u32 s15, $0x8;
	s20 =	rddreg [dreg:$0xb];
	v8 =	vsel vm2, s8, v8;
	vm2 =	vmmov vm1;
	(v2sf) =	vpush v4, $0x6  }
.Ltmp1:
0xca: {  	s0 =	sadd.s32 s21, s18;
	s28 =	sshra.s32 s4, $0x1F;
	vm1 =	vmmov vm0;
	vm0 =	vcmask $0x3734;
	(v2sf) =	vpush v4, $0xC;
	(pc) =	sbr.rel @p0 .LBB2_6-.Ltmp1, $4  }
0xcb: {  	vm9 =	vmmov vm10;
	s7 =	sshrl.u32 s30, $0x1F;
	s26 =	rddreg [dreg:$0x2];
	s29 =	smul.u32 $0x3D1, s0;
	v5 =	vsel vm0, s28, v5;
	(v2sf) =	vpush v4, $0x8  }
0xcc: {  	s25 =	sshra.s32 s30, $0xB;
	s2 =	smul.u32 $0x19800, s20;
	vm0 =	vmmov vm1;
	vm1 =	vmmov vm2;
	(v2sf) =	vpush v4, $0x9;
	s30 =	spop (v2sf)  }
0xcd: {  	vm2 =	vmmov vm3;
	v10 =	vsel vm3, s25, v7;
	s8 =	sadd.s32 s26, s29;
	(v2sf) =	vpush v4, $0xB;
	s4 =	smulhi.u32 $0x75DED953, s30;
	s11 =	spop (v2sf)  }
0xce: {  	v11 =	vsel vm1, s5, v11;
	v7 =	vsel vm8, s6, v5;
	(v2sf) =	vpush v4, $0xD;
	s3 =	sshra.s32 s30, $0x1F;
	s5 =	sshra.s32 s11, $0x1F;
	s6 =	spop (v2sf)  }
0xcf: {  	s1 =	smul.u32 $0x75DED953, s3  }
0xd0: {  	s14 =	smulhi.u32 $0x75DED953, s6  }
0xd1: {  	s25 =	smul.u32 $0x75DED953, s5  }
0xd2: {  	s24 =	sshra.s32 s6, $0x1F;
	s11 =	smulhi.u32 $0x75DED953, s11;
	(v2sf) =	vpush v4, $0x5  }
0xd3: {  	s15 =	smul.u32 $0x75DED953, s24;
	(v2sf) =	vpush v4, $0xA  }
0xd4: {  	[smem:$0x7F1] =	sst s25;
	s26 =	spop (v2sf)  }
0xd5: {  	s28 =	spop (v2sf);
	s25 =	smulhi.u32 $0x75DED953, s26  }
0xd6: {  	[smem:$0x7F0] =	sst s1;
	s5 =	sshra.s32 s26, $0x1F;
	s21 =	smulhi.u32 $0x75DED953, s28  }
0xd7: {  	s1 =	sshra.s32 s28, $0x1F;
	s19 =	smul.u32 $0x75DED953, s5;
	s13 =	spop (v2sf)  }
0xd8: {  	s3 =	smul.u32 $0x75DED953, s1;
	s6 =	spop (v2sf);
	s29 =	sshra.s32 s13, $0x1F  }
0xd9: {  	s18 =	spop (v2sf);
	s12 =	smul.u32 $0x75DED953, s29  }
0xda: {  	s20 =	spop (v2sf);
	s1 =	smulhi.u32 $0x75DED953, s18  }
0xdb: {  	s22 =	spop (v2sf);
	s30 =	smulhi.u32 $0x75DED953, s20;
	s5 =	sshra.s32 s20, $0x1F  }
0xdc: {  	v5 =	vmov s8;
	s8 =	spop (v2sf);
	s17 =	smul.u32 $0x75DED953, s5  }
0xdd: {  	v5 =	vadd.s32 s9, v5;
	[smem:$0x7F2] =	sst s30;
	s10 =	spop (v2sf)  }
0xde: {  	v5 =	vbroadcast v5, $0x0;
	s18 =	sshra.s32 s18, $0x1F;
	s30 =	smulhi.u32 $0x75DED953, s8;
	[smem:$0x7F3] =	sst s17  }
0xdf: {  	s23 =	spop (v2sf);
	s17 =	smul.u32 $0x75DED953, s18  }
0xe0: {  	v5 =	vadd.s32 v0, v5;
	s29 =	smulhi.u32 $0x75DED953, s10;
	s20 =	sshra.s32 s10, $0x1F;
	s26 =	spop (v2sf)  }
0xe1: {  	(v2sf) =	vpush v5, $0xE;
	s8 =	sshra.s32 s8, $0x1F;
	s9 =	smul.u32 $0x75DED953, s20;
	s20 =	spop (v2sf)  }
0xe2: {  	s10 =	smul.u32 $0x75DED953, s8;
	s18 =	spop (v2sf)  }
0xe3: {  	(v2sf) =	vpush v5, $0x0;
	s5 =	smulhi.u32 $0x75DED953, s18  }
0xe4: {  	s8 =	sshra.s32 s18, $0x1F;
	s18 =	smulhi.u32 $0x75DED953, s22  }
0xe5: {  	s13 =	smulhi.u32 $0x75DED953, s13;
	(v2sf) =	vpush v5, $0x7  }
0xe6: {  	s24 =	smulhi.u32 $0x75DED953, s23;
	s23 =	sshra.s32 s23, $0x1F;
	[smem:$0x7F4] =	sst s18  }
0xe7: {  	s23 =	smul.u32 $0x75DED953, s23;
	s18 =	sld [smem:$0x7F0]  }
0xe8: {  	s15 =	sadd.s32 s15, s14;
	(v2sf) =	vpush v5, $0x1;
	s28 =	sshra.s32 s26, $0x1F;
	s26 =	smulhi.u32 $0x75DED953, s26  }
0xe9: {  	[smem:$0x7F8] =	sst s15;
	(v2sf) =	vpush v5, $0x2;
	s22 =	sshra.s32 s22, $0x1F;
	s8 =	smul.u32 $0x75DED953, s8  }
0xea: {  	(v2sf) =	vpush v5, $0x3;
	s4 =	sadd.s32 s18, s4;
	s18 =	smul.u32 $0x75DED953, s22;
	s22 =	sld [smem:$0x7F1]  }
0xeb: {  	(v2sf) =	vpush v5, $0xF;
	s28 =	smul.u32 $0x75DED953, s28;
	s15 =	sshra.s32 s20, $0x1F;
	s5 =	sadd.s32 s8, s5  }
0xec: {  	(v2sf) =	vpush v5, $0x4;
	[smem:$0x7F5] =	sst s18;
	s18 =	sadd.s32 s19, s25;
	s19 =	smulhi.u32 $0x75DED953, s6  }
0xed: {  	(v2sf) =	vpush v5, $0x6;
	[dreg:$0x1f] =	wrdreg s5;
	s14 =	sadd.s32 s22, s11;
	s11 =	smulhi.u32 $0x75DED953, s20  }
0xee: {  	(v2sf) =	vpush v5, $0xC;
	s6 =	sshra.s32 s6, $0x1F;
	s22 =	sadd.s32 s12, s13;
	s13 =	smul.u32 $0x75DED953, s15  }
0xef: {  	s21 =	sadd.s32 s3, s21;
	[dreg:$0x1b] =	wrdreg s4;
	s25 =	smul.u32 $0x75DED953, s6  }
0xf0: {  	s20 =	sadd.s32 s23, s24;
	s23 =	spop (v2sf);
	[smem:$0x7F7] =	sst s19  }
0xf1: {  	s6 =	sadd.s32 s28, s26;
	[smem:$0x7FA] =	sst s20;
	s24 =	smulhi.u32 $0x75DED953, s23  }
0xf2: {  	(v2sf) =	vpush v5, $0x8;
	s3 =	sshra.s32 s23, $0x1F;
	s19 =	spop (v2sf);
	[smem:$0x7FB] =	sst s6  }
0xf3: {  	(v2sf) =	vpush v5, $0x9;
	s12 =	sadd.s32 s9, s29;
	[smem:$0x7F6] =	sst s11;
	s20 =	smul.u32 $0x75DED953, s3  }
0xf4: {  	s4 =	spop (v2sf);
	s11 =	sshra.s32 s19, $0x1F;
	s19 =	smulhi.u32 $0x75DED953, s19  }
0xf5: {  	s17 =	sadd.s32 s17, s1;
	(v2sf) =	vpush v5, $0xB;
	[smem:$0x7F9] =	sst s12;
	s28 =	smulhi.u32 $0x75DED953, s4  }
0xf6: {  	s3 =	sld [smem:$0x7F4];
	s15 =	sshra.s32 s4, $0x1F;
	s26 =	smul.u32 $0x75DED953, s11  }
0xf7: {  	(v2sf) =	vpush v5, $0xD;
	s1 =	spop (v2sf);
	s4 =	sadd.s32 s10, s30;
	s30 =	sld [smem:$0x7F3]  }
0xf8: {  	s29 =	smul.u32 $0x75DED953, s15;
	s23 =	spop (v2sf)  }
0xf9: {  	[smem:$0x7FC] =	sst s4;
	s10 =	spop (v2sf)  }
0xfa: {  	(v2sf) =	vpush v5, $0x5;
	s20 =	sadd.s32 s20, s24;
	s15 =	smulhi.u32 $0x75DED953, s23;
	s6 =	spop (v2sf)  }
0xfb: {  	(v2sf) =	vpush v5, $0xA;
	s9 =	sshra.s32 s23, $0x1F;
	s23 =	sld [smem:$0x7F2];
	s5 =	spop (v2sf)  }
0xfc: {  	[dreg:$0x18] =	wrdreg s20;
	s8 =	spop (v2sf)  }
0xfd: {  	[dreg:$0x19] =	wrdreg s6;
	s12 =	spop (v2sf)  }
0xfe: {  	s11 =	smulhi.u32 $0x75DED953, s1;
	s1 =	sshra.s32 s1, $0x1F;
	[dreg:$0x1d] =	wrdreg s12  }
0xff: {  	s6 =	smul.u32 $0x75DED953, s1;
	s12 =	sld [smem:$0x7F5]  }
0x100: {  	[dreg:$0x1c] =	wrdreg s8;
	s8 =	smul.u32 $0x75DED953, s9  }
0x101: {  	s9 =	sshra.s32 s10, $0x1F;
	s10 =	smulhi.u32 $0x75DED953, s10;
	s4 =	spop (v2sf)  }
0x102: {  	s9 =	smul.u32 $0x75DED953, s9;
	s1 =	sadd.s32 s12, s3;
	s3 =	spop (v2sf)  }
0x103: {  	s12 =	smulhi.u32 $0x75DED953, s5;
	s5 =	sshra.s32 s5, $0x1F;
	[smem:$0x7FD] =	sst s1  }
0x104: {  	s23 =	sadd.s32 s30, s23;
	s30 =	spop (v2sf);
	s5 =	smul.u32 $0x75DED953, s5  }
0x105: {  	s24 =	smulhi.u32 $0x75DED953, s3;
	[dreg:$0x1a] =	wrdreg s30  }
0x106: {  	s30 =	sld [smem:$0x7F6];
	s1 =	spop (v2sf)  }
0x107: {  	s19 =	sadd.s32 s26, s19;
	s20 =	smulhi.u32 $0x75DED953, s1;
	s1 =	sshra.s32 s1, $0x1F  }
0x108: {  	s3 =	sshra.s32 s3, $0x1F;
	s26 =	smul.u32 $0x75DED953, s1;
	s1 =	sadd.s32 s6, s11  }
0x109: {  	s11 =	spop (v2sf);
	s13 =	sadd.s32 s13, s30;
	s30 =	sld [smem:$0x7F7]  }
0x10a: {  	v9 =	vsel vm2, s16, v9;
	v11 =	vsel vm2, s7, v11;
	s28 =	sadd.s32 s29, s28;
	s3 =	smul.u32 $0x75DED953, s3;
	s29 =	spop (v2sf)  }
0x10b: {  	v9 =	vcombine.low v9, v10;
	v8 =	vcombine.low v8, v11;
	s7 =	sshra.s32 s14, $0x1F;
	s6 =	sadd.s32 s9, s10;
	s9 =	smulhi.u32 $0x75DED953, s29  }
0x10c: {  	v6 =	vperm.xlane v6, v2;
	v7 =	vperm.xlane v7, v2;
	s25 =	sadd.s32 s25, s30;
	s30 =	sshra.s32 s29, $0x1F;
	s29 =	sld [smem:$0x7F8]  }
0x10d: {  	v9 =	vperm.xlane v9, v1;
	v8 =	vperm.xlane v8, v1;
	s8 =	sadd.s32 s8, s15;
	s15 =	smulhi.u32 $0x75DED953, s4;
	s4 =	sshra.s32 s4, $0x1F  }
0x10e: {  	s10 =	smul.u32 $0x75DED953, s4;
	s4 =	sadd.s32 s5, s12;
	s16 =	sadd.s32 s3, s24  }
0x10f: {  	v6 =	vsel vm14, v6, v8;
	v7 =	vsel vm14, v7, v9;
	[dreg:$0x1e] =	wrdreg s11;
	s12 =	smul.u32 $0x75DED953, s30;
	s11 =	sshra.s32 s29, $0x1F  }
0x110: {  	v42 =	vld [tilespmem:s31+$0x0];
	v6 =	vadd.s32 v6, v7;
	s26 =	sadd.s32 s26, s20;
	s20 =	sshrl.u32 s18, $0x1F;
	s30 =	sshra.s32 s14, $0xB;
	v41 =	vmov s11  }
0x111: {  	v6 =	vmul.u32 $0x1160, v6;
	s24 =	sadd.s32 s12, s9;
	s9 =	sshra.s32 s18, $0xB;
	s12 =	sshra.s32 s21, $0xB;
	v10 =	vsel vm4, s30, v41  }
0x112: {  	s11 =	sshra.s32 s21, $0x1F;
	v10 =	vsel vm9, s7, v10;
	s7 =	sadd.s32 s10, s15;
	s10 =	sshrl.u32 s14, $0x1F  }
0x113: {  	v3 =	vsub.s32 v3, v6;
	s30 =	sshra.s32 s22, $0x1F;
	s15 =	sshra.s32 s18, $0x1F;
	s14 =	sshrl.u32 s21, $0x1F;
	v10 =	vsel vm0, s9, v10;
	v44 =	vmov s10  }
0x114: {  	v3 =	vadd.s32 $0x186A0, v3;
	s21 =	sshra.s32 s22, $0xB;
	s10 =	sshrl.u32 s22, $0x1F;
	s22 =	sld [smem:$0x7FB];
	v43 =	vsel vm11, s15, v10;
	v7 =	vnsel vm4, $0x0, v44  }
0x115: {  	vm9 =	vlt.s32 v42, $0x186A0;
	v8 =	vsel vm1, s12, v43;
	v7 =	vsel vm0, s20, v7;
	s20 =	sld [smem:$0x7F9]  }
0x116: {  	s31 =	sshra.s32 s17, $0xB;
	s5 =	sshrl.u32 s17, $0x1F;
	v3 =	vsel vm9, v42, v3;
	v8 =	vsel vm12, s11, v8  }
0x117: {  	s15 =	sshra.s32 s17, $0x1F;
	v3 =	vadd.s32 s2, v3;
	s2 =	sshra.s32 s23, $0x1F;
	v7 =	vsel vm1, s14, v7;
	v8 =	vsel vm2, s21, v8;
	s21 =	sld [smem:$0x7FA]  }
0x118: {  	s12 =	sshra.s32 s22, $0xB;
	v7 =	vsel vm2, s10, v7;
	s10 =	sshrl.u32 s13, $0x1F;
	s9 =	sshra.s32 s20, $0xB  }
0x119: {  	s17 =	sshrl.u32 s20, $0x1F;
	v45 =	vsel vm13, s30, v8;
	s20 =	sshrl.u32 s22, $0x1F;
	s30 =	sld [smem:$0x7FC];
	v7 =	vsel vm5, s5, v7  }
0x11a: {  	s22 =	sld [smem:$0x7FD];
	v6 =	vsel vm5, s31, v45;
	v7 =	vsel vm6, s10, v7;
	s10 =	sshra.s32 s29, $0xB;
	s18 =	sshrl.u32 s21, $0x1F  }
0x11b: {  	s3 =	sshra.s32 s21, $0xB;
	s21 =	sshra.s32 s13, $0x1F;
	v6 =	vsel vm15, s15, v6;
	s15 =	sshra.s32 s13, $0xB  }
0x11c: {  	s13 =	sshrl.u32 s25, $0x1F;
	s31 =	sshrl.u32 s30, $0x1F;
	s14 =	sshra.s32 s30, $0xB  }
0x11d: {  	s30 =	sshrl.u32 s22, $0x1F;
	v6 =	vsel vm6, s15, v6;
	s15 =	rddreg [dreg:$0x1b];
	v46 =	vmov s31;
	s31 =	sshra.s32 s22, $0xB  }
0x11e: {  	s5 =	sshrl.u32 s15, $0x1F;
	s11 =	sshra.s32 s15, $0xB;
	s22 =	sshra.s32 s23, $0xB  }
0x11f: {  	vm9 =	vcmask $0x2F2C;
	v47 =	vmov s30;
	v48 =	vmov s14;
	s14 =	sshra.s32 s25, $0xB;
	s30 =	sshrl.u32 s29, $0x1F;
	s29 =	rddreg [dreg:$0x1c]  }
0x120: {  	vm3 =	vmmov vm15;
	v6 =	vsel vm9, s21, v6;
	s25 =	sshrl.u32 s23, $0x1F;
	s23 =	sshra.s32 s19, $0x1F;
	v8 =	vsel vm0, s17, v46;
	s17 =	rddreg [dreg:$0x1f]  }
0x121: {  	v6 =	vsel vm7, s22, v6;
	v49 =	vmov s31;
	s31 =	sshra.s32 s28, $0x1F;
	v7 =	vsel vm7, s25, v7;
	s22 =	sshra.s32 s19, $0xB;
	s25 =	rddreg [dreg:$0x1d]  }
0x122: {  	vm15 =	vcmask $0x704;
	v10 =	vsel vm0, s9, v48;
	v9 =	vsel vm0, s20, v47;
	s9 =	smulhi.u32 $0x75DED953, s29;
	s20 =	rddreg [dreg:$0x1e];
	s21 =	sshrl.u32 s17, $0x1F  }
0x123: {  	s15 =	sshra.s32 s17, $0xB;
	v11 =	vsel vm0, s12, v49;
	v12 =	vmov s31;
	v7 =	vsel vm8, s30, v7;
	s17 =	smulhi.u32 $0x75DED953, s25;
	s30 =	sshra.s32 s1, $0xB  }
0x124: {  	s31 =	sshra.s32 s1, $0x1F;
	s1 =	sshrl.u32 s1, $0x1F;
	v9 =	vsel vm1, s5, v9;
	s12 =	smulhi.u32 $0x75DED953, s20;
	v8 =	vsel vm1, s21, v8;
	v12 =	vsel vm4, s22, v12  }
0x125: {  	s21 =	sshrl.u32 s19, $0x1F;
	s19 =	sshra.s32 s25, $0x1F;
	v11 =	vsel vm1, s11, v11;
	v10 =	vsel vm1, s15, v10;
	s11 =	sshra.s32 s29, $0x1F;
	v9 =	vsel vm2, s13, v9  }
0x126: {  	s15 =	sshra.s32 s8, $0x1F;
	s22 =	sshra.s32 s6, $0xB;
	s25 =	sshra.s32 s6, $0x1F;
	v7 =	vperm.xlane v7, v2;
	v12 =	vsel vm15, s23, v12;
	v8 =	vsel vm2, s18, v8  }
0x127: {  	s13 =	sshra.s32 s4, $0x1F;
	vm15 =	vcmask $0x3734;
	s11 =	smul.u32 $0x75DED953, s11;
	v13 =	vmov s21;
	s18 =	sshra.s32 s8, $0xB;
	v11 =	vsel vm2, s14, v11  }
0x128: {  	s8 =	sshrl.u32 s8, $0x1F;
	s21 =	sshra.s32 s20, $0x1F;
	s23 =	sshrl.u32 s6, $0x1F;
	v10 =	vsel vm2, s3, v10;
	v6 =	vsel vm15, s2, v6;
	v12 =	vsel vm0, s30, v12  }
0x129: {  	s29 =	smul.u32 $0x75DED953, s19;
	s19 =	sshrl.u32 s16, $0x1F;
	v13 =	vnsel vm4, $0x0, v13;
	s30 =	sshrl.u32 s4, $0x1F;
	v10 =	vcombine.low v10, v11;
	v8 =	vcombine.low v8, v9  }
0x12a: {  	s5 =	smul.u32 $0x75DED953, s21;
	s21 =	sshrl.u32 s24, $0x1F;
	v12 =	vsel vm11, s31, v12;
	v6 =	vsel vm8, s10, v6;
	v13 =	vsel vm0, s1, v13;
	s31 =	sshra.s32 s4, $0xB  }
0x12b: {  	s14 =	sadd.s32 s29, s17;
	s6 =	sadd.s32 s11, s9;
	s29 =	sshra.s32 s7, $0xB;
	v12 =	vsel vm1, s18, v12;
	v13 =	vsel vm1, s8, v13;
	v10 =	vperm.xlane v10, v1  }
0x12c: {  	s17 =	sadd.s32 s5, s12;
	s18 =	sshrl.u32 s14, $0x1F;
	v53 =	vmov s29;
	s2 =	sshra.s32 s14, $0xB;
	v8 =	vperm.xlane v8, v1;
	v6 =	vperm.xlane v6, v2  }
0x12d: {  	s12 =	sshra.s32 s16, $0xB;
	s14 =	sshra.s32 s26, $0xB;
	v12 =	vsel vm12, s15, v12;
	v13 =	vsel vm2, s23, v13;
	v15 =	vmov s18;
	s18 =	rddreg [dreg:$0x18]  }
0x12e: {  	s15 =	sshrl.u32 s7, $0x1F;
	s20 =	sshra.s32 s17, $0xB;
	v54 =	vmov s2;
	v11 =	vsel vm0, s12, v53;
	v12 =	vsel vm2, s22, v12;
	s22 =	rddreg [dreg:$0x19]  }
0x12f: {  	s4 =	sshrl.u32 s17, $0x1F;
	v13 =	vsel vm5, s30, v13;
	v14 =	vmov s15;
	s30 =	rddreg [dreg:$0x1a];
	s15 =	sshrl.u32 s26, $0x1F;
	v7 =	vsel vm14, v7, v8  }
0x130: {  	v6 =	vsel vm14, v6, v10;
	v12 =	vsel vm13, s25, v12;
	v14 =	vsel vm0, s19, v14;
	s23 =	smulhi.u32 $0x75DED953, s22;
	s25 =	sshra.s32 s17, $0x1F;
	s10 =	sshra.s32 s22, $0x1F  }
0x131: {  	v13 =	vsel vm6, s4, v13;
	s11 =	smulhi.u32 $0x75DED953, s30;
	s17 =	rddreg [dreg:$0x4];
	v55 =	vsel vm0, s15, v15;
	s19 =	sshra.s32 s18, $0xB;
	v12 =	vsel vm5, s31, v12  }
0x132: {  	s22 =	sshra.s32 s24, $0xB;
	v6 =	vadd.s32 v7, v6;
	v51 =	vsel vm1, s21, v14;
	s31 =	sshra.s32 s30, $0x1F;
	s4 =	smul.u32 $0x75DED953, s10;
	v12 =	vsel vm3, s13, v12  }
0x133: {  	[tilespmem:s17+$0x0] =	vst v3;
	v3 =	vsel vm0, s14, v54;
	v6 =	vmul.u32 $0x1160, v6;
	s3 =	smul.u32 $0x75DED953, s31;
	s13 =	sshrl.u32 s6, $0x1F;
	v50 =	vsel vm6, s20, v12;
	s20 =	rddreg [dreg:$0x6]  }
0x134: {  	s9 =	sshra.s32 s6, $0xB;
	s16 =	sshrl.u32 s28, $0x1F;
	v57 =	vsel vm1, s22, v11;
	v3 =	vsel vm1, s19, v3;
	v13 =	vsel vm7, s13, v13;
	v56 =	vld [tilespmem:s20+$0x0]  }
0x135: {  	s1 =	sadd.s32 s4, s23;
	s23 =	sshrl.u32 s18, $0x1F;
	v61 =	vsub.s32 v4, v6;
	v52 =	vsel vm9, s25, v50;
	s3 =	sadd.s32 s3, s11;
	v13 =	vsel vm8, s16, v13  }
0x136: {  	s24 =	sshra.s32 s6, $0x1F;
	v60 =	vsel vm1, s23, v55;
	s25 =	sshra.s32 s1, $0xB;
	v4 =	vadd.s32 $0x186A0, v61;
	v9 =	vsel vm7, s9, v52;
	s21 =	sshrl.u32 s3, $0x1F  }
0x137: {  	s26 =	sshra.s32 s28, $0xB;
	s1 =	sshrl.u32 s1, $0x1F;
	s3 =	sshra.s32 s3, $0xB;
	v3 =	vsel vm2, s25, v3;
	v58 =	vsel vm2, s21, v51;
	v59 =	vsel vm15, s24, v9  }
0x138: {  	s28 =	rddreg [dreg:$0x3];
	v8 =	vsel vm2, s3, v57;
	v9 =	vsel vm2, s1, v60;
	v7 =	vsel vm8, s26, v59  }
0x139: {  	s1 =	smul.u32 $0x19800, s28;
	v3 =	vcombine.low v8, v3;
	v62 =	vcombine.low v58, v9;
	vm9 =	vlt.s32 v56, $0x186A0  }
0x13a: {  	v63 =	vperm.xlane v13, v2;
	v7 =	vperm.xlane v7, v2;
	v4 =	vsel vm9, v56, v4  }
0x13b: {  	s29 =	rddreg [dreg:$0x5];
	v3 =	vperm.xlane v3, v1;
	v6 =	vperm.xlane v62, v1;
	v4 =	vadd.s32 s1, v4  }
0x13c: {  	s30 =	rddreg [dreg:$0x8];
	[tilespmem:s29+$0x0] =	vst v4  }
0x13d: {  	v6 =	vsel vm14, v63, v6;
	v3 =	vsel vm14, v7, v3;
	v4 =	vld [tilespmem:s30+$0x0]  }
0x13e: {  	v3 =	vadd.s32 v6, v3  }
0x13f: {  	v3 =	vmul.u32 $0x1160, v3;
	_ =	sdelay $0x1  }
0x140: {  	v3 =	vsub.s32 v5, v3  }
0x141: {  	s0 =	smul.u32 $0x19800, s0;
	v3 =	vadd.s32 $0x186A0, v3;
	vm9 =	vlt.s32 v4, $0x186A0  }
0x142: {  	s5 =	rddreg [dreg:$0xe];
	v3 =	vsel vm9, v4, v3  }
0x143: {  	s31 =	rddreg [dreg:$0x7];
	s13 =	simm.s32 $0x1;
	v3 =	vadd.s32 s0, v3  }
0x144: {  	s4 =	simm.s32 $0x0;
	s3 =	simm.s32 $0x10200;
	s1 =	simm.s32 $0x1C0;
	[tilespmem:s31+$0x0] =	vst v3  }
.LBB2_8:
0x145: {  	s0 =	smul.u32 $0x700, s4;
	_ =	sdelay $0x1  }
0x146: {  	s0 =	sshra.s32 s0, $0x2  }
0x147: {  	s0 =	sadd.s32 $0x200, s0  }
0x148: {  	[tilespmem:s3], [sflag:$0x1] =	stream.indirect.gather [hbm4b:s5+s1], $0x80, s0, s1, $0xb8;
	[tilespmem:$0x1E200] =	vst v63  }
0x149: {  	_ =	swait.ge [sflag:s13], $0xE000  }
0x14a: {  	[sflag:s13] =	ssyncset.done $0x0  }
0x14b: {  	s2 =	simm.s32 $0x2000;
	s0 =	simm.s32 $0x0;
	[sflag:s13] =	ssyncadd.s32 $0xFFFF2000  }
.LBB2_9:
0x14c: {  	p0 =	sne.s32 s2, $0x36000;
	v3 =	vld [tilespmem:s0+$0x109B0]  }
0x14d: {  	v4 =	vld [tilespmem:s0+$0x10200]  }
0x14e: {  	v5 =	vld [tilespmem:s0+$0x10210]  }
0x14f: {  	v6 =	vld [tilespmem:s0+$0x10220]  }
0x150: {  	v7 =	vld [tilespmem:s0+$0x10230]  }
0x151: {  	[tilespmem:s0+$0x29B0] =	vst.add.f32.msk $0xffff, v3  }
0x152: {  	v3 =	vld [tilespmem:s0+$0x10280]  }
0x153: {  	v8 =	vld [tilespmem:s0+$0x10290]  }
0x154: {  	v9 =	vld [tilespmem:s0+$0x102A0]  }
0x155: {  	v10 =	vld [tilespmem:s0+$0x102B0]  }
0x156: {  	v11 =	vld [tilespmem:s0+$0x10300]  }
0x157: {  	v12 =	vld [tilespmem:s0+$0x10310]  }
0x158: {  	v13 =	vld [tilespmem:s0+$0x10320]  }
0x159: {  	v14 =	vld [tilespmem:s0+$0x10330]  }
0x15a: {  	v15 =	vld [tilespmem:s0+$0x10380]  }
0x15b: {  	v16 =	vld [tilespmem:s0+$0x10390]  }
0x15c: {  	v17 =	vld [tilespmem:s0+$0x103A0]  }
0x15d: {  	v18 =	vld [tilespmem:s0+$0x103B0]  }
0x15e: {  	v19 =	vld [tilespmem:s0+$0x10400]  }
0x15f: {  	v20 =	vld [tilespmem:s0+$0x10410]  }
0x160: {  	v21 =	vld [tilespmem:s0+$0x10420]  }
0x161: {  	v22 =	vld [tilespmem:s0+$0x10430]  }
0x162: {  	v23 =	vld [tilespmem:s0+$0x10480]  }
0x163: {  	v24 =	vld [tilespmem:s0+$0x10490]  }
0x164: {  	v25 =	vld [tilespmem:s0+$0x104A0]  }
0x165: {  	v26 =	vld [tilespmem:s0+$0x104B0]  }
0x166: {  	v27 =	vld [tilespmem:s0+$0x10500]  }
0x167: {  	v28 =	vld [tilespmem:s0+$0x10510]  }
0x168: {  	v29 =	vld [tilespmem:s0+$0x10520]  }
0x169: {  	v30 =	vld [tilespmem:s0+$0x10530]  }
0x16a: {  	v31 =	vld [tilespmem:s0+$0x10580]  }
0x16b: {  	v32 =	vld [tilespmem:s0+$0x10590]  }
0x16c: {  	v33 =	vld [tilespmem:s0+$0x105A0]  }
0x16d: {  	v34 =	vld [tilespmem:s0+$0x105B0]  }
0x16e: {  	v35 =	vld [tilespmem:s0+$0x10600]  }
0x16f: {  	v36 =	vld [tilespmem:s0+$0x10610]  }
0x170: {  	v37 =	vld [tilespmem:s0+$0x10620]  }
0x171: {  	v38 =	vld [tilespmem:s0+$0x10630]  }
0x172: {  	v39 =	vld [tilespmem:s0+$0x10680]  }
0x173: {  	v40 =	vld [tilespmem:s0+$0x10690]  }
0x174: {  	v41 =	vld [tilespmem:s0+$0x106A0]  }
0x175: {  	v42 =	vld [tilespmem:s0+$0x106B0]  }
0x176: {  	v43 =	vld [tilespmem:s0+$0x10700]  }
0x177: {  	v44 =	vld [tilespmem:s0+$0x10710]  }
0x178: {  	v45 =	vld [tilespmem:s0+$0x10720]  }
0x179: {  	v46 =	vld [tilespmem:s0+$0x10730]  }
0x17a: {  	v47 =	vld [tilespmem:s0+$0x10780]  }
0x17b: {  	v48 =	vld [tilespmem:s0+$0x10790]  }
0x17c: {  	v49 =	vld [tilespmem:s0+$0x107A0]  }
0x17d: {  	v50 =	vld [tilespmem:s0+$0x107B0]  }
0x17e: {  	v51 =	vld [tilespmem:s0+$0x10800]  }
0x17f: {  	v52 =	vld [tilespmem:s0+$0x10810]  }
0x180: {  	v53 =	vld [tilespmem:s0+$0x10820]  }
0x181: {  	v54 =	vld [tilespmem:s0+$0x10830]  }
0x182: {  	v55 =	vld [tilespmem:s0+$0x10880]  }
0x183: {  	v56 =	vld [tilespmem:s0+$0x10890]  }
0x184: {  	v57 =	vld [tilespmem:s0+$0x108A0]  }
0x185: {  	v58 =	vld [tilespmem:s0+$0x108B0]  }
0x186: {  	v59 =	vld [tilespmem:s0+$0x10900]  }
0x187: {  	v60 =	vld [tilespmem:s0+$0x10910]  }
0x188: {  	v61 =	vld [tilespmem:s0+$0x10920]  }
0x189: {  	v62 =	vld [tilespmem:s0+$0x10930]  }
0x18a: {  	v63 =	vld [tilespmem:s0+$0x10980]  }
0x18b: {  	v0 =	vld [tilespmem:s0+$0x10990]  }
0x18c: {  	v1 =	vld [tilespmem:s0+$0x109A0]  }
0x18d: {  	[tilespmem:s0+$0x2200] =	vst.add.f32.msk $0xffff, v4  }
0x18e: {  	[tilespmem:s0+$0x2210] =	vst.add.f32.msk $0xffff, v5  }
0x18f: {  	[tilespmem:s0+$0x2220] =	vst.add.f32.msk $0xffff, v6  }
0x190: {  	[tilespmem:s0+$0x2230] =	vst.add.f32.msk $0xffff, v7  }
0x191: {  	[tilespmem:s0+$0x2280] =	vst.add.f32.msk $0xffff, v3  }
0x192: {  	[tilespmem:s0+$0x2290] =	vst.add.f32.msk $0xffff, v8  }
0x193: {  	[tilespmem:s0+$0x22A0] =	vst.add.f32.msk $0xffff, v9  }
0x194: {  	[tilespmem:s0+$0x22B0] =	vst.add.f32.msk $0xffff, v10  }
0x195: {  	[tilespmem:s0+$0x2300] =	vst.add.f32.msk $0xffff, v11  }
0x196: {  	[tilespmem:s0+$0x2310] =	vst.add.f32.msk $0xffff, v12  }
0x197: {  	[tilespmem:s0+$0x2320] =	vst.add.f32.msk $0xffff, v13  }
0x198: {  	[tilespmem:s0+$0x2330] =	vst.add.f32.msk $0xffff, v14  }
0x199: {  	[tilespmem:s0+$0x2380] =	vst.add.f32.msk $0xffff, v15  }
0x19a: {  	[tilespmem:s0+$0x2390] =	vst.add.f32.msk $0xffff, v16  }
0x19b: {  	[tilespmem:s0+$0x23A0] =	vst.add.f32.msk $0xffff, v17  }
0x19c: {  	[tilespmem:s0+$0x23B0] =	vst.add.f32.msk $0xffff, v18  }
0x19d: {  	[tilespmem:s0+$0x2400] =	vst.add.f32.msk $0xffff, v19  }
0x19e: {  	[tilespmem:s0+$0x2410] =	vst.add.f32.msk $0xffff, v20  }
0x19f: {  	[tilespmem:s0+$0x2420] =	vst.add.f32.msk $0xffff, v21  }
0x1a0: {  	[tilespmem:s0+$0x2430] =	vst.add.f32.msk $0xffff, v22  }
0x1a1: {  	[tilespmem:s0+$0x2480] =	vst.add.f32.msk $0xffff, v23  }
0x1a2: {  	[tilespmem:s0+$0x2490] =	vst.add.f32.msk $0xffff, v24  }
0x1a3: {  	[tilespmem:s0+$0x24A0] =	vst.add.f32.msk $0xffff, v25  }
0x1a4: {  	[tilespmem:s0+$0x24B0] =	vst.add.f32.msk $0xffff, v26  }
0x1a5: {  	[tilespmem:s0+$0x2500] =	vst.add.f32.msk $0xffff, v27  }
0x1a6: {  	[tilespmem:s0+$0x2510] =	vst.add.f32.msk $0xffff, v28  }
0x1a7: {  	[tilespmem:s0+$0x2520] =	vst.add.f32.msk $0xffff, v29  }
0x1a8: {  	[tilespmem:s0+$0x2530] =	vst.add.f32.msk $0xffff, v30  }
0x1a9: {  	[tilespmem:s0+$0x2580] =	vst.add.f32.msk $0xffff, v31  }
0x1aa: {  	[tilespmem:s0+$0x2590] =	vst.add.f32.msk $0xffff, v32  }
0x1ab: {  	[tilespmem:s0+$0x25A0] =	vst.add.f32.msk $0xffff, v33  }
0x1ac: {  	[tilespmem:s0+$0x25B0] =	vst.add.f32.msk $0xffff, v34  }
0x1ad: {  	[tilespmem:s0+$0x2600] =	vst.add.f32.msk $0xffff, v35  }
0x1ae: {  	[tilespmem:s0+$0x2610] =	vst.add.f32.msk $0xffff, v36  }
0x1af: {  	[tilespmem:s0+$0x2620] =	vst.add.f32.msk $0xffff, v37  }
0x1b0: {  	[tilespmem:s0+$0x2630] =	vst.add.f32.msk $0xffff, v38  }
0x1b1: {  	[tilespmem:s0+$0x2680] =	vst.add.f32.msk $0xffff, v39  }
0x1b2: {  	[tilespmem:s0+$0x2690] =	vst.add.f32.msk $0xffff, v40  }
0x1b3: {  	[tilespmem:s0+$0x26A0] =	vst.add.f32.msk $0xffff, v41  }
0x1b4: {  	[tilespmem:s0+$0x26B0] =	vst.add.f32.msk $0xffff, v42  }
0x1b5: {  	[tilespmem:s0+$0x2700] =	vst.add.f32.msk $0xffff, v43  }
0x1b6: {  	[tilespmem:s0+$0x2710] =	vst.add.f32.msk $0xffff, v44  }
0x1b7: {  	[tilespmem:s0+$0x2720] =	vst.add.f32.msk $0xffff, v45  }
0x1b8: {  	[tilespmem:s0+$0x2730] =	vst.add.f32.msk $0xffff, v46  }
0x1b9: {  	[tilespmem:s0+$0x2780] =	vst.add.f32.msk $0xffff, v47  }
0x1ba: {  	[tilespmem:s0+$0x2790] =	vst.add.f32.msk $0xffff, v48  }
0x1bb: {  	[tilespmem:s0+$0x27A0] =	vst.add.f32.msk $0xffff, v49  }
0x1bc: {  	[tilespmem:s0+$0x27B0] =	vst.add.f32.msk $0xffff, v50  }
0x1bd: {  	[tilespmem:s0+$0x2800] =	vst.add.f32.msk $0xffff, v51  }
0x1be: {  	[tilespmem:s0+$0x2810] =	vst.add.f32.msk $0xffff, v52  }
0x1bf: {  	[tilespmem:s0+$0x2820] =	vst.add.f32.msk $0xffff, v53  }
0x1c0: {  	[tilespmem:s0+$0x2830] =	vst.add.f32.msk $0xffff, v54  }
0x1c1: {  	[tilespmem:s0+$0x2880] =	vst.add.f32.msk $0xffff, v55  }
0x1c2: {  	[tilespmem:s0+$0x2890] =	vst.add.f32.msk $0xffff, v56  }
0x1c3: {  	[tilespmem:s0+$0x28A0] =	vst.add.f32.msk $0xffff, v57  }
0x1c4: {  	[tilespmem:s0+$0x28B0] =	vst.add.f32.msk $0xffff, v58  }
0x1c5: {  	[tilespmem:s0+$0x2900] =	vst.add.f32.msk $0xffff, v59  }
0x1c6: {  	[tilespmem:s0+$0x2910] =	vst.add.f32.msk $0xffff, v60  }
.Ltmp2:
0x1c7: {  	[tilespmem:s0+$0x2920] =	vst.add.f32.msk $0xffff, v61;
	(pc) =	sbr.rel @p0 .LBB2_9-.Ltmp2, $4  }
0x1c8: {  	[tilespmem:s0+$0x2930] =	vst.add.f32.msk $0xffff, v62  }
0x1c9: {  	[tilespmem:s0+$0x2980] =	vst.add.f32.msk $0xffff, v63  }
0x1ca: {  	[tilespmem:s0+$0x2990] =	vst.add.f32.msk $0xffff, v0  }
0x1cb: {  	[tilespmem:s0+$0x29A0] =	vst.add.f32.msk $0xffff, v1;
	s0 =	sshra.s32 s2, $0x2;
	s2 =	sadd.s32 $0x2000, s2  }
0x1cc: {  	v0 =	vld [tilespmem:s0+$0x109B0]  }
0x1cd: {  	v1 =	vld [tilespmem:s0+$0x10200]  }
0x1ce: {  	v3 =	vld [tilespmem:s0+$0x10210]  }
0x1cf: {  	v4 =	vld [tilespmem:s0+$0x10220]  }
0x1d0: {  	v5 =	vld [tilespmem:s0+$0x10230]  }
0x1d1: {  	v6 =	vld [tilespmem:s0+$0x10290]  }
0x1d2: {  	v7 =	vld [tilespmem:s0+$0x102A0]  }
0x1d3: {  	v8 =	vld [tilespmem:s0+$0x102B0]  }
0x1d4: {  	v9 =	vld [tilespmem:s0+$0x10300]  }
0x1d5: {  	v10 =	vld [tilespmem:s0+$0x10310]  }
0x1d6: {  	v11 =	vld [tilespmem:s0+$0x10320]  }
0x1d7: {  	v12 =	vld [tilespmem:s0+$0x10330]  }
0x1d8: {  	v13 =	vld [tilespmem:s0+$0x10380]  }
0x1d9: {  	v14 =	vld [tilespmem:s0+$0x10390]  }
0x1da: {  	v15 =	vld [tilespmem:s0+$0x103A0]  }
0x1db: {  	v16 =	vld [tilespmem:s0+$0x103B0]  }
0x1dc: {  	v17 =	vld [tilespmem:s0+$0x10400]  }
0x1dd: {  	v18 =	vld [tilespmem:s0+$0x10410]  }
0x1de: {  	v19 =	vld [tilespmem:s0+$0x10420]  }
0x1df: {  	v20 =	vld [tilespmem:s0+$0x10430]  }
0x1e0: {  	v21 =	vld [tilespmem:s0+$0x10480]  }
0x1e1: {  	v22 =	vld [tilespmem:s0+$0x10490]  }
0x1e2: {  	v23 =	vld [tilespmem:s0+$0x104A0]  }
0x1e3: {  	v24 =	vld [tilespmem:s0+$0x104B0]  }
0x1e4: {  	v25 =	vld [tilespmem:s0+$0x10500]  }
0x1e5: {  	v26 =	vld [tilespmem:s0+$0x10510]  }
0x1e6: {  	v27 =	vld [tilespmem:s0+$0x10520]  }
0x1e7: {  	v28 =	vld [tilespmem:s0+$0x10530]  }
0x1e8: {  	v29 =	vld [tilespmem:s0+$0x10580]  }
0x1e9: {  	v30 =	vld [tilespmem:s0+$0x10590]  }
0x1ea: {  	v31 =	vld [tilespmem:s0+$0x105A0]  }
0x1eb: {  	v32 =	vld [tilespmem:s0+$0x105B0]  }
0x1ec: {  	v33 =	vld [tilespmem:s0+$0x10600]  }
0x1ed: {  	v34 =	vld [tilespmem:s0+$0x10610]  }
0x1ee: {  	v35 =	vld [tilespmem:s0+$0x10620]  }
0x1ef: {  	v36 =	vld [tilespmem:s0+$0x10630]  }
0x1f0: {  	v37 =	vld [tilespmem:s0+$0x10680]  }
0x1f1: {  	v38 =	vld [tilespmem:s0+$0x10690]  }
0x1f2: {  	v39 =	vld [tilespmem:s0+$0x106A0]  }
0x1f3: {  	v40 =	vld [tilespmem:s0+$0x106B0]  }
0x1f4: {  	v41 =	vld [tilespmem:s0+$0x10700]  }
0x1f5: {  	v42 =	vld [tilespmem:s0+$0x10710]  }
0x1f6: {  	v43 =	vld [tilespmem:s0+$0x10720]  }
0x1f7: {  	v44 =	vld [tilespmem:s0+$0x10730]  }
0x1f8: {  	v45 =	vld [tilespmem:s0+$0x10780]  }
0x1f9: {  	v46 =	vld [tilespmem:s0+$0x10790]  }
0x1fa: {  	v47 =	vld [tilespmem:s0+$0x107A0]  }
0x1fb: {  	v48 =	vld [tilespmem:s0+$0x107B0]  }
0x1fc: {  	v49 =	vld [tilespmem:s0+$0x10800]  }
0x1fd: {  	v50 =	vld [tilespmem:s0+$0x10810]  }
0x1fe: {  	v51 =	vld [tilespmem:s0+$0x10820]  }
0x1ff: {  	v52 =	vld [tilespmem:s0+$0x10830]  }
0x200: {  	v53 =	vld [tilespmem:s0+$0x10880]  }
0x201: {  	v54 =	vld [tilespmem:s0+$0x10890]  }
0x202: {  	v55 =	vld [tilespmem:s0+$0x108A0]  }
0x203: {  	v56 =	vld [tilespmem:s0+$0x108B0]  }
0x204: {  	v57 =	vld [tilespmem:s0+$0x10900]  }
0x205: {  	v58 =	vld [tilespmem:s0+$0x10910]  }
0x206: {  	v59 =	vld [tilespmem:s0+$0x10920]  }
0x207: {  	v60 =	vld [tilespmem:s0+$0x10930]  }
0x208: {  	v61 =	vld [tilespmem:s0+$0x10980]  }
0x209: {  	v62 =	vld [tilespmem:s0+$0x10990]  }
0x20a: {  	v63 =	vld [tilespmem:s0+$0x109A0]  }
0x20b: {  	[tilespmem:s0+$0x29B0] =	vst.add.f32.msk $0xffff, v0  }
0x20c: {  	v0 =	vld [tilespmem:s0+$0x10280]  }
0x20d: {  	[tilespmem:s0+$0x2200] =	vst.add.f32.msk $0xffff, v1  }
0x20e: {  	[tilespmem:s0+$0x2210] =	vst.add.f32.msk $0xffff, v3  }
0x20f: {  	[tilespmem:s0+$0x2220] =	vst.add.f32.msk $0xffff, v4  }
0x210: {  	[tilespmem:s0+$0x2230] =	vst.add.f32.msk $0xffff, v5  }
0x211: {  	[tilespmem:s0+$0x2290] =	vst.add.f32.msk $0xffff, v6  }
0x212: {  	[tilespmem:s0+$0x22A0] =	vst.add.f32.msk $0xffff, v7  }
0x213: {  	[tilespmem:s0+$0x22B0] =	vst.add.f32.msk $0xffff, v8  }
0x214: {  	[tilespmem:s0+$0x2300] =	vst.add.f32.msk $0xffff, v9  }
0x215: {  	[tilespmem:s0+$0x2310] =	vst.add.f32.msk $0xffff, v10  }
0x216: {  	[tilespmem:s0+$0x2320] =	vst.add.f32.msk $0xffff, v11  }
0x217: {  	[tilespmem:s0+$0x2330] =	vst.add.f32.msk $0xffff, v12  }
0x218: {  	[tilespmem:s0+$0x2380] =	vst.add.f32.msk $0xffff, v13  }
0x219: {  	[tilespmem:s0+$0x2390] =	vst.add.f32.msk $0xffff, v14  }
0x21a: {  	[tilespmem:s0+$0x23A0] =	vst.add.f32.msk $0xffff, v15  }
0x21b: {  	[tilespmem:s0+$0x23B0] =	vst.add.f32.msk $0xffff, v16  }
0x21c: {  	[tilespmem:s0+$0x2400] =	vst.add.f32.msk $0xffff, v17  }
0x21d: {  	[tilespmem:s0+$0x2410] =	vst.add.f32.msk $0xffff, v18  }
0x21e: {  	[tilespmem:s0+$0x2420] =	vst.add.f32.msk $0xffff, v19  }
0x21f: {  	[tilespmem:s0+$0x2430] =	vst.add.f32.msk $0xffff, v20  }
0x220: {  	[tilespmem:s0+$0x2480] =	vst.add.f32.msk $0xffff, v21  }
0x221: {  	[tilespmem:s0+$0x2490] =	vst.add.f32.msk $0xffff, v22  }
0x222: {  	[tilespmem:s0+$0x24A0] =	vst.add.f32.msk $0xffff, v23  }
0x223: {  	[tilespmem:s0+$0x24B0] =	vst.add.f32.msk $0xffff, v24  }
0x224: {  	[tilespmem:s0+$0x2500] =	vst.add.f32.msk $0xffff, v25  }
0x225: {  	[tilespmem:s0+$0x2510] =	vst.add.f32.msk $0xffff, v26  }
0x226: {  	[tilespmem:s0+$0x2520] =	vst.add.f32.msk $0xffff, v27  }
0x227: {  	[tilespmem:s0+$0x2530] =	vst.add.f32.msk $0xffff, v28  }
0x228: {  	[tilespmem:s0+$0x2580] =	vst.add.f32.msk $0xffff, v29  }
0x229: {  	[tilespmem:s0+$0x2590] =	vst.add.f32.msk $0xffff, v30  }
0x22a: {  	[tilespmem:s0+$0x25A0] =	vst.add.f32.msk $0xffff, v31  }
0x22b: {  	[tilespmem:s0+$0x25B0] =	vst.add.f32.msk $0xffff, v32  }
0x22c: {  	[tilespmem:s0+$0x2600] =	vst.add.f32.msk $0xffff, v33  }
0x22d: {  	[tilespmem:s0+$0x2610] =	vst.add.f32.msk $0xffff, v34  }
0x22e: {  	[tilespmem:s0+$0x2620] =	vst.add.f32.msk $0xffff, v35  }
0x22f: {  	[tilespmem:s0+$0x2630] =	vst.add.f32.msk $0xffff, v36  }
0x230: {  	[tilespmem:s0+$0x2680] =	vst.add.f32.msk $0xffff, v37  }
0x231: {  	[tilespmem:s0+$0x2690] =	vst.add.f32.msk $0xffff, v38  }
0x232: {  	[tilespmem:s0+$0x26A0] =	vst.add.f32.msk $0xffff, v39  }
0x233: {  	[tilespmem:s0+$0x26B0] =	vst.add.f32.msk $0xffff, v40  }
0x234: {  	[tilespmem:s0+$0x2700] =	vst.add.f32.msk $0xffff, v41  }
0x235: {  	[tilespmem:s0+$0x2710] =	vst.add.f32.msk $0xffff, v42  }
0x236: {  	[tilespmem:s0+$0x2720] =	vst.add.f32.msk $0xffff, v43  }
0x237: {  	[tilespmem:s0+$0x2730] =	vst.add.f32.msk $0xffff, v44  }
0x238: {  	[tilespmem:s0+$0x2780] =	vst.add.f32.msk $0xffff, v45  }
0x239: {  	[tilespmem:s0+$0x2790] =	vst.add.f32.msk $0xffff, v46  }
0x23a: {  	[tilespmem:s0+$0x27A0] =	vst.add.f32.msk $0xffff, v47  }
0x23b: {  	[tilespmem:s0+$0x27B0] =	vst.add.f32.msk $0xffff, v48  }
0x23c: {  	[tilespmem:s0+$0x2800] =	vst.add.f32.msk $0xffff, v49  }
0x23d: {  	[tilespmem:s0+$0x2810] =	vst.add.f32.msk $0xffff, v50  }
0x23e: {  	[tilespmem:s0+$0x2820] =	vst.add.f32.msk $0xffff, v51  }
0x23f: {  	[tilespmem:s0+$0x2830] =	vst.add.f32.msk $0xffff, v52  }
0x240: {  	[tilespmem:s0+$0x2880] =	vst.add.f32.msk $0xffff, v53  }
0x241: {  	[tilespmem:s0+$0x2890] =	vst.add.f32.msk $0xffff, v54  }
0x242: {  	[tilespmem:s0+$0x28A0] =	vst.add.f32.msk $0xffff, v55  }
0x243: {  	[tilespmem:s0+$0x28B0] =	vst.add.f32.msk $0xffff, v56  }
0x244: {  	[tilespmem:s0+$0x2900] =	vst.add.f32.msk $0xffff, v57  }
0x245: {  	s4 =	sadd.s32 $0x1, s4;
	[tilespmem:s0+$0x2910] =	vst.add.f32.msk $0xffff, v58  }
0x246: {  	p0 =	sne.s32 s4, $0x9;
	[tilespmem:s0+$0x2920] =	vst.add.f32.msk $0xffff, v59  }
.Ltmp3:
0x247: {  	[tilespmem:s0+$0x2930] =	vst.add.f32.msk $0xffff, v60;
	(pc) =	sbr.rel @p0 .LBB2_8-.Ltmp3, $4  }
0x248: {  	[tilespmem:s0+$0x2980] =	vst.add.f32.msk $0xffff, v61  }
0x249: {  	[tilespmem:s0+$0x2990] =	vst.add.f32.msk $0xffff, v62  }
0x24a: {  	[tilespmem:s0+$0x29A0] =	vst.add.f32.msk $0xffff, v63  }
0x24b: {  	[tilespmem:s0+$0x2280] =	vst.add.f32.msk $0xffff, v0  }
0x24c: {  	s1 =	rddreg [dreg:$0x17]  }
0x24d: {  	s1 =	sadd.s32 $0x1, s1  }
0x24e: {  	p0 =	sne.s32 s1, $0x3  }
.Ltmp4:
0x24f: {  	v0 =	vlaneseq.u32;
	(pc) =	sbr.rel @p0 .LBB2_3-.Ltmp4, $4  }
0x250: {  	vm9 =	vmmov vm10;
	vm11 =	vcmask $0xF0C;
	vm12 =	vcmask $0x1714  }
0x251: {  	vm13 =	vcmask $0x1F1C;
	vm14 =	vcmask $0x2724;
	vm10 =	vcmask $0x2F2C  }
0x252: {  	vm3 =	vcmask $0x3734;
	vm4 =	vcmask $0x300;
	vm5 =	vcmask $0x2320  }
0x253: {  	vm6 =	vcmask $0x2B28;
	vm7 =	vcmask $0x3330;
	vm8 =	vcmask $0x3B38  }
0x254: {  	s0 =	rddreg [dreg:$0x10]  }
0x255: {  	s1 =	rddreg [dreg:$0x16];
	s28 =	simm.s32 $0x0  }
0x256: {  	s2 =	simm.s32 $0x2200;
	s29 =	simm.s32 $0x2;
	s0 =	sadd.s32 s0, s1  }
0x257: {  	[hbm4b:s0+s28] =	stream.linear.scatter [tilespmem:s2], [sflag:$0x2], $0xE000, $0x38;
	[tilespmem:$0x1E200] =	vst v63  }
0x258: {  	_ =	swait.ge [sflag:s29], $0xE000  }
0x259: {  	s30 =	rddreg [dreg:$0x15]  }
0x25a: {  	s1 =	sadd.s32 $0x1, s30  }
0x25b: {  	p0 =	sne.s32 s1, $0x7  }
.Ltmp5:
0x25c: {  	_ = 	snop;
	(pc) =	sbr.rel @p0 .LBB2_2-.Ltmp5, $4  }
0x25d: {  	_ = 	snop  }
0x25e: {  	s31 =	rddreg [dreg:$0x14]  }
0x25f: {  	[sflag:s29] =	ssyncset.done $0x0;
	s0 =	sadd.s32 $0x1C0, s31  }
0x260: {  	[sflag:s29] =	ssyncadd.s32 $0xFFFF2000;
	[dreg:$0x14] =	wrdreg s0  }
0x261: {  	s1 =	rddreg [dreg:$0x13]  }
0x262: {  	s0 =	rddreg [dreg:$0x12];
	s1 =	sadd.s32 $0x1, s1  }
0x263: {  	p0 =	sne.s32 s1, s0  }
.Ltmp6:
0x264: {  	_ = 	snop;
	(pc) =	sbr.rel @p0 .LBB2_1-.Ltmp6, $1  }
0x265: {  	_ =	sdelay $0x3  }
0x266: {  	_ =	sfence.sel $0x180000  }
0x267: {  	[bflag:$0x0] =	sbarrier.arrive $0xFFFF  }
0x268: {  	_ =	strace $0x90000053  }
0x269: {  	s0 =	stileid.u32;
	[bflag:$0x2] =	sbarrier.arrive $0xFFFF  }
0x26a: {  	p0 =	sne.s32 s0, $0x0;
	s0 =	rddreg [dreg:$0x1]  }
0x26b: {  	s0 =	sadd.s32 @!p0 $0x100000, s0  }
0x26c: {  	[sflag:s0] =	ssyncadd.tile.s32 @!p0 $0x1;
	_ =	shalt  }
.Lfunc_end2:
_tile_overlayer_lowered:
.L_overlay_start_2:
0x26d: {  	(tag) =	ssettag $0x2  }
0x26e: {  	s0 =	rddreg [dreg:$0x0];
	s2 =	stileid.u32  }
0x26f: {  	s1 =	rddreg [dreg:$0x1];
	p0 =	sne.s32 s2, $0x0  }
0x270: {  	s3 =	rddreg [dreg:$0x2];
	[bflag:$0x3] =	sbarrier.arrive $0xFFFF;
	s2 =	simm.s32 @!p0 $0x1C02  }
0x271: {  	[timem:s3], [sflag:s2] =	dma.local @!p0 [hbm:s0], s1  }
0x272: {  	s0 =	simm.s32 @!p0 $0x2  }
0x273: {  	_ =	swait.ge @!p0 [sflag:s0], s1  }
0x274: {  	s1 =	ssub.s32 @!p0 $0x0, s1;
	[sflag:s0] =	ssyncset.done @!p0 $0x0  }
0x275: {  	[sflag:s0] =	ssyncadd.s32 @!p0 s1  }
0x276: {  	[bflag:$0x3] =	sbarrier.arrive $0xFFFF  }
0x277: {  	_ =	shalt  }

</sc_bundles>
